<compile_context>
chip_gen: v7x
topology: tpu7x:2x2x1
jax: 0.10.2.dev20260603
libtpu: 0.0.44.dev20260713+nightly
codegen_flags: <defaults>
</compile_context>

<pallas_src>
import functools

import jax
import jax.numpy as jnp
from jax import lax
from jax.experimental import pallas as pl
from jax.experimental.pallas import tpu as pltpu
from jax.experimental.pallas import tpu_sc as plsc

NC = 2
NS = 16
NW = NC * NS
L = 16

N = 10000
E = 320000
D = 128
R = 8

B0 = 80
EROWS = E // B0
NR = N * R
NPAD = 10240
TPW = NPAD // NS

_mesh = plsc.VectorSubcoreMesh(
    core_axis_name="c", subcore_axis_name="s", num_cores=NC, num_subcores=NS)


def _span(i, per, total, last):
    lo = pl.multiple_of(jnp.bitwise_and(i * per, -8), 8)
    hi = jnp.where(i == last, total, jnp.bitwise_and((i + 1) * per, -8))
    return lo, hi


def _al8(x):
    return pl.multiple_of(x, 8)


@functools.partial(
    pl.kernel,
    out_type=(
        jax.ShapeDtypeStruct((NR, L), jnp.float32),
        jax.ShapeDtypeStruct((EROWS, B0), jnp.int32),
        jax.ShapeDtypeStruct((EROWS, B0), jnp.int32),
    ),
    mesh=_mesh,
    compiler_params=pltpu.CompilerParams(use_tc_tiling_on_sc=False),
    scratch_types=(
        pltpu.VMEM_SHARED((NR, L), jnp.float32),
        pltpu.VMEM((1000, L), jnp.float32),
        pltpu.VMEM((B0, L), jnp.float32),
        pltpu.VMEM((8, B0), jnp.int32),
        pltpu.VMEM((8, B0), jnp.int32),
        pltpu.VMEM((8, B0), jnp.int32),
        pltpu.VMEM((8, B0), jnp.int32),
        pltpu.VMEM((8, B0), jnp.int32),
    ),
)
def _phase_p(src_h, dst_h, ty_h, wtab_h, sidx_h, cidx_h,
             cnt_sp, cbuf, ones_v, srcb, dstb, tyb, idxb, idxb2):
    cid = lax.axis_index("c")
    sid = lax.axis_index("s")
    zrow = jnp.zeros((L,), jnp.float32)
    onerow = jnp.ones((L,), jnp.float32)

    @pl.when(cid == 0)
    def _():
        def fill(r, _):
            cbuf[r] = zrow
            return 0
        lax.fori_loop(0, 1000, fill, 0)

        def zc(t, _):
            pltpu.sync_copy(cbuf, cnt_sp.at[pl.ds(_al8(sid * 5000 + t * 1000), 1000)])
            return 0
        lax.fori_loop(0, 5, zc, 0)

        def fill1(r, _):
            ones_v[r] = onerow
            return 0
        lax.fori_loop(0, B0, fill1, 0)

    plsc.subcore_barrier()

    @pl.when(cid == 0)
    def _():
        lo, hi = _span(sid, EROWS // NS, EROWS, NS - 1)

        def grp(g, _):
            base = _al8(lo + g * 8)
            pltpu.sync_copy(dst_h.at[pl.ds(base, 8)], dstb)
            pltpu.sync_copy(ty_h.at[pl.ds(base, 8)], tyb)

            def cmp(j, _):
                for k in range(B0 // L):
                    d = dstb[j, pl.ds(k * L, L)]
                    t = tyb[j, pl.ds(k * L, L)]
                    idxb[j, pl.ds(k * L, L)] = d * R + t
                return 0
            lax.fori_loop(0, 8, cmp, 0)

            def sc(j, _):
                pltpu.sync_copy(ones_v, cnt_sp.at[idxb.at[j]], add=True)
                return 0
            lax.fori_loop(0, 8, sc, 0)
            return 0
        lax.fori_loop(0, lax.shift_right_arithmetic(hi - lo, 3), grp, 0)

    @pl.when(cid == 1)
    def _():
        lo, hi = _span(sid, EROWS // NS, EROWS, NS - 1)

        def grp(g, _):
            base = _al8(lo + g * 8)
            pltpu.sync_copy(src_h.at[pl.ds(base, 8)], srcb)
            pltpu.sync_copy(dst_h.at[pl.ds(base, 8)], dstb)
            pltpu.sync_copy(ty_h.at[pl.ds(base, 8)], tyb)

            def cmp(j, _):
                for k in range(B0 // L):
                    s = srcb[j, pl.ds(k * L, L)]
                    d = dstb[j, pl.ds(k * L, L)]
                    t = tyb[j, pl.ds(k * L, L)]
                    idxb[j, pl.ds(k * L, L)] = s * R + t
                    idxb2[j, pl.ds(k * L, L)] = d * R + t
                return 0
            lax.fori_loop(0, 8, cmp, 0)
            pltpu.sync_copy(idxb, sidx_h.at[pl.ds(base, 8)])
            pltpu.sync_copy(idxb2, cidx_h.at[pl.ds(base, 8)])
            return 0
        lax.fori_loop(0, lax.shift_right_arithmetic(hi - lo, 3), grp, 0)

    plsc.subcore_barrier()

    @pl.when(cid == 0)
    def _():
        def tc(t, _):
            base = _al8(sid * 5000 + t * 1000)
            pltpu.sync_copy(cnt_sp.at[pl.ds(base, 1000)], cbuf)

            def inv(r, _):
                cbuf[r] = 1.0 / jnp.maximum(cbuf[r], 1.0)
                return 0
            lax.fori_loop(0, 1000, inv, 0)
            pltpu.sync_copy(cbuf, wtab_h.at[pl.ds(base, 1000)])
            return 0
        lax.fori_loop(0, 5, tc, 0)


@functools.partial(
    pl.kernel,
    out_type=jax.ShapeDtypeStruct((NC * NPAD, D), jnp.float32),
    mesh=_mesh,
    compiler_params=pltpu.CompilerParams(use_tc_tiling_on_sc=False),
    scratch_types=(
        pltpu.VMEM_SHARED((NPAD, D), jnp.float32),
        pltpu.VMEM((B0, D), jnp.float32),
        pltpu.VMEM((B0, D), jnp.float32),
        pltpu.VMEM((B0, L), jnp.float32),
        pltpu.VMEM((B0, L), jnp.float32),
        pltpu.VMEM((8, B0), jnp.int32),
        pltpu.VMEM((8, B0), jnp.int32),
        pltpu.VMEM((8, B0), jnp.int32),
        pltpu.VMEM((128, D), jnp.float32),
        pltpu.SemaphoreType.DMA,
        pltpu.SemaphoreType.DMA,
        pltpu.SemaphoreType.DMA,
        pltpu.SemaphoreType.DMA,
    ),
)
def _layer_pass(y_h, sidx_h, dst_h, cidx_h, wtab_h, parts_h,
                acc_sp, rows_a, rows_b, w_a, w_b, sidxb, dstb, cidxb, stage,
                sem_ga, sem_gb, sem_wa, sem_wb):
    cid = lax.axis_index("c")
    sid = lax.axis_index("s")
    wid = cid * NS + sid
    z16 = jnp.zeros((L,), jnp.float32)

    def fillz(i, _):
        for k in range(D // L):
            stage[i, pl.ds(k * L, L)] = z16
        return 0
    lax.fori_loop(0, 128, fillz, 0)

    def zc(t, _):
        pltpu.sync_copy(stage, acc_sp.at[pl.ds(_al8(sid * TPW + t * 128), 128)])
        return 0
    lax.fori_loop(0, TPW // 128, zc, 0)

    plsc.subcore_barrier()

    lo, hi = _span(wid, EROWS // NW, EROWS, NW - 1)

    def start(j, rows_v, w_v, sem_g, sem_w):
        pltpu.async_copy(y_h.at[sidxb.at[j]], rows_v, sem_g)
        pltpu.async_copy(wtab_h.at[cidxb.at[j]], w_v, sem_w)

    def finish(j, rows_v, w_v, sem_g, sem_w):
        pltpu.make_async_copy(y_h.at[sidxb.at[j]], rows_v, sem_g).wait()
        pltpu.make_async_copy(wtab_h.at[cidxb.at[j]], w_v, sem_w).wait()

        def scale(p, _):
            e = 2 * p
            wv0 = w_v[e]
            wv1 = w_v[e + 1]
            for k in range(D // L):
                rows_v[e, pl.ds(k * L, L)] = rows_v[e, pl.ds(k * L, L)] * wv0
                rows_v[e + 1, pl.ds(k * L, L)] = (
                    rows_v[e + 1, pl.ds(k * L, L)] * wv1)
            return 0
        lax.fori_loop(0, B0 // 2, scale, 0)
        pltpu.sync_copy(rows_v, acc_sp.at[dstb.at[j]], add=True)

    def grp(g, _):
        base = _al8(lo + g * 8)
        pltpu.sync_copy(sidx_h.at[pl.ds(base, 8)], sidxb)
        pltpu.sync_copy(dst_h.at[pl.ds(base, 8)], dstb)
        pltpu.sync_copy(cidx_h.at[pl.ds(base, 8)], cidxb)

        start(0, rows_a, w_a, sem_ga, sem_wa)

        def pair(p, _):
            j = 2 * p
            start(j + 1, rows_b, w_b, sem_gb, sem_wb)
            finish(j, rows_a, w_a, sem_ga, sem_wa)

            @pl.when(p < 3)
            def _():
                start(j + 2, rows_a, w_a, sem_ga, sem_wa)
            finish(j + 1, rows_b, w_b, sem_gb, sem_wb)
            return 0
        lax.fori_loop(0, 4, pair, 0)
        return 0
    lax.fori_loop(0, lax.shift_right_arithmetic(hi - lo, 3), grp, 0)

    plsc.subcore_barrier()

    def wb(t, _):
        o = _al8(sid * TPW + t * 128)
        pltpu.sync_copy(acc_sp.at[pl.ds(o, 128)], stage)
        pltpu.sync_copy(stage, parts_h.at[pl.ds(_al8(cid * NPAD + o), 128)])
        return 0
    lax.fori_loop(0, TPW // 128, wb, 0)


BN = 400


def _tc_a_body(x_ref, wcat_ref, root_ref, b_ref, y_ref, base_ref):
    xb = x_ref[...]
    y_ref[...] = jnp.dot(
        xb, wcat_ref[...], preferred_element_type=jnp.float32
    ).reshape(BN * R, D)
    base_ref[...] = (jnp.dot(xb, root_ref[...], preferred_element_type=jnp.float32)
                     + b_ref[...])


def _tc_b_body(base1_ref, parts_ref, wcat_ref, root_ref, b_ref, y_ref, base2_ref):
    h = jnp.maximum(base1_ref[...] + parts_ref[0] + parts_ref[1], 0.0)
    y_ref[...] = jnp.dot(
        h, wcat_ref[...], preferred_element_type=jnp.float32
    ).reshape(BN * R, D)
    base2_ref[...] = (jnp.dot(h, root_ref[...], preferred_element_type=jnp.float32)
                      + b_ref[...])


def _tc_c_body(base2_ref, parts_ref, out_ref):
    out_ref[...] = base2_ref[...] + parts_ref[0] + parts_ref[1]


def _tc_a(x, wcat, root, b):
    return pl.pallas_call(
        _tc_a_body,
        grid=(N // BN,),
        in_specs=[
            pl.BlockSpec((BN, D), lambda i: (i, 0)),
            pl.BlockSpec((D, R * D), lambda i: (0, 0)),
            pl.BlockSpec((D, D), lambda i: (0, 0)),
            pl.BlockSpec((1, D), lambda i: (0, 0)),
        ],
        out_specs=[
            pl.BlockSpec((BN * R, D), lambda i: (i, 0)),
            pl.BlockSpec((BN, D), lambda i: (i, 0)),
        ],
        out_shape=[
            jax.ShapeDtypeStruct((N * R, D), jnp.float32),
            jax.ShapeDtypeStruct((N, D), jnp.float32),
        ],
    )(x, wcat, root, b)


def _tc_b(base1, parts, wcat, root, b):
    return pl.pallas_call(
        _tc_b_body,
        grid=(N // BN,),
        in_specs=[
            pl.BlockSpec((BN, D), lambda i: (i, 0)),
            pl.BlockSpec((NC, BN, D), lambda i: (0, i, 0)),
            pl.BlockSpec((D, R * D), lambda i: (0, 0)),
            pl.BlockSpec((D, D), lambda i: (0, 0)),
            pl.BlockSpec((1, D), lambda i: (0, 0)),
        ],
        out_specs=[
            pl.BlockSpec((BN * R, D), lambda i: (i, 0)),
            pl.BlockSpec((BN, D), lambda i: (i, 0)),
        ],
        out_shape=[
            jax.ShapeDtypeStruct((N * R, D), jnp.float32),
            jax.ShapeDtypeStruct((N, D), jnp.float32),
        ],
    )(base1, parts, wcat, root, b)


def _tc_c(base2, parts):
    return pl.pallas_call(
        _tc_c_body,
        grid=(N // BN,),
        in_specs=[
            pl.BlockSpec((BN, D), lambda i: (i, 0)),
            pl.BlockSpec((NC, BN, D), lambda i: (0, i, 0)),
        ],
        out_specs=pl.BlockSpec((BN, D), lambda i: (i, 0)),
        out_shape=jax.ShapeDtypeStruct((N, D), jnp.float32),
    )(base2, parts)


def kernel(x, edge_index, edge_type, W1, root1, b1, W2, root2, b2):
    src2 = edge_index[0].reshape(EROWS, B0)
    dst2 = edge_index[1].reshape(EROWS, B0)
    ty2 = edge_type.reshape(EROWS, B0)
    wcat1 = W1.transpose(1, 0, 2).reshape(D, R * D)
    wcat2 = W2.transpose(1, 0, 2).reshape(D, R * D)
    b1r = b1.reshape(1, D)
    b2r = b2.reshape(1, D)

    wtab, sidx2, cidx2 = _phase_p(src2, dst2, ty2)

    y1, base1 = _tc_a(x, wcat1, root1, b1r)
    parts1 = _layer_pass(y1, sidx2, dst2, cidx2, wtab)
    y2, base2 = _tc_b(base1, parts1.reshape(NC, NPAD, D), wcat2, root2, b2r)
    parts2 = _layer_pass(y2, sidx2, dst2, cidx2, wtab)
    return _tc_c(base2, parts2.reshape(NC, NPAD, D))

# --- scband reference (transcript-rebuilt; emitter-appended) ---
"""Pipeline reference for scband-rgcnmodel-3985729651460 (READ-ONLY COPY).

The authoritative reference and input builder live on the scoring server;
editing this copy changes nothing except your own understanding.
"""

import jax, jax.numpy as jnp
import numpy as np

N = 10000
E = 320000
D = 128
R = 8


def setup_inputs(seed: int = 0) -> dict:
    key = jax.random.key(seed)
    ks = jax.random.split(key, 9)
    x = jax.random.normal(ks[0], (N, D), dtype=jnp.float32)
    edge_index = jax.random.randint(ks[1], (2, E), 0, N, dtype=jnp.int32)
    edge_type = jax.random.randint(ks[2], (E,), 0, R, dtype=jnp.int32)
    W1 = jax.random.normal(ks[3], (R, D, D), dtype=jnp.float32) * 0.05
    root1 = jax.random.normal(ks[4], (D, D), dtype=jnp.float32) * 0.05
    b1 = jnp.zeros((D,), dtype=jnp.float32)
    W2 = jax.random.normal(ks[5], (R, D, D), dtype=jnp.float32) * 0.05
    root2 = jax.random.normal(ks[6], (D, D), dtype=jnp.float32) * 0.05
    b2 = jnp.zeros((D,), dtype=jnp.float32)
    return {"x": x, "edge_index": edge_index, "edge_type": edge_type,
            "W1": W1, "root1": root1, "b1": b1,
            "W2": W2, "root2": root2, "b2": b2}


def _rgcn_layer(x, edge_index, edge_type, W, root, b):
    # Faithful to PyG RGCNConv (aggr='mean', root weight, bias):
    # out[i] = x[i] @ root + b + sum_r mean_{j in N_r(i)} x[j] @ W[r]
    src = edge_index[0]
    dst = edge_index[1]
    n = x.shape[0]
    out = x @ root + b
    msg = jnp.take(x, src, axis=0)  # [E, D] gather
    for r in range(R):
        m = (edge_type == r).astype(x.dtype)[:, None]
        s = jnp.zeros((n, x.shape[1]), x.dtype).at[dst].add(msg * m)
        cnt = jnp.zeros((n, 1), x.dtype).at[dst].add(m)
        h = s / jnp.maximum(cnt, 1.0)  # mean aggregation per relation
        out = out + h @ W[r]
    return out


def reference(x, edge_index, edge_type, W1, root1, b1, W2, root2, b2):
    h = _rgcn_layer(x, edge_index, edge_type, W1, root1, b1)
    h = jax.nn.relu(h)
    out = _rgcn_layer(h, edge_index, edge_type, W2, root2, b2)
    return out

if __name__ == "__main__":
    import jax
    _d = setup_inputs()
    print(jax.jit(kernel)(*tuple(_d.values())))

</pallas_src>

<mosaic_0001>
#map = affine_map<(d0, d1) -> (0, 0)>
module attributes {stable_mosaic.version = 14 : i64} {
  func.func @_layer_pass(%arg0: i32, %arg1: i32, %arg2: memref<80000x128xf32, #tpu.memory_space<hbm>>, %arg3: memref<4000x80xi32, #tpu.memory_space<hbm>>, %arg4: memref<4000x80xi32, #tpu.memory_space<hbm>>, %arg5: memref<4000x80xi32, #tpu.memory_space<hbm>>, %arg6: memref<80000x16xf32, #tpu.memory_space<hbm>>, %arg7: memref<20480x128xf32, #tpu.memory_space<hbm>>, %arg8: memref<10240x128xf32, #tpu.memory_space<vmem_shared>>, %arg9: memref<80x128xf32, #tpu.memory_space<vmem>>, %arg10: memref<80x128xf32, #tpu.memory_space<vmem>>, %arg11: memref<80x16xf32, #tpu.memory_space<vmem>>, %arg12: memref<80x16xf32, #tpu.memory_space<vmem>>, %arg13: memref<8x80xi32, #tpu.memory_space<vmem>>, %arg14: memref<8x80xi32, #tpu.memory_space<vmem>>, %arg15: memref<8x80xi32, #tpu.memory_space<vmem>>, %arg16: memref<128x128xf32, #tpu.memory_space<vmem>>, %arg17: memref<!tpu.dma_semaphore, #tpu.memory_space<semaphore_mem>>, %arg18: memref<!tpu.dma_semaphore, #tpu.memory_space<semaphore_mem>>, %arg19: memref<!tpu.dma_semaphore, #tpu.memory_space<semaphore_mem>>, %arg20: memref<!tpu.dma_semaphore, #tpu.memory_space<semaphore_mem>>) attributes {dimension_semantics = [#tpu.dimension_semantics<core_parallel>, #tpu.dimension_semantics<subcore_parallel>], iteration_bounds = array<i64: 2, 16>, scalar_prefetch = 0 : i64, scratch_operands = 13 : i64, tpu.core_type = #tpu.core_type<sc_vector_subcore>, window_params = [{transform_indices = #map}, {transform_indices = #map}, {transform_indices = #map}, {transform_indices = #map}, {transform_indices = #map}, {transform_indices = #map}]} {
    %mul3A = arith.constant 16 : i32
    %mul3A_0 = arith.muli %arg0, %mul3A : i32
    %add3A = arith.addi %mul3A_0, %arg1 : i32
    %broadcast_in_dim3A = arith.constant 0.000000e+00 : f32
    %broadcast_in_dim3A_1 = vector.broadcast %broadcast_in_dim3A : f32 to vector<16xf32>
    %scan3A = arith.constant 0 : i32
    %scan3A_2 = arith.constant 0 : i32
    %scan3A_3 = arith.constant 128 : i32
    %scan3A_4 = arith.addi %scan3A_2, %scan3A_3 : i32
    %scan3A_5 = arith.constant 1 : i32
    %scan3A_6 = scf.for %scan3A_45 = %scan3A_2 to %scan3A_4 step %scan3A_5 iter_args(%scan3A_46 = %scan3A) -> (i32)  : i32 {
      %swap3A = arith.index_cast %scan3A_45 : i32 to index
      %swap3A_47 = arith.constant 0 : index
      %swap3A_48 = tpu.vector_load %arg16[%swap3A, %swap3A_47] {strides = array<i32>} : memref<128x128xf32, #tpu.memory_space<vmem>>, vector<1x16xf32>,
      %swap3A_49 = vector.shape_cast %swap3A_48 : vector<1x16xf32> to vector<16xf32>
      %swap3A_50 = vector.shape_cast %broadcast_in_dim3A_1 : vector<16xf32> to vector<1x16xf32>
      tpu.vector_store %arg16[%swap3A, %swap3A_47], %swap3A_50 {strides = array<i32>} : memref<128x128xf32, #tpu.memory_space<vmem>>, vector<1x16xf32>,
      %swap3A_51 = arith.index_cast %scan3A_45 : i32 to index
      %swap3A_52 = arith.constant 16 : index
      %swap3A_53 = tpu.vector_load %arg16[%swap3A_51, %swap3A_52] {strides = array<i32>} : memref<128x128xf32, #tpu.memory_space<vmem>>, vector<1x16xf32>,
      %swap3A_54 = vector.shape_cast %swap3A_53 : vector<1x16xf32> to vector<16xf32>
      %swap3A_55 = vector.shape_cast %broadcast_in_dim3A_1 : vector<16xf32> to vector<1x16xf32>
      tpu.vector_store %arg16[%swap3A_51, %swap3A_52], %swap3A_55 {strides = array<i32>} : memref<128x128xf32, #tpu.memory_space<vmem>>, vector<1x16xf32>,
      %swap3A_56 = arith.index_cast %scan3A_45 : i32 to index
      %swap3A_57 = arith.constant 32 : index
      %swap3A_58 = tpu.vector_load %arg16[%swap3A_56, %swap3A_57] {strides = array<i32>} : memref<128x128xf32, #tpu.memory_space<vmem>>, vector<1x16xf32>,
      %swap3A_59 = vector.shape_cast %swap3A_58 : vector<1x16xf32> to vector<16xf32>
      %swap3A_60 = vector.shape_cast %broadcast_in_dim3A_1 : vector<16xf32> to vector<1x16xf32>
      tpu.vector_store %arg16[%swap3A_56, %swap3A_57], %swap3A_60 {strides = array<i32>} : memref<128x128xf32, #tpu.memory_space<vmem>>, vector<1x16xf32>,
      %swap3A_61 = arith.index_cast %scan3A_45 : i32 to index
      %swap3A_62 = arith.constant 48 : index
      %swap3A_63 = tpu.vector_load %arg16[%swap3A_61, %swap3A_62] {strides = array<i32>} : memref<128x128xf32, #tpu.memory_space<vmem>>, vector<1x16xf32>,
      %swap3A_64 = vector.shape_cast %swap3A_63 : vector<1x16xf32> to vector<16xf32>
      %swap3A_65 = vector.shape_cast %broadcast_in_dim3A_1 : vector<16xf32> to vector<1x16xf32>
      tpu.vector_store %arg16[%swap3A_61, %swap3A_62], %swap3A_65 {strides = array<i32>} : memref<128x128xf32, #tpu.memory_space<vmem>>, vector<1x16xf32>,
      %swap3A_66 = arith.index_cast %scan3A_45 : i32 to index
      %swap3A_67 = arith.constant 64 : index
      %swap3A_68 = tpu.vector_load %arg16[%swap3A_66, %swap3A_67] {strides = array<i32>} : memref<128x128xf32, #tpu.memory_space<vmem>>, vector<1x16xf32>,
      %swap3A_69 = vector.shape_cast %swap3A_68 : vector<1x16xf32> to vector<16xf32>
      %swap3A_70 = vector.shape_cast %broadcast_in_dim3A_1 : vector<16xf32> to vector<1x16xf32>
      tpu.vector_store %arg16[%swap3A_66, %swap3A_67], %swap3A_70 {strides = array<i32>} : memref<128x128xf32, #tpu.memory_space<vmem>>, vector<1x16xf32>,
      %swap3A_71 = arith.index_cast %scan3A_45 : i32 to index
      %swap3A_72 = arith.constant 80 : index
      %swap3A_73 = tpu.vector_load %arg16[%swap3A_71, %swap3A_72] {strides = array<i32>} : memref<128x128xf32, #tpu.memory_space<vmem>>, vector<1x16xf32>,
      %swap3A_74 = vector.shape_cast %swap3A_73 : vector<1x16xf32> to vector<16xf32>
      %swap3A_75 = vector.shape_cast %broadcast_in_dim3A_1 : vector<16xf32> to vector<1x16xf32>
      tpu.vector_store %arg16[%swap3A_71, %swap3A_72], %swap3A_75 {strides = array<i32>} : memref<128x128xf32, #tpu.memory_space<vmem>>, vector<1x16xf32>,
      %swap3A_76 = arith.index_cast %scan3A_45 : i32 to index
      %swap3A_77 = arith.constant 96 : index
      %swap3A_78 = tpu.vector_load %arg16[%swap3A_76, %swap3A_77] {strides = array<i32>} : memref<128x128xf32, #tpu.memory_space<vmem>>, vector<1x16xf32>,
      %swap3A_79 = vector.shape_cast %swap3A_78 : vector<1x16xf32> to vector<16xf32>
      %swap3A_80 = vector.shape_cast %broadcast_in_dim3A_1 : vector<16xf32> to vector<1x16xf32>
      tpu.vector_store %arg16[%swap3A_76, %swap3A_77], %swap3A_80 {strides = array<i32>} : memref<128x128xf32, #tpu.memory_space<vmem>>, vector<1x16xf32>,
      %swap3A_81 = arith.index_cast %scan3A_45 : i32 to index
      %swap3A_82 = arith.constant 112 : index
      %swap3A_83 = tpu.vector_load %arg16[%swap3A_81, %swap3A_82] {strides = array<i32>} : memref<128x128xf32, #tpu.memory_space<vmem>>, vector<1x16xf32>,
      %swap3A_84 = vector.shape_cast %swap3A_83 : vector<1x16xf32> to vector<16xf32>
      %swap3A_85 = vector.shape_cast %broadcast_in_dim3A_1 : vector<16xf32> to vector<1x16xf32>
      tpu.vector_store %arg16[%swap3A_81, %swap3A_82], %swap3A_85 {strides = array<i32>} : memref<128x128xf32, #tpu.memory_space<vmem>>, vector<1x16xf32>,
      %scan3A_86 = arith.constant 0 : i32
      scf.yield %scan3A_86 : i32
    }
    %scan3A_7 = arith.constant 128 : i32
    %scan3A_8 = arith.constant 0 : i32
    %scan3A_9 = arith.constant 0 : i32
    %scan3A_10 = arith.constant 5 : i32
    %scan3A_11 = arith.addi %scan3A_9, %scan3A_10 : i32
    %scan3A_12 = arith.constant 1 : i32
    %scan3A_13 = scf.for %scan3A_45 = %scan3A_9 to %scan3A_11 step %scan3A_12 iter_args(%scan3A_46 = %scan3A_8) -> (i32)  : i32 {
      %mul3A_47 = arith.constant 640 : i32
      %mul3A_48 = arith.muli %arg1, %mul3A_47 : i32
      %mul3A_49 = arith.constant 128 : i32
      %mul3A_50 = arith.muli %scan3A_45, %mul3A_49 : i32
      %add3A_51 = arith.addi %mul3A_48, %mul3A_50 : i32
      %multiple_of3A_52 = tpu.assume_multiple %add3A_51, 8 : i32
      "tpu.region"() ({
        %run_scoped3A = tpu.sem_alloc : memref<!tpu.dma_semaphore, #tpu.memory_space<semaphore_mem>>
        %dma_start3A = arith.constant 0 : i32
        %dma_start3A_54 = tpu.memref_slice %arg8[%multiple_of3A_52, %dma_start3A] : memref<10240x128xf32, #tpu.memory_space<vmem_shared>> -> memref<128x128xf32, #tpu.memory_space<vmem_shared>>
        %dma_start3A_55 = arith.constant 0 : i32
        %dma_start3A_56 = tpu.memref_slice %arg8[%multiple_of3A_52, %dma_start3A_55] : memref<10240x128xf32, #tpu.memory_space<vmem_shared>> -> memref<128x128xf32, #tpu.memory_space<vmem_shared>>
        tpu.enqueue_dma source(%arg16 : memref<128x128xf32, #tpu.memory_space<vmem>>) target(%dma_start3A_56 : memref<128x128xf32, #tpu.memory_space<vmem_shared>>) target_semaphore(%run_scoped3A : memref<!tpu.dma_semaphore, #tpu.memory_space<semaphore_mem>>)
        %dma_wait3A = arith.constant 0 : i32
        %dma_wait3A_57 = tpu.memref_slice %arg8[%multiple_of3A_52, %dma_wait3A] : memref<10240x128xf32, #tpu.memory_space<vmem_shared>> -> memref<128x128xf32, #tpu.memory_space<vmem_shared>>
        %dma_wait3A_58 = arith.constant 0 : i32
        %dma_wait3A_59 = tpu.memref_slice %arg8[%multiple_of3A_52, %dma_wait3A_58] : memref<10240x128xf32, #tpu.memory_space<vmem_shared>> -> memref<128x128xf32, #tpu.memory_space<vmem_shared>>
        tpu.wait_dma2 semaphore(%run_scoped3A : memref<!tpu.dma_semaphore, #tpu.memory_space<semaphore_mem>>) src(%arg16 : memref<128x128xf32, #tpu.memory_space<vmem>>) dst(%dma_wait3A_59 : memref<128x128xf32, #tpu.memory_space<vmem_shared>>)
        tpu.yield
      }) : () -> ()
      %scan3A_53 = arith.constant 0 : i32
      scf.yield %scan3A_53 : i32
    }
    %scan3A_14 = arith.constant 5 : i32
    %barrier3A = arith.constant 0 : index
    tpu.barrier barrier_id(%barrier3A)
    %mul3A_15 = arith.constant 125 : i32
    %mul3A_16 = arith.muli %add3A, %mul3A_15 : i32
    %and3A = arith.constant -8 : i32
    %and3A_17 = arith.andi %mul3A_16, %and3A : i32
    %multiple_of3A = tpu.assume_multiple %and3A_17, 8 : i32
    %eq3A = arith.constant 31 : i32
    %eq3A_18 = arith.cmpi eq, %add3A, %eq3A : i32
    %add3A_19 = arith.constant 1 : i32
    %add3A_20 = arith.addi %add3A, %add3A_19 : i32
    %mul3A_21 = arith.constant 125 : i32
    %mul3A_22 = arith.muli %add3A_20, %mul3A_21 : i32
    %and3A_23 = arith.constant -8 : i32
    %and3A_24 = arith.andi %mul3A_22, %and3A_23 : i32
    %jit3A = arith.constant 4000 : i32
    %select_n3A = arith.select %eq3A_18, %jit3A, %and3A_24 : i32
    %sub3A = arith.subi %select_n3A, %multiple_of3A : i32
    %shift_right_arithmetic3A = arith.constant 3 : i32
    %shift_right_arithmetic3A_25 = arith.shrsi %sub3A, %shift_right_arithmetic3A : i32
    %while3A = arith.constant 0 : i32
    %while3A_26 = arith.constant 0 : i32
    %while3A_27 = arith.subi %shift_right_arithmetic3A_25, %while3A : i32
    %while3A_28 = arith.addi %while3A, %while3A_27 : i32
    %while3A_29 = arith.constant 1 : i32
    %while3A_30 = arith.divsi %while3A_27, %while3A_29 : i32
    %while3A_31 = arith.muli %while3A_30, %while3A_29 : i32
    %while3A_32 = arith.addi %while3A, %while3A_31 : i32
    %while3A_33 = arith.constant 1 : i32
    %while3A_34 = scf.for %while3A_45 = %while3A to %while3A_32 step %while3A_33 iter_args(%while3A_46 = %while3A_26) -> (i32)  : i32 {
      %mul3A_47 = arith.constant 8 : i32
      %mul3A_48 = arith.muli %while3A_45, %mul3A_47 : i32
      %add3A_49 = arith.addi %multiple_of3A, %mul3A_48 : i32
      %multiple_of3A_50 = tpu.assume_multiple %add3A_49, 8 : i32
      "tpu.region"() ({
        %run_scoped3A = tpu.sem_alloc : memref<!tpu.dma_semaphore, #tpu.memory_space<semaphore_mem>>
        %dma_start3A_72 = arith.constant 0 : i32
        %dma_start3A_73 = tpu.memref_slice %arg3[%multiple_of3A_50, %dma_start3A_72] : memref<4000x80xi32, #tpu.memory_space<hbm>> -> memref<8x80xi32, #tpu.memory_space<hbm>>
        %dma_start3A_74 = arith.constant 0 : i32
        %dma_start3A_75 = tpu.memref_slice %arg3[%multiple_of3A_50, %dma_start3A_74] : memref<4000x80xi32, #tpu.memory_space<hbm>> -> memref<8x80xi32, #tpu.memory_space<hbm>>
        tpu.enqueue_dma source(%dma_start3A_75 : memref<8x80xi32, #tpu.memory_space<hbm>>) target(%arg13 : memref<8x80xi32, #tpu.memory_space<vmem>>) target_semaphore(%run_scoped3A : memref<!tpu.dma_semaphore, #tpu.memory_space<semaphore_mem>>)
        %dma_wait3A = arith.constant 0 : i32
        %dma_wait3A_76 = tpu.memref_slice %arg3[%multiple_of3A_50, %dma_wait3A] : memref<4000x80xi32, #tpu.memory_space<hbm>> -> memref<8x80xi32, #tpu.memory_space<hbm>>
        %dma_wait3A_77 = arith.constant 0 : i32
        %dma_wait3A_78 = tpu.memref_slice %arg3[%multiple_of3A_50, %dma_wait3A_77] : memref<4000x80xi32, #tpu.memory_space<hbm>> -> memref<8x80xi32, #tpu.memory_space<hbm>>
        tpu.wait_dma2 semaphore(%run_scoped3A : memref<!tpu.dma_semaphore, #tpu.memory_space<semaphore_mem>>) src(%dma_wait3A_78 : memref<8x80xi32, #tpu.memory_space<hbm>>) dst(%arg13 : memref<8x80xi32, #tpu.memory_space<vmem>>)
        tpu.yield
      }) : () -> ()
      "tpu.region"() ({
        %run_scoped3A = tpu.sem_alloc : memref<!tpu.dma_semaphore, #tpu.memory_space<semaphore_mem>>
        %dma_start3A_72 = arith.constant 0 : i32
        %dma_start3A_73 = tpu.memref_slice %arg4[%multiple_of3A_50, %dma_start3A_72] : memref<4000x80xi32, #tpu.memory_space<hbm>> -> memref<8x80xi32, #tpu.memory_space<hbm>>
        %dma_start3A_74 = arith.constant 0 : i32
        %dma_start3A_75 = tpu.memref_slice %arg4[%multiple_of3A_50, %dma_start3A_74] : memref<4000x80xi32, #tpu.memory_space<hbm>> -> memref<8x80xi32, #tpu.memory_space<hbm>>
        tpu.enqueue_dma source(%dma_start3A_75 : memref<8x80xi32, #tpu.memory_space<hbm>>) target(%arg14 : memref<8x80xi32, #tpu.memory_space<vmem>>) target_semaphore(%run_scoped3A : memref<!tpu.dma_semaphore, #tpu.memory_space<semaphore_mem>>)
        %dma_wait3A = arith.constant 0 : i32
        %dma_wait3A_76 = tpu.memref_slice %arg4[%multiple_of3A_50, %dma_wait3A] : memref<4000x80xi32, #tpu.memory_space<hbm>> -> memref<8x80xi32, #tpu.memory_space<hbm>>
        %dma_wait3A_77 = arith.constant 0 : i32
        %dma_wait3A_78 = tpu.memref_slice %arg4[%multiple_of3A_50, %dma_wait3A_77] : memref<4000x80xi32, #tpu.memory_space<hbm>> -> memref<8x80xi32, #tpu.memory_space<hbm>>
        tpu.wait_dma2 semaphore(%run_scoped3A : memref<!tpu.dma_semaphore, #tpu.memory_space<semaphore_mem>>) src(%dma_wait3A_78 : memref<8x80xi32, #tpu.memory_space<hbm>>) dst(%arg14 : memref<8x80xi32, #tpu.memory_space<vmem>>)
        tpu.yield
      }) : () -> ()
      "tpu.region"() ({
        %run_scoped3A = tpu.sem_alloc : memref<!tpu.dma_semaphore, #tpu.memory_space<semaphore_mem>>
        %dma_start3A_72 = arith.constant 0 : i32
        %dma_start3A_73 = tpu.memref_slice %arg5[%multiple_of3A_50, %dma_start3A_72] : memref<4000x80xi32, #tpu.memory_space<hbm>> -> memref<8x80xi32, #tpu.memory_space<hbm>>
        %dma_start3A_74 = arith.constant 0 : i32
        %dma_start3A_75 = tpu.memref_slice %arg5[%multiple_of3A_50, %dma_start3A_74] : memref<4000x80xi32, #tpu.memory_space<hbm>> -> memref<8x80xi32, #tpu.memory_space<hbm>>
        tpu.enqueue_dma source(%dma_start3A_75 : memref<8x80xi32, #tpu.memory_space<hbm>>) target(%arg15 : memref<8x80xi32, #tpu.memory_space<vmem>>) target_semaphore(%run_scoped3A : memref<!tpu.dma_semaphore, #tpu.memory_space<semaphore_mem>>)
        %dma_wait3A = arith.constant 0 : i32
        %dma_wait3A_76 = tpu.memref_slice %arg5[%multiple_of3A_50, %dma_wait3A] : memref<4000x80xi32, #tpu.memory_space<hbm>> -> memref<8x80xi32, #tpu.memory_space<hbm>>
        %dma_wait3A_77 = arith.constant 0 : i32
        %dma_wait3A_78 = tpu.memref_slice %arg5[%multiple_of3A_50, %dma_wait3A_77] : memref<4000x80xi32, #tpu.memory_space<hbm>> -> memref<8x80xi32, #tpu.memory_space<hbm>>
        tpu.wait_dma2 semaphore(%run_scoped3A : memref<!tpu.dma_semaphore, #tpu.memory_space<semaphore_mem>>) src(%dma_wait3A_78 : memref<8x80xi32, #tpu.memory_space<hbm>>) dst(%arg15 : memref<8x80xi32, #tpu.memory_space<vmem>>)
        tpu.yield
      }) : () -> ()
      %dma_start3A = arith.constant 0 : i32
      %dma_start3A_51 = arith.constant 0 : i32
      %dma_start3A_52 = tpu.memref_slice %arg13[%dma_start3A, %dma_start3A_51] : memref<8x80xi32, #tpu.memory_space<vmem>> -> memref<1x80xi32, #tpu.memory_space<vmem>>
      %dma_start3A_53 = tpu.memref_squeeze %dma_start3A_52 : memref<1x80xi32, #tpu.memory_space<vmem>> -> memref<80xi32, #tpu.memory_space<vmem>>
      %dma_start3A_54 = arith.constant 0 : i32
      %dma_start3A_55 = arith.constant 0 : i32
      %dma_start3A_56 = tpu.memref_slice %arg2[%dma_start3A_54, %dma_start3A_55] : memref<80000x128xf32, #tpu.memory_space<hbm>> -> memref<80000x128xf32, #tpu.memory_space<hbm>>
      tpu.enqueue_indirect_dma source(%dma_start3A_56 : memref<80000x128xf32, #tpu.memory_space<hbm>>) target(%arg9 : memref<80x128xf32, #tpu.memory_space<vmem>>) offsets(%dma_start3A_53 : memref<80xi32, #tpu.memory_space<vmem>>) semaphore(%arg17 : memref<!tpu.dma_semaphore, #tpu.memory_space<semaphore_mem>>)
      %dma_start3A_57 = arith.constant 0 : i32
      %dma_start3A_58 = arith.constant 0 : i32
      %dma_start3A_59 = tpu.memref_slice %arg15[%dma_start3A_57, %dma_start3A_58] : memref<8x80xi32, #tpu.memory_space<vmem>> -> memref<1x80xi32, #tpu.memory_space<vmem>>
      %dma_start3A_60 = tpu.memref_squeeze %dma_start3A_59 : memref<1x80xi32, #tpu.memory_space<vmem>> -> memref<80xi32, #tpu.memory_space<vmem>>
      %dma_start3A_61 = arith.constant 0 : i32
      %dma_start3A_62 = arith.constant 0 : i32
      %dma_start3A_63 = tpu.memref_slice %arg6[%dma_start3A_61, %dma_start3A_62] : memref<80000x16xf32, #tpu.memory_space<hbm>> -> memref<80000x16xf32, #tpu.memory_space<hbm>>
      tpu.enqueue_indirect_dma source(%dma_start3A_63 : memref<80000x16xf32, #tpu.memory_space<hbm>>) target(%arg11 : memref<80x16xf32, #tpu.memory_space<vmem>>) offsets(%dma_start3A_60 : memref<80xi32, #tpu.memory_space<vmem>>) semaphore(%arg19 : memref<!tpu.dma_semaphore, #tpu.memory_space<semaphore_mem>>)
      %scan3A_64 = arith.constant 0 : i32
      %scan3A_65 = arith.constant 0 : i32
      %scan3A_66 = arith.constant 4 : i32
      %scan3A_67 = arith.addi %scan3A_65, %scan3A_66 : i32
      %scan3A_68 = arith.constant 1 : i32
      %scan3A_69 = scf.for %scan3A_72 = %scan3A_65 to %scan3A_67 step %scan3A_68 iter_args(%scan3A_73 = %scan3A_64) -> (i32)  : i32 {
        %mul3A_74 = arith.constant 2 : i32
        %mul3A_75 = arith.muli %mul3A_74, %scan3A_72 : i32
        %add3A_76 = arith.constant 1 : i32
        %add3A_77 = arith.addi %mul3A_75, %add3A_76 : i32
        %dma_start3A_78 = arith.constant 0 : i32
        %dma_start3A_79 = tpu.memref_slice %arg13[%add3A_77, %dma_start3A_78] : memref<8x80xi32, #tpu.memory_space<vmem>> -> memref<1x80xi32, #tpu.memory_space<vmem>>
        %dma_start3A_80 = tpu.memref_squeeze %dma_start3A_79 : memref<1x80xi32, #tpu.memory_space<vmem>> -> memref<80xi32, #tpu.memory_space<vmem>>
        %dma_start3A_81 = arith.constant 0 : i32
        %dma_start3A_82 = arith.constant 0 : i32
        %dma_start3A_83 = tpu.memref_slice %arg2[%dma_start3A_81, %dma_start3A_82] : memref<80000x128xf32, #tpu.memory_space<hbm>> -> memref<80000x128xf32, #tpu.memory_space<hbm>>
        tpu.enqueue_indirect_dma source(%dma_start3A_83 : memref<80000x128xf32, #tpu.memory_space<hbm>>) target(%arg10 : memref<80x128xf32, #tpu.memory_space<vmem>>) offsets(%dma_start3A_80 : memref<80xi32, #tpu.memory_space<vmem>>) semaphore(%arg18 : memref<!tpu.dma_semaphore, #tpu.memory_space<semaphore_mem>>)
        %dma_start3A_84 = arith.constant 0 : i32
        %dma_start3A_85 = tpu.memref_slice %arg15[%add3A_77, %dma_start3A_84] : memref<8x80xi32, #tpu.memory_space<vmem>> -> memref<1x80xi32, #tpu.memory_space<vmem>>
        %dma_start3A_86 = tpu.memref_squeeze %dma_start3A_85 : memref<1x80xi32, #tpu.memory_space<vmem>> -> memref<80xi32, #tpu.memory_space<vmem>>
        %dma_start3A_87 = arith.constant 0 : i32
        %dma_start3A_88 = arith.constant 0 : i32
        %dma_start3A_89 = tpu.memref_slice %arg6[%dma_start3A_87, %dma_start3A_88] : memref<80000x16xf32, #tpu.memory_space<hbm>> -> memref<80000x16xf32, #tpu.memory_space<hbm>>
        tpu.enqueue_indirect_dma source(%dma_start3A_89 : memref<80000x16xf32, #tpu.memory_space<hbm>>) target(%arg12 : memref<80x16xf32, #tpu.memory_space<vmem>>) offsets(%dma_start3A_86 : memref<80xi32, #tpu.memory_space<vmem>>) semaphore(%arg20 : memref<!tpu.dma_semaphore, #tpu.memory_space<semaphore_mem>>)
        %dma_wait3A = arith.constant 0 : i32
        %dma_wait3A_90 = tpu.memref_slice %arg13[%mul3A_75, %dma_wait3A] : memref<8x80xi32, #tpu.memory_space<vmem>> -> memref<1x80xi32, #tpu.memory_space<vmem>>
        %dma_wait3A_91 = tpu.memref_squeeze %dma_wait3A_90 : memref<1x80xi32, #tpu.memory_space<vmem>> -> memref<80xi32, #tpu.memory_space<vmem>>
        %dma_wait3A_92 = arith.constant 0 : i32
        %dma_wait3A_93 = arith.constant 0 : i32
        %dma_wait3A_94 = tpu.memref_slice %arg2[%dma_wait3A_92, %dma_wait3A_93] : memref<80000x128xf32, #tpu.memory_space<hbm>> -> memref<80000x128xf32, #tpu.memory_space<hbm>>
        tpu.wait_indirect_dma semaphore(%arg17 : memref<!tpu.dma_semaphore, #tpu.memory_space<semaphore_mem>>) src(%dma_wait3A_94 : memref<80000x128xf32, #tpu.memory_space<hbm>>) dst(%arg9 : memref<80x128xf32, #tpu.memory_space<vmem>>)
        %dma_wait3A_95 = arith.constant 0 : i32
        %dma_wait3A_96 = tpu.memref_slice %arg15[%mul3A_75, %dma_wait3A_95] : memref<8x80xi32, #tpu.memory_space<vmem>> -> memref<1x80xi32, #tpu.memory_space<vmem>>
        %dma_wait3A_97 = tpu.memref_squeeze %dma_wait3A_96 : memref<1x80xi32, #tpu.memory_space<vmem>> -> memref<80xi32, #tpu.memory_space<vmem>>
        %dma_wait3A_98 = arith.constant 0 : i32
        %dma_wait3A_99 = arith.constant 0 : i32
        %dma_wait3A_100 = tpu.memref_slice %arg6[%dma_wait3A_98, %dma_wait3A_99] : memref<80000x16xf32, #tpu.memory_space<hbm>> -> memref<80000x16xf32, #tpu.memory_space<hbm>>
        tpu.wait_indirect_dma semaphore(%arg19 : memref<!tpu.dma_semaphore, #tpu.memory_space<semaphore_mem>>) src(%dma_wait3A_100 : memref<80000x16xf32, #tpu.memory_space<hbm>>) dst(%arg11 : memref<80x16xf32, #tpu.memory_space<vmem>>)
        %scan3A_101 = arith.constant 0 : i32
        %scan3A_102 = arith.constant 0 : i32
        %scan3A_103 = arith.constant 40 : i32
        %scan3A_104 = arith.addi %scan3A_102, %scan3A_103 : i32
        %scan3A_105 = arith.constant 1 : i32
        %scan3A_106 = scf.for %scan3A_132 = %scan3A_102 to %scan3A_104 step %scan3A_105 iter_args(%scan3A_133 = %scan3A_101) -> (i32)  : i32 {
          %mul3A_134 = arith.constant 2 : i32
          %mul3A_135 = arith.muli %mul3A_134, %scan3A_132 : i32
          %get3A = arith.index_cast %mul3A_135 : i32 to index
          %get3A_136 = arith.constant 0 : index
          %get3A_137 = tpu.vector_load %arg11[%get3A, %get3A_136] {strides = array<i32>} : memref<80x16xf32, #tpu.memory_space<vmem>>, vector<1x16xf32>,
          %get3A_138 = vector.shape_cast %get3A_137 : vector<1x16xf32> to vector<16xf32>
          %add3A_139 = arith.constant 1 : i32
          %add3A_140 = arith.addi %mul3A_135, %add3A_139 : i32
          %get3A_141 = arith.index_cast %add3A_140 : i32 to index
          %get3A_142 = arith.constant 0 : index
          %get3A_143 = tpu.vector_load %arg11[%get3A_141, %get3A_142] {strides = array<i32>} : memref<80x16xf32, #tpu.memory_space<vmem>>, vector<1x16xf32>,
          %get3A_144 = vector.shape_cast %get3A_143 : vector<1x16xf32> to vector<16xf32>
          %get3A_145 = arith.index_cast %mul3A_135 : i32 to index
          %get3A_146 = arith.constant 0 : index
          %get3A_147 = tpu.vector_load %arg9[%get3A_145, %get3A_146] {strides = array<i32>} : memref<80x128xf32, #tpu.memory_space<vmem>>, vector<1x16xf32>,
          %get3A_148 = vector.shape_cast %get3A_147 : vector<1x16xf32> to vector<16xf32>
          %mul3A_149 = arith.mulf %get3A_148, %get3A_138 : vector<16xf32>
          %swap3A = arith.index_cast %mul3A_135 : i32 to index
          %swap3A_150 = arith.constant 0 : index
          %swap3A_151 = tpu.vector_load %arg9[%swap3A, %swap3A_150] {strides = array<i32>} : memref<80x128xf32, #tpu.memory_space<vmem>>, vector<1x16xf32>,
          %swap3A_152 = vector.shape_cast %swap3A_151 : vector<1x16xf32> to vector<16xf32>
          %swap3A_153 = vector.shape_cast %mul3A_149 : vector<16xf32> to vector<1x16xf32>
          tpu.vector_store %arg9[%swap3A, %swap3A_150], %swap3A_153 {strides = array<i32>} : memref<80x128xf32, #tpu.memory_space<vmem>>, vector<1x16xf32>,
          %add3A_154 = arith.constant 1 : i32
          %add3A_155 = arith.addi %mul3A_135, %add3A_154 : i32
          %get3A_156 = arith.index_cast %add3A_155 : i32 to index
          %get3A_157 = arith.constant 0 : index
          %get3A_158 = tpu.vector_load %arg9[%get3A_156, %get3A_157] {strides = array<i32>} : memref<80x128xf32, #tpu.memory_space<vmem>>, vector<1x16xf32>,
          %get3A_159 = vector.shape_cast %get3A_158 : vector<1x16xf32> to vector<16xf32>
          %mul3A_160 = arith.mulf %get3A_159, %get3A_144 : vector<16xf32>
          %add3A_161 = arith.constant 1 : i32
          %add3A_162 = arith.addi %mul3A_135, %add3A_161 : i32
          %swap3A_163 = arith.index_cast %add3A_162 : i32 to index
          %swap3A_164 = arith.constant 0 : index
          %swap3A_165 = tpu.vector_load %arg9[%swap3A_163, %swap3A_164] {strides = array<i32>} : memref<80x128xf32, #tpu.memory_space<vmem>>, vector<1x16xf32>,
          %swap3A_166 = vector.shape_cast %swap3A_165 : vector<1x16xf32> to vector<16xf32>
          %swap3A_167 = vector.shape_cast %mul3A_160 : vector<16xf32> to vector<1x16xf32>
          tpu.vector_store %arg9[%swap3A_163, %swap3A_164], %swap3A_167 {strides = array<i32>} : memref<80x128xf32, #tpu.memory_space<vmem>>, vector<1x16xf32>,
          %get3A_168 = arith.index_cast %mul3A_135 : i32 to index
          %get3A_169 = arith.constant 16 : index
          %get3A_170 = tpu.vector_load %arg9[%get3A_168, %get3A_169] {strides = array<i32>} : memref<80x128xf32, #tpu.memory_space<vmem>>, vector<1x16xf32>,
          %get3A_171 = vector.shape_cast %get3A_170 : vector<1x16xf32> to vector<16xf32>
          %mul3A_172 = arith.mulf %get3A_171, %get3A_138 : vector<16xf32>
          %swap3A_173 = arith.index_cast %mul3A_135 : i32 to index
          %swap3A_174 = arith.constant 16 : index
          %swap3A_175 = tpu.vector_load %arg9[%swap3A_173, %swap3A_174] {strides = array<i32>} : memref<80x128xf32, #tpu.memory_space<vmem>>, vector<1x16xf32>,
          %swap3A_176 = vector.shape_cast %swap3A_175 : vector<1x16xf32> to vector<16xf32>
          %swap3A_177 = vector.shape_cast %mul3A_172 : vector<16xf32> to vector<1x16xf32>
          tpu.vector_store %arg9[%swap3A_173, %swap3A_174], %swap3A_177 {strides = array<i32>} : memref<80x128xf32, #tpu.memory_space<vmem>>, vector<1x16xf32>,
          %add3A_178 = arith.constant 1 : i32
          %add3A_179 = arith.addi %mul3A_135, %add3A_178 : i32
          %get3A_180 = arith.index_cast %add3A_179 : i32 to index
          %get3A_181 = arith.constant 16 : index
          %get3A_182 = tpu.vector_load %arg9[%get3A_180, %get3A_181] {strides = array<i32>} : memref<80x128xf32, #tpu.memory_space<vmem>>, vector<1x16xf32>,
          %get3A_183 = vector.shape_cast %get3A_182 : vector<1x16xf32> to vector<16xf32>
          %mul3A_184 = arith.mulf %get3A_183, %get3A_144 : vector<16xf32>
          %add3A_185 = arith.constant 1 : i32
          %add3A_186 = arith.addi %mul3A_135, %add3A_185 : i32
          %swap3A_187 = arith.index_cast %add3A_186 : i32 to index
          %swap3A_188 = arith.constant 16 : index
          %swap3A_189 = tpu.vector_load %arg9[%swap3A_187, %swap3A_188] {strides = array<i32>} : memref<80x128xf32, #tpu.memory_space<vmem>>, vector<1x16xf32>,
          %swap3A_190 = vector.shape_cast %swap3A_189 : vector<1x16xf32> to vector<16xf32>
          %swap3A_191 = vector.shape_cast %mul3A_184 : vector<16xf32> to vector<1x16xf32>
          tpu.vector_store %arg9[%swap3A_187, %swap3A_188], %swap3A_191 {strides = array<i32>} : memref<80x128xf32, #tpu.memory_space<vmem>>, vector<1x16xf32>,
          %get3A_192 = arith.index_cast %mul3A_135 : i32 to index
          %get3A_193 = arith.constant 32 : index
          %get3A_194 = tpu.vector_load %arg9[%get3A_192, %get3A_193] {strides = array<i32>} : memref<80x128xf32, #tpu.memory_space<vmem>>, vector<1x16xf32>,
          %get3A_195 = vector.shape_cast %get3A_194 : vector<1x16xf32> to vector<16xf32>
          %mul3A_196 = arith.mulf %get3A_195, %get3A_138 : vector<16xf32>
          %swap3A_197 = arith.index_cast %mul3A_135 : i32 to index
          %swap3A_198 = arith.constant 32 : index
          %swap3A_199 = tpu.vector_load %arg9[%swap3A_197, %swap3A_198] {strides = array<i32>} : memref<80x128xf32, #tpu.memory_space<vmem>>, vector<1x16xf32>,
          %swap3A_200 = vector.shape_cast %swap3A_199 : vector<1x16xf32> to vector<16xf32>
          %swap3A_201 = vector.shape_cast %mul3A_196 : vector<16xf32> to vector<1x16xf32>
          tpu.vector_store %arg9[%swap3A_197, %swap3A_198], %swap3A_201 {strides = array<i32>} : memref<80x128xf32, #tpu.memory_space<vmem>>, vector<1x16xf32>,
          %add3A_202 = arith.constant 1 : i32
          %add3A_203 = arith.addi %mul3A_135, %add3A_202 : i32
          %get3A_204 = arith.index_cast %add3A_203 : i32 to index
          %get3A_205 = arith.constant 32 : index
          %get3A_206 = tpu.vector_load %arg9[%get3A_204, %get3A_205] {strides = array<i32>} : memref<80x128xf32, #tpu.memory_space<vmem>>, vector<1x16xf32>,
          %get3A_207 = vector.shape_cast %get3A_206 : vector<1x16xf32> to vector<16xf32>
          %mul3A_208 = arith.mulf %get3A_207, %get3A_144 : vector<16xf32>
          %add3A_209 = arith.constant 1 : i32
          %add3A_210 = arith.addi %mul3A_135, %add3A_209 : i32
          %swap3A_211 = arith.index_cast %add3A_210 : i32 to index
          %swap3A_212 = arith.constant 32 : index
          %swap3A_213 = tpu.vector_load %arg9[%swap3A_211, %swap3A_212] {strides = array<i32>} : memref<80x128xf32, #tpu.memory_space<vmem>>, vector<1x16xf32>,
          %swap3A_214 = vector.shape_cast %swap3A_213 : vector<1x16xf32> to vector<16xf32>
          %swap3A_215 = vector.shape_cast %mul3A_208 : vector<16xf32> to vector<1x16xf32>
          tpu.vector_store %arg9[%swap3A_211, %swap3A_212], %swap3A_215 {strides = array<i32>} : memref<80x128xf32, #tpu.memory_space<vmem>>, vector<1x16xf32>,
          %get3A_216 = arith.index_cast %mul3A_135 : i32 to index
          %get3A_217 = arith.constant 48 : index
          %get3A_218 = tpu.vector_load %arg9[%get3A_216, %get3A_217] {strides = array<i32>} : memref<80x128xf32, #tpu.memory_space<vmem>>, vector<1x16xf32>,
          %get3A_219 = vector.shape_cast %get3A_218 : vector<1x16xf32> to vector<16xf32>
          %mul3A_220 = arith.mulf %get3A_219, %get3A_138 : vector<16xf32>
          %swap3A_221 = arith.index_cast %mul3A_135 : i32 to index
          %swap3A_222 = arith.constant 48 : index
          %swap3A_223 = tpu.vector_load %arg9[%swap3A_221, %swap3A_222] {strides = array<i32>} : memref<80x128xf32, #tpu.memory_space<vmem>>, vector<1x16xf32>,
          %swap3A_224 = vector.shape_cast %swap3A_223 : vector<1x16xf32> to vector<16xf32>
          %swap3A_225 = vector.shape_cast %mul3A_220 : vector<16xf32> to vector<1x16xf32>
          tpu.vector_store %arg9[%swap3A_221, %swap3A_222], %swap3A_225 {strides = array<i32>} : memref<80x128xf32, #tpu.memory_space<vmem>>, vector<1x16xf32>,
          %add3A_226 = arith.constant 1 : i32
          %add3A_227 = arith.addi %mul3A_135, %add3A_226 : i32
          %get3A_228 = arith.index_cast %add3A_227 : i32 to index
          %get3A_229 = arith.constant 48 : index
          %get3A_230 = tpu.vector_load %arg9[%get3A_228, %get3A_229] {strides = array<i32>} : memref<80x128xf32, #tpu.memory_space<vmem>>, vector<1x16xf32>,
          %get3A_231 = vector.shape_cast %get3A_230 : vector<1x16xf32> to vector<16xf32>
          %mul3A_232 = arith.mulf %get3A_231, %get3A_144 : vector<16xf32>
          %add3A_233 = arith.constant 1 : i32
          %add3A_234 = arith.addi %mul3A_135, %add3A_233 : i32
          %swap3A_235 = arith.index_cast %add3A_234 : i32 to index
          %swap3A_236 = arith.constant 48 : index
          %swap3A_237 = tpu.vector_load %arg9[%swap3A_235, %swap3A_236] {strides = array<i32>} : memref<80x128xf32, #tpu.memory_space<vmem>>, vector<1x16xf32>,
          %swap3A_238 = vector.shape_cast %swap3A_237 : vector<1x16xf32> to vector<16xf32>
          %swap3A_239 = vector.shape_cast %mul3A_232 : vector<16xf32> to vector<1x16xf32>
          tpu.vector_store %arg9[%swap3A_235, %swap3A_236], %swap3A_239 {strides = array<i32>} : memref<80x128xf32, #tpu.memory_space<vmem>>, vector<1x16xf32>,
          %get3A_240 = arith.index_cast %mul3A_135 : i32 to index
          %get3A_241 = arith.constant 64 : index
          %get3A_242 = tpu.vector_load %arg9[%get3A_240, %get3A_241] {strides = array<i32>} : memref<80x128xf32, #tpu.memory_space<vmem>>, vector<1x16xf32>,
          %get3A_243 = vector.shape_cast %get3A_242 : vector<1x16xf32> to vector<16xf32>
          %mul3A_244 = arith.mulf %get3A_243, %get3A_138 : vector<16xf32>
          %swap3A_245 = arith.index_cast %mul3A_135 : i32 to index
          %swap3A_246 = arith.constant 64 : index
          %swap3A_247 = tpu.vector_load %arg9[%swap3A_245, %swap3A_246] {strides = array<i32>} : memref<80x128xf32, #tpu.memory_space<vmem>>, vector<1x16xf32>,
          %swap3A_248 = vector.shape_cast %swap3A_247 : vector<1x16xf32> to vector<16xf32>
          %swap3A_249 = vector.shape_cast %mul3A_244 : vector<16xf32> to vector<1x16xf32>
          tpu.vector_store %arg9[%swap3A_245, %swap3A_246], %swap3A_249 {strides = array<i32>} : memref<80x128xf32, #tpu.memory_space<vmem>>, vector<1x16xf32>,
          %add3A_250 = arith.constant 1 : i32
          %add3A_251 = arith.addi %mul3A_135, %add3A_250 : i32
          %get3A_252 = arith.index_cast %add3A_251 : i32 to index
          %get3A_253 = arith.constant 64 : index
          %get3A_254 = tpu.vector_load %arg9[%get3A_252, %get3A_253] {strides = array<i32>} : memref<80x128xf32, #tpu.memory_space<vmem>>, vector<1x16xf32>,
          %get3A_255 = vector.shape_cast %get3A_254 : vector<1x16xf32> to vector<16xf32>
          %mul3A_256 = arith.mulf %get3A_255, %get3A_144 : vector<16xf32>
          %add3A_257 = arith.constant 1 : i32
          %add3A_258 = arith.addi %mul3A_135, %add3A_257 : i32
          %swap3A_259 = arith.index_cast %add3A_258 : i32 to index
          %swap3A_260 = arith.constant 64 : index
          %swap3A_261 = tpu.vector_load %arg9[%swap3A_259, %swap3A_260] {strides = array<i32>} : memref<80x128xf32, #tpu.memory_space<vmem>>, vector<1x16xf32>,
          %swap3A_262 = vector.shape_cast %swap3A_261 : vector<1x16xf32> to vector<16xf32>
          %swap3A_263 = vector.shape_cast %mul3A_256 : vector<16xf32> to vector<1x16xf32>
          tpu.vector_store %arg9[%swap3A_259, %swap3A_260], %swap3A_263 {strides = array<i32>} : memref<80x128xf32, #tpu.memory_space<vmem>>, vector<1x16xf32>,
          %get3A_264 = arith.index_cast %mul3A_135 : i32 to index
          %get3A_265 = arith.constant 80 : index
          %get3A_266 = tpu.vector_load %arg9[%get3A_264, %get3A_265] {strides = array<i32>} : memref<80x128xf32, #tpu.memory_space<vmem>>, vector<1x16xf32>,
          %get3A_267 = vector.shape_cast %get3A_266 : vector<1x16xf32> to vector<16xf32>
          %mul3A_268 = arith.mulf %get3A_267, %get3A_138 : vector<16xf32>
          %swap3A_269 = arith.index_cast %mul3A_135 : i32 to index
          %swap3A_270 = arith.constant 80 : index
          %swap3A_271 = tpu.vector_load %arg9[%swap3A_269, %swap3A_270] {strides = array<i32>} : memref<80x128xf32, #tpu.memory_space<vmem>>, vector<1x16xf32>,
          %swap3A_272 = vector.shape_cast %swap3A_271 : vector<1x16xf32> to vector<16xf32>
          %swap3A_273 = vector.shape_cast %mul3A_268 : vector<16xf32> to vector<1x16xf32>
          tpu.vector_store %arg9[%swap3A_269, %swap3A_270], %swap3A_273 {strides = array<i32>} : memref<80x128xf32, #tpu.memory_space<vmem>>, vector<1x16xf32>,
          %add3A_274 = arith.constant 1 : i32
          %add3A_275 = arith.addi %mul3A_135, %add3A_274 : i32
          %get3A_276 = arith.index_cast %add3A_275 : i32 to index
          %get3A_277 = arith.constant 80 : index
          %get3A_278 = tpu.vector_load %arg9[%get3A_276, %get3A_277] {strides = array<i32>} : memref<80x128xf32, #tpu.memory_space<vmem>>, vector<1x16xf32>,
          %get3A_279 = vector.shape_cast %get3A_278 : vector<1x16xf32> to vector<16xf32>
          %mul3A_280 = arith.mulf %get3A_279, %get3A_144 : vector<16xf32>
          %add3A_281 = arith.constant 1 : i32
          %add3A_282 = arith.addi %mul3A_135, %add3A_281 : i32
          %swap3A_283 = arith.index_cast %add3A_282 : i32 to index
          %swap3A_284 = arith.constant 80 : index
          %swap3A_285 = tpu.vector_load %arg9[%swap3A_283, %swap3A_284] {strides = array<i32>} : memref<80x128xf32, #tpu.memory_space<vmem>>, vector<1x16xf32>,
          %swap3A_286 = vector.shape_cast %swap3A_285 : vector<1x16xf32> to vector<16xf32>
          %swap3A_287 = vector.shape_cast %mul3A_280 : vector<16xf32> to vector<1x16xf32>
          tpu.vector_store %arg9[%swap3A_283, %swap3A_284], %swap3A_287 {strides = array<i32>} : memref<80x128xf32, #tpu.memory_space<vmem>>, vector<1x16xf32>,
          %get3A_288 = arith.index_cast %mul3A_135 : i32 to index
          %get3A_289 = arith.constant 96 : index
          %get3A_290 = tpu.vector_load %arg9[%get3A_288, %get3A_289] {strides = array<i32>} : memref<80x128xf32, #tpu.memory_space<vmem>>, vector<1x16xf32>,
          %get3A_291 = vector.shape_cast %get3A_290 : vector<1x16xf32> to vector<16xf32>
          %mul3A_292 = arith.mulf %get3A_291, %get3A_138 : vector<16xf32>
          %swap3A_293 = arith.index_cast %mul3A_135 : i32 to index
          %swap3A_294 = arith.constant 96 : index
          %swap3A_295 = tpu.vector_load %arg9[%swap3A_293, %swap3A_294] {strides = array<i32>} : memref<80x128xf32, #tpu.memory_space<vmem>>, vector<1x16xf32>,
          %swap3A_296 = vector.shape_cast %swap3A_295 : vector<1x16xf32> to vector<16xf32>
          %swap3A_297 = vector.shape_cast %mul3A_292 : vector<16xf32> to vector<1x16xf32>
          tpu.vector_store %arg9[%swap3A_293, %swap3A_294], %swap3A_297 {strides = array<i32>} : memref<80x128xf32, #tpu.memory_space<vmem>>, vector<1x16xf32>,
          %add3A_298 = arith.constant 1 : i32
          %add3A_299 = arith.addi %mul3A_135, %add3A_298 : i32
          %get3A_300 = arith.index_cast %add3A_299 : i32 to index
          %get3A_301 = arith.constant 96 : index
          %get3A_302 = tpu.vector_load %arg9[%get3A_300, %get3A_301] {strides = array<i32>} : memref<80x128xf32, #tpu.memory_space<vmem>>, vector<1x16xf32>,
          %get3A_303 = vector.shape_cast %get3A_302 : vector<1x16xf32> to vector<16xf32>
          %mul3A_304 = arith.mulf %get3A_303, %get3A_144 : vector<16xf32>
          %add3A_305 = arith.constant 1 : i32
          %add3A_306 = arith.addi %mul3A_135, %add3A_305 : i32
          %swap3A_307 = arith.index_cast %add3A_306 : i32 to index
          %swap3A_308 = arith.constant 96 : index
          %swap3A_309 = tpu.vector_load %arg9[%swap3A_307, %swap3A_308] {strides = array<i32>} : memref<80x128xf32, #tpu.memory_space<vmem>>, vector<1x16xf32>,
          %swap3A_310 = vector.shape_cast %swap3A_309 : vector<1x16xf32> to vector<16xf32>
          %swap3A_311 = vector.shape_cast %mul3A_304 : vector<16xf32> to vector<1x16xf32>
          tpu.vector_store %arg9[%swap3A_307, %swap3A_308], %swap3A_311 {strides = array<i32>} : memref<80x128xf32, #tpu.memory_space<vmem>>, vector<1x16xf32>,
          %get3A_312 = arith.index_cast %mul3A_135 : i32 to index
          %get3A_313 = arith.constant 112 : index
          %get3A_314 = tpu.vector_load %arg9[%get3A_312, %get3A_313] {strides = array<i32>} : memref<80x128xf32, #tpu.memory_space<vmem>>, vector<1x16xf32>,
          %get3A_315 = vector.shape_cast %get3A_314 : vector<1x16xf32> to vector<16xf32>
          %mul3A_316 = arith.mulf %get3A_315, %get3A_138 : vector<16xf32>
          %swap3A_317 = arith.index_cast %mul3A_135 : i32 to index
          %swap3A_318 = arith.constant 112 : index
          %swap3A_319 = tpu.vector_load %arg9[%swap3A_317, %swap3A_318] {strides = array<i32>} : memref<80x128xf32, #tpu.memory_space<vmem>>, vector<1x16xf32>,
          %swap3A_320 = vector.shape_cast %swap3A_319 : vector<1x16xf32> to vector<16xf32>
          %swap3A_321 = vector.shape_cast %mul3A_316 : vector<16xf32> to vector<1x16xf32>
          tpu.vector_store %arg9[%swap3A_317, %swap3A_318], %swap3A_321 {strides = array<i32>} : memref<80x128xf32, #tpu.memory_space<vmem>>, vector<1x16xf32>,
          %add3A_322 = arith.constant 1 : i32
          %add3A_323 = arith.addi %mul3A_135, %add3A_322 : i32
          %get3A_324 = arith.index_cast %add3A_323 : i32 to index
          %get3A_325 = arith.constant 112 : index
          %get3A_326 = tpu.vector_load %arg9[%get3A_324, %get3A_325] {strides = array<i32>} : memref<80x128xf32, #tpu.memory_space<vmem>>, vector<1x16xf32>,
          %get3A_327 = vector.shape_cast %get3A_326 : vector<1x16xf32> to vector<16xf32>
          %mul3A_328 = arith.mulf %get3A_327, %get3A_144 : vector<16xf32>
          %add3A_329 = arith.constant 1 : i32
          %add3A_330 = arith.addi %mul3A_135, %add3A_329 : i32
          %swap3A_331 = arith.index_cast %add3A_330 : i32 to index
          %swap3A_332 = arith.constant 112 : index
          %swap3A_333 = tpu.vector_load %arg9[%swap3A_331, %swap3A_332] {strides = array<i32>} : memref<80x128xf32, #tpu.memory_space<vmem>>, vector<1x16xf32>,
          %swap3A_334 = vector.shape_cast %swap3A_333 : vector<1x16xf32> to vector<16xf32>
          %swap3A_335 = vector.shape_cast %mul3A_328 : vector<16xf32> to vector<1x16xf32>
          tpu.vector_store %arg9[%swap3A_331, %swap3A_332], %swap3A_335 {strides = array<i32>} : memref<80x128xf32, #tpu.memory_space<vmem>>, vector<1x16xf32>,
          %scan3A_336 = arith.constant 0 : i32
          scf.yield %scan3A_336 : i32
        }
        %scan3A_107 = arith.constant 40 : i32
        "tpu.region"() ({
          %run_scoped3A = tpu.sem_alloc : memref<!tpu.dma_semaphore, #tpu.memory_space<semaphore_mem>>
          %dma_start3A_132 = arith.constant 0 : i32
          %dma_start3A_133 = tpu.memref_slice %arg14[%mul3A_75, %dma_start3A_132] : memref<8x80xi32, #tpu.memory_space<vmem>> -> memref<1x80xi32, #tpu.memory_space<vmem>>
          %dma_start3A_134 = tpu.memref_squeeze %dma_start3A_133 : memref<1x80xi32, #tpu.memory_space<vmem>> -> memref<80xi32, #tpu.memory_space<vmem>>
          %dma_start3A_135 = arith.constant 0 : i32
          %dma_start3A_136 = arith.constant 0 : i32
          %dma_start3A_137 = tpu.memref_slice %arg8[%dma_start3A_135, %dma_start3A_136] : memref<10240x128xf32, #tpu.memory_space<vmem_shared>> -> memref<10240x128xf32, #tpu.memory_space<vmem_shared>>
          tpu.enqueue_indirect_dma source(%arg9 : memref<80x128xf32, #tpu.memory_space<vmem>>) target(%dma_start3A_137 : memref<10240x128xf32, #tpu.memory_space<vmem_shared>>) offsets(%dma_start3A_134 : memref<80xi32, #tpu.memory_space<vmem>>) semaphore(%run_scoped3A : memref<!tpu.dma_semaphore, #tpu.memory_space<semaphore_mem>>) {add = true}
          %dma_wait3A_138 = arith.constant 0 : i32
          %dma_wait3A_139 = tpu.memref_slice %arg14[%mul3A_75, %dma_wait3A_138] : memref<8x80xi32, #tpu.memory_space<vmem>> -> memref<1x80xi32, #tpu.memory_space<vmem>>
          %dma_wait3A_140 = tpu.memref_squeeze %dma_wait3A_139 : memref<1x80xi32, #tpu.memory_space<vmem>> -> memref<80xi32, #tpu.memory_space<vmem>>
          %dma_wait3A_141 = arith.constant 0 : i32
          %dma_wait3A_142 = arith.constant 0 : i32
          %dma_wait3A_143 = tpu.memref_slice %arg8[%dma_wait3A_141, %dma_wait3A_142] : memref<10240x128xf32, #tpu.memory_space<vmem_shared>> -> memref<10240x128xf32, #tpu.memory_space<vmem_shared>>
          tpu.wait_indirect_dma semaphore(%run_scoped3A : memref<!tpu.dma_semaphore, #tpu.memory_space<semaphore_mem>>) src(%arg9 : memref<80x128xf32, #tpu.memory_space<vmem>>) dst(%dma_wait3A_143 : memref<10240x128xf32, #tpu.memory_space<vmem_shared>>)
          tpu.yield
        }) : () -> ()
        %lt3A = arith.constant 3 : i32
        %lt3A_108 = arith.cmpi slt, %scan3A_72, %lt3A : i32
        %convert_element_type3A = arith.extui %lt3A_108 : i1 to i32
        %cond3A = arith.constant 0 : i32
        %cond3A_109 = arith.cmpi ne, %convert_element_type3A, %cond3A : i32
        scf.if %cond3A_109 {
          %add3A_132 = arith.constant 2 : i32
          %add3A_133 = arith.addi %mul3A_75, %add3A_132 : i32
          %dma_start3A_134 = arith.constant 0 : i32
          %dma_start3A_135 = tpu.memref_slice %arg13[%add3A_133, %dma_start3A_134] : memref<8x80xi32, #tpu.memory_space<vmem>> -> memref<1x80xi32, #tpu.memory_space<vmem>>
          %dma_start3A_136 = tpu.memref_squeeze %dma_start3A_135 : memref<1x80xi32, #tpu.memory_space<vmem>> -> memref<80xi32, #tpu.memory_space<vmem>>
          %dma_start3A_137 = arith.constant 0 : i32
          %dma_start3A_138 = arith.constant 0 : i32
          %dma_start3A_139 = tpu.memref_slice %arg2[%dma_start3A_137, %dma_start3A_138] : memref<80000x128xf32, #tpu.memory_space<hbm>> -> memref<80000x128xf32, #tpu.memory_space<hbm>>
          tpu.enqueue_indirect_dma source(%dma_start3A_139 : memref<80000x128xf32, #tpu.memory_space<hbm>>) target(%arg9 : memref<80x128xf32, #tpu.memory_space<vmem>>) offsets(%dma_start3A_136 : memref<80xi32, #tpu.memory_space<vmem>>) semaphore(%arg17 : memref<!tpu.dma_semaphore, #tpu.memory_space<semaphore_mem>>)
          %dma_start3A_140 = arith.constant 0 : i32
          %dma_start3A_141 = tpu.memref_slice %arg15[%add3A_133, %dma_start3A_140] : memref<8x80xi32, #tpu.memory_space<vmem>> -> memref<1x80xi32, #tpu.memory_space<vmem>>
          %dma_start3A_142 = tpu.memref_squeeze %dma_start3A_141 : memref<1x80xi32, #tpu.memory_space<vmem>> -> memref<80xi32, #tpu.memory_space<vmem>>
          %dma_start3A_143 = arith.constant 0 : i32
          %dma_start3A_144 = arith.constant 0 : i32
          %dma_start3A_145 = tpu.memref_slice %arg6[%dma_start3A_143, %dma_start3A_144] : memref<80000x16xf32, #tpu.memory_space<hbm>> -> memref<80000x16xf32, #tpu.memory_space<hbm>>
          tpu.enqueue_indirect_dma source(%dma_start3A_145 : memref<80000x16xf32, #tpu.memory_space<hbm>>) target(%arg11 : memref<80x16xf32, #tpu.memory_space<vmem>>) offsets(%dma_start3A_142 : memref<80xi32, #tpu.memory_space<vmem>>) semaphore(%arg19 : memref<!tpu.dma_semaphore, #tpu.memory_space<semaphore_mem>>)
        } else {
        }
        %add3A_110 = arith.constant 1 : i32
        %add3A_111 = arith.addi %mul3A_75, %add3A_110 : i32
        %dma_wait3A_112 = arith.constant 0 : i32
        %dma_wait3A_113 = tpu.memref_slice %arg13[%add3A_111, %dma_wait3A_112] : memref<8x80xi32, #tpu.memory_space<vmem>> -> memref<1x80xi32, #tpu.memory_space<vmem>>
        %dma_wait3A_114 = tpu.memref_squeeze %dma_wait3A_113 : memref<1x80xi32, #tpu.memory_space<vmem>> -> memref<80xi32, #tpu.memory_space<vmem>>
        %dma_wait3A_115 = arith.constant 0 : i32
        %dma_wait3A_116 = arith.constant 0 : i32
        %dma_wait3A_117 = tpu.memref_slice %arg2[%dma_wait3A_115, %dma_wait3A_116] : memref<80000x128xf32, #tpu.memory_space<hbm>> -> memref<80000x128xf32, #tpu.memory_space<hbm>>
        tpu.wait_indirect_dma semaphore(%arg18 : memref<!tpu.dma_semaphore, #tpu.memory_space<semaphore_mem>>) src(%dma_wait3A_117 : memref<80000x128xf32, #tpu.memory_space<hbm>>) dst(%arg10 : memref<80x128xf32, #tpu.memory_space<vmem>>)
        %dma_wait3A_118 = arith.constant 0 : i32
        %dma_wait3A_119 = tpu.memref_slice %arg15[%add3A_111, %dma_wait3A_118] : memref<8x80xi32, #tpu.memory_space<vmem>> -> memref<1x80xi32, #tpu.memory_space<vmem>>
        %dma_wait3A_120 = tpu.memref_squeeze %dma_wait3A_119 : memref<1x80xi32, #tpu.memory_space<vmem>> -> memref<80xi32, #tpu.memory_space<vmem>>
        %dma_wait3A_121 = arith.constant 0 : i32
        %dma_wait3A_122 = arith.constant 0 : i32
        %dma_wait3A_123 = tpu.memref_slice %arg6[%dma_wait3A_121, %dma_wait3A_122] : memref<80000x16xf32, #tpu.memory_space<hbm>> -> memref<80000x16xf32, #tpu.memory_space<hbm>>
        tpu.wait_indirect_dma semaphore(%arg20 : memref<!tpu.dma_semaphore, #tpu.memory_space<semaphore_mem>>) src(%dma_wait3A_123 : memref<80000x16xf32, #tpu.memory_space<hbm>>) dst(%arg12 : memref<80x16xf32, #tpu.memory_space<vmem>>)
        %scan3A_124 = arith.constant 0 : i32
        %scan3A_125 = arith.constant 0 : i32
        %scan3A_126 = arith.constant 40 : i32
        %scan3A_127 = arith.addi %scan3A_125, %scan3A_126 : i32
        %scan3A_128 = arith.constant 1 : i32
        %scan3A_129 = scf.for %scan3A_132 = %scan3A_125 to %scan3A_127 step %scan3A_128 iter_args(%scan3A_133 = %scan3A_124) -> (i32)  : i32 {
          %mul3A_134 = arith.constant 2 : i32
          %mul3A_135 = arith.muli %mul3A_134, %scan3A_132 : i32
          %get3A = arith.index_cast %mul3A_135 : i32 to index
          %get3A_136 = arith.constant 0 : index
          %get3A_137 = tpu.vector_load %arg12[%get3A, %get3A_136] {strides = array<i32>} : memref<80x16xf32, #tpu.memory_space<vmem>>, vector<1x16xf32>,
          %get3A_138 = vector.shape_cast %get3A_137 : vector<1x16xf32> to vector<16xf32>
          %add3A_139 = arith.constant 1 : i32
          %add3A_140 = arith.addi %mul3A_135, %add3A_139 : i32
          %get3A_141 = arith.index_cast %add3A_140 : i32 to index
          %get3A_142 = arith.constant 0 : index
          %get3A_143 = tpu.vector_load %arg12[%get3A_141, %get3A_142] {strides = array<i32>} : memref<80x16xf32, #tpu.memory_space<vmem>>, vector<1x16xf32>,
          %get3A_144 = vector.shape_cast %get3A_143 : vector<1x16xf32> to vector<16xf32>
          %get3A_145 = arith.index_cast %mul3A_135 : i32 to index
          %get3A_146 = arith.constant 0 : index
          %get3A_147 = tpu.vector_load %arg10[%get3A_145, %get3A_146] {strides = array<i32>} : memref<80x128xf32, #tpu.memory_space<vmem>>, vector<1x16xf32>,
          %get3A_148 = vector.shape_cast %get3A_147 : vector<1x16xf32> to vector<16xf32>
          %mul3A_149 = arith.mulf %get3A_148, %get3A_138 : vector<16xf32>
          %swap3A = arith.index_cast %mul3A_135 : i32 to index
          %swap3A_150 = arith.constant 0 : index
          %swap3A_151 = tpu.vector_load %arg10[%swap3A, %swap3A_150] {strides = array<i32>} : memref<80x128xf32, #tpu.memory_space<vmem>>, vector<1x16xf32>,
          %swap3A_152 = vector.shape_cast %swap3A_151 : vector<1x16xf32> to vector<16xf32>
          %swap3A_153 = vector.shape_cast %mul3A_149 : vector<16xf32> to vector<1x16xf32>
          tpu.vector_store %arg10[%swap3A, %swap3A_150], %swap3A_153 {strides = array<i32>} : memref<80x128xf32, #tpu.memory_space<vmem>>, vector<1x16xf32>,
          %add3A_154 = arith.constant 1 : i32
          %add3A_155 = arith.addi %mul3A_135, %add3A_154 : i32
          %get3A_156 = arith.index_cast %add3A_155 : i32 to index
          %get3A_157 = arith.constant 0 : index
          %get3A_158 = tpu.vector_load %arg10[%get3A_156, %get3A_157] {strides = array<i32>} : memref<80x128xf32, #tpu.memory_space<vmem>>, vector<1x16xf32>,
          %get3A_159 = vector.shape_cast %get3A_158 : vector<1x16xf32> to vector<16xf32>
          %mul3A_160 = arith.mulf %get3A_159, %get3A_144 : vector<16xf32>
          %add3A_161 = arith.constant 1 : i32
          %add3A_162 = arith.addi %mul3A_135, %add3A_161 : i32
          %swap3A_163 = arith.index_cast %add3A_162 : i32 to index
          %swap3A_164 = arith.constant 0 : index
          %swap3A_165 = tpu.vector_load %arg10[%swap3A_163, %swap3A_164] {strides = array<i32>} : memref<80x128xf32, #tpu.memory_space<vmem>>, vector<1x16xf32>,
          %swap3A_166 = vector.shape_cast %swap3A_165 : vector<1x16xf32> to vector<16xf32>
          %swap3A_167 = vector.shape_cast %mul3A_160 : vector<16xf32> to vector<1x16xf32>
          tpu.vector_store %arg10[%swap3A_163, %swap3A_164], %swap3A_167 {strides = array<i32>} : memref<80x128xf32, #tpu.memory_space<vmem>>, vector<1x16xf32>,
          %get3A_168 = arith.index_cast %mul3A_135 : i32 to index
          %get3A_169 = arith.constant 16 : index
          %get3A_170 = tpu.vector_load %arg10[%get3A_168, %get3A_169] {strides = array<i32>} : memref<80x128xf32, #tpu.memory_space<vmem>>, vector<1x16xf32>,
          %get3A_171 = vector.shape_cast %get3A_170 : vector<1x16xf32> to vector<16xf32>
          %mul3A_172 = arith.mulf %get3A_171, %get3A_138 : vector<16xf32>
          %swap3A_173 = arith.index_cast %mul3A_135 : i32 to index
          %swap3A_174 = arith.constant 16 : index
          %swap3A_175 = tpu.vector_load %arg10[%swap3A_173, %swap3A_174] {strides = array<i32>} : memref<80x128xf32, #tpu.memory_space<vmem>>, vector<1x16xf32>,
          %swap3A_176 = vector.shape_cast %swap3A_175 : vector<1x16xf32> to vector<16xf32>
          %swap3A_177 = vector.shape_cast %mul3A_172 : vector<16xf32> to vector<1x16xf32>
          tpu.vector_store %arg10[%swap3A_173, %swap3A_174], %swap3A_177 {strides = array<i32>} : memref<80x128xf32, #tpu.memory_space<vmem>>, vector<1x16xf32>,
          %add3A_178 = arith.constant 1 : i32
          %add3A_179 = arith.addi %mul3A_135, %add3A_178 : i32
          %get3A_180 = arith.index_cast %add3A_179 : i32 to index
          %get3A_181 = arith.constant 16 : index
          %get3A_182 = tpu.vector_load %arg10[%get3A_180, %get3A_181] {strides = array<i32>} : memref<80x128xf32, #tpu.memory_space<vmem>>, vector<1x16xf32>,
          %get3A_183 = vector.shape_cast %get3A_182 : vector<1x16xf32> to vector<16xf32>
          %mul3A_184 = arith.mulf %get3A_183, %get3A_144 : vector<16xf32>
          %add3A_185 = arith.constant 1 : i32
          %add3A_186 = arith.addi %mul3A_135, %add3A_185 : i32
          %swap3A_187 = arith.index_cast %add3A_186 : i32 to index
          %swap3A_188 = arith.constant 16 : index
          %swap3A_189 = tpu.vector_load %arg10[%swap3A_187, %swap3A_188] {strides = array<i32>} : memref<80x128xf32, #tpu.memory_space<vmem>>, vector<1x16xf32>,
          %swap3A_190 = vector.shape_cast %swap3A_189 : vector<1x16xf32> to vector<16xf32>
          %swap3A_191 = vector.shape_cast %mul3A_184 : vector<16xf32> to vector<1x16xf32>
          tpu.vector_store %arg10[%swap3A_187, %swap3A_188], %swap3A_191 {strides = array<i32>} : memref<80x128xf32, #tpu.memory_space<vmem>>, vector<1x16xf32>,
          %get3A_192 = arith.index_cast %mul3A_135 : i32 to index
          %get3A_193 = arith.constant 32 : index
          %get3A_194 = tpu.vector_load %arg10[%get3A_192, %get3A_193] {strides = array<i32>} : memref<80x128xf32, #tpu.memory_space<vmem>>, vector<1x16xf32>,
          %get3A_195 = vector.shape_cast %get3A_194 : vector<1x16xf32> to vector<16xf32>
          %mul3A_196 = arith.mulf %get3A_195, %get3A_138 : vector<16xf32>
          %swap3A_197 = arith.index_cast %mul3A_135 : i32 to index
          %swap3A_198 = arith.constant 32 : index
          %swap3A_199 = tpu.vector_load %arg10[%swap3A_197, %swap3A_198] {strides = array<i32>} : memref<80x128xf32, #tpu.memory_space<vmem>>, vector<1x16xf32>,
          %swap3A_200 = vector.shape_cast %swap3A_199 : vector<1x16xf32> to vector<16xf32>
          %swap3A_201 = vector.shape_cast %mul3A_196 : vector<16xf32> to vector<1x16xf32>
          tpu.vector_store %arg10[%swap3A_197, %swap3A_198], %swap3A_201 {strides = array<i32>} : memref<80x128xf32, #tpu.memory_space<vmem>>, vector<1x16xf32>,
          %add3A_202 = arith.constant 1 : i32
          %add3A_203 = arith.addi %mul3A_135, %add3A_202 : i32
          %get3A_204 = arith.index_cast %add3A_203 : i32 to index
          %get3A_205 = arith.constant 32 : index
          %get3A_206 = tpu.vector_load %arg10[%get3A_204, %get3A_205] {strides = array<i32>} : memref<80x128xf32, #tpu.memory_space<vmem>>, vector<1x16xf32>,
          %get3A_207 = vector.shape_cast %get3A_206 : vector<1x16xf32> to vector<16xf32>
          %mul3A_208 = arith.mulf %get3A_207, %get3A_144 : vector<16xf32>
          %add3A_209 = arith.constant 1 : i32
          %add3A_210 = arith.addi %mul3A_135, %add3A_209 : i32
          %swap3A_211 = arith.index_cast %add3A_210 : i32 to index
          %swap3A_212 = arith.constant 32 : index
          %swap3A_213 = tpu.vector_load %arg10[%swap3A_211, %swap3A_212] {strides = array<i32>} : memref<80x128xf32, #tpu.memory_space<vmem>>, vector<1x16xf32>,
          %swap3A_214 = vector.shape_cast %swap3A_213 : vector<1x16xf32> to vector<16xf32>
          %swap3A_215 = vector.shape_cast %mul3A_208 : vector<16xf32> to vector<1x16xf32>
          tpu.vector_store %arg10[%swap3A_211, %swap3A_212], %swap3A_215 {strides = array<i32>} : memref<80x128xf32, #tpu.memory_space<vmem>>, vector<1x16xf32>,
          %get3A_216 = arith.index_cast %mul3A_135 : i32 to index
          %get3A_217 = arith.constant 48 : index
          %get3A_218 = tpu.vector_load %arg10[%get3A_216, %get3A_217] {strides = array<i32>} : memref<80x128xf32, #tpu.memory_space<vmem>>, vector<1x16xf32>,
          %get3A_219 = vector.shape_cast %get3A_218 : vector<1x16xf32> to vector<16xf32>
          %mul3A_220 = arith.mulf %get3A_219, %get3A_138 : vector<16xf32>
          %swap3A_221 = arith.index_cast %mul3A_135 : i32 to index
          %swap3A_222 = arith.constant 48 : index
          %swap3A_223 = tpu.vector_load %arg10[%swap3A_221, %swap3A_222] {strides = array<i32>} : memref<80x128xf32, #tpu.memory_space<vmem>>, vector<1x16xf32>,
          %swap3A_224 = vector.shape_cast %swap3A_223 : vector<1x16xf32> to vector<16xf32>
          %swap3A_225 = vector.shape_cast %mul3A_220 : vector<16xf32> to vector<1x16xf32>
          tpu.vector_store %arg10[%swap3A_221, %swap3A_222], %swap3A_225 {strides = array<i32>} : memref<80x128xf32, #tpu.memory_space<vmem>>, vector<1x16xf32>,
          %add3A_226 = arith.constant 1 : i32
          %add3A_227 = arith.addi %mul3A_135, %add3A_226 : i32
          %get3A_228 = arith.index_cast %add3A_227 : i32 to index
          %get3A_229 = arith.constant 48 : index
          %get3A_230 = tpu.vector_load %arg10[%get3A_228, %get3A_229] {strides = array<i32>} : memref<80x128xf32, #tpu.memory_space<vmem>>, vector<1x16xf32>,
          %get3A_231 = vector.shape_cast %get3A_230 : vector<1x16xf32> to vector<16xf32>
          %mul3A_232 = arith.mulf %get3A_231, %get3A_144 : vector<16xf32>
          %add3A_233 = arith.constant 1 : i32
          %add3A_234 = arith.addi %mul3A_135, %add3A_233 : i32
          %swap3A_235 = arith.index_cast %add3A_234 : i32 to index
          %swap3A_236 = arith.constant 48 : index
          %swap3A_237 = tpu.vector_load %arg10[%swap3A_235, %swap3A_236] {strides = array<i32>} : memref<80x128xf32, #tpu.memory_space<vmem>>, vector<1x16xf32>,
          %swap3A_238 = vector.shape_cast %swap3A_237 : vector<1x16xf32> to vector<16xf32>
          %swap3A_239 = vector.shape_cast %mul3A_232 : vector<16xf32> to vector<1x16xf32>
          tpu.vector_store %arg10[%swap3A_235, %swap3A_236], %swap3A_239 {strides = array<i32>} : memref<80x128xf32, #tpu.memory_space<vmem>>, vector<1x16xf32>,
          %get3A_240 = arith.index_cast %mul3A_135 : i32 to index
          %get3A_241 = arith.constant 64 : index
          %get3A_242 = tpu.vector_load %arg10[%get3A_240, %get3A_241] {strides = array<i32>} : memref<80x128xf32, #tpu.memory_space<vmem>>, vector<1x16xf32>,
          %get3A_243 = vector.shape_cast %get3A_242 : vector<1x16xf32> to vector<16xf32>
          %mul3A_244 = arith.mulf %get3A_243, %get3A_138 : vector<16xf32>
          %swap3A_245 = arith.index_cast %mul3A_135 : i32 to index
          %swap3A_246 = arith.constant 64 : index
          %swap3A_247 = tpu.vector_load %arg10[%swap3A_245, %swap3A_246] {strides = array<i32>} : memref<80x128xf32, #tpu.memory_space<vmem>>, vector<1x16xf32>,
          %swap3A_248 = vector.shape_cast %swap3A_247 : vector<1x16xf32> to vector<16xf32>
          %swap3A_249 = vector.shape_cast %mul3A_244 : vector<16xf32> to vector<1x16xf32>
          tpu.vector_store %arg10[%swap3A_245, %swap3A_246], %swap3A_249 {strides = array<i32>} : memref<80x128xf32, #tpu.memory_space<vmem>>, vector<1x16xf32>,
          %add3A_250 = arith.constant 1 : i32
          %add3A_251 = arith.addi %mul3A_135, %add3A_250 : i32
          %get3A_252 = arith.index_cast %add3A_251 : i32 to index
          %get3A_253 = arith.constant 64 : index
          %get3A_254 = tpu.vector_load %arg10[%get3A_252, %get3A_253] {strides = array<i32>} : memref<80x128xf32, #tpu.memory_space<vmem>>, vector<1x16xf32>,
          %get3A_255 = vector.shape_cast %get3A_254 : vector<1x16xf32> to vector<16xf32>
          %mul3A_256 = arith.mulf %get3A_255, %get3A_144 : vector<16xf32>
          %add3A_257 = arith.constant 1 : i32
          %add3A_258 = arith.addi %mul3A_135, %add3A_257 : i32
          %swap3A_259 = arith.index_cast %add3A_258 : i32 to index
          %swap3A_260 = arith.constant 64 : index
          %swap3A_261 = tpu.vector_load %arg10[%swap3A_259, %swap3A_260] {strides = array<i32>} : memref<80x128xf32, #tpu.memory_space<vmem>>, vector<1x16xf32>,
          %swap3A_262 = vector.shape_cast %swap3A_261 : vector<1x16xf32> to vector<16xf32>
          %swap3A_263 = vector.shape_cast %mul3A_256 : vector<16xf32> to vector<1x16xf32>
          tpu.vector_store %arg10[%swap3A_259, %swap3A_260], %swap3A_263 {strides = array<i32>} : memref<80x128xf32, #tpu.memory_space<vmem>>, vector<1x16xf32>,
          %get3A_264 = arith.index_cast %mul3A_135 : i32 to index
          %get3A_265 = arith.constant 80 : index
          %get3A_266 = tpu.vector_load %arg10[%get3A_264, %get3A_265] {strides = array<i32>} : memref<80x128xf32, #tpu.memory_space<vmem>>, vector<1x16xf32>,
          %get3A_267 = vector.shape_cast %get3A_266 : vector<1x16xf32> to vector<16xf32>
          %mul3A_268 = arith.mulf %get3A_267, %get3A_138 : vector<16xf32>
          %swap3A_269 = arith.index_cast %mul3A_135 : i32 to index
          %swap3A_270 = arith.constant 80 : index
          %swap3A_271 = tpu.vector_load %arg10[%swap3A_269, %swap3A_270] {strides = array<i32>} : memref<80x128xf32, #tpu.memory_space<vmem>>, vector<1x16xf32>,
          %swap3A_272 = vector.shape_cast %swap3A_271 : vector<1x16xf32> to vector<16xf32>
          %swap3A_273 = vector.shape_cast %mul3A_268 : vector<16xf32> to vector<1x16xf32>
          tpu.vector_store %arg10[%swap3A_269, %swap3A_270], %swap3A_273 {strides = array<i32>} : memref<80x128xf32, #tpu.memory_space<vmem>>, vector<1x16xf32>,
          %add3A_274 = arith.constant 1 : i32
          %add3A_275 = arith.addi %mul3A_135, %add3A_274 : i32
          %get3A_276 = arith.index_cast %add3A_275 : i32 to index
          %get3A_277 = arith.constant 80 : index
          %get3A_278 = tpu.vector_load %arg10[%get3A_276, %get3A_277] {strides = array<i32>} : memref<80x128xf32, #tpu.memory_space<vmem>>, vector<1x16xf32>,
          %get3A_279 = vector.shape_cast %get3A_278 : vector<1x16xf32> to vector<16xf32>
          %mul3A_280 = arith.mulf %get3A_279, %get3A_144 : vector<16xf32>
          %add3A_281 = arith.constant 1 : i32
          %add3A_282 = arith.addi %mul3A_135, %add3A_281 : i32
          %swap3A_283 = arith.index_cast %add3A_282 : i32 to index
          %swap3A_284 = arith.constant 80 : index
          %swap3A_285 = tpu.vector_load %arg10[%swap3A_283, %swap3A_284] {strides = array<i32>} : memref<80x128xf32, #tpu.memory_space<vmem>>, vector<1x16xf32>,
          %swap3A_286 = vector.shape_cast %swap3A_285 : vector<1x16xf32> to vector<16xf32>
          %swap3A_287 = vector.shape_cast %mul3A_280 : vector<16xf32> to vector<1x16xf32>
          tpu.vector_store %arg10[%swap3A_283, %swap3A_284], %swap3A_287 {strides = array<i32>} : memref<80x128xf32, #tpu.memory_space<vmem>>, vector<1x16xf32>,
          %get3A_288 = arith.index_cast %mul3A_135 : i32 to index
          %get3A_289 = arith.constant 96 : index
          %get3A_290 = tpu.vector_load %arg10[%get3A_288, %get3A_289] {strides = array<i32>} : memref<80x128xf32, #tpu.memory_space<vmem>>, vector<1x16xf32>,
          %get3A_291 = vector.shape_cast %get3A_290 : vector<1x16xf32> to vector<16xf32>
          %mul3A_292 = arith.mulf %get3A_291, %get3A_138 : vector<16xf32>
          %swap3A_293 = arith.index_cast %mul3A_135 : i32 to index
          %swap3A_294 = arith.constant 96 : index
          %swap3A_295 = tpu.vector_load %arg10[%swap3A_293, %swap3A_294] {strides = array<i32>} : memref<80x128xf32, #tpu.memory_space<vmem>>, vector<1x16xf32>,
          %swap3A_296 = vector.shape_cast %swap3A_295 : vector<1x16xf32> to vector<16xf32>
          %swap3A_297 = vector.shape_cast %mul3A_292 : vector<16xf32> to vector<1x16xf32>
          tpu.vector_store %arg10[%swap3A_293, %swap3A_294], %swap3A_297 {strides = array<i32>} : memref<80x128xf32, #tpu.memory_space<vmem>>, vector<1x16xf32>,
          %add3A_298 = arith.constant 1 : i32
          %add3A_299 = arith.addi %mul3A_135, %add3A_298 : i32
          %get3A_300 = arith.index_cast %add3A_299 : i32 to index
          %get3A_301 = arith.constant 96 : index
          %get3A_302 = tpu.vector_load %arg10[%get3A_300, %get3A_301] {strides = array<i32>} : memref<80x128xf32, #tpu.memory_space<vmem>>, vector<1x16xf32>,
          %get3A_303 = vector.shape_cast %get3A_302 : vector<1x16xf32> to vector<16xf32>
          %mul3A_304 = arith.mulf %get3A_303, %get3A_144 : vector<16xf32>
          %add3A_305 = arith.constant 1 : i32
          %add3A_306 = arith.addi %mul3A_135, %add3A_305 : i32
          %swap3A_307 = arith.index_cast %add3A_306 : i32 to index
          %swap3A_308 = arith.constant 96 : index
          %swap3A_309 = tpu.vector_load %arg10[%swap3A_307, %swap3A_308] {strides = array<i32>} : memref<80x128xf32, #tpu.memory_space<vmem>>, vector<1x16xf32>,
          %swap3A_310 = vector.shape_cast %swap3A_309 : vector<1x16xf32> to vector<16xf32>
          %swap3A_311 = vector.shape_cast %mul3A_304 : vector<16xf32> to vector<1x16xf32>
          tpu.vector_store %arg10[%swap3A_307, %swap3A_308], %swap3A_311 {strides = array<i32>} : memref<80x128xf32, #tpu.memory_space<vmem>>, vector<1x16xf32>,
          %get3A_312 = arith.index_cast %mul3A_135 : i32 to index
          %get3A_313 = arith.constant 112 : index
          %get3A_314 = tpu.vector_load %arg10[%get3A_312, %get3A_313] {strides = array<i32>} : memref<80x128xf32, #tpu.memory_space<vmem>>, vector<1x16xf32>,
          %get3A_315 = vector.shape_cast %get3A_314 : vector<1x16xf32> to vector<16xf32>
          %mul3A_316 = arith.mulf %get3A_315, %get3A_138 : vector<16xf32>
          %swap3A_317 = arith.index_cast %mul3A_135 : i32 to index
          %swap3A_318 = arith.constant 112 : index
          %swap3A_319 = tpu.vector_load %arg10[%swap3A_317, %swap3A_318] {strides = array<i32>} : memref<80x128xf32, #tpu.memory_space<vmem>>, vector<1x16xf32>,
          %swap3A_320 = vector.shape_cast %swap3A_319 : vector<1x16xf32> to vector<16xf32>
          %swap3A_321 = vector.shape_cast %mul3A_316 : vector<16xf32> to vector<1x16xf32>
          tpu.vector_store %arg10[%swap3A_317, %swap3A_318], %swap3A_321 {strides = array<i32>} : memref<80x128xf32, #tpu.memory_space<vmem>>, vector<1x16xf32>,
          %add3A_322 = arith.constant 1 : i32
          %add3A_323 = arith.addi %mul3A_135, %add3A_322 : i32
          %get3A_324 = arith.index_cast %add3A_323 : i32 to index
          %get3A_325 = arith.constant 112 : index
          %get3A_326 = tpu.vector_load %arg10[%get3A_324, %get3A_325] {strides = array<i32>} : memref<80x128xf32, #tpu.memory_space<vmem>>, vector<1x16xf32>,
          %get3A_327 = vector.shape_cast %get3A_326 : vector<1x16xf32> to vector<16xf32>
          %mul3A_328 = arith.mulf %get3A_327, %get3A_144 : vector<16xf32>
          %add3A_329 = arith.constant 1 : i32
          %add3A_330 = arith.addi %mul3A_135, %add3A_329 : i32
          %swap3A_331 = arith.index_cast %add3A_330 : i32 to index
          %swap3A_332 = arith.constant 112 : index
          %swap3A_333 = tpu.vector_load %arg10[%swap3A_331, %swap3A_332] {strides = array<i32>} : memref<80x128xf32, #tpu.memory_space<vmem>>, vector<1x16xf32>,
          %swap3A_334 = vector.shape_cast %swap3A_333 : vector<1x16xf32> to vector<16xf32>
          %swap3A_335 = vector.shape_cast %mul3A_328 : vector<16xf32> to vector<1x16xf32>
          tpu.vector_store %arg10[%swap3A_331, %swap3A_332], %swap3A_335 {strides = array<i32>} : memref<80x128xf32, #tpu.memory_space<vmem>>, vector<1x16xf32>,
          %scan3A_336 = arith.constant 0 : i32
          scf.yield %scan3A_336 : i32
        }
        %scan3A_130 = arith.constant 40 : i32
        "tpu.region"() ({
          %run_scoped3A = tpu.sem_alloc : memref<!tpu.dma_semaphore, #tpu.memory_space<semaphore_mem>>
          %dma_start3A_132 = arith.constant 0 : i32
          %dma_start3A_133 = tpu.memref_slice %arg14[%add3A_111, %dma_start3A_132] : memref<8x80xi32, #tpu.memory_space<vmem>> -> memref<1x80xi32, #tpu.memory_space<vmem>>
          %dma_start3A_134 = tpu.memref_squeeze %dma_start3A_133 : memref<1x80xi32, #tpu.memory_space<vmem>> -> memref<80xi32, #tpu.memory_space<vmem>>
          %dma_start3A_135 = arith.constant 0 : i32
          %dma_start3A_136 = arith.constant 0 : i32
          %dma_start3A_137 = tpu.memref_slice %arg8[%dma_start3A_135, %dma_start3A_136] : memref<10240x128xf32, #tpu.memory_space<vmem_shared>> -> memref<10240x128xf32, #tpu.memory_space<vmem_shared>>
          tpu.enqueue_indirect_dma source(%arg10 : memref<80x128xf32, #tpu.memory_space<vmem>>) target(%dma_start3A_137 : memref<10240x128xf32, #tpu.memory_space<vmem_shared>>) offsets(%dma_start3A_134 : memref<80xi32, #tpu.memory_space<vmem>>) semaphore(%run_scoped3A : memref<!tpu.dma_semaphore, #tpu.memory_space<semaphore_mem>>) {add = true}
          %dma_wait3A_138 = arith.constant 0 : i32
          %dma_wait3A_139 = tpu.memref_slice %arg14[%add3A_111, %dma_wait3A_138] : memref<8x80xi32, #tpu.memory_space<vmem>> -> memref<1x80xi32, #tpu.memory_space<vmem>>
          %dma_wait3A_140 = tpu.memref_squeeze %dma_wait3A_139 : memref<1x80xi32, #tpu.memory_space<vmem>> -> memref<80xi32, #tpu.memory_space<vmem>>
          %dma_wait3A_141 = arith.constant 0 : i32
          %dma_wait3A_142 = arith.constant 0 : i32
          %dma_wait3A_143 = tpu.memref_slice %arg8[%dma_wait3A_141, %dma_wait3A_142] : memref<10240x128xf32, #tpu.memory_space<vmem_shared>> -> memref<10240x128xf32, #tpu.memory_space<vmem_shared>>
          tpu.wait_indirect_dma semaphore(%run_scoped3A : memref<!tpu.dma_semaphore, #tpu.memory_space<semaphore_mem>>) src(%arg10 : memref<80x128xf32, #tpu.memory_space<vmem>>) dst(%dma_wait3A_143 : memref<10240x128xf32, #tpu.memory_space<vmem_shared>>)
          tpu.yield
        }) : () -> ()
        %scan3A_131 = arith.constant 0 : i32
        scf.yield %scan3A_131 : i32
      }
      %scan3A_70 = arith.constant 4 : i32
      %while3A_71 = arith.constant 0 : i32
      scf.yield %while3A_71 : i32
    }
    %while3A_35 = arith.constant 1 : i32
    %while3A_36 = scf.for %while3A_45 = %while3A_32 to %while3A_28 step %while3A_35 iter_args(%while3A_46 = %while3A_34) -> (i32)  : i32 {
      %mul3A_47 = arith.constant 8 : i32
      %mul3A_48 = arith.muli %while3A_45, %mul3A_47 : i32
      %add3A_49 = arith.addi %multiple_of3A, %mul3A_48 : i32
      %multiple_of3A_50 = tpu.assume_multiple %add3A_49, 8 : i32
      "tpu.region"() ({
        %run_scoped3A = tpu.sem_alloc : memref<!tpu.dma_semaphore, #tpu.memory_space<semaphore_mem>>
        %dma_start3A_72 = arith.constant 0 : i32
        %dma_start3A_73 = tpu.memref_slice %arg3[%multiple_of3A_50, %dma_start3A_72] : memref<4000x80xi32, #tpu.memory_space<hbm>> -> memref<8x80xi32, #tpu.memory_space<hbm>>
        %dma_start3A_74 = arith.constant 0 : i32
        %dma_start3A_75 = tpu.memref_slice %arg3[%multiple_of3A_50, %dma_start3A_74] : memref<4000x80xi32, #tpu.memory_space<hbm>> -> memref<8x80xi32, #tpu.memory_space<hbm>>
        tpu.enqueue_dma source(%dma_start3A_75 : memref<8x80xi32, #tpu.memory_space<hbm>>) target(%arg13 : memref<8x80xi32, #tpu.memory_space<vmem>>) target_semaphore(%run_scoped3A : memref<!tpu.dma_semaphore, #tpu.memory_space<semaphore_mem>>)
        %dma_wait3A = arith.constant 0 : i32
        %dma_wait3A_76 = tpu.memref_slice %arg3[%multiple_of3A_50, %dma_wait3A] : memref<4000x80xi32, #tpu.memory_space<hbm>> -> memref<8x80xi32, #tpu.memory_space<hbm>>
        %dma_wait3A_77 = arith.constant 0 : i32
        %dma_wait3A_78 = tpu.memref_slice %arg3[%multiple_of3A_50, %dma_wait3A_77] : memref<4000x80xi32, #tpu.memory_space<hbm>> -> memref<8x80xi32, #tpu.memory_space<hbm>>
        tpu.wait_dma2 semaphore(%run_scoped3A : memref<!tpu.dma_semaphore, #tpu.memory_space<semaphore_mem>>) src(%dma_wait3A_78 : memref<8x80xi32, #tpu.memory_space<hbm>>) dst(%arg13 : memref<8x80xi32, #tpu.memory_space<vmem>>)
        tpu.yield
      }) : () -> ()
      "tpu.region"() ({
        %run_scoped3A = tpu.sem_alloc : memref<!tpu.dma_semaphore, #tpu.memory_space<semaphore_mem>>
        %dma_start3A_72 = arith.constant 0 : i32
        %dma_start3A_73 = tpu.memref_slice %arg4[%multiple_of3A_50, %dma_start3A_72] : memref<4000x80xi32, #tpu.memory_space<hbm>> -> memref<8x80xi32, #tpu.memory_space<hbm>>
        %dma_start3A_74 = arith.constant 0 : i32
        %dma_start3A_75 = tpu.memref_slice %arg4[%multiple_of3A_50, %dma_start3A_74] : memref<4000x80xi32, #tpu.memory_space<hbm>> -> memref<8x80xi32, #tpu.memory_space<hbm>>
        tpu.enqueue_dma source(%dma_start3A_75 : memref<8x80xi32, #tpu.memory_space<hbm>>) target(%arg14 : memref<8x80xi32, #tpu.memory_space<vmem>>) target_semaphore(%run_scoped3A : memref<!tpu.dma_semaphore, #tpu.memory_space<semaphore_mem>>)
        %dma_wait3A = arith.constant 0 : i32
        %dma_wait3A_76 = tpu.memref_slice %arg4[%multiple_of3A_50, %dma_wait3A] : memref<4000x80xi32, #tpu.memory_space<hbm>> -> memref<8x80xi32, #tpu.memory_space<hbm>>
        %dma_wait3A_77 = arith.constant 0 : i32
        %dma_wait3A_78 = tpu.memref_slice %arg4[%multiple_of3A_50, %dma_wait3A_77] : memref<4000x80xi32, #tpu.memory_space<hbm>> -> memref<8x80xi32, #tpu.memory_space<hbm>>
        tpu.wait_dma2 semaphore(%run_scoped3A : memref<!tpu.dma_semaphore, #tpu.memory_space<semaphore_mem>>) src(%dma_wait3A_78 : memref<8x80xi32, #tpu.memory_space<hbm>>) dst(%arg14 : memref<8x80xi32, #tpu.memory_space<vmem>>)
        tpu.yield
      }) : () -> ()
      "tpu.region"() ({
        %run_scoped3A = tpu.sem_alloc : memref<!tpu.dma_semaphore, #tpu.memory_space<semaphore_mem>>
        %dma_start3A_72 = arith.constant 0 : i32
        %dma_start3A_73 = tpu.memref_slice %arg5[%multiple_of3A_50, %dma_start3A_72] : memref<4000x80xi32, #tpu.memory_space<hbm>> -> memref<8x80xi32, #tpu.memory_space<hbm>>
        %dma_start3A_74 = arith.constant 0 : i32
        %dma_start3A_75 = tpu.memref_slice %arg5[%multiple_of3A_50, %dma_start3A_74] : memref<4000x80xi32, #tpu.memory_space<hbm>> -> memref<8x80xi32, #tpu.memory_space<hbm>>
        tpu.enqueue_dma source(%dma_start3A_75 : memref<8x80xi32, #tpu.memory_space<hbm>>) target(%arg15 : memref<8x80xi32, #tpu.memory_space<vmem>>) target_semaphore(%run_scoped3A : memref<!tpu.dma_semaphore, #tpu.memory_space<semaphore_mem>>)
        %dma_wait3A = arith.constant 0 : i32
        %dma_wait3A_76 = tpu.memref_slice %arg5[%multiple_of3A_50, %dma_wait3A] : memref<4000x80xi32, #tpu.memory_space<hbm>> -> memref<8x80xi32, #tpu.memory_space<hbm>>
        %dma_wait3A_77 = arith.constant 0 : i32
        %dma_wait3A_78 = tpu.memref_slice %arg5[%multiple_of3A_50, %dma_wait3A_77] : memref<4000x80xi32, #tpu.memory_space<hbm>> -> memref<8x80xi32, #tpu.memory_space<hbm>>
        tpu.wait_dma2 semaphore(%run_scoped3A : memref<!tpu.dma_semaphore, #tpu.memory_space<semaphore_mem>>) src(%dma_wait3A_78 : memref<8x80xi32, #tpu.memory_space<hbm>>) dst(%arg15 : memref<8x80xi32, #tpu.memory_space<vmem>>)
        tpu.yield
      }) : () -> ()
      %dma_start3A = arith.constant 0 : i32
      %dma_start3A_51 = arith.constant 0 : i32
      %dma_start3A_52 = tpu.memref_slice %arg13[%dma_start3A, %dma_start3A_51] : memref<8x80xi32, #tpu.memory_space<vmem>> -> memref<1x80xi32, #tpu.memory_space<vmem>>
      %dma_start3A_53 = tpu.memref_squeeze %dma_start3A_52 : memref<1x80xi32, #tpu.memory_space<vmem>> -> memref<80xi32, #tpu.memory_space<vmem>>
      %dma_start3A_54 = arith.constant 0 : i32
      %dma_start3A_55 = arith.constant 0 : i32
      %dma_start3A_56 = tpu.memref_slice %arg2[%dma_start3A_54, %dma_start3A_55] : memref<80000x128xf32, #tpu.memory_space<hbm>> -> memref<80000x128xf32, #tpu.memory_space<hbm>>
      tpu.enqueue_indirect_dma source(%dma_start3A_56 : memref<80000x128xf32, #tpu.memory_space<hbm>>) target(%arg9 : memref<80x128xf32, #tpu.memory_space<vmem>>) offsets(%dma_start3A_53 : memref<80xi32, #tpu.memory_space<vmem>>) semaphore(%arg17 : memref<!tpu.dma_semaphore, #tpu.memory_space<semaphore_mem>>)
      %dma_start3A_57 = arith.constant 0 : i32
      %dma_start3A_58 = arith.constant 0 : i32
      %dma_start3A_59 = tpu.memref_slice %arg15[%dma_start3A_57, %dma_start3A_58] : memref<8x80xi32, #tpu.memory_space<vmem>> -> memref<1x80xi32, #tpu.memory_space<vmem>>
      %dma_start3A_60 = tpu.memref_squeeze %dma_start3A_59 : memref<1x80xi32, #tpu.memory_space<vmem>> -> memref<80xi32, #tpu.memory_space<vmem>>
      %dma_start3A_61 = arith.constant 0 : i32
      %dma_start3A_62 = arith.constant 0 : i32
      %dma_start3A_63 = tpu.memref_slice %arg6[%dma_start3A_61, %dma_start3A_62] : memref<80000x16xf32, #tpu.memory_space<hbm>> -> memref<80000x16xf32, #tpu.memory_space<hbm>>
      tpu.enqueue_indirect_dma source(%dma_start3A_63 : memref<80000x16xf32, #tpu.memory_space<hbm>>) target(%arg11 : memref<80x16xf32, #tpu.memory_space<vmem>>) offsets(%dma_start3A_60 : memref<80xi32, #tpu.memory_space<vmem>>) semaphore(%arg19 : memref<!tpu.dma_semaphore, #tpu.memory_space<semaphore_mem>>)
      %scan3A_64 = arith.constant 0 : i32
      %scan3A_65 = arith.constant 0 : i32
      %scan3A_66 = arith.constant 4 : i32
      %scan3A_67 = arith.addi %scan3A_65, %scan3A_66 : i32
      %scan3A_68 = arith.constant 1 : i32
      %scan3A_69 = scf.for %scan3A_72 = %scan3A_65 to %scan3A_67 step %scan3A_68 iter_args(%scan3A_73 = %scan3A_64) -> (i32)  : i32 {
        %mul3A_74 = arith.constant 2 : i32
        %mul3A_75 = arith.muli %mul3A_74, %scan3A_72 : i32
        %add3A_76 = arith.constant 1 : i32
        %add3A_77 = arith.addi %mul3A_75, %add3A_76 : i32
        %dma_start3A_78 = arith.constant 0 : i32
        %dma_start3A_79 = tpu.memref_slice %arg13[%add3A_77, %dma_start3A_78] : memref<8x80xi32, #tpu.memory_space<vmem>> -> memref<1x80xi32, #tpu.memory_space<vmem>>
        %dma_start3A_80 = tpu.memref_squeeze %dma_start3A_79 : memref<1x80xi32, #tpu.memory_space<vmem>> -> memref<80xi32, #tpu.memory_space<vmem>>
        %dma_start3A_81 = arith.constant 0 : i32
        %dma_start3A_82 = arith.constant 0 : i32
        %dma_start3A_83 = tpu.memref_slice %arg2[%dma_start3A_81, %dma_start3A_82] : memref<80000x128xf32, #tpu.memory_space<hbm>> -> memref<80000x128xf32, #tpu.memory_space<hbm>>
        tpu.enqueue_indirect_dma source(%dma_start3A_83 : memref<80000x128xf32, #tpu.memory_space<hbm>>) target(%arg10 : memref<80x128xf32, #tpu.memory_space<vmem>>) offsets(%dma_start3A_80 : memref<80xi32, #tpu.memory_space<vmem>>) semaphore(%arg18 : memref<!tpu.dma_semaphore, #tpu.memory_space<semaphore_mem>>)
        %dma_start3A_84 = arith.constant 0 : i32
        %dma_start3A_85 = tpu.memref_slice %arg15[%add3A_77, %dma_start3A_84] : memref<8x80xi32, #tpu.memory_space<vmem>> -> memref<1x80xi32, #tpu.memory_space<vmem>>
        %dma_start3A_86 = tpu.memref_squeeze %dma_start3A_85 : memref<1x80xi32, #tpu.memory_space<vmem>> -> memref<80xi32, #tpu.memory_space<vmem>>
        %dma_start3A_87 = arith.constant 0 : i32
        %dma_start3A_88 = arith.constant 0 : i32
        %dma_start3A_89 = tpu.memref_slice %arg6[%dma_start3A_87, %dma_start3A_88] : memref<80000x16xf32, #tpu.memory_space<hbm>> -> memref<80000x16xf32, #tpu.memory_space<hbm>>
        tpu.enqueue_indirect_dma source(%dma_start3A_89 : memref<80000x16xf32, #tpu.memory_space<hbm>>) target(%arg12 : memref<80x16xf32, #tpu.memory_space<vmem>>) offsets(%dma_start3A_86 : memref<80xi32, #tpu.memory_space<vmem>>) semaphore(%arg20 : memref<!tpu.dma_semaphore, #tpu.memory_space<semaphore_mem>>)
        %dma_wait3A = arith.constant 0 : i32
        %dma_wait3A_90 = tpu.memref_slice %arg13[%mul3A_75, %dma_wait3A] : memref<8x80xi32, #tpu.memory_space<vmem>> -> memref<1x80xi32, #tpu.memory_space<vmem>>
        %dma_wait3A_91 = tpu.memref_squeeze %dma_wait3A_90 : memref<1x80xi32, #tpu.memory_space<vmem>> -> memref<80xi32, #tpu.memory_space<vmem>>
        %dma_wait3A_92 = arith.constant 0 : i32
        %dma_wait3A_93 = arith.constant 0 : i32
        %dma_wait3A_94 = tpu.memref_slice %arg2[%dma_wait3A_92, %dma_wait3A_93] : memref<80000x128xf32, #tpu.memory_space<hbm>> -> memref<80000x128xf32, #tpu.memory_space<hbm>>
        tpu.wait_indirect_dma semaphore(%arg17 : memref<!tpu.dma_semaphore, #tpu.memory_space<semaphore_mem>>) src(%dma_wait3A_94 : memref<80000x128xf32, #tpu.memory_space<hbm>>) dst(%arg9 : memref<80x128xf32, #tpu.memory_space<vmem>>)
        %dma_wait3A_95 = arith.constant 0 : i32
        %dma_wait3A_96 = tpu.memref_slice %arg15[%mul3A_75, %dma_wait3A_95] : memref<8x80xi32, #tpu.memory_space<vmem>> -> memref<1x80xi32, #tpu.memory_space<vmem>>
        %dma_wait3A_97 = tpu.memref_squeeze %dma_wait3A_96 : memref<1x80xi32, #tpu.memory_space<vmem>> -> memref<80xi32, #tpu.memory_space<vmem>>
        %dma_wait3A_98 = arith.constant 0 : i32
        %dma_wait3A_99 = arith.constant 0 : i32
        %dma_wait3A_100 = tpu.memref_slice %arg6[%dma_wait3A_98, %dma_wait3A_99] : memref<80000x16xf32, #tpu.memory_space<hbm>> -> memref<80000x16xf32, #tpu.memory_space<hbm>>
        tpu.wait_indirect_dma semaphore(%arg19 : memref<!tpu.dma_semaphore, #tpu.memory_space<semaphore_mem>>) src(%dma_wait3A_100 : memref<80000x16xf32, #tpu.memory_space<hbm>>) dst(%arg11 : memref<80x16xf32, #tpu.memory_space<vmem>>)
        %scan3A_101 = arith.constant 0 : i32
        %scan3A_102 = arith.constant 0 : i32
        %scan3A_103 = arith.constant 40 : i32
        %scan3A_104 = arith.addi %scan3A_102, %scan3A_103 : i32
        %scan3A_105 = arith.constant 1 : i32
        %scan3A_106 = scf.for %scan3A_132 = %scan3A_102 to %scan3A_104 step %scan3A_105 iter_args(%scan3A_133 = %scan3A_101) -> (i32)  : i32 {
          %mul3A_134 = arith.constant 2 : i32
          %mul3A_135 = arith.muli %mul3A_134, %scan3A_132 : i32
          %get3A = arith.index_cast %mul3A_135 : i32 to index
          %get3A_136 = arith.constant 0 : index
          %get3A_137 = tpu.vector_load %arg11[%get3A, %get3A_136] {strides = array<i32>} : memref<80x16xf32, #tpu.memory_space<vmem>>, vector<1x16xf32>,
          %get3A_138 = vector.shape_cast %get3A_137 : vector<1x16xf32> to vector<16xf32>
          %add3A_139 = arith.constant 1 : i32
          %add3A_140 = arith.addi %mul3A_135, %add3A_139 : i32
          %get3A_141 = arith.index_cast %add3A_140 : i32 to index
          %get3A_142 = arith.constant 0 : index
          %get3A_143 = tpu.vector_load %arg11[%get3A_141, %get3A_142] {strides = array<i32>} : memref<80x16xf32, #tpu.memory_space<vmem>>, vector<1x16xf32>,
          %get3A_144 = vector.shape_cast %get3A_143 : vector<1x16xf32> to vector<16xf32>
          %get3A_145 = arith.index_cast %mul3A_135 : i32 to index
          %get3A_146 = arith.constant 0 : index
          %get3A_147 = tpu.vector_load %arg9[%get3A_145, %get3A_146] {strides = array<i32>} : memref<80x128xf32, #tpu.memory_space<vmem>>, vector<1x16xf32>,
          %get3A_148 = vector.shape_cast %get3A_147 : vector<1x16xf32> to vector<16xf32>
          %mul3A_149 = arith.mulf %get3A_148, %get3A_138 : vector<16xf32>
          %swap3A = arith.index_cast %mul3A_135 : i32 to index
          %swap3A_150 = arith.constant 0 : index
          %swap3A_151 = tpu.vector_load %arg9[%swap3A, %swap3A_150] {strides = array<i32>} : memref<80x128xf32, #tpu.memory_space<vmem>>, vector<1x16xf32>,
          %swap3A_152 = vector.shape_cast %swap3A_151 : vector<1x16xf32> to vector<16xf32>
          %swap3A_153 = vector.shape_cast %mul3A_149 : vector<16xf32> to vector<1x16xf32>
          tpu.vector_store %arg9[%swap3A, %swap3A_150], %swap3A_153 {strides = array<i32>} : memref<80x128xf32, #tpu.memory_space<vmem>>, vector<1x16xf32>,
          %add3A_154 = arith.constant 1 : i32
          %add3A_155 = arith.addi %mul3A_135, %add3A_154 : i32
          %get3A_156 = arith.index_cast %add3A_155 : i32 to index
          %get3A_157 = arith.constant 0 : index
          %get3A_158 = tpu.vector_load %arg9[%get3A_156, %get3A_157] {strides = array<i32>} : memref<80x128xf32, #tpu.memory_space<vmem>>, vector<1x16xf32>,
          %get3A_159 = vector.shape_cast %get3A_158 : vector<1x16xf32> to vector<16xf32>
          %mul3A_160 = arith.mulf %get3A_159, %get3A_144 : vector<16xf32>
          %add3A_161 = arith.constant 1 : i32
          %add3A_162 = arith.addi %mul3A_135, %add3A_161 : i32
          %swap3A_163 = arith.index_cast %add3A_162 : i32 to index
          %swap3A_164 = arith.constant 0 : index
          %swap3A_165 = tpu.vector_load %arg9[%swap3A_163, %swap3A_164] {strides = array<i32>} : memref<80x128xf32, #tpu.memory_space<vmem>>, vector<1x16xf32>,
          %swap3A_166 = vector.shape_cast %swap3A_165 : vector<1x16xf32> to vector<16xf32>
          %swap3A_167 = vector.shape_cast %mul3A_160 : vector<16xf32> to vector<1x16xf32>
          tpu.vector_store %arg9[%swap3A_163, %swap3A_164], %swap3A_167 {strides = array<i32>} : memref<80x128xf32, #tpu.memory_space<vmem>>, vector<1x16xf32>,
          %get3A_168 = arith.index_cast %mul3A_135 : i32 to index
          %get3A_169 = arith.constant 16 : index
          %get3A_170 = tpu.vector_load %arg9[%get3A_168, %get3A_169] {strides = array<i32>} : memref<80x128xf32, #tpu.memory_space<vmem>>, vector<1x16xf32>,
          %get3A_171 = vector.shape_cast %get3A_170 : vector<1x16xf32> to vector<16xf32>
          %mul3A_172 = arith.mulf %get3A_171, %get3A_138 : vector<16xf32>
          %swap3A_173 = arith.index_cast %mul3A_135 : i32 to index
          %swap3A_174 = arith.constant 16 : index
          %swap3A_175 = tpu.vector_load %arg9[%swap3A_173, %swap3A_174] {strides = array<i32>} : memref<80x128xf32, #tpu.memory_space<vmem>>, vector<1x16xf32>,
          %swap3A_176 = vector.shape_cast %swap3A_175 : vector<1x16xf32> to vector<16xf32>
          %swap3A_177 = vector.shape_cast %mul3A_172 : vector<16xf32> to vector<1x16xf32>
          tpu.vector_store %arg9[%swap3A_173, %swap3A_174], %swap3A_177 {strides = array<i32>} : memref<80x128xf32, #tpu.memory_space<vmem>>, vector<1x16xf32>,
          %add3A_178 = arith.constant 1 : i32
          %add3A_179 = arith.addi %mul3A_135, %add3A_178 : i32
          %get3A_180 = arith.index_cast %add3A_179 : i32 to index
          %get3A_181 = arith.constant 16 : index
          %get3A_182 = tpu.vector_load %arg9[%get3A_180, %get3A_181] {strides = array<i32>} : memref<80x128xf32, #tpu.memory_space<vmem>>, vector<1x16xf32>,
          %get3A_183 = vector.shape_cast %get3A_182 : vector<1x16xf32> to vector<16xf32>
          %mul3A_184 = arith.mulf %get3A_183, %get3A_144 : vector<16xf32>
          %add3A_185 = arith.constant 1 : i32
          %add3A_186 = arith.addi %mul3A_135, %add3A_185 : i32
          %swap3A_187 = arith.index_cast %add3A_186 : i32 to index
          %swap3A_188 = arith.constant 16 : index
          %swap3A_189 = tpu.vector_load %arg9[%swap3A_187, %swap3A_188] {strides = array<i32>} : memref<80x128xf32, #tpu.memory_space<vmem>>, vector<1x16xf32>,
          %swap3A_190 = vector.shape_cast %swap3A_189 : vector<1x16xf32> to vector<16xf32>
          %swap3A_191 = vector.shape_cast %mul3A_184 : vector<16xf32> to vector<1x16xf32>
          tpu.vector_store %arg9[%swap3A_187, %swap3A_188], %swap3A_191 {strides = array<i32>} : memref<80x128xf32, #tpu.memory_space<vmem>>, vector<1x16xf32>,
          %get3A_192 = arith.index_cast %mul3A_135 : i32 to index
          %get3A_193 = arith.constant 32 : index
          %get3A_194 = tpu.vector_load %arg9[%get3A_192, %get3A_193] {strides = array<i32>} : memref<80x128xf32, #tpu.memory_space<vmem>>, vector<1x16xf32>,
          %get3A_195 = vector.shape_cast %get3A_194 : vector<1x16xf32> to vector<16xf32>
          %mul3A_196 = arith.mulf %get3A_195, %get3A_138 : vector<16xf32>
          %swap3A_197 = arith.index_cast %mul3A_135 : i32 to index
          %swap3A_198 = arith.constant 32 : index
          %swap3A_199 = tpu.vector_load %arg9[%swap3A_197, %swap3A_198] {strides = array<i32>} : memref<80x128xf32, #tpu.memory_space<vmem>>, vector<1x16xf32>,
          %swap3A_200 = vector.shape_cast %swap3A_199 : vector<1x16xf32> to vector<16xf32>
          %swap3A_201 = vector.shape_cast %mul3A_196 : vector<16xf32> to vector<1x16xf32>
          tpu.vector_store %arg9[%swap3A_197, %swap3A_198], %swap3A_201 {strides = array<i32>} : memref<80x128xf32, #tpu.memory_space<vmem>>, vector<1x16xf32>,
          %add3A_202 = arith.constant 1 : i32
          %add3A_203 = arith.addi %mul3A_135, %add3A_202 : i32
          %get3A_204 = arith.index_cast %add3A_203 : i32 to index
          %get3A_205 = arith.constant 32 : index
          %get3A_206 = tpu.vector_load %arg9[%get3A_204, %get3A_205] {strides = array<i32>} : memref<80x128xf32, #tpu.memory_space<vmem>>, vector<1x16xf32>,
          %get3A_207 = vector.shape_cast %get3A_206 : vector<1x16xf32> to vector<16xf32>
          %mul3A_208 = arith.mulf %get3A_207, %get3A_144 : vector<16xf32>
          %add3A_209 = arith.constant 1 : i32
          %add3A_210 = arith.addi %mul3A_135, %add3A_209 : i32
          %swap3A_211 = arith.index_cast %add3A_210 : i32 to index
          %swap3A_212 = arith.constant 32 : index
          %swap3A_213 = tpu.vector_load %arg9[%swap3A_211, %swap3A_212] {strides = array<i32>} : memref<80x128xf32, #tpu.memory_space<vmem>>, vector<1x16xf32>,
          %swap3A_214 = vector.shape_cast %swap3A_213 : vector<1x16xf32> to vector<16xf32>
          %swap3A_215 = vector.shape_cast %mul3A_208 : vector<16xf32> to vector<1x16xf32>
          tpu.vector_store %arg9[%swap3A_211, %swap3A_212], %swap3A_215 {strides = array<i32>} : memref<80x128xf32, #tpu.memory_space<vmem>>, vector<1x16xf32>,
          %get3A_216 = arith.index_cast %mul3A_135 : i32 to index
          %get3A_217 = arith.constant 48 : index
          %get3A_218 = tpu.vector_load %arg9[%get3A_216, %get3A_217] {strides = array<i32>} : memref<80x128xf32, #tpu.memory_space<vmem>>, vector<1x16xf32>,
          %get3A_219 = vector.shape_cast %get3A_218 : vector<1x16xf32> to vector<16xf32>
          %mul3A_220 = arith.mulf %get3A_219, %get3A_138 : vector<16xf32>
          %swap3A_221 = arith.index_cast %mul3A_135 : i32 to index
          %swap3A_222 = arith.constant 48 : index
          %swap3A_223 = tpu.vector_load %arg9[%swap3A_221, %swap3A_222] {strides = array<i32>} : memref<80x128xf32, #tpu.memory_space<vmem>>, vector<1x16xf32>,
          %swap3A_224 = vector.shape_cast %swap3A_223 : vector<1x16xf32> to vector<16xf32>
          %swap3A_225 = vector.shape_cast %mul3A_220 : vector<16xf32> to vector<1x16xf32>
          tpu.vector_store %arg9[%swap3A_221, %swap3A_222], %swap3A_225 {strides = array<i32>} : memref<80x128xf32, #tpu.memory_space<vmem>>, vector<1x16xf32>,
          %add3A_226 = arith.constant 1 : i32
          %add3A_227 = arith.addi %mul3A_135, %add3A_226 : i32
          %get3A_228 = arith.index_cast %add3A_227 : i32 to index
          %get3A_229 = arith.constant 48 : index
          %get3A_230 = tpu.vector_load %arg9[%get3A_228, %get3A_229] {strides = array<i32>} : memref<80x128xf32, #tpu.memory_space<vmem>>, vector<1x16xf32>,
          %get3A_231 = vector.shape_cast %get3A_230 : vector<1x16xf32> to vector<16xf32>
          %mul3A_232 = arith.mulf %get3A_231, %get3A_144 : vector<16xf32>
          %add3A_233 = arith.constant 1 : i32
          %add3A_234 = arith.addi %mul3A_135, %add3A_233 : i32
          %swap3A_235 = arith.index_cast %add3A_234 : i32 to index
          %swap3A_236 = arith.constant 48 : index
          %swap3A_237 = tpu.vector_load %arg9[%swap3A_235, %swap3A_236] {strides = array<i32>} : memref<80x128xf32, #tpu.memory_space<vmem>>, vector<1x16xf32>,
          %swap3A_238 = vector.shape_cast %swap3A_237 : vector<1x16xf32> to vector<16xf32>
          %swap3A_239 = vector.shape_cast %mul3A_232 : vector<16xf32> to vector<1x16xf32>
          tpu.vector_store %arg9[%swap3A_235, %swap3A_236], %swap3A_239 {strides = array<i32>} : memref<80x128xf32, #tpu.memory_space<vmem>>, vector<1x16xf32>,
          %get3A_240 = arith.index_cast %mul3A_135 : i32 to index
          %get3A_241 = arith.constant 64 : index
          %get3A_242 = tpu.vector_load %arg9[%get3A_240, %get3A_241] {strides = array<i32>} : memref<80x128xf32, #tpu.memory_space<vmem>>, vector<1x16xf32>,
          %get3A_243 = vector.shape_cast %get3A_242 : vector<1x16xf32> to vector<16xf32>
          %mul3A_244 = arith.mulf %get3A_243, %get3A_138 : vector<16xf32>
          %swap3A_245 = arith.index_cast %mul3A_135 : i32 to index
          %swap3A_246 = arith.constant 64 : index
          %swap3A_247 = tpu.vector_load %arg9[%swap3A_245, %swap3A_246] {strides = array<i32>} : memref<80x128xf32, #tpu.memory_space<vmem>>, vector<1x16xf32>,
          %swap3A_248 = vector.shape_cast %swap3A_247 : vector<1x16xf32> to vector<16xf32>
          %swap3A_249 = vector.shape_cast %mul3A_244 : vector<16xf32> to vector<1x16xf32>
          tpu.vector_store %arg9[%swap3A_245, %swap3A_246], %swap3A_249 {strides = array<i32>} : memref<80x128xf32, #tpu.memory_space<vmem>>, vector<1x16xf32>,
          %add3A_250 = arith.constant 1 : i32
          %add3A_251 = arith.addi %mul3A_135, %add3A_250 : i32
          %get3A_252 = arith.index_cast %add3A_251 : i32 to index
          %get3A_253 = arith.constant 64 : index
          %get3A_254 = tpu.vector_load %arg9[%get3A_252, %get3A_253] {strides = array<i32>} : memref<80x128xf32, #tpu.memory_space<vmem>>, vector<1x16xf32>,
          %get3A_255 = vector.shape_cast %get3A_254 : vector<1x16xf32> to vector<16xf32>
          %mul3A_256 = arith.mulf %get3A_255, %get3A_144 : vector<16xf32>
          %add3A_257 = arith.constant 1 : i32
          %add3A_258 = arith.addi %mul3A_135, %add3A_257 : i32
          %swap3A_259 = arith.index_cast %add3A_258 : i32 to index
          %swap3A_260 = arith.constant 64 : index
          %swap3A_261 = tpu.vector_load %arg9[%swap3A_259, %swap3A_260] {strides = array<i32>} : memref<80x128xf32, #tpu.memory_space<vmem>>, vector<1x16xf32>,
          %swap3A_262 = vector.shape_cast %swap3A_261 : vector<1x16xf32> to vector<16xf32>
          %swap3A_263 = vector.shape_cast %mul3A_256 : vector<16xf32> to vector<1x16xf32>
          tpu.vector_store %arg9[%swap3A_259, %swap3A_260], %swap3A_263 {strides = array<i32>} : memref<80x128xf32, #tpu.memory_space<vmem>>, vector<1x16xf32>,
          %get3A_264 = arith.index_cast %mul3A_135 : i32 to index
          %get3A_265 = arith.constant 80 : index
          %get3A_266 = tpu.vector_load %arg9[%get3A_264, %get3A_265] {strides = array<i32>} : memref<80x128xf32, #tpu.memory_space<vmem>>, vector<1x16xf32>,
          %get3A_267 = vector.shape_cast %get3A_266 : vector<1x16xf32> to vector<16xf32>
          %mul3A_268 = arith.mulf %get3A_267, %get3A_138 : vector<16xf32>
          %swap3A_269 = arith.index_cast %mul3A_135 : i32 to index
          %swap3A_270 = arith.constant 80 : index
          %swap3A_271 = tpu.vector_load %arg9[%swap3A_269, %swap3A_270] {strides = array<i32>} : memref<80x128xf32, #tpu.memory_space<vmem>>, vector<1x16xf32>,
          %swap3A_272 = vector.shape_cast %swap3A_271 : vector<1x16xf32> to vector<16xf32>
          %swap3A_273 = vector.shape_cast %mul3A_268 : vector<16xf32> to vector<1x16xf32>
          tpu.vector_store %arg9[%swap3A_269, %swap3A_270], %swap3A_273 {strides = array<i32>} : memref<80x128xf32, #tpu.memory_space<vmem>>, vector<1x16xf32>,
          %add3A_274 = arith.constant 1 : i32
          %add3A_275 = arith.addi %mul3A_135, %add3A_274 : i32
          %get3A_276 = arith.index_cast %add3A_275 : i32 to index
          %get3A_277 = arith.constant 80 : index
          %get3A_278 = tpu.vector_load %arg9[%get3A_276, %get3A_277] {strides = array<i32>} : memref<80x128xf32, #tpu.memory_space<vmem>>, vector<1x16xf32>,
          %get3A_279 = vector.shape_cast %get3A_278 : vector<1x16xf32> to vector<16xf32>
          %mul3A_280 = arith.mulf %get3A_279, %get3A_144 : vector<16xf32>
          %add3A_281 = arith.constant 1 : i32
          %add3A_282 = arith.addi %mul3A_135, %add3A_281 : i32
          %swap3A_283 = arith.index_cast %add3A_282 : i32 to index
          %swap3A_284 = arith.constant 80 : index
          %swap3A_285 = tpu.vector_load %arg9[%swap3A_283, %swap3A_284] {strides = array<i32>} : memref<80x128xf32, #tpu.memory_space<vmem>>, vector<1x16xf32>,
          %swap3A_286 = vector.shape_cast %swap3A_285 : vector<1x16xf32> to vector<16xf32>
          %swap3A_287 = vector.shape_cast %mul3A_280 : vector<16xf32> to vector<1x16xf32>
          tpu.vector_store %arg9[%swap3A_283, %swap3A_284], %swap3A_287 {strides = array<i32>} : memref<80x128xf32, #tpu.memory_space<vmem>>, vector<1x16xf32>,
          %get3A_288 = arith.index_cast %mul3A_135 : i32 to index
          %get3A_289 = arith.constant 96 : index
          %get3A_290 = tpu.vector_load %arg9[%get3A_288, %get3A_289] {strides = array<i32>} : memref<80x128xf32, #tpu.memory_space<vmem>>, vector<1x16xf32>,
          %get3A_291 = vector.shape_cast %get3A_290 : vector<1x16xf32> to vector<16xf32>
          %mul3A_292 = arith.mulf %get3A_291, %get3A_138 : vector<16xf32>
          %swap3A_293 = arith.index_cast %mul3A_135 : i32 to index
          %swap3A_294 = arith.constant 96 : index
          %swap3A_295 = tpu.vector_load %arg9[%swap3A_293, %swap3A_294] {strides = array<i32>} : memref<80x128xf32, #tpu.memory_space<vmem>>, vector<1x16xf32>,
          %swap3A_296 = vector.shape_cast %swap3A_295 : vector<1x16xf32> to vector<16xf32>
          %swap3A_297 = vector.shape_cast %mul3A_292 : vector<16xf32> to vector<1x16xf32>
          tpu.vector_store %arg9[%swap3A_293, %swap3A_294], %swap3A_297 {strides = array<i32>} : memref<80x128xf32, #tpu.memory_space<vmem>>, vector<1x16xf32>,
          %add3A_298 = arith.constant 1 : i32
          %add3A_299 = arith.addi %mul3A_135, %add3A_298 : i32
          %get3A_300 = arith.index_cast %add3A_299 : i32 to index
          %get3A_301 = arith.constant 96 : index
          %get3A_302 = tpu.vector_load %arg9[%get3A_300, %get3A_301] {strides = array<i32>} : memref<80x128xf32, #tpu.memory_space<vmem>>, vector<1x16xf32>,
          %get3A_303 = vector.shape_cast %get3A_302 : vector<1x16xf32> to vector<16xf32>
          %mul3A_304 = arith.mulf %get3A_303, %get3A_144 : vector<16xf32>
          %add3A_305 = arith.constant 1 : i32
          %add3A_306 = arith.addi %mul3A_135, %add3A_305 : i32
          %swap3A_307 = arith.index_cast %add3A_306 : i32 to index
          %swap3A_308 = arith.constant 96 : index
          %swap3A_309 = tpu.vector_load %arg9[%swap3A_307, %swap3A_308] {strides = array<i32>} : memref<80x128xf32, #tpu.memory_space<vmem>>, vector<1x16xf32>,
          %swap3A_310 = vector.shape_cast %swap3A_309 : vector<1x16xf32> to vector<16xf32>
          %swap3A_311 = vector.shape_cast %mul3A_304 : vector<16xf32> to vector<1x16xf32>
          tpu.vector_store %arg9[%swap3A_307, %swap3A_308], %swap3A_311 {strides = array<i32>} : memref<80x128xf32, #tpu.memory_space<vmem>>, vector<1x16xf32>,
          %get3A_312 = arith.index_cast %mul3A_135 : i32 to index
          %get3A_313 = arith.constant 112 : index
          %get3A_314 = tpu.vector_load %arg9[%get3A_312, %get3A_313] {strides = array<i32>} : memref<80x128xf32, #tpu.memory_space<vmem>>, vector<1x16xf32>,
          %get3A_315 = vector.shape_cast %get3A_314 : vector<1x16xf32> to vector<16xf32>
          %mul3A_316 = arith.mulf %get3A_315, %get3A_138 : vector<16xf32>
          %swap3A_317 = arith.index_cast %mul3A_135 : i32 to index
          %swap3A_318 = arith.constant 112 : index
          %swap3A_319 = tpu.vector_load %arg9[%swap3A_317, %swap3A_318] {strides = array<i32>} : memref<80x128xf32, #tpu.memory_space<vmem>>, vector<1x16xf32>,
          %swap3A_320 = vector.shape_cast %swap3A_319 : vector<1x16xf32> to vector<16xf32>
          %swap3A_321 = vector.shape_cast %mul3A_316 : vector<16xf32> to vector<1x16xf32>
          tpu.vector_store %arg9[%swap3A_317, %swap3A_318], %swap3A_321 {strides = array<i32>} : memref<80x128xf32, #tpu.memory_space<vmem>>, vector<1x16xf32>,
          %add3A_322 = arith.constant 1 : i32
          %add3A_323 = arith.addi %mul3A_135, %add3A_322 : i32
          %get3A_324 = arith.index_cast %add3A_323 : i32 to index
          %get3A_325 = arith.constant 112 : index
          %get3A_326 = tpu.vector_load %arg9[%get3A_324, %get3A_325] {strides = array<i32>} : memref<80x128xf32, #tpu.memory_space<vmem>>, vector<1x16xf32>,
          %get3A_327 = vector.shape_cast %get3A_326 : vector<1x16xf32> to vector<16xf32>
          %mul3A_328 = arith.mulf %get3A_327, %get3A_144 : vector<16xf32>
          %add3A_329 = arith.constant 1 : i32
          %add3A_330 = arith.addi %mul3A_135, %add3A_329 : i32
          %swap3A_331 = arith.index_cast %add3A_330 : i32 to index
          %swap3A_332 = arith.constant 112 : index
          %swap3A_333 = tpu.vector_load %arg9[%swap3A_331, %swap3A_332] {strides = array<i32>} : memref<80x128xf32, #tpu.memory_space<vmem>>, vector<1x16xf32>,
          %swap3A_334 = vector.shape_cast %swap3A_333 : vector<1x16xf32> to vector<16xf32>
          %swap3A_335 = vector.shape_cast %mul3A_328 : vector<16xf32> to vector<1x16xf32>
          tpu.vector_store %arg9[%swap3A_331, %swap3A_332], %swap3A_335 {strides = array<i32>} : memref<80x128xf32, #tpu.memory_space<vmem>>, vector<1x16xf32>,
          %scan3A_336 = arith.constant 0 : i32
          scf.yield %scan3A_336 : i32
        }
        %scan3A_107 = arith.constant 40 : i32
        "tpu.region"() ({
          %run_scoped3A = tpu.sem_alloc : memref<!tpu.dma_semaphore, #tpu.memory_space<semaphore_mem>>
          %dma_start3A_132 = arith.constant 0 : i32
          %dma_start3A_133 = tpu.memref_slice %arg14[%mul3A_75, %dma_start3A_132] : memref<8x80xi32, #tpu.memory_space<vmem>> -> memref<1x80xi32, #tpu.memory_space<vmem>>
          %dma_start3A_134 = tpu.memref_squeeze %dma_start3A_133 : memref<1x80xi32, #tpu.memory_space<vmem>> -> memref<80xi32, #tpu.memory_space<vmem>>
          %dma_start3A_135 = arith.constant 0 : i32
          %dma_start3A_136 = arith.constant 0 : i32
          %dma_start3A_137 = tpu.memref_slice %arg8[%dma_start3A_135, %dma_start3A_136] : memref<10240x128xf32, #tpu.memory_space<vmem_shared>> -> memref<10240x128xf32, #tpu.memory_space<vmem_shared>>
          tpu.enqueue_indirect_dma source(%arg9 : memref<80x128xf32, #tpu.memory_space<vmem>>) target(%dma_start3A_137 : memref<10240x128xf32, #tpu.memory_space<vmem_shared>>) offsets(%dma_start3A_134 : memref<80xi32, #tpu.memory_space<vmem>>) semaphore(%run_scoped3A : memref<!tpu.dma_semaphore, #tpu.memory_space<semaphore_mem>>) {add = true}
          %dma_wait3A_138 = arith.constant 0 : i32
          %dma_wait3A_139 = tpu.memref_slice %arg14[%mul3A_75, %dma_wait3A_138] : memref<8x80xi32, #tpu.memory_space<vmem>> -> memref<1x80xi32, #tpu.memory_space<vmem>>
          %dma_wait3A_140 = tpu.memref_squeeze %dma_wait3A_139 : memref<1x80xi32, #tpu.memory_space<vmem>> -> memref<80xi32, #tpu.memory_space<vmem>>
          %dma_wait3A_141 = arith.constant 0 : i32
          %dma_wait3A_142 = arith.constant 0 : i32
          %dma_wait3A_143 = tpu.memref_slice %arg8[%dma_wait3A_141, %dma_wait3A_142] : memref<10240x128xf32, #tpu.memory_space<vmem_shared>> -> memref<10240x128xf32, #tpu.memory_space<vmem_shared>>
          tpu.wait_indirect_dma semaphore(%run_scoped3A : memref<!tpu.dma_semaphore, #tpu.memory_space<semaphore_mem>>) src(%arg9 : memref<80x128xf32, #tpu.memory_space<vmem>>) dst(%dma_wait3A_143 : memref<10240x128xf32, #tpu.memory_space<vmem_shared>>)
          tpu.yield
        }) : () -> ()
        %lt3A = arith.constant 3 : i32
        %lt3A_108 = arith.cmpi slt, %scan3A_72, %lt3A : i32
        %convert_element_type3A = arith.extui %lt3A_108 : i1 to i32
        %cond3A = arith.constant 0 : i32
        %cond3A_109 = arith.cmpi ne, %convert_element_type3A, %cond3A : i32
        scf.if %cond3A_109 {
          %add3A_132 = arith.constant 2 : i32
          %add3A_133 = arith.addi %mul3A_75, %add3A_132 : i32
          %dma_start3A_134 = arith.constant 0 : i32
          %dma_start3A_135 = tpu.memref_slice %arg13[%add3A_133, %dma_start3A_134] : memref<8x80xi32, #tpu.memory_space<vmem>> -> memref<1x80xi32, #tpu.memory_space<vmem>>
          %dma_start3A_136 = tpu.memref_squeeze %dma_start3A_135 : memref<1x80xi32, #tpu.memory_space<vmem>> -> memref<80xi32, #tpu.memory_space<vmem>>
          %dma_start3A_137 = arith.constant 0 : i32
          %dma_start3A_138 = arith.constant 0 : i32
          %dma_start3A_139 = tpu.memref_slice %arg2[%dma_start3A_137, %dma_start3A_138] : memref<80000x128xf32, #tpu.memory_space<hbm>> -> memref<80000x128xf32, #tpu.memory_space<hbm>>
          tpu.enqueue_indirect_dma source(%dma_start3A_139 : memref<80000x128xf32, #tpu.memory_space<hbm>>) target(%arg9 : memref<80x128xf32, #tpu.memory_space<vmem>>) offsets(%dma_start3A_136 : memref<80xi32, #tpu.memory_space<vmem>>) semaphore(%arg17 : memref<!tpu.dma_semaphore, #tpu.memory_space<semaphore_mem>>)
          %dma_start3A_140 = arith.constant 0 : i32
          %dma_start3A_141 = tpu.memref_slice %arg15[%add3A_133, %dma_start3A_140] : memref<8x80xi32, #tpu.memory_space<vmem>> -> memref<1x80xi32, #tpu.memory_space<vmem>>
          %dma_start3A_142 = tpu.memref_squeeze %dma_start3A_141 : memref<1x80xi32, #tpu.memory_space<vmem>> -> memref<80xi32, #tpu.memory_space<vmem>>
          %dma_start3A_143 = arith.constant 0 : i32
          %dma_start3A_144 = arith.constant 0 : i32
          %dma_start3A_145 = tpu.memref_slice %arg6[%dma_start3A_143, %dma_start3A_144] : memref<80000x16xf32, #tpu.memory_space<hbm>> -> memref<80000x16xf32, #tpu.memory_space<hbm>>
          tpu.enqueue_indirect_dma source(%dma_start3A_145 : memref<80000x16xf32, #tpu.memory_space<hbm>>) target(%arg11 : memref<80x16xf32, #tpu.memory_space<vmem>>) offsets(%dma_start3A_142 : memref<80xi32, #tpu.memory_space<vmem>>) semaphore(%arg19 : memref<!tpu.dma_semaphore, #tpu.memory_space<semaphore_mem>>)
        } else {
        }
        %add3A_110 = arith.constant 1 : i32
        %add3A_111 = arith.addi %mul3A_75, %add3A_110 : i32
        %dma_wait3A_112 = arith.constant 0 : i32
        %dma_wait3A_113 = tpu.memref_slice %arg13[%add3A_111, %dma_wait3A_112] : memref<8x80xi32, #tpu.memory_space<vmem>> -> memref<1x80xi32, #tpu.memory_space<vmem>>
        %dma_wait3A_114 = tpu.memref_squeeze %dma_wait3A_113 : memref<1x80xi32, #tpu.memory_space<vmem>> -> memref<80xi32, #tpu.memory_space<vmem>>
        %dma_wait3A_115 = arith.constant 0 : i32
        %dma_wait3A_116 = arith.constant 0 : i32
        %dma_wait3A_117 = tpu.memref_slice %arg2[%dma_wait3A_115, %dma_wait3A_116] : memref<80000x128xf32, #tpu.memory_space<hbm>> -> memref<80000x128xf32, #tpu.memory_space<hbm>>
        tpu.wait_indirect_dma semaphore(%arg18 : memref<!tpu.dma_semaphore, #tpu.memory_space<semaphore_mem>>) src(%dma_wait3A_117 : memref<80000x128xf32, #tpu.memory_space<hbm>>) dst(%arg10 : memref<80x128xf32, #tpu.memory_space<vmem>>)
        %dma_wait3A_118 = arith.constant 0 : i32
        %dma_wait3A_119 = tpu.memref_slice %arg15[%add3A_111, %dma_wait3A_118] : memref<8x80xi32, #tpu.memory_space<vmem>> -> memref<1x80xi32, #tpu.memory_space<vmem>>
        %dma_wait3A_120 = tpu.memref_squeeze %dma_wait3A_119 : memref<1x80xi32, #tpu.memory_space<vmem>> -> memref<80xi32, #tpu.memory_space<vmem>>
        %dma_wait3A_121 = arith.constant 0 : i32
        %dma_wait3A_122 = arith.constant 0 : i32
        %dma_wait3A_123 = tpu.memref_slice %arg6[%dma_wait3A_121, %dma_wait3A_122] : memref<80000x16xf32, #tpu.memory_space<hbm>> -> memref<80000x16xf32, #tpu.memory_space<hbm>>
        tpu.wait_indirect_dma semaphore(%arg20 : memref<!tpu.dma_semaphore, #tpu.memory_space<semaphore_mem>>) src(%dma_wait3A_123 : memref<80000x16xf32, #tpu.memory_space<hbm>>) dst(%arg12 : memref<80x16xf32, #tpu.memory_space<vmem>>)
        %scan3A_124 = arith.constant 0 : i32
        %scan3A_125 = arith.constant 0 : i32
        %scan3A_126 = arith.constant 40 : i32
        %scan3A_127 = arith.addi %scan3A_125, %scan3A_126 : i32
        %scan3A_128 = arith.constant 1 : i32
        %scan3A_129 = scf.for %scan3A_132 = %scan3A_125 to %scan3A_127 step %scan3A_128 iter_args(%scan3A_133 = %scan3A_124) -> (i32)  : i32 {
          %mul3A_134 = arith.constant 2 : i32
          %mul3A_135 = arith.muli %mul3A_134, %scan3A_132 : i32
          %get3A = arith.index_cast %mul3A_135 : i32 to index
          %get3A_136 = arith.constant 0 : index
          %get3A_137 = tpu.vector_load %arg12[%get3A, %get3A_136] {strides = array<i32>} : memref<80x16xf32, #tpu.memory_space<vmem>>, vector<1x16xf32>,
          %get3A_138 = vector.shape_cast %get3A_137 : vector<1x16xf32> to vector<16xf32>
          %add3A_139 = arith.constant 1 : i32
          %add3A_140 = arith.addi %mul3A_135, %add3A_139 : i32
          %get3A_141 = arith.index_cast %add3A_140 : i32 to index
          %get3A_142 = arith.constant 0 : index
          %get3A_143 = tpu.vector_load %arg12[%get3A_141, %get3A_142] {strides = array<i32>} : memref<80x16xf32, #tpu.memory_space<vmem>>, vector<1x16xf32>,
          %get3A_144 = vector.shape_cast %get3A_143 : vector<1x16xf32> to vector<16xf32>
          %get3A_145 = arith.index_cast %mul3A_135 : i32 to index
          %get3A_146 = arith.constant 0 : index
          %get3A_147 = tpu.vector_load %arg10[%get3A_145, %get3A_146] {strides = array<i32>} : memref<80x128xf32, #tpu.memory_space<vmem>>, vector<1x16xf32>,
          %get3A_148 = vector.shape_cast %get3A_147 : vector<1x16xf32> to vector<16xf32>
          %mul3A_149 = arith.mulf %get3A_148, %get3A_138 : vector<16xf32>
          %swap3A = arith.index_cast %mul3A_135 : i32 to index
          %swap3A_150 = arith.constant 0 : index
          %swap3A_151 = tpu.vector_load %arg10[%swap3A, %swap3A_150] {strides = array<i32>} : memref<80x128xf32, #tpu.memory_space<vmem>>, vector<1x16xf32>,
          %swap3A_152 = vector.shape_cast %swap3A_151 : vector<1x16xf32> to vector<16xf32>
          %swap3A_153 = vector.shape_cast %mul3A_149 : vector<16xf32> to vector<1x16xf32>
          tpu.vector_store %arg10[%swap3A, %swap3A_150], %swap3A_153 {strides = array<i32>} : memref<80x128xf32, #tpu.memory_space<vmem>>, vector<1x16xf32>,
          %add3A_154 = arith.constant 1 : i32
          %add3A_155 = arith.addi %mul3A_135, %add3A_154 : i32
          %get3A_156 = arith.index_cast %add3A_155 : i32 to index
          %get3A_157 = arith.constant 0 : index
          %get3A_158 = tpu.vector_load %arg10[%get3A_156, %get3A_157] {strides = array<i32>} : memref<80x128xf32, #tpu.memory_space<vmem>>, vector<1x16xf32>,
          %get3A_159 = vector.shape_cast %get3A_158 : vector<1x16xf32> to vector<16xf32>
          %mul3A_160 = arith.mulf %get3A_159, %get3A_144 : vector<16xf32>
          %add3A_161 = arith.constant 1 : i32
          %add3A_162 = arith.addi %mul3A_135, %add3A_161 : i32
          %swap3A_163 = arith.index_cast %add3A_162 : i32 to index
          %swap3A_164 = arith.constant 0 : index
          %swap3A_165 = tpu.vector_load %arg10[%swap3A_163, %swap3A_164] {strides = array<i32>} : memref<80x128xf32, #tpu.memory_space<vmem>>, vector<1x16xf32>,
          %swap3A_166 = vector.shape_cast %swap3A_165 : vector<1x16xf32> to vector<16xf32>
          %swap3A_167 = vector.shape_cast %mul3A_160 : vector<16xf32> to vector<1x16xf32>
          tpu.vector_store %arg10[%swap3A_163, %swap3A_164], %swap3A_167 {strides = array<i32>} : memref<80x128xf32, #tpu.memory_space<vmem>>, vector<1x16xf32>,
          %get3A_168 = arith.index_cast %mul3A_135 : i32 to index
          %get3A_169 = arith.constant 16 : index
          %get3A_170 = tpu.vector_load %arg10[%get3A_168, %get3A_169] {strides = array<i32>} : memref<80x128xf32, #tpu.memory_space<vmem>>, vector<1x16xf32>,
          %get3A_171 = vector.shape_cast %get3A_170 : vector<1x16xf32> to vector<16xf32>
          %mul3A_172 = arith.mulf %get3A_171, %get3A_138 : vector<16xf32>
          %swap3A_173 = arith.index_cast %mul3A_135 : i32 to index
          %swap3A_174 = arith.constant 16 : index
          %swap3A_175 = tpu.vector_load %arg10[%swap3A_173, %swap3A_174] {strides = array<i32>} : memref<80x128xf32, #tpu.memory_space<vmem>>, vector<1x16xf32>,
          %swap3A_176 = vector.shape_cast %swap3A_175 : vector<1x16xf32> to vector<16xf32>
          %swap3A_177 = vector.shape_cast %mul3A_172 : vector<16xf32> to vector<1x16xf32>
          tpu.vector_store %arg10[%swap3A_173, %swap3A_174], %swap3A_177 {strides = array<i32>} : memref<80x128xf32, #tpu.memory_space<vmem>>, vector<1x16xf32>,
          %add3A_178 = arith.constant 1 : i32
          %add3A_179 = arith.addi %mul3A_135, %add3A_178 : i32
          %get3A_180 = arith.index_cast %add3A_179 : i32 to index
          %get3A_181 = arith.constant 16 : index
          %get3A_182 = tpu.vector_load %arg10[%get3A_180, %get3A_181] {strides = array<i32>} : memref<80x128xf32, #tpu.memory_space<vmem>>, vector<1x16xf32>,
          %get3A_183 = vector.shape_cast %get3A_182 : vector<1x16xf32> to vector<16xf32>
          %mul3A_184 = arith.mulf %get3A_183, %get3A_144 : vector<16xf32>
          %add3A_185 = arith.constant 1 : i32
          %add3A_186 = arith.addi %mul3A_135, %add3A_185 : i32
          %swap3A_187 = arith.index_cast %add3A_186 : i32 to index
          %swap3A_188 = arith.constant 16 : index
          %swap3A_189 = tpu.vector_load %arg10[%swap3A_187, %swap3A_188] {strides = array<i32>} : memref<80x128xf32, #tpu.memory_space<vmem>>, vector<1x16xf32>,
          %swap3A_190 = vector.shape_cast %swap3A_189 : vector<1x16xf32> to vector<16xf32>
          %swap3A_191 = vector.shape_cast %mul3A_184 : vector<16xf32> to vector<1x16xf32>
          tpu.vector_store %arg10[%swap3A_187, %swap3A_188], %swap3A_191 {strides = array<i32>} : memref<80x128xf32, #tpu.memory_space<vmem>>, vector<1x16xf32>,
          %get3A_192 = arith.index_cast %mul3A_135 : i32 to index
          %get3A_193 = arith.constant 32 : index
          %get3A_194 = tpu.vector_load %arg10[%get3A_192, %get3A_193] {strides = array<i32>} : memref<80x128xf32, #tpu.memory_space<vmem>>, vector<1x16xf32>,
          %get3A_195 = vector.shape_cast %get3A_194 : vector<1x16xf32> to vector<16xf32>
          %mul3A_196 = arith.mulf %get3A_195, %get3A_138 : vector<16xf32>
          %swap3A_197 = arith.index_cast %mul3A_135 : i32 to index
          %swap3A_198 = arith.constant 32 : index
          %swap3A_199 = tpu.vector_load %arg10[%swap3A_197, %swap3A_198] {strides = array<i32>} : memref<80x128xf32, #tpu.memory_space<vmem>>, vector<1x16xf32>,
          %swap3A_200 = vector.shape_cast %swap3A_199 : vector<1x16xf32> to vector<16xf32>
          %swap3A_201 = vector.shape_cast %mul3A_196 : vector<16xf32> to vector<1x16xf32>
          tpu.vector_store %arg10[%swap3A_197, %swap3A_198], %swap3A_201 {strides = array<i32>} : memref<80x128xf32, #tpu.memory_space<vmem>>, vector<1x16xf32>,
          %add3A_202 = arith.constant 1 : i32
          %add3A_203 = arith.addi %mul3A_135, %add3A_202 : i32
          %get3A_204 = arith.index_cast %add3A_203 : i32 to index
          %get3A_205 = arith.constant 32 : index
          %get3A_206 = tpu.vector_load %arg10[%get3A_204, %get3A_205] {strides = array<i32>} : memref<80x128xf32, #tpu.memory_space<vmem>>, vector<1x16xf32>,
          %get3A_207 = vector.shape_cast %get3A_206 : vector<1x16xf32> to vector<16xf32>
          %mul3A_208 = arith.mulf %get3A_207, %get3A_144 : vector<16xf32>
          %add3A_209 = arith.constant 1 : i32
          %add3A_210 = arith.addi %mul3A_135, %add3A_209 : i32
          %swap3A_211 = arith.index_cast %add3A_210 : i32 to index
          %swap3A_212 = arith.constant 32 : index
          %swap3A_213 = tpu.vector_load %arg10[%swap3A_211, %swap3A_212] {strides = array<i32>} : memref<80x128xf32, #tpu.memory_space<vmem>>, vector<1x16xf32>,
          %swap3A_214 = vector.shape_cast %swap3A_213 : vector<1x16xf32> to vector<16xf32>
          %swap3A_215 = vector.shape_cast %mul3A_208 : vector<16xf32> to vector<1x16xf32>
          tpu.vector_store %arg10[%swap3A_211, %swap3A_212], %swap3A_215 {strides = array<i32>} : memref<80x128xf32, #tpu.memory_space<vmem>>, vector<1x16xf32>,
          %get3A_216 = arith.index_cast %mul3A_135 : i32 to index
          %get3A_217 = arith.constant 48 : index
          %get3A_218 = tpu.vector_load %arg10[%get3A_216, %get3A_217] {strides = array<i32>} : memref<80x128xf32, #tpu.memory_space<vmem>>, vector<1x16xf32>,
          %get3A_219 = vector.shape_cast %get3A_218 : vector<1x16xf32> to vector<16xf32>
          %mul3A_220 = arith.mulf %get3A_219, %get3A_138 : vector<16xf32>
          %swap3A_221 = arith.index_cast %mul3A_135 : i32 to index
          %swap3A_222 = arith.constant 48 : index
          %swap3A_223 = tpu.vector_load %arg10[%swap3A_221, %swap3A_222] {strides = array<i32>} : memref<80x128xf32, #tpu.memory_space<vmem>>, vector<1x16xf32>,
          %swap3A_224 = vector.shape_cast %swap3A_223 : vector<1x16xf32> to vector<16xf32>
          %swap3A_225 = vector.shape_cast %mul3A_220 : vector<16xf32> to vector<1x16xf32>
          tpu.vector_store %arg10[%swap3A_221, %swap3A_222], %swap3A_225 {strides = array<i32>} : memref<80x128xf32, #tpu.memory_space<vmem>>, vector<1x16xf32>,
          %add3A_226 = arith.constant 1 : i32
          %add3A_227 = arith.addi %mul3A_135, %add3A_226 : i32
          %get3A_228 = arith.index_cast %add3A_227 : i32 to index
          %get3A_229 = arith.constant 48 : index
          %get3A_230 = tpu.vector_load %arg10[%get3A_228, %get3A_229] {strides = array<i32>} : memref<80x128xf32, #tpu.memory_space<vmem>>, vector<1x16xf32>,
          %get3A_231 = vector.shape_cast %get3A_230 : vector<1x16xf32> to vector<16xf32>
          %mul3A_232 = arith.mulf %get3A_231, %get3A_144 : vector<16xf32>
          %add3A_233 = arith.constant 1 : i32
          %add3A_234 = arith.addi %mul3A_135, %add3A_233 : i32
          %swap3A_235 = arith.index_cast %add3A_234 : i32 to index
          %swap3A_236 = arith.constant 48 : index
          %swap3A_237 = tpu.vector_load %arg10[%swap3A_235, %swap3A_236] {strides = array<i32>} : memref<80x128xf32, #tpu.memory_space<vmem>>, vector<1x16xf32>,
          %swap3A_238 = vector.shape_cast %swap3A_237 : vector<1x16xf32> to vector<16xf32>
          %swap3A_239 = vector.shape_cast %mul3A_232 : vector<16xf32> to vector<1x16xf32>
          tpu.vector_store %arg10[%swap3A_235, %swap3A_236], %swap3A_239 {strides = array<i32>} : memref<80x128xf32, #tpu.memory_space<vmem>>, vector<1x16xf32>,
          %get3A_240 = arith.index_cast %mul3A_135 : i32 to index
          %get3A_241 = arith.constant 64 : index
          %get3A_242 = tpu.vector_load %arg10[%get3A_240, %get3A_241] {strides = array<i32>} : memref<80x128xf32, #tpu.memory_space<vmem>>, vector<1x16xf32>,
          %get3A_243 = vector.shape_cast %get3A_242 : vector<1x16xf32> to vector<16xf32>
          %mul3A_244 = arith.mulf %get3A_243, %get3A_138 : vector<16xf32>
          %swap3A_245 = arith.index_cast %mul3A_135 : i32 to index
          %swap3A_246 = arith.constant 64 : index
          %swap3A_247 = tpu.vector_load %arg10[%swap3A_245, %swap3A_246] {strides = array<i32>} : memref<80x128xf32, #tpu.memory_space<vmem>>, vector<1x16xf32>,
          %swap3A_248 = vector.shape_cast %swap3A_247 : vector<1x16xf32> to vector<16xf32>
          %swap3A_249 = vector.shape_cast %mul3A_244 : vector<16xf32> to vector<1x16xf32>
          tpu.vector_store %arg10[%swap3A_245, %swap3A_246], %swap3A_249 {strides = array<i32>} : memref<80x128xf32, #tpu.memory_space<vmem>>, vector<1x16xf32>,
          %add3A_250 = arith.constant 1 : i32
          %add3A_251 = arith.addi %mul3A_135, %add3A_250 : i32
          %get3A_252 = arith.index_cast %add3A_251 : i32 to index
          %get3A_253 = arith.constant 64 : index
          %get3A_254 = tpu.vector_load %arg10[%get3A_252, %get3A_253] {strides = array<i32>} : memref<80x128xf32, #tpu.memory_space<vmem>>, vector<1x16xf32>,
          %get3A_255 = vector.shape_cast %get3A_254 : vector<1x16xf32> to vector<16xf32>
          %mul3A_256 = arith.mulf %get3A_255, %get3A_144 : vector<16xf32>
          %add3A_257 = arith.constant 1 : i32
          %add3A_258 = arith.addi %mul3A_135, %add3A_257 : i32
          %swap3A_259 = arith.index_cast %add3A_258 : i32 to index
          %swap3A_260 = arith.constant 64 : index
          %swap3A_261 = tpu.vector_load %arg10[%swap3A_259, %swap3A_260] {strides = array<i32>} : memref<80x128xf32, #tpu.memory_space<vmem>>, vector<1x16xf32>,
          %swap3A_262 = vector.shape_cast %swap3A_261 : vector<1x16xf32> to vector<16xf32>
          %swap3A_263 = vector.shape_cast %mul3A_256 : vector<16xf32> to vector<1x16xf32>
          tpu.vector_store %arg10[%swap3A_259, %swap3A_260], %swap3A_263 {strides = array<i32>} : memref<80x128xf32, #tpu.memory_space<vmem>>, vector<1x16xf32>,
          %get3A_264 = arith.index_cast %mul3A_135 : i32 to index
          %get3A_265 = arith.constant 80 : index
          %get3A_266 = tpu.vector_load %arg10[%get3A_264, %get3A_265] {strides = array<i32>} : memref<80x128xf32, #tpu.memory_space<vmem>>, vector<1x16xf32>,
          %get3A_267 = vector.shape_cast %get3A_266 : vector<1x16xf32> to vector<16xf32>
          %mul3A_268 = arith.mulf %get3A_267, %get3A_138 : vector<16xf32>
          %swap3A_269 = arith.index_cast %mul3A_135 : i32 to index
          %swap3A_270 = arith.constant 80 : index
          %swap3A_271 = tpu.vector_load %arg10[%swap3A_269, %swap3A_270] {strides = array<i32>} : memref<80x128xf32, #tpu.memory_space<vmem>>, vector<1x16xf32>,
          %swap3A_272 = vector.shape_cast %swap3A_271 : vector<1x16xf32> to vector<16xf32>
          %swap3A_273 = vector.shape_cast %mul3A_268 : vector<16xf32> to vector<1x16xf32>
          tpu.vector_store %arg10[%swap3A_269, %swap3A_270], %swap3A_273 {strides = array<i32>} : memref<80x128xf32, #tpu.memory_space<vmem>>, vector<1x16xf32>,
          %add3A_274 = arith.constant 1 : i32
          %add3A_275 = arith.addi %mul3A_135, %add3A_274 : i32
          %get3A_276 = arith.index_cast %add3A_275 : i32 to index
          %get3A_277 = arith.constant 80 : index
          %get3A_278 = tpu.vector_load %arg10[%get3A_276, %get3A_277] {strides = array<i32>} : memref<80x128xf32, #tpu.memory_space<vmem>>, vector<1x16xf32>,
          %get3A_279 = vector.shape_cast %get3A_278 : vector<1x16xf32> to vector<16xf32>
          %mul3A_280 = arith.mulf %get3A_279, %get3A_144 : vector<16xf32>
          %add3A_281 = arith.constant 1 : i32
          %add3A_282 = arith.addi %mul3A_135, %add3A_281 : i32
          %swap3A_283 = arith.index_cast %add3A_282 : i32 to index
          %swap3A_284 = arith.constant 80 : index
          %swap3A_285 = tpu.vector_load %arg10[%swap3A_283, %swap3A_284] {strides = array<i32>} : memref<80x128xf32, #tpu.memory_space<vmem>>, vector<1x16xf32>,
          %swap3A_286 = vector.shape_cast %swap3A_285 : vector<1x16xf32> to vector<16xf32>
          %swap3A_287 = vector.shape_cast %mul3A_280 : vector<16xf32> to vector<1x16xf32>
          tpu.vector_store %arg10[%swap3A_283, %swap3A_284], %swap3A_287 {strides = array<i32>} : memref<80x128xf32, #tpu.memory_space<vmem>>, vector<1x16xf32>,
          %get3A_288 = arith.index_cast %mul3A_135 : i32 to index
          %get3A_289 = arith.constant 96 : index
          %get3A_290 = tpu.vector_load %arg10[%get3A_288, %get3A_289] {strides = array<i32>} : memref<80x128xf32, #tpu.memory_space<vmem>>, vector<1x16xf32>,
          %get3A_291 = vector.shape_cast %get3A_290 : vector<1x16xf32> to vector<16xf32>
          %mul3A_292 = arith.mulf %get3A_291, %get3A_138 : vector<16xf32>
          %swap3A_293 = arith.index_cast %mul3A_135 : i32 to index
          %swap3A_294 = arith.constant 96 : index
          %swap3A_295 = tpu.vector_load %arg10[%swap3A_293, %swap3A_294] {strides = array<i32>} : memref<80x128xf32, #tpu.memory_space<vmem>>, vector<1x16xf32>,
          %swap3A_296 = vector.shape_cast %swap3A_295 : vector<1x16xf32> to vector<16xf32>
          %swap3A_297 = vector.shape_cast %mul3A_292 : vector<16xf32> to vector<1x16xf32>
          tpu.vector_store %arg10[%swap3A_293, %swap3A_294], %swap3A_297 {strides = array<i32>} : memref<80x128xf32, #tpu.memory_space<vmem>>, vector<1x16xf32>,
          %add3A_298 = arith.constant 1 : i32
          %add3A_299 = arith.addi %mul3A_135, %add3A_298 : i32
          %get3A_300 = arith.index_cast %add3A_299 : i32 to index
          %get3A_301 = arith.constant 96 : index
          %get3A_302 = tpu.vector_load %arg10[%get3A_300, %get3A_301] {strides = array<i32>} : memref<80x128xf32, #tpu.memory_space<vmem>>, vector<1x16xf32>,
          %get3A_303 = vector.shape_cast %get3A_302 : vector<1x16xf32> to vector<16xf32>
          %mul3A_304 = arith.mulf %get3A_303, %get3A_144 : vector<16xf32>
          %add3A_305 = arith.constant 1 : i32
          %add3A_306 = arith.addi %mul3A_135, %add3A_305 : i32
          %swap3A_307 = arith.index_cast %add3A_306 : i32 to index
          %swap3A_308 = arith.constant 96 : index
          %swap3A_309 = tpu.vector_load %arg10[%swap3A_307, %swap3A_308] {strides = array<i32>} : memref<80x128xf32, #tpu.memory_space<vmem>>, vector<1x16xf32>,
          %swap3A_310 = vector.shape_cast %swap3A_309 : vector<1x16xf32> to vector<16xf32>
          %swap3A_311 = vector.shape_cast %mul3A_304 : vector<16xf32> to vector<1x16xf32>
          tpu.vector_store %arg10[%swap3A_307, %swap3A_308], %swap3A_311 {strides = array<i32>} : memref<80x128xf32, #tpu.memory_space<vmem>>, vector<1x16xf32>,
          %get3A_312 = arith.index_cast %mul3A_135 : i32 to index
          %get3A_313 = arith.constant 112 : index
          %get3A_314 = tpu.vector_load %arg10[%get3A_312, %get3A_313] {strides = array<i32>} : memref<80x128xf32, #tpu.memory_space<vmem>>, vector<1x16xf32>,
          %get3A_315 = vector.shape_cast %get3A_314 : vector<1x16xf32> to vector<16xf32>
          %mul3A_316 = arith.mulf %get3A_315, %get3A_138 : vector<16xf32>
          %swap3A_317 = arith.index_cast %mul3A_135 : i32 to index
          %swap3A_318 = arith.constant 112 : index
          %swap3A_319 = tpu.vector_load %arg10[%swap3A_317, %swap3A_318] {strides = array<i32>} : memref<80x128xf32, #tpu.memory_space<vmem>>, vector<1x16xf32>,
          %swap3A_320 = vector.shape_cast %swap3A_319 : vector<1x16xf32> to vector<16xf32>
          %swap3A_321 = vector.shape_cast %mul3A_316 : vector<16xf32> to vector<1x16xf32>
          tpu.vector_store %arg10[%swap3A_317, %swap3A_318], %swap3A_321 {strides = array<i32>} : memref<80x128xf32, #tpu.memory_space<vmem>>, vector<1x16xf32>,
          %add3A_322 = arith.constant 1 : i32
          %add3A_323 = arith.addi %mul3A_135, %add3A_322 : i32
          %get3A_324 = arith.index_cast %add3A_323 : i32 to index
          %get3A_325 = arith.constant 112 : index
          %get3A_326 = tpu.vector_load %arg10[%get3A_324, %get3A_325] {strides = array<i32>} : memref<80x128xf32, #tpu.memory_space<vmem>>, vector<1x16xf32>,
          %get3A_327 = vector.shape_cast %get3A_326 : vector<1x16xf32> to vector<16xf32>
          %mul3A_328 = arith.mulf %get3A_327, %get3A_144 : vector<16xf32>
          %add3A_329 = arith.constant 1 : i32
          %add3A_330 = arith.addi %mul3A_135, %add3A_329 : i32
          %swap3A_331 = arith.index_cast %add3A_330 : i32 to index
          %swap3A_332 = arith.constant 112 : index
          %swap3A_333 = tpu.vector_load %arg10[%swap3A_331, %swap3A_332] {strides = array<i32>} : memref<80x128xf32, #tpu.memory_space<vmem>>, vector<1x16xf32>,
          %swap3A_334 = vector.shape_cast %swap3A_333 : vector<1x16xf32> to vector<16xf32>
          %swap3A_335 = vector.shape_cast %mul3A_328 : vector<16xf32> to vector<1x16xf32>
          tpu.vector_store %arg10[%swap3A_331, %swap3A_332], %swap3A_335 {strides = array<i32>} : memref<80x128xf32, #tpu.memory_space<vmem>>, vector<1x16xf32>,
          %scan3A_336 = arith.constant 0 : i32
          scf.yield %scan3A_336 : i32
        }
        %scan3A_130 = arith.constant 40 : i32
        "tpu.region"() ({
          %run_scoped3A = tpu.sem_alloc : memref<!tpu.dma_semaphore, #tpu.memory_space<semaphore_mem>>
          %dma_start3A_132 = arith.constant 0 : i32
          %dma_start3A_133 = tpu.memref_slice %arg14[%add3A_111, %dma_start3A_132] : memref<8x80xi32, #tpu.memory_space<vmem>> -> memref<1x80xi32, #tpu.memory_space<vmem>>
          %dma_start3A_134 = tpu.memref_squeeze %dma_start3A_133 : memref<1x80xi32, #tpu.memory_space<vmem>> -> memref<80xi32, #tpu.memory_space<vmem>>
          %dma_start3A_135 = arith.constant 0 : i32
          %dma_start3A_136 = arith.constant 0 : i32
          %dma_start3A_137 = tpu.memref_slice %arg8[%dma_start3A_135, %dma_start3A_136] : memref<10240x128xf32, #tpu.memory_space<vmem_shared>> -> memref<10240x128xf32, #tpu.memory_space<vmem_shared>>
          tpu.enqueue_indirect_dma source(%arg10 : memref<80x128xf32, #tpu.memory_space<vmem>>) target(%dma_start3A_137 : memref<10240x128xf32, #tpu.memory_space<vmem_shared>>) offsets(%dma_start3A_134 : memref<80xi32, #tpu.memory_space<vmem>>) semaphore(%run_scoped3A : memref<!tpu.dma_semaphore, #tpu.memory_space<semaphore_mem>>) {add = true}
          %dma_wait3A_138 = arith.constant 0 : i32
          %dma_wait3A_139 = tpu.memref_slice %arg14[%add3A_111, %dma_wait3A_138] : memref<8x80xi32, #tpu.memory_space<vmem>> -> memref<1x80xi32, #tpu.memory_space<vmem>>
          %dma_wait3A_140 = tpu.memref_squeeze %dma_wait3A_139 : memref<1x80xi32, #tpu.memory_space<vmem>> -> memref<80xi32, #tpu.memory_space<vmem>>
          %dma_wait3A_141 = arith.constant 0 : i32
          %dma_wait3A_142 = arith.constant 0 : i32
          %dma_wait3A_143 = tpu.memref_slice %arg8[%dma_wait3A_141, %dma_wait3A_142] : memref<10240x128xf32, #tpu.memory_space<vmem_shared>> -> memref<10240x128xf32, #tpu.memory_space<vmem_shared>>
          tpu.wait_indirect_dma semaphore(%run_scoped3A : memref<!tpu.dma_semaphore, #tpu.memory_space<semaphore_mem>>) src(%arg10 : memref<80x128xf32, #tpu.memory_space<vmem>>) dst(%dma_wait3A_143 : memref<10240x128xf32, #tpu.memory_space<vmem_shared>>)
          tpu.yield
        }) : () -> ()
        %scan3A_131 = arith.constant 0 : i32
        scf.yield %scan3A_131 : i32
      }
      %scan3A_70 = arith.constant 4 : i32
      %while3A_71 = arith.constant 0 : i32
      scf.yield %while3A_71 : i32
    }
    %barrier3A_37 = arith.constant 0 : index
    tpu.barrier barrier_id(%barrier3A_37)
    %scan3A_38 = arith.constant 0 : i32
    %scan3A_39 = arith.constant 0 : i32
    %scan3A_40 = arith.constant 5 : i32
    %scan3A_41 = arith.addi %scan3A_39, %scan3A_40 : i32
    %scan3A_42 = arith.constant 1 : i32
    %scan3A_43 = scf.for %scan3A_45 = %scan3A_39 to %scan3A_41 step %scan3A_42 iter_args(%scan3A_46 = %scan3A_38) -> (i32)  : i32 {
      %mul3A_47 = arith.constant 640 : i32
      %mul3A_48 = arith.muli %arg1, %mul3A_47 : i32
      %mul3A_49 = arith.constant 128 : i32
      %mul3A_50 = arith.muli %scan3A_45, %mul3A_49 : i32
      %add3A_51 = arith.addi %mul3A_48, %mul3A_50 : i32
      %multiple_of3A_52 = tpu.assume_multiple %add3A_51, 8 : i32
      "tpu.region"() ({
        %run_scoped3A = tpu.sem_alloc : memref<!tpu.dma_semaphore, #tpu.memory_space<semaphore_mem>>
        %dma_start3A = arith.constant 0 : i32
        %dma_start3A_58 = tpu.memref_slice %arg8[%multiple_of3A_52, %dma_start3A] : memref<10240x128xf32, #tpu.memory_space<vmem_shared>> -> memref<128x128xf32, #tpu.memory_space<vmem_shared>>
        %dma_start3A_59 = arith.constant 0 : i32
        %dma_start3A_60 = tpu.memref_slice %arg8[%multiple_of3A_52, %dma_start3A_59] : memref<10240x128xf32, #tpu.memory_space<vmem_shared>> -> memref<128x128xf32, #tpu.memory_space<vmem_shared>>
        tpu.enqueue_dma source(%dma_start3A_60 : memref<128x128xf32, #tpu.memory_space<vmem_shared>>) target(%arg16 : memref<128x128xf32, #tpu.memory_space<vmem>>) target_semaphore(%run_scoped3A : memref<!tpu.dma_semaphore, #tpu.memory_space<semaphore_mem>>)
        %dma_wait3A = arith.constant 0 : i32
        %dma_wait3A_61 = tpu.memref_slice %arg8[%multiple_of3A_52, %dma_wait3A] : memref<10240x128xf32, #tpu.memory_space<vmem_shared>> -> memref<128x128xf32, #tpu.memory_space<vmem_shared>>
        %dma_wait3A_62 = arith.constant 0 : i32
        %dma_wait3A_63 = tpu.memref_slice %arg8[%multiple_of3A_52, %dma_wait3A_62] : memref<10240x128xf32, #tpu.memory_space<vmem_shared>> -> memref<128x128xf32, #tpu.memory_space<vmem_shared>>
        tpu.wait_dma2 semaphore(%run_scoped3A : memref<!tpu.dma_semaphore, #tpu.memory_space<semaphore_mem>>) src(%dma_wait3A_63 : memref<128x128xf32, #tpu.memory_space<vmem_shared>>) dst(%arg16 : memref<128x128xf32, #tpu.memory_space<vmem>>)
        tpu.yield
      }) : () -> ()
      %mul3A_53 = arith.constant 10240 : i32
      %mul3A_54 = arith.muli %arg0, %mul3A_53 : i32
      %add3A_55 = arith.addi %mul3A_54, %multiple_of3A_52 : i32
      %multiple_of3A_56 = tpu.assume_multiple %add3A_55, 8 : i32
      "tpu.region"() ({
        %run_scoped3A = tpu.sem_alloc : memref<!tpu.dma_semaphore, #tpu.memory_space<semaphore_mem>>
        %dma_start3A = arith.constant 0 : i32
        %dma_start3A_58 = tpu.memref_slice %arg7[%multiple_of3A_56, %dma_start3A] : memref<20480x128xf32, #tpu.memory_space<hbm>> -> memref<128x128xf32, #tpu.memory_space<hbm>>
        %dma_start3A_59 = arith.constant 0 : i32
        %dma_start3A_60 = tpu.memref_slice %arg7[%multiple_of3A_56, %dma_start3A_59] : memref<20480x128xf32, #tpu.memory_space<hbm>> -> memref<128x128xf32, #tpu.memory_space<hbm>>
        tpu.enqueue_dma source(%arg16 : memref<128x128xf32, #tpu.memory_space<vmem>>) target(%dma_start3A_60 : memref<128x128xf32, #tpu.memory_space<hbm>>) target_semaphore(%run_scoped3A : memref<!tpu.dma_semaphore, #tpu.memory_space<semaphore_mem>>)
        %dma_wait3A = arith.constant 0 : i32
        %dma_wait3A_61 = tpu.memref_slice %arg7[%multiple_of3A_56, %dma_wait3A] : memref<20480x128xf32, #tpu.memory_space<hbm>> -> memref<128x128xf32, #tpu.memory_space<hbm>>
        %dma_wait3A_62 = arith.constant 0 : i32
        %dma_wait3A_63 = tpu.memref_slice %arg7[%multiple_of3A_56, %dma_wait3A_62] : memref<20480x128xf32, #tpu.memory_space<hbm>> -> memref<128x128xf32, #tpu.memory_space<hbm>>
        tpu.wait_dma2 semaphore(%run_scoped3A : memref<!tpu.dma_semaphore, #tpu.memory_space<semaphore_mem>>) src(%arg16 : memref<128x128xf32, #tpu.memory_space<vmem>>) dst(%dma_wait3A_63 : memref<128x128xf32, #tpu.memory_space<hbm>>)
        tpu.yield
      }) : () -> ()
      %scan3A_57 = arith.constant 0 : i32
      scf.yield %scan3A_57 : i32
    }
    %scan3A_44 = arith.constant 5 : i32
    return
  }
}

#map = affine_map<(d0, d1) -> (0, 0)>
module attributes {stable_mosaic.version = 14 : i64} {
  func.func @_layer_pass(%arg0: i32, %arg1: i32, %arg2: memref<80000x128xf32, #tpu.memory_space<hbm>>, %arg3: memref<4000x80xi32, #tpu.memory_space<hbm>>, %arg4: memref<4000x80xi32, #tpu.memory_space<hbm>>, %arg5: memref<4000x80xi32, #tpu.memory_space<hbm>>, %arg6: memref<80000x16xf32, #tpu.memory_space<hbm>>, %arg7: memref<20480x128xf32, #tpu.memory_space<hbm>>, %arg8: memref<10240x128xf32, #tpu.memory_space<vmem_shared>>, %arg9: memref<80x128xf32, #tpu.memory_space<vmem>>, %arg10: memref<80x128xf32, #tpu.memory_space<vmem>>, %arg11: memref<80x16xf32, #tpu.memory_space<vmem>>, %arg12: memref<80x16xf32, #tpu.memory_space<vmem>>, %arg13: memref<8x80xi32, #tpu.memory_space<vmem>>, %arg14: memref<8x80xi32, #tpu.memory_space<vmem>>, %arg15: memref<8x80xi32, #tpu.memory_space<vmem>>, %arg16: memref<128x128xf32, #tpu.memory_space<vmem>>, %arg17: memref<!tpu.dma_semaphore, #tpu.memory_space<semaphore_mem>>, %arg18: memref<!tpu.dma_semaphore, #tpu.memory_space<semaphore_mem>>, %arg19: memref<!tpu.dma_semaphore, #tpu.memory_space<semaphore_mem>>, %arg20: memref<!tpu.dma_semaphore, #tpu.memory_space<semaphore_mem>>) attributes {dimension_semantics = [#tpu.dimension_semantics<core_parallel>, #tpu.dimension_semantics<subcore_parallel>], iteration_bounds = array<i64: 2, 16>, scalar_prefetch = 0 : i64, scratch_operands = 13 : i64, tpu.core_type = #tpu.core_type<sc_vector_subcore>, window_params = [{transform_indices = #map}, {transform_indices = #map}, {transform_indices = #map}, {transform_indices = #map}, {transform_indices = #map}, {transform_indices = #map}]} {
    %mul3A = arith.constant 16 : i32
    %mul3A_0 = arith.muli %arg0, %mul3A : i32
    %add3A = arith.addi %mul3A_0, %arg1 : i32
    %broadcast_in_dim3A = arith.constant 0.000000e+00 : f32
    %broadcast_in_dim3A_1 = vector.broadcast %broadcast_in_dim3A : f32 to vector<16xf32>
    %scan3A = arith.constant 0 : i32
    %scan3A_2 = arith.constant 0 : i32
    %scan3A_3 = arith.constant 128 : i32
    %scan3A_4 = arith.addi %scan3A_2, %scan3A_3 : i32
    %scan3A_5 = arith.constant 1 : i32
    %scan3A_6 = scf.for %scan3A_45 = %scan3A_2 to %scan3A_4 step %scan3A_5 iter_args(%scan3A_46 = %scan3A) -> (i32)  : i32 {
      %swap3A = arith.index_cast %scan3A_45 : i32 to index
      %swap3A_47 = arith.constant 0 : index
      %swap3A_48 = tpu.vector_load %arg16[%swap3A, %swap3A_47] {strides = array<i32>} : memref<128x128xf32, #tpu.memory_space<vmem>>, vector<1x16xf32>,
      %swap3A_49 = vector.shape_cast %swap3A_48 : vector<1x16xf32> to vector<16xf32>
      %swap3A_50 = vector.shape_cast %broadcast_in_dim3A_1 : vector<16xf32> to vector<1x16xf32>
      tpu.vector_store %arg16[%swap3A, %swap3A_47], %swap3A_50 {strides = array<i32>} : memref<128x128xf32, #tpu.memory_space<vmem>>, vector<1x16xf32>,
      %swap3A_51 = arith.index_cast %scan3A_45 : i32 to index
      %swap3A_52 = arith.constant 16 : index
      %swap3A_53 = tpu.vector_load %arg16[%swap3A_51, %swap3A_52] {strides = array<i32>} : memref<128x128xf32, #tpu.memory_space<vmem>>, vector<1x16xf32>,
      %swap3A_54 = vector.shape_cast %swap3A_53 : vector<1x16xf32> to vector<16xf32>
      %swap3A_55 = vector.shape_cast %broadcast_in_dim3A_1 : vector<16xf32> to vector<1x16xf32>
      tpu.vector_store %arg16[%swap3A_51, %swap3A_52], %swap3A_55 {strides = array<i32>} : memref<128x128xf32, #tpu.memory_space<vmem>>, vector<1x16xf32>,
      %swap3A_56 = arith.index_cast %scan3A_45 : i32 to index
      %swap3A_57 = arith.constant 32 : index
      %swap3A_58 = tpu.vector_load %arg16[%swap3A_56, %swap3A_57] {strides = array<i32>} : memref<128x128xf32, #tpu.memory_space<vmem>>, vector<1x16xf32>,
      %swap3A_59 = vector.shape_cast %swap3A_58 : vector<1x16xf32> to vector<16xf32>
      %swap3A_60 = vector.shape_cast %broadcast_in_dim3A_1 : vector<16xf32> to vector<1x16xf32>
      tpu.vector_store %arg16[%swap3A_56, %swap3A_57], %swap3A_60 {strides = array<i32>} : memref<128x128xf32, #tpu.memory_space<vmem>>, vector<1x16xf32>,
      %swap3A_61 = arith.index_cast %scan3A_45 : i32 to index
      %swap3A_62 = arith.constant 48 : index
      %swap3A_63 = tpu.vector_load %arg16[%swap3A_61, %swap3A_62] {strides = array<i32>} : memref<128x128xf32, #tpu.memory_space<vmem>>, vector<1x16xf32>,
      %swap3A_64 = vector.shape_cast %swap3A_63 : vector<1x16xf32> to vector<16xf32>
      %swap3A_65 = vector.shape_cast %broadcast_in_dim3A_1 : vector<16xf32> to vector<1x16xf32>
      tpu.vector_store %arg16[%swap3A_61, %swap3A_62], %swap3A_65 {strides = array<i32>} : memref<128x128xf32, #tpu.memory_space<vmem>>, vector<1x16xf32>,
      %swap3A_66 = arith.index_cast %scan3A_45 : i32 to index
      %swap3A_67 = arith.constant 64 : index
      %swap3A_68 = tpu.vector_load %arg16[%swap3A_66, %swap3A_67] {strides = array<i32>} : memref<128x128xf32, #tpu.memory_space<vmem>>, vector<1x16xf32>,
      %swap3A_69 = vector.shape_cast %swap3A_68 : vector<1x16xf32> to vector<16xf32>
      %swap3A_70 = vector.shape_cast %broadcast_in_dim3A_1 : vector<16xf32> to vector<1x16xf32>
      tpu.vector_store %arg16[%swap3A_66, %swap3A_67], %swap3A_70 {strides = array<i32>} : memref<128x128xf32, #tpu.memory_space<vmem>>, vector<1x16xf32>,
      %swap3A_71 = arith.index_cast %scan3A_45 : i32 to index
      %swap3A_72 = arith.constant 80 : index
      %swap3A_73 = tpu.vector_load %arg16[%swap3A_71, %swap3A_72] {strides = array<i32>} : memref<128x128xf32, #tpu.memory_space<vmem>>, vector<1x16xf32>,
      %swap3A_74 = vector.shape_cast %swap3A_73 : vector<1x16xf32> to vector<16xf32>
      %swap3A_75 = vector.shape_cast %broadcast_in_dim3A_1 : vector<16xf32> to vector<1x16xf32>
      tpu.vector_store %arg16[%swap3A_71, %swap3A_72], %swap3A_75 {strides = array<i32>} : memref<128x128xf32, #tpu.memory_space<vmem>>, vector<1x16xf32>,
      %swap3A_76 = arith.index_cast %scan3A_45 : i32 to index
      %swap3A_77 = arith.constant 96 : index
      %swap3A_78 = tpu.vector_load %arg16[%swap3A_76, %swap3A_77] {strides = array<i32>} : memref<128x128xf32, #tpu.memory_space<vmem>>, vector<1x16xf32>,
      %swap3A_79 = vector.shape_cast %swap3A_78 : vector<1x16xf32> to vector<16xf32>
      %swap3A_80 = vector.shape_cast %broadcast_in_dim3A_1 : vector<16xf32> to vector<1x16xf32>
      tpu.vector_store %arg16[%swap3A_76, %swap3A_77], %swap3A_80 {strides = array<i32>} : memref<128x128xf32, #tpu.memory_space<vmem>>, vector<1x16xf32>,
      %swap3A_81 = arith.index_cast %scan3A_45 : i32 to index
      %swap3A_82 = arith.constant 112 : index
      %swap3A_83 = tpu.vector_load %arg16[%swap3A_81, %swap3A_82] {strides = array<i32>} : memref<128x128xf32, #tpu.memory_space<vmem>>, vector<1x16xf32>,
      %swap3A_84 = vector.shape_cast %swap3A_83 : vector<1x16xf32> to vector<16xf32>
      %swap3A_85 = vector.shape_cast %broadcast_in_dim3A_1 : vector<16xf32> to vector<1x16xf32>
      tpu.vector_store %arg16[%swap3A_81, %swap3A_82], %swap3A_85 {strides = array<i32>} : memref<128x128xf32, #tpu.memory_space<vmem>>, vector<1x16xf32>,
      %scan3A_86 = arith.constant 0 : i32
      scf.yield %scan3A_86 : i32
    }
    %scan3A_7 = arith.constant 128 : i32
    %scan3A_8 = arith.constant 0 : i32
    %scan3A_9 = arith.constant 0 : i32
    %scan3A_10 = arith.constant 5 : i32
    %scan3A_11 = arith.addi %scan3A_9, %scan3A_10 : i32
    %scan3A_12 = arith.constant 1 : i32
    %scan3A_13 = scf.for %scan3A_45 = %scan3A_9 to %scan3A_11 step %scan3A_12 iter_args(%scan3A_46 = %scan3A_8) -> (i32)  : i32 {
      %mul3A_47 = arith.constant 640 : i32
      %mul3A_48 = arith.muli %arg1, %mul3A_47 : i32
      %mul3A_49 = arith.constant 128 : i32
      %mul3A_50 = arith.muli %scan3A_45, %mul3A_49 : i32
      %add3A_51 = arith.addi %mul3A_48, %mul3A_50 : i32
      %multiple_of3A_52 = tpu.assume_multiple %add3A_51, 8 : i32
      "tpu.region"() ({
        %run_scoped3A = tpu.sem_alloc : memref<!tpu.dma_semaphore, #tpu.memory_space<semaphore_mem>>
        %dma_start3A = arith.constant 0 : i32
        %dma_start3A_54 = tpu.memref_slice %arg8[%multiple_of3A_52, %dma_start3A] : memref<10240x128xf32, #tpu.memory_space<vmem_shared>> -> memref<128x128xf32, #tpu.memory_space<vmem_shared>>
        %dma_start3A_55 = arith.constant 0 : i32
        %dma_start3A_56 = tpu.memref_slice %arg8[%multiple_of3A_52, %dma_start3A_55] : memref<10240x128xf32, #tpu.memory_space<vmem_shared>> -> memref<128x128xf32, #tpu.memory_space<vmem_shared>>
        tpu.enqueue_dma source(%arg16 : memref<128x128xf32, #tpu.memory_space<vmem>>) target(%dma_start3A_56 : memref<128x128xf32, #tpu.memory_space<vmem_shared>>) target_semaphore(%run_scoped3A : memref<!tpu.dma_semaphore, #tpu.memory_space<semaphore_mem>>)
        %dma_wait3A = arith.constant 0 : i32
        %dma_wait3A_57 = tpu.memref_slice %arg8[%multiple_of3A_52, %dma_wait3A] : memref<10240x128xf32, #tpu.memory_space<vmem_shared>> -> memref<128x128xf32, #tpu.memory_space<vmem_shared>>
        %dma_wait3A_58 = arith.constant 0 : i32
        %dma_wait3A_59 = tpu.memref_slice %arg8[%multiple_of3A_52, %dma_wait3A_58] : memref<10240x128xf32, #tpu.memory_space<vmem_shared>> -> memref<128x128xf32, #tpu.memory_space<vmem_shared>>
        tpu.wait_dma2 semaphore(%run_scoped3A : memref<!tpu.dma_semaphore, #tpu.memory_space<semaphore_mem>>) src(%arg16 : memref<128x128xf32, #tpu.memory_space<vmem>>) dst(%dma_wait3A_59 : memref<128x128xf32, #tpu.memory_space<vmem_shared>>)
        tpu.yield
      }) : () -> ()
      %scan3A_53 = arith.constant 0 : i32
      scf.yield %scan3A_53 : i32
    }
    %scan3A_14 = arith.constant 5 : i32
    %barrier3A = arith.constant 0 : index
    tpu.barrier barrier_id(%barrier3A)
    %mul3A_15 = arith.constant 125 : i32
    %mul3A_16 = arith.muli %add3A, %mul3A_15 : i32
    %and3A = arith.constant -8 : i32
    %and3A_17 = arith.andi %mul3A_16, %and3A : i32
    %multiple_of3A = tpu.assume_multiple %and3A_17, 8 : i32
    %eq3A = arith.constant 31 : i32
    %eq3A_18 = arith.cmpi eq, %add3A, %eq3A : i32
    %add3A_19 = arith.constant 1 : i32
    %add3A_20 = arith.addi %add3A, %add3A_19 : i32
    %mul3A_21 = arith.constant 125 : i32
    %mul3A_22 = arith.muli %add3A_20, %mul3A_21 : i32
    %and3A_23 = arith.constant -8 : i32
    %and3A_24 = arith.andi %mul3A_22, %and3A_23 : i32
    %jit3A = arith.constant 4000 : i32
    %select_n3A = arith.select %eq3A_18, %jit3A, %and3A_24 : i32
    %sub3A = arith.subi %select_n3A, %multiple_of3A : i32
    %shift_right_arithmetic3A = arith.constant 3 : i32
    %shift_right_arithmetic3A_25 = arith.shrsi %sub3A, %shift_right_arithmetic3A : i32
    %while3A = arith.constant 0 : i32
    %while3A_26 = arith.constant 0 : i32
    %while3A_27 = arith.subi %shift_right_arithmetic3A_25, %while3A : i32
    %while3A_28 = arith.addi %while3A, %while3A_27 : i32
    %while3A_29 = arith.constant 1 : i32
    %while3A_30 = arith.divsi %while3A_27, %while3A_29 : i32
    %while3A_31 = arith.muli %while3A_30, %while3A_29 : i32
    %while3A_32 = arith.addi %while3A, %while3A_31 : i32
    %while3A_33 = arith.constant 1 : i32
    %while3A_34 = scf.for %while3A_45 = %while3A to %while3A_32 step %while3A_33 iter_args(%while3A_46 = %while3A_26) -> (i32)  : i32 {
      %mul3A_47 = arith.constant 8 : i32
      %mul3A_48 = arith.muli %while3A_45, %mul3A_47 : i32
      %add3A_49 = arith.addi %multiple_of3A, %mul3A_48 : i32
      %multiple_of3A_50 = tpu.assume_multiple %add3A_49, 8 : i32
      "tpu.region"() ({
        %run_scoped3A = tpu.sem_alloc : memref<!tpu.dma_semaphore, #tpu.memory_space<semaphore_mem>>
        %dma_start3A_72 = arith.constant 0 : i32
        %dma_start3A_73 = tpu.memref_slice %arg3[%multiple_of3A_50, %dma_start3A_72] : memref<4000x80xi32, #tpu.memory_space<hbm>> -> memref<8x80xi32, #tpu.memory_space<hbm>>
        %dma_start3A_74 = arith.constant 0 : i32
        %dma_start3A_75 = tpu.memref_slice %arg3[%multiple_of3A_50, %dma_start3A_74] : memref<4000x80xi32, #tpu.memory_space<hbm>> -> memref<8x80xi32, #tpu.memory_space<hbm>>
        tpu.enqueue_dma source(%dma_start3A_75 : memref<8x80xi32, #tpu.memory_space<hbm>>) target(%arg13 : memref<8x80xi32, #tpu.memory_space<vmem>>) target_semaphore(%run_scoped3A : memref<!tpu.dma_semaphore, #tpu.memory_space<semaphore_mem>>)
        %dma_wait3A = arith.constant 0 : i32
        %dma_wait3A_76 = tpu.memref_slice %arg3[%multiple_of3A_50, %dma_wait3A] : memref<4000x80xi32, #tpu.memory_space<hbm>> -> memref<8x80xi32, #tpu.memory_space<hbm>>
        %dma_wait3A_77 = arith.constant 0 : i32
        %dma_wait3A_78 = tpu.memref_slice %arg3[%multiple_of3A_50, %dma_wait3A_77] : memref<4000x80xi32, #tpu.memory_space<hbm>> -> memref<8x80xi32, #tpu.memory_space<hbm>>
        tpu.wait_dma2 semaphore(%run_scoped3A : memref<!tpu.dma_semaphore, #tpu.memory_space<semaphore_mem>>) src(%dma_wait3A_78 : memref<8x80xi32, #tpu.memory_space<hbm>>) dst(%arg13 : memref<8x80xi32, #tpu.memory_space<vmem>>)
        tpu.yield
      }) : () -> ()
      "tpu.region"() ({
        %run_scoped3A = tpu.sem_alloc : memref<!tpu.dma_semaphore, #tpu.memory_space<semaphore_mem>>
        %dma_start3A_72 = arith.constant 0 : i32
        %dma_start3A_73 = tpu.memref_slice %arg4[%multiple_of3A_50, %dma_start3A_72] : memref<4000x80xi32, #tpu.memory_space<hbm>> -> memref<8x80xi32, #tpu.memory_space<hbm>>
        %dma_start3A_74 = arith.constant 0 : i32
        %dma_start3A_75 = tpu.memref_slice %arg4[%multiple_of3A_50, %dma_start3A_74] : memref<4000x80xi32, #tpu.memory_space<hbm>> -> memref<8x80xi32, #tpu.memory_space<hbm>>
        tpu.enqueue_dma source(%dma_start3A_75 : memref<8x80xi32, #tpu.memory_space<hbm>>) target(%arg14 : memref<8x80xi32, #tpu.memory_space<vmem>>) target_semaphore(%run_scoped3A : memref<!tpu.dma_semaphore, #tpu.memory_space<semaphore_mem>>)
        %dma_wait3A = arith.constant 0 : i32
        %dma_wait3A_76 = tpu.memref_slice %arg4[%multiple_of3A_50, %dma_wait3A] : memref<4000x80xi32, #tpu.memory_space<hbm>> -> memref<8x80xi32, #tpu.memory_space<hbm>>
        %dma_wait3A_77 = arith.constant 0 : i32
        %dma_wait3A_78 = tpu.memref_slice %arg4[%multiple_of3A_50, %dma_wait3A_77] : memref<4000x80xi32, #tpu.memory_space<hbm>> -> memref<8x80xi32, #tpu.memory_space<hbm>>
        tpu.wait_dma2 semaphore(%run_scoped3A : memref<!tpu.dma_semaphore, #tpu.memory_space<semaphore_mem>>) src(%dma_wait3A_78 : memref<8x80xi32, #tpu.memory_space<hbm>>) dst(%arg14 : memref<8x80xi32, #tpu.memory_space<vmem>>)
        tpu.yield
      }) : () -> ()
      "tpu.region"() ({
        %run_scoped3A = tpu.sem_alloc : memref<!tpu.dma_semaphore, #tpu.memory_space<semaphore_mem>>
        %dma_start3A_72 = arith.constant 0 : i32
        %dma_start3A_73 = tpu.memref_slice %arg5[%multiple_of3A_50, %dma_start3A_72] : memref<4000x80xi32, #tpu.memory_space<hbm>> -> memref<8x80xi32, #tpu.memory_space<hbm>>
        %dma_start3A_74 = arith.constant 0 : i32
        %dma_start3A_75 = tpu.memref_slice %arg5[%multiple_of3A_50, %dma_start3A_74] : memref<4000x80xi32, #tpu.memory_space<hbm>> -> memref<8x80xi32, #tpu.memory_space<hbm>>
        tpu.enqueue_dma source(%dma_start3A_75 : memref<8x80xi32, #tpu.memory_space<hbm>>) target(%arg15 : memref<8x80xi32, #tpu.memory_space<vmem>>) target_semaphore(%run_scoped3A : memref<!tpu.dma_semaphore, #tpu.memory_space<semaphore_mem>>)
        %dma_wait3A = arith.constant 0 : i32
        %dma_wait3A_76 = tpu.memref_slice %arg5[%multiple_of3A_50, %dma_wait3A] : memref<4000x80xi32, #tpu.memory_space<hbm>> -> memref<8x80xi32, #tpu.memory_space<hbm>>
        %dma_wait3A_77 = arith.constant 0 : i32
        %dma_wait3A_78 = tpu.memref_slice %arg5[%multiple_of3A_50, %dma_wait3A_77] : memref<4000x80xi32, #tpu.memory_space<hbm>> -> memref<8x80xi32, #tpu.memory_space<hbm>>
        tpu.wait_dma2 semaphore(%run_scoped3A : memref<!tpu.dma_semaphore, #tpu.memory_space<semaphore_mem>>) src(%dma_wait3A_78 : memref<8x80xi32, #tpu.memory_space<hbm>>) dst(%arg15 : memref<8x80xi32, #tpu.memory_space<vmem>>)
        tpu.yield
      }) : () -> ()
      %dma_start3A = arith.constant 0 : i32
      %dma_start3A_51 = arith.constant 0 : i32
      %dma_start3A_52 = tpu.memref_slice %arg13[%dma_start3A, %dma_start3A_51] : memref<8x80xi32, #tpu.memory_space<vmem>> -> memref<1x80xi32, #tpu.memory_space<vmem>>
      %dma_start3A_53 = tpu.memref_squeeze %dma_start3A_52 : memref<1x80xi32, #tpu.memory_space<vmem>> -> memref<80xi32, #tpu.memory_space<vmem>>
      %dma_start3A_54 = arith.constant 0 : i32
      %dma_start3A_55 = arith.constant 0 : i32
      %dma_start3A_56 = tpu.memref_slice %arg2[%dma_start3A_54, %dma_start3A_55] : memref<80000x128xf32, #tpu.memory_space<hbm>> -> memref<80000x128xf32, #tpu.memory_space<hbm>>
      tpu.enqueue_indirect_dma source(%dma_start3A_56 : memref<80000x128xf32, #tpu.memory_space<hbm>>) target(%arg9 : memref<80x128xf32, #tpu.memory_space<vmem>>) offsets(%dma_start3A_53 : memref<80xi32, #tpu.memory_space<vmem>>) semaphore(%arg17 : memref<!tpu.dma_semaphore, #tpu.memory_space<semaphore_mem>>)
      %dma_start3A_57 = arith.constant 0 : i32
      %dma_start3A_58 = arith.constant 0 : i32
      %dma_start3A_59 = tpu.memref_slice %arg15[%dma_start3A_57, %dma_start3A_58] : memref<8x80xi32, #tpu.memory_space<vmem>> -> memref<1x80xi32, #tpu.memory_space<vmem>>
      %dma_start3A_60 = tpu.memref_squeeze %dma_start3A_59 : memref<1x80xi32, #tpu.memory_space<vmem>> -> memref<80xi32, #tpu.memory_space<vmem>>
      %dma_start3A_61 = arith.constant 0 : i32
      %dma_start3A_62 = arith.constant 0 : i32
      %dma_start3A_63 = tpu.memref_slice %arg6[%dma_start3A_61, %dma_start3A_62] : memref<80000x16xf32, #tpu.memory_space<hbm>> -> memref<80000x16xf32, #tpu.memory_space<hbm>>
      tpu.enqueue_indirect_dma source(%dma_start3A_63 : memref<80000x16xf32, #tpu.memory_space<hbm>>) target(%arg11 : memref<80x16xf32, #tpu.memory_space<vmem>>) offsets(%dma_start3A_60 : memref<80xi32, #tpu.memory_space<vmem>>) semaphore(%arg19 : memref<!tpu.dma_semaphore, #tpu.memory_space<semaphore_mem>>)
      %scan3A_64 = arith.constant 0 : i32
      %scan3A_65 = arith.constant 0 : i32
      %scan3A_66 = arith.constant 4 : i32
      %scan3A_67 = arith.addi %scan3A_65, %scan3A_66 : i32
      %scan3A_68 = arith.constant 1 : i32
      %scan3A_69 = scf.for %scan3A_72 = %scan3A_65 to %scan3A_67 step %scan3A_68 iter_args(%scan3A_73 = %scan3A_64) -> (i32)  : i32 {
        %mul3A_74 = arith.constant 2 : i32
        %mul3A_75 = arith.muli %mul3A_74, %scan3A_72 : i32
        %add3A_76 = arith.constant 1 : i32
        %add3A_77 = arith.addi %mul3A_75, %add3A_76 : i32
        %dma_start3A_78 = arith.constant 0 : i32
        %dma_start3A_79 = tpu.memref_slice %arg13[%add3A_77, %dma_start3A_78] : memref<8x80xi32, #tpu.memory_space<vmem>> -> memref<1x80xi32, #tpu.memory_space<vmem>>
        %dma_start3A_80 = tpu.memref_squeeze %dma_start3A_79 : memref<1x80xi32, #tpu.memory_space<vmem>> -> memref<80xi32, #tpu.memory_space<vmem>>
        %dma_start3A_81 = arith.constant 0 : i32
        %dma_start3A_82 = arith.constant 0 : i32
        %dma_start3A_83 = tpu.memref_slice %arg2[%dma_start3A_81, %dma_start3A_82] : memref<80000x128xf32, #tpu.memory_space<hbm>> -> memref<80000x128xf32, #tpu.memory_space<hbm>>
        tpu.enqueue_indirect_dma source(%dma_start3A_83 : memref<80000x128xf32, #tpu.memory_space<hbm>>) target(%arg10 : memref<80x128xf32, #tpu.memory_space<vmem>>) offsets(%dma_start3A_80 : memref<80xi32, #tpu.memory_space<vmem>>) semaphore(%arg18 : memref<!tpu.dma_semaphore, #tpu.memory_space<semaphore_mem>>)
        %dma_start3A_84 = arith.constant 0 : i32
        %dma_start3A_85 = tpu.memref_slice %arg15[%add3A_77, %dma_start3A_84] : memref<8x80xi32, #tpu.memory_space<vmem>> -> memref<1x80xi32, #tpu.memory_space<vmem>>
        %dma_start3A_86 = tpu.memref_squeeze %dma_start3A_85 : memref<1x80xi32, #tpu.memory_space<vmem>> -> memref<80xi32, #tpu.memory_space<vmem>>
        %dma_start3A_87 = arith.constant 0 : i32
        %dma_start3A_88 = arith.constant 0 : i32
        %dma_start3A_89 = tpu.memref_slice %arg6[%dma_start3A_87, %dma_start3A_88] : memref<80000x16xf32, #tpu.memory_space<hbm>> -> memref<80000x16xf32, #tpu.memory_space<hbm>>
        tpu.enqueue_indirect_dma source(%dma_start3A_89 : memref<80000x16xf32, #tpu.memory_space<hbm>>) target(%arg12 : memref<80x16xf32, #tpu.memory_space<vmem>>) offsets(%dma_start3A_86 : memref<80xi32, #tpu.memory_space<vmem>>) semaphore(%arg20 : memref<!tpu.dma_semaphore, #tpu.memory_space<semaphore_mem>>)
        %dma_wait3A = arith.constant 0 : i32
        %dma_wait3A_90 = tpu.memref_slice %arg13[%mul3A_75, %dma_wait3A] : memref<8x80xi32, #tpu.memory_space<vmem>> -> memref<1x80xi32, #tpu.memory_space<vmem>>
        %dma_wait3A_91 = tpu.memref_squeeze %dma_wait3A_90 : memref<1x80xi32, #tpu.memory_space<vmem>> -> memref<80xi32, #tpu.memory_space<vmem>>
        %dma_wait3A_92 = arith.constant 0 : i32
        %dma_wait3A_93 = arith.constant 0 : i32
        %dma_wait3A_94 = tpu.memref_slice %arg2[%dma_wait3A_92, %dma_wait3A_93] : memref<80000x128xf32, #tpu.memory_space<hbm>> -> memref<80000x128xf32, #tpu.memory_space<hbm>>
        tpu.wait_indirect_dma semaphore(%arg17 : memref<!tpu.dma_semaphore, #tpu.memory_space<semaphore_mem>>) src(%dma_wait3A_94 : memref<80000x128xf32, #tpu.memory_space<hbm>>) dst(%arg9 : memref<80x128xf32, #tpu.memory_space<vmem>>)
        %dma_wait3A_95 = arith.constant 0 : i32
        %dma_wait3A_96 = tpu.memref_slice %arg15[%mul3A_75, %dma_wait3A_95] : memref<8x80xi32, #tpu.memory_space<vmem>> -> memref<1x80xi32, #tpu.memory_space<vmem>>
        %dma_wait3A_97 = tpu.memref_squeeze %dma_wait3A_96 : memref<1x80xi32, #tpu.memory_space<vmem>> -> memref<80xi32, #tpu.memory_space<vmem>>
        %dma_wait3A_98 = arith.constant 0 : i32
        %dma_wait3A_99 = arith.constant 0 : i32
        %dma_wait3A_100 = tpu.memref_slice %arg6[%dma_wait3A_98, %dma_wait3A_99] : memref<80000x16xf32, #tpu.memory_space<hbm>> -> memref<80000x16xf32, #tpu.memory_space<hbm>>
        tpu.wait_indirect_dma semaphore(%arg19 : memref<!tpu.dma_semaphore, #tpu.memory_space<semaphore_mem>>) src(%dma_wait3A_100 : memref<80000x16xf32, #tpu.memory_space<hbm>>) dst(%arg11 : memref<80x16xf32, #tpu.memory_space<vmem>>)
        %scan3A_101 = arith.constant 0 : i32
        %scan3A_102 = arith.constant 0 : i32
        %scan3A_103 = arith.constant 40 : i32
        %scan3A_104 = arith.addi %scan3A_102, %scan3A_103 : i32
        %scan3A_105 = arith.constant 1 : i32
        %scan3A_106 = scf.for %scan3A_132 = %scan3A_102 to %scan3A_104 step %scan3A_105 iter_args(%scan3A_133 = %scan3A_101) -> (i32)  : i32 {
          %mul3A_134 = arith.constant 2 : i32
          %mul3A_135 = arith.muli %mul3A_134, %scan3A_132 : i32
          %get3A = arith.index_cast %mul3A_135 : i32 to index
          %get3A_136 = arith.constant 0 : index
          %get3A_137 = tpu.vector_load %arg11[%get3A, %get3A_136] {strides = array<i32>} : memref<80x16xf32, #tpu.memory_space<vmem>>, vector<1x16xf32>,
          %get3A_138 = vector.shape_cast %get3A_137 : vector<1x16xf32> to vector<16xf32>
          %add3A_139 = arith.constant 1 : i32
          %add3A_140 = arith.addi %mul3A_135, %add3A_139 : i32
          %get3A_141 = arith.index_cast %add3A_140 : i32 to index
          %get3A_142 = arith.constant 0 : index
          %get3A_143 = tpu.vector_load %arg11[%get3A_141, %get3A_142] {strides = array<i32>} : memref<80x16xf32, #tpu.memory_space<vmem>>, vector<1x16xf32>,
          %get3A_144 = vector.shape_cast %get3A_143 : vector<1x16xf32> to vector<16xf32>
          %get3A_145 = arith.index_cast %mul3A_135 : i32 to index
          %get3A_146 = arith.constant 0 : index
          %get3A_147 = tpu.vector_load %arg9[%get3A_145, %get3A_146] {strides = array<i32>} : memref<80x128xf32, #tpu.memory_space<vmem>>, vector<1x16xf32>,
          %get3A_148 = vector.shape_cast %get3A_147 : vector<1x16xf32> to vector<16xf32>
          %mul3A_149 = arith.mulf %get3A_148, %get3A_138 : vector<16xf32>
          %swap3A = arith.index_cast %mul3A_135 : i32 to index
          %swap3A_150 = arith.constant 0 : index
          %swap3A_151 = tpu.vector_load %arg9[%swap3A, %swap3A_150] {strides = array<i32>} : memref<80x128xf32, #tpu.memory_space<vmem>>, vector<1x16xf32>,
          %swap3A_152 = vector.shape_cast %swap3A_151 : vector<1x16xf32> to vector<16xf32>
          %swap3A_153 = vector.shape_cast %mul3A_149 : vector<16xf32> to vector<1x16xf32>
          tpu.vector_store %arg9[%swap3A, %swap3A_150], %swap3A_153 {strides = array<i32>} : memref<80x128xf32, #tpu.memory_space<vmem>>, vector<1x16xf32>,
          %add3A_154 = arith.constant 1 : i32
          %add3A_155 = arith.addi %mul3A_135, %add3A_154 : i32
          %get3A_156 = arith.index_cast %add3A_155 : i32 to index
          %get3A_157 = arith.constant 0 : index
          %get3A_158 = tpu.vector_load %arg9[%get3A_156, %get3A_157] {strides = array<i32>} : memref<80x128xf32, #tpu.memory_space<vmem>>, vector<1x16xf32>,
          %get3A_159 = vector.shape_cast %get3A_158 : vector<1x16xf32> to vector<16xf32>
          %mul3A_160 = arith.mulf %get3A_159, %get3A_144 : vector<16xf32>
          %add3A_161 = arith.constant 1 : i32
          %add3A_162 = arith.addi %mul3A_135, %add3A_161 : i32
          %swap3A_163 = arith.index_cast %add3A_162 : i32 to index
          %swap3A_164 = arith.constant 0 : index
          %swap3A_165 = tpu.vector_load %arg9[%swap3A_163, %swap3A_164] {strides = array<i32>} : memref<80x128xf32, #tpu.memory_space<vmem>>, vector<1x16xf32>,
          %swap3A_166 = vector.shape_cast %swap3A_165 : vector<1x16xf32> to vector<16xf32>
          %swap3A_167 = vector.shape_cast %mul3A_160 : vector<16xf32> to vector<1x16xf32>
          tpu.vector_store %arg9[%swap3A_163, %swap3A_164], %swap3A_167 {strides = array<i32>} : memref<80x128xf32, #tpu.memory_space<vmem>>, vector<1x16xf32>,
          %get3A_168 = arith.index_cast %mul3A_135 : i32 to index
          %get3A_169 = arith.constant 16 : index
          %get3A_170 = tpu.vector_load %arg9[%get3A_168, %get3A_169] {strides = array<i32>} : memref<80x128xf32, #tpu.memory_space<vmem>>, vector<1x16xf32>,
          %get3A_171 = vector.shape_cast %get3A_170 : vector<1x16xf32> to vector<16xf32>
          %mul3A_172 = arith.mulf %get3A_171, %get3A_138 : vector<16xf32>
          %swap3A_173 = arith.index_cast %mul3A_135 : i32 to index
          %swap3A_174 = arith.constant 16 : index
          %swap3A_175 = tpu.vector_load %arg9[%swap3A_173, %swap3A_174] {strides = array<i32>} : memref<80x128xf32, #tpu.memory_space<vmem>>, vector<1x16xf32>,
          %swap3A_176 = vector.shape_cast %swap3A_175 : vector<1x16xf32> to vector<16xf32>
          %swap3A_177 = vector.shape_cast %mul3A_172 : vector<16xf32> to vector<1x16xf32>
          tpu.vector_store %arg9[%swap3A_173, %swap3A_174], %swap3A_177 {strides = array<i32>} : memref<80x128xf32, #tpu.memory_space<vmem>>, vector<1x16xf32>,
          %add3A_178 = arith.constant 1 : i32
          %add3A_179 = arith.addi %mul3A_135, %add3A_178 : i32
          %get3A_180 = arith.index_cast %add3A_179 : i32 to index
          %get3A_181 = arith.constant 16 : index
          %get3A_182 = tpu.vector_load %arg9[%get3A_180, %get3A_181] {strides = array<i32>} : memref<80x128xf32, #tpu.memory_space<vmem>>, vector<1x16xf32>,
          %get3A_183 = vector.shape_cast %get3A_182 : vector<1x16xf32> to vector<16xf32>
          %mul3A_184 = arith.mulf %get3A_183, %get3A_144 : vector<16xf32>
          %add3A_185 = arith.constant 1 : i32
          %add3A_186 = arith.addi %mul3A_135, %add3A_185 : i32
          %swap3A_187 = arith.index_cast %add3A_186 : i32 to index
          %swap3A_188 = arith.constant 16 : index
          %swap3A_189 = tpu.vector_load %arg9[%swap3A_187, %swap3A_188] {strides = array<i32>} : memref<80x128xf32, #tpu.memory_space<vmem>>, vector<1x16xf32>,
          %swap3A_190 = vector.shape_cast %swap3A_189 : vector<1x16xf32> to vector<16xf32>
          %swap3A_191 = vector.shape_cast %mul3A_184 : vector<16xf32> to vector<1x16xf32>
          tpu.vector_store %arg9[%swap3A_187, %swap3A_188], %swap3A_191 {strides = array<i32>} : memref<80x128xf32, #tpu.memory_space<vmem>>, vector<1x16xf32>,
          %get3A_192 = arith.index_cast %mul3A_135 : i32 to index
          %get3A_193 = arith.constant 32 : index
          %get3A_194 = tpu.vector_load %arg9[%get3A_192, %get3A_193] {strides = array<i32>} : memref<80x128xf32, #tpu.memory_space<vmem>>, vector<1x16xf32>,
          %get3A_195 = vector.shape_cast %get3A_194 : vector<1x16xf32> to vector<16xf32>
          %mul3A_196 = arith.mulf %get3A_195, %get3A_138 : vector<16xf32>
          %swap3A_197 = arith.index_cast %mul3A_135 : i32 to index
          %swap3A_198 = arith.constant 32 : index
          %swap3A_199 = tpu.vector_load %arg9[%swap3A_197, %swap3A_198] {strides = array<i32>} : memref<80x128xf32, #tpu.memory_space<vmem>>, vector<1x16xf32>,
          %swap3A_200 = vector.shape_cast %swap3A_199 : vector<1x16xf32> to vector<16xf32>
          %swap3A_201 = vector.shape_cast %mul3A_196 : vector<16xf32> to vector<1x16xf32>
          tpu.vector_store %arg9[%swap3A_197, %swap3A_198], %swap3A_201 {strides = array<i32>} : memref<80x128xf32, #tpu.memory_space<vmem>>, vector<1x16xf32>,
          %add3A_202 = arith.constant 1 : i32
          %add3A_203 = arith.addi %mul3A_135, %add3A_202 : i32
          %get3A_204 = arith.index_cast %add3A_203 : i32 to index
          %get3A_205 = arith.constant 32 : index
          %get3A_206 = tpu.vector_load %arg9[%get3A_204, %get3A_205] {strides = array<i32>} : memref<80x128xf32, #tpu.memory_space<vmem>>, vector<1x16xf32>,
          %get3A_207 = vector.shape_cast %get3A_206 : vector<1x16xf32> to vector<16xf32>
          %mul3A_208 = arith.mulf %get3A_207, %get3A_144 : vector<16xf32>
          %add3A_209 = arith.constant 1 : i32
          %add3A_210 = arith.addi %mul3A_135, %add3A_209 : i32
          %swap3A_211 = arith.index_cast %add3A_210 : i32 to index
          %swap3A_212 = arith.constant 32 : index
          %swap3A_213 = tpu.vector_load %arg9[%swap3A_211, %swap3A_212] {strides = array<i32>} : memref<80x128xf32, #tpu.memory_space<vmem>>, vector<1x16xf32>,
          %swap3A_214 = vector.shape_cast %swap3A_213 : vector<1x16xf32> to vector<16xf32>
          %swap3A_215 = vector.shape_cast %mul3A_208 : vector<16xf32> to vector<1x16xf32>
          tpu.vector_store %arg9[%swap3A_211, %swap3A_212], %swap3A_215 {strides = array<i32>} : memref<80x128xf32, #tpu.memory_space<vmem>>, vector<1x16xf32>,
          %get3A_216 = arith.index_cast %mul3A_135 : i32 to index
          %get3A_217 = arith.constant 48 : index
          %get3A_218 = tpu.vector_load %arg9[%get3A_216, %get3A_217] {strides = array<i32>} : memref<80x128xf32, #tpu.memory_space<vmem>>, vector<1x16xf32>,
          %get3A_219 = vector.shape_cast %get3A_218 : vector<1x16xf32> to vector<16xf32>
          %mul3A_220 = arith.mulf %get3A_219, %get3A_138 : vector<16xf32>
          %swap3A_221 = arith.index_cast %mul3A_135 : i32 to index
          %swap3A_222 = arith.constant 48 : index
          %swap3A_223 = tpu.vector_load %arg9[%swap3A_221, %swap3A_222] {strides = array<i32>} : memref<80x128xf32, #tpu.memory_space<vmem>>, vector<1x16xf32>,
          %swap3A_224 = vector.shape_cast %swap3A_223 : vector<1x16xf32> to vector<16xf32>
          %swap3A_225 = vector.shape_cast %mul3A_220 : vector<16xf32> to vector<1x16xf32>
          tpu.vector_store %arg9[%swap3A_221, %swap3A_222], %swap3A_225 {strides = array<i32>} : memref<80x128xf32, #tpu.memory_space<vmem>>, vector<1x16xf32>,
          %add3A_226 = arith.constant 1 : i32
          %add3A_227 = arith.addi %mul3A_135, %add3A_226 : i32
          %get3A_228 = arith.index_cast %add3A_227 : i32 to index
          %get3A_229 = arith.constant 48 : index
          %get3A_230 = tpu.vector_load %arg9[%get3A_228, %get3A_229] {strides = array<i32>} : memref<80x128xf32, #tpu.memory_space<vmem>>, vector<1x16xf32>,
          %get3A_231 = vector.shape_cast %get3A_230 : vector<1x16xf32> to vector<16xf32>
          %mul3A_232 = arith.mulf %get3A_231, %get3A_144 : vector<16xf32>
          %add3A_233 = arith.constant 1 : i32
          %add3A_234 = arith.addi %mul3A_135, %add3A_233 : i32
          %swap3A_235 = arith.index_cast %add3A_234 : i32 to index
          %swap3A_236 = arith.constant 48 : index
          %swap3A_237 = tpu.vector_load %arg9[%swap3A_235, %swap3A_236] {strides = array<i32>} : memref<80x128xf32, #tpu.memory_space<vmem>>, vector<1x16xf32>,
          %swap3A_238 = vector.shape_cast %swap3A_237 : vector<1x16xf32> to vector<16xf32>
          %swap3A_239 = vector.shape_cast %mul3A_232 : vector<16xf32> to vector<1x16xf32>
          tpu.vector_store %arg9[%swap3A_235, %swap3A_236], %swap3A_239 {strides = array<i32>} : memref<80x128xf32, #tpu.memory_space<vmem>>, vector<1x16xf32>,
          %get3A_240 = arith.index_cast %mul3A_135 : i32 to index
          %get3A_241 = arith.constant 64 : index
          %get3A_242 = tpu.vector_load %arg9[%get3A_240, %get3A_241] {strides = array<i32>} : memref<80x128xf32, #tpu.memory_space<vmem>>, vector<1x16xf32>,
          %get3A_243 = vector.shape_cast %get3A_242 : vector<1x16xf32> to vector<16xf32>
          %mul3A_244 = arith.mulf %get3A_243, %get3A_138 : vector<16xf32>
          %swap3A_245 = arith.index_cast %mul3A_135 : i32 to index
          %swap3A_246 = arith.constant 64 : index
          %swap3A_247 = tpu.vector_load %arg9[%swap3A_245, %swap3A_246] {strides = array<i32>} : memref<80x128xf32, #tpu.memory_space<vmem>>, vector<1x16xf32>,
          %swap3A_248 = vector.shape_cast %swap3A_247 : vector<1x16xf32> to vector<16xf32>
          %swap3A_249 = vector.shape_cast %mul3A_244 : vector<16xf32> to vector<1x16xf32>
          tpu.vector_store %arg9[%swap3A_245, %swap3A_246], %swap3A_249 {strides = array<i32>} : memref<80x128xf32, #tpu.memory_space<vmem>>, vector<1x16xf32>,
          %add3A_250 = arith.constant 1 : i32
          %add3A_251 = arith.addi %mul3A_135, %add3A_250 : i32
          %get3A_252 = arith.index_cast %add3A_251 : i32 to index
          %get3A_253 = arith.constant 64 : index
          %get3A_254 = tpu.vector_load %arg9[%get3A_252, %get3A_253] {strides = array<i32>} : memref<80x128xf32, #tpu.memory_space<vmem>>, vector<1x16xf32>,
          %get3A_255 = vector.shape_cast %get3A_254 : vector<1x16xf32> to vector<16xf32>
          %mul3A_256 = arith.mulf %get3A_255, %get3A_144 : vector<16xf32>
          %add3A_257 = arith.constant 1 : i32
          %add3A_258 = arith.addi %mul3A_135, %add3A_257 : i32
          %swap3A_259 = arith.index_cast %add3A_258 : i32 to index
          %swap3A_260 = arith.constant 64 : index
          %swap3A_261 = tpu.vector_load %arg9[%swap3A_259, %swap3A_260] {strides = array<i32>} : memref<80x128xf32, #tpu.memory_space<vmem>>, vector<1x16xf32>,
          %swap3A_262 = vector.shape_cast %swap3A_261 : vector<1x16xf32> to vector<16xf32>
          %swap3A_263 = vector.shape_cast %mul3A_256 : vector<16xf32> to vector<1x16xf32>
          tpu.vector_store %arg9[%swap3A_259, %swap3A_260], %swap3A_263 {strides = array<i32>} : memref<80x128xf32, #tpu.memory_space<vmem>>, vector<1x16xf32>,
          %get3A_264 = arith.index_cast %mul3A_135 : i32 to index
          %get3A_265 = arith.constant 80 : index
          %get3A_266 = tpu.vector_load %arg9[%get3A_264, %get3A_265] {strides = array<i32>} : memref<80x128xf32, #tpu.memory_space<vmem>>, vector<1x16xf32>,
          %get3A_267 = vector.shape_cast %get3A_266 : vector<1x16xf32> to vector<16xf32>
          %mul3A_268 = arith.mulf %get3A_267, %get3A_138 : vector<16xf32>
          %swap3A_269 = arith.index_cast %mul3A_135 : i32 to index
          %swap3A_270 = arith.constant 80 : index
          %swap3A_271 = tpu.vector_load %arg9[%swap3A_269, %swap3A_270] {strides = array<i32>} : memref<80x128xf32, #tpu.memory_space<vmem>>, vector<1x16xf32>,
          %swap3A_272 = vector.shape_cast %swap3A_271 : vector<1x16xf32> to vector<16xf32>
          %swap3A_273 = vector.shape_cast %mul3A_268 : vector<16xf32> to vector<1x16xf32>
          tpu.vector_store %arg9[%swap3A_269, %swap3A_270], %swap3A_273 {strides = array<i32>} : memref<80x128xf32, #tpu.memory_space<vmem>>, vector<1x16xf32>,
          %add3A_274 = arith.constant 1 : i32
          %add3A_275 = arith.addi %mul3A_135, %add3A_274 : i32
          %get3A_276 = arith.index_cast %add3A_275 : i32 to index
          %get3A_277 = arith.constant 80 : index
          %get3A_278 = tpu.vector_load %arg9[%get3A_276, %get3A_277] {strides = array<i32>} : memref<80x128xf32, #tpu.memory_space<vmem>>, vector<1x16xf32>,
          %get3A_279 = vector.shape_cast %get3A_278 : vector<1x16xf32> to vector<16xf32>
          %mul3A_280 = arith.mulf %get3A_279, %get3A_144 : vector<16xf32>
          %add3A_281 = arith.constant 1 : i32
          %add3A_282 = arith.addi %mul3A_135, %add3A_281 : i32
          %swap3A_283 = arith.index_cast %add3A_282 : i32 to index
          %swap3A_284 = arith.constant 80 : index
          %swap3A_285 = tpu.vector_load %arg9[%swap3A_283, %swap3A_284] {strides = array<i32>} : memref<80x128xf32, #tpu.memory_space<vmem>>, vector<1x16xf32>,
          %swap3A_286 = vector.shape_cast %swap3A_285 : vector<1x16xf32> to vector<16xf32>
          %swap3A_287 = vector.shape_cast %mul3A_280 : vector<16xf32> to vector<1x16xf32>
          tpu.vector_store %arg9[%swap3A_283, %swap3A_284], %swap3A_287 {strides = array<i32>} : memref<80x128xf32, #tpu.memory_space<vmem>>, vector<1x16xf32>,
          %get3A_288 = arith.index_cast %mul3A_135 : i32 to index
          %get3A_289 = arith.constant 96 : index
          %get3A_290 = tpu.vector_load %arg9[%get3A_288, %get3A_289] {strides = array<i32>} : memref<80x128xf32, #tpu.memory_space<vmem>>, vector<1x16xf32>,
          %get3A_291 = vector.shape_cast %get3A_290 : vector<1x16xf32> to vector<16xf32>
          %mul3A_292 = arith.mulf %get3A_291, %get3A_138 : vector<16xf32>
          %swap3A_293 = arith.index_cast %mul3A_135 : i32 to index
          %swap3A_294 = arith.constant 96 : index
          %swap3A_295 = tpu.vector_load %arg9[%swap3A_293, %swap3A_294] {strides = array<i32>} : memref<80x128xf32, #tpu.memory_space<vmem>>, vector<1x16xf32>,
          %swap3A_296 = vector.shape_cast %swap3A_295 : vector<1x16xf32> to vector<16xf32>
          %swap3A_297 = vector.shape_cast %mul3A_292 : vector<16xf32> to vector<1x16xf32>
          tpu.vector_store %arg9[%swap3A_293, %swap3A_294], %swap3A_297 {strides = array<i32>} : memref<80x128xf32, #tpu.memory_space<vmem>>, vector<1x16xf32>,
          %add3A_298 = arith.constant 1 : i32
          %add3A_299 = arith.addi %mul3A_135, %add3A_298 : i32
          %get3A_300 = arith.index_cast %add3A_299 : i32 to index
          %get3A_301 = arith.constant 96 : index
          %get3A_302 = tpu.vector_load %arg9[%get3A_300, %get3A_301] {strides = array<i32>} : memref<80x128xf32, #tpu.memory_space<vmem>>, vector<1x16xf32>,
          %get3A_303 = vector.shape_cast %get3A_302 : vector<1x16xf32> to vector<16xf32>
          %mul3A_304 = arith.mulf %get3A_303, %get3A_144 : vector<16xf32>
          %add3A_305 = arith.constant 1 : i32
          %add3A_306 = arith.addi %mul3A_135, %add3A_305 : i32
          %swap3A_307 = arith.index_cast %add3A_306 : i32 to index
          %swap3A_308 = arith.constant 96 : index
          %swap3A_309 = tpu.vector_load %arg9[%swap3A_307, %swap3A_308] {strides = array<i32>} : memref<80x128xf32, #tpu.memory_space<vmem>>, vector<1x16xf32>,
          %swap3A_310 = vector.shape_cast %swap3A_309 : vector<1x16xf32> to vector<16xf32>
          %swap3A_311 = vector.shape_cast %mul3A_304 : vector<16xf32> to vector<1x16xf32>
          tpu.vector_store %arg9[%swap3A_307, %swap3A_308], %swap3A_311 {strides = array<i32>} : memref<80x128xf32, #tpu.memory_space<vmem>>, vector<1x16xf32>,
          %get3A_312 = arith.index_cast %mul3A_135 : i32 to index
          %get3A_313 = arith.constant 112 : index
          %get3A_314 = tpu.vector_load %arg9[%get3A_312, %get3A_313] {strides = array<i32>} : memref<80x128xf32, #tpu.memory_space<vmem>>, vector<1x16xf32>,
          %get3A_315 = vector.shape_cast %get3A_314 : vector<1x16xf32> to vector<16xf32>
          %mul3A_316 = arith.mulf %get3A_315, %get3A_138 : vector<16xf32>
          %swap3A_317 = arith.index_cast %mul3A_135 : i32 to index
          %swap3A_318 = arith.constant 112 : index
          %swap3A_319 = tpu.vector_load %arg9[%swap3A_317, %swap3A_318] {strides = array<i32>} : memref<80x128xf32, #tpu.memory_space<vmem>>, vector<1x16xf32>,
          %swap3A_320 = vector.shape_cast %swap3A_319 : vector<1x16xf32> to vector<16xf32>
          %swap3A_321 = vector.shape_cast %mul3A_316 : vector<16xf32> to vector<1x16xf32>
          tpu.vector_store %arg9[%swap3A_317, %swap3A_318], %swap3A_321 {strides = array<i32>} : memref<80x128xf32, #tpu.memory_space<vmem>>, vector<1x16xf32>,
          %add3A_322 = arith.constant 1 : i32
          %add3A_323 = arith.addi %mul3A_135, %add3A_322 : i32
          %get3A_324 = arith.index_cast %add3A_323 : i32 to index
          %get3A_325 = arith.constant 112 : index
          %get3A_326 = tpu.vector_load %arg9[%get3A_324, %get3A_325] {strides = array<i32>} : memref<80x128xf32, #tpu.memory_space<vmem>>, vector<1x16xf32>,
          %get3A_327 = vector.shape_cast %get3A_326 : vector<1x16xf32> to vector<16xf32>
          %mul3A_328 = arith.mulf %get3A_327, %get3A_144 : vector<16xf32>
          %add3A_329 = arith.constant 1 : i32
          %add3A_330 = arith.addi %mul3A_135, %add3A_329 : i32
          %swap3A_331 = arith.index_cast %add3A_330 : i32 to index
          %swap3A_332 = arith.constant 112 : index
          %swap3A_333 = tpu.vector_load %arg9[%swap3A_331, %swap3A_332] {strides = array<i32>} : memref<80x128xf32, #tpu.memory_space<vmem>>, vector<1x16xf32>,
          %swap3A_334 = vector.shape_cast %swap3A_333 : vector<1x16xf32> to vector<16xf32>
          %swap3A_335 = vector.shape_cast %mul3A_328 : vector<16xf32> to vector<1x16xf32>
          tpu.vector_store %arg9[%swap3A_331, %swap3A_332], %swap3A_335 {strides = array<i32>} : memref<80x128xf32, #tpu.memory_space<vmem>>, vector<1x16xf32>,
          %scan3A_336 = arith.constant 0 : i32
          scf.yield %scan3A_336 : i32
        }
        %scan3A_107 = arith.constant 40 : i32
        "tpu.region"() ({
          %run_scoped3A = tpu.sem_alloc : memref<!tpu.dma_semaphore, #tpu.memory_space<semaphore_mem>>
          %dma_start3A_132 = arith.constant 0 : i32
          %dma_start3A_133 = tpu.memref_slice %arg14[%mul3A_75, %dma_start3A_132] : memref<8x80xi32, #tpu.memory_space<vmem>> -> memref<1x80xi32, #tpu.memory_space<vmem>>
          %dma_start3A_134 = tpu.memref_squeeze %dma_start3A_133 : memref<1x80xi32, #tpu.memory_space<vmem>> -> memref<80xi32, #tpu.memory_space<vmem>>
          %dma_start3A_135 = arith.constant 0 : i32
          %dma_start3A_136 = arith.constant 0 : i32
          %dma_start3A_137 = tpu.memref_slice %arg8[%dma_start3A_135, %dma_start3A_136] : memref<10240x128xf32, #tpu.memory_space<vmem_shared>> -> memref<10240x128xf32, #tpu.memory_space<vmem_shared>>
          tpu.enqueue_indirect_dma source(%arg9 : memref<80x128xf32, #tpu.memory_space<vmem>>) target(%dma_start3A_137 : memref<10240x128xf32, #tpu.memory_space<vmem_shared>>) offsets(%dma_start3A_134 : memref<80xi32, #tpu.memory_space<vmem>>) semaphore(%run_scoped3A : memref<!tpu.dma_semaphore, #tpu.memory_space<semaphore_mem>>) {add = true}
          %dma_wait3A_138 = arith.constant 0 : i32
          %dma_wait3A_139 = tpu.memref_slice %arg14[%mul3A_75, %dma_wait3A_138] : memref<8x80xi32, #tpu.memory_space<vmem>> -> memref<1x80xi32, #tpu.memory_space<vmem>>
          %dma_wait3A_140 = tpu.memref_squeeze %dma_wait3A_139 : memref<1x80xi32, #tpu.memory_space<vmem>> -> memref<80xi32, #tpu.memory_space<vmem>>
          %dma_wait3A_141 = arith.constant 0 : i32
          %dma_wait3A_142 = arith.constant 0 : i32
          %dma_wait3A_143 = tpu.memref_slice %arg8[%dma_wait3A_141, %dma_wait3A_142] : memref<10240x128xf32, #tpu.memory_space<vmem_shared>> -> memref<10240x128xf32, #tpu.memory_space<vmem_shared>>
          tpu.wait_indirect_dma semaphore(%run_scoped3A : memref<!tpu.dma_semaphore, #tpu.memory_space<semaphore_mem>>) src(%arg9 : memref<80x128xf32, #tpu.memory_space<vmem>>) dst(%dma_wait3A_143 : memref<10240x128xf32, #tpu.memory_space<vmem_shared>>)
          tpu.yield
        }) : () -> ()
        %lt3A = arith.constant 3 : i32
        %lt3A_108 = arith.cmpi slt, %scan3A_72, %lt3A : i32
        %convert_element_type3A = arith.extui %lt3A_108 : i1 to i32
        %cond3A = arith.constant 0 : i32
        %cond3A_109 = arith.cmpi ne, %convert_element_type3A, %cond3A : i32
        scf.if %cond3A_109 {
          %add3A_132 = arith.constant 2 : i32
          %add3A_133 = arith.addi %mul3A_75, %add3A_132 : i32
          %dma_start3A_134 = arith.constant 0 : i32
          %dma_start3A_135 = tpu.memref_slice %arg13[%add3A_133, %dma_start3A_134] : memref<8x80xi32, #tpu.memory_space<vmem>> -> memref<1x80xi32, #tpu.memory_space<vmem>>
          %dma_start3A_136 = tpu.memref_squeeze %dma_start3A_135 : memref<1x80xi32, #tpu.memory_space<vmem>> -> memref<80xi32, #tpu.memory_space<vmem>>
          %dma_start3A_137 = arith.constant 0 : i32
          %dma_start3A_138 = arith.constant 0 : i32
          %dma_start3A_139 = tpu.memref_slice %arg2[%dma_start3A_137, %dma_start3A_138] : memref<80000x128xf32, #tpu.memory_space<hbm>> -> memref<80000x128xf32, #tpu.memory_space<hbm>>
          tpu.enqueue_indirect_dma source(%dma_start3A_139 : memref<80000x128xf32, #tpu.memory_space<hbm>>) target(%arg9 : memref<80x128xf32, #tpu.memory_space<vmem>>) offsets(%dma_start3A_136 : memref<80xi32, #tpu.memory_space<vmem>>) semaphore(%arg17 : memref<!tpu.dma_semaphore, #tpu.memory_space<semaphore_mem>>)
          %dma_start3A_140 = arith.constant 0 : i32
          %dma_start3A_141 = tpu.memref_slice %arg15[%add3A_133, %dma_start3A_140] : memref<8x80xi32, #tpu.memory_space<vmem>> -> memref<1x80xi32, #tpu.memory_space<vmem>>
          %dma_start3A_142 = tpu.memref_squeeze %dma_start3A_141 : memref<1x80xi32, #tpu.memory_space<vmem>> -> memref<80xi32, #tpu.memory_space<vmem>>
          %dma_start3A_143 = arith.constant 0 : i32
          %dma_start3A_144 = arith.constant 0 : i32
          %dma_start3A_145 = tpu.memref_slice %arg6[%dma_start3A_143, %dma_start3A_144] : memref<80000x16xf32, #tpu.memory_space<hbm>> -> memref<80000x16xf32, #tpu.memory_space<hbm>>
          tpu.enqueue_indirect_dma source(%dma_start3A_145 : memref<80000x16xf32, #tpu.memory_space<hbm>>) target(%arg11 : memref<80x16xf32, #tpu.memory_space<vmem>>) offsets(%dma_start3A_142 : memref<80xi32, #tpu.memory_space<vmem>>) semaphore(%arg19 : memref<!tpu.dma_semaphore, #tpu.memory_space<semaphore_mem>>)
        } else {
        }
        %add3A_110 = arith.constant 1 : i32
        %add3A_111 = arith.addi %mul3A_75, %add3A_110 : i32
        %dma_wait3A_112 = arith.constant 0 : i32
        %dma_wait3A_113 = tpu.memref_slice %arg13[%add3A_111, %dma_wait3A_112] : memref<8x80xi32, #tpu.memory_space<vmem>> -> memref<1x80xi32, #tpu.memory_space<vmem>>
        %dma_wait3A_114 = tpu.memref_squeeze %dma_wait3A_113 : memref<1x80xi32, #tpu.memory_space<vmem>> -> memref<80xi32, #tpu.memory_space<vmem>>
        %dma_wait3A_115 = arith.constant 0 : i32
        %dma_wait3A_116 = arith.constant 0 : i32
        %dma_wait3A_117 = tpu.memref_slice %arg2[%dma_wait3A_115, %dma_wait3A_116] : memref<80000x128xf32, #tpu.memory_space<hbm>> -> memref<80000x128xf32, #tpu.memory_space<hbm>>
        tpu.wait_indirect_dma semaphore(%arg18 : memref<!tpu.dma_semaphore, #tpu.memory_space<semaphore_mem>>) src(%dma_wait3A_117 : memref<80000x128xf32, #tpu.memory_space<hbm>>) dst(%arg10 : memref<80x128xf32, #tpu.memory_space<vmem>>)
        %dma_wait3A_118 = arith.constant 0 : i32
        %dma_wait3A_119 = tpu.memref_slice %arg15[%add3A_111, %dma_wait3A_118] : memref<8x80xi32, #tpu.memory_space<vmem>> -> memref<1x80xi32, #tpu.memory_space<vmem>>
        %dma_wait3A_120 = tpu.memref_squeeze %dma_wait3A_119 : memref<1x80xi32, #tpu.memory_space<vmem>> -> memref<80xi32, #tpu.memory_space<vmem>>
        %dma_wait3A_121 = arith.constant 0 : i32
        %dma_wait3A_122 = arith.constant 0 : i32
        %dma_wait3A_123 = tpu.memref_slice %arg6[%dma_wait3A_121, %dma_wait3A_122] : memref<80000x16xf32, #tpu.memory_space<hbm>> -> memref<80000x16xf32, #tpu.memory_space<hbm>>
        tpu.wait_indirect_dma semaphore(%arg20 : memref<!tpu.dma_semaphore, #tpu.memory_space<semaphore_mem>>) src(%dma_wait3A_123 : memref<80000x16xf32, #tpu.memory_space<hbm>>) dst(%arg12 : memref<80x16xf32, #tpu.memory_space<vmem>>)
        %scan3A_124 = arith.constant 0 : i32
        %scan3A_125 = arith.constant 0 : i32
        %scan3A_126 = arith.constant 40 : i32
        %scan3A_127 = arith.addi %scan3A_125, %scan3A_126 : i32
        %scan3A_128 = arith.constant 1 : i32
        %scan3A_129 = scf.for %scan3A_132 = %scan3A_125 to %scan3A_127 step %scan3A_128 iter_args(%scan3A_133 = %scan3A_124) -> (i32)  : i32 {
          %mul3A_134 = arith.constant 2 : i32
          %mul3A_135 = arith.muli %mul3A_134, %scan3A_132 : i32
          %get3A = arith.index_cast %mul3A_135 : i32 to index
          %get3A_136 = arith.constant 0 : index
          %get3A_137 = tpu.vector_load %arg12[%get3A, %get3A_136] {strides = array<i32>} : memref<80x16xf32, #tpu.memory_space<vmem>>, vector<1x16xf32>,
          %get3A_138 = vector.shape_cast %get3A_137 : vector<1x16xf32> to vector<16xf32>
          %add3A_139 = arith.constant 1 : i32
          %add3A_140 = arith.addi %mul3A_135, %add3A_139 : i32
          %get3A_141 = arith.index_cast %add3A_140 : i32 to index
          %get3A_142 = arith.constant 0 : index
          %get3A_143 = tpu.vector_load %arg12[%get3A_141, %get3A_142] {strides = array<i32>} : memref<80x16xf32, #tpu.memory_space<vmem>>, vector<1x16xf32>,
          %get3A_144 = vector.shape_cast %get3A_143 : vector<1x16xf32> to vector<16xf32>
          %get3A_145 = arith.index_cast %mul3A_135 : i32 to index
          %get3A_146 = arith.constant 0 : index
          %get3A_147 = tpu.vector_load %arg10[%get3A_145, %get3A_146] {strides = array<i32>} : memref<80x128xf32, #tpu.memory_space<vmem>>, vector<1x16xf32>,
          %get3A_148 = vector.shape_cast %get3A_147 : vector<1x16xf32> to vector<16xf32>
          %mul3A_149 = arith.mulf %get3A_148, %get3A_138 : vector<16xf32>
          %swap3A = arith.index_cast %mul3A_135 : i32 to index
          %swap3A_150 = arith.constant 0 : index
          %swap3A_151 = tpu.vector_load %arg10[%swap3A, %swap3A_150] {strides = array<i32>} : memref<80x128xf32, #tpu.memory_space<vmem>>, vector<1x16xf32>,
          %swap3A_152 = vector.shape_cast %swap3A_151 : vector<1x16xf32> to vector<16xf32>
          %swap3A_153 = vector.shape_cast %mul3A_149 : vector<16xf32> to vector<1x16xf32>
          tpu.vector_store %arg10[%swap3A, %swap3A_150], %swap3A_153 {strides = array<i32>} : memref<80x128xf32, #tpu.memory_space<vmem>>, vector<1x16xf32>,
          %add3A_154 = arith.constant 1 : i32
          %add3A_155 = arith.addi %mul3A_135, %add3A_154 : i32
          %get3A_156 = arith.index_cast %add3A_155 : i32 to index
          %get3A_157 = arith.constant 0 : index
          %get3A_158 = tpu.vector_load %arg10[%get3A_156, %get3A_157] {strides = array<i32>} : memref<80x128xf32, #tpu.memory_space<vmem>>, vector<1x16xf32>,
          %get3A_159 = vector.shape_cast %get3A_158 : vector<1x16xf32> to vector<16xf32>
          %mul3A_160 = arith.mulf %get3A_159, %get3A_144 : vector<16xf32>
          %add3A_161 = arith.constant 1 : i32
          %add3A_162 = arith.addi %mul3A_135, %add3A_161 : i32
          %swap3A_163 = arith.index_cast %add3A_162 : i32 to index
          %swap3A_164 = arith.constant 0 : index
          %swap3A_165 = tpu.vector_load %arg10[%swap3A_163, %swap3A_164] {strides = array<i32>} : memref<80x128xf32, #tpu.memory_space<vmem>>, vector<1x16xf32>,
          %swap3A_166 = vector.shape_cast %swap3A_165 : vector<1x16xf32> to vector<16xf32>
          %swap3A_167 = vector.shape_cast %mul3A_160 : vector<16xf32> to vector<1x16xf32>
          tpu.vector_store %arg10[%swap3A_163, %swap3A_164], %swap3A_167 {strides = array<i32>} : memref<80x128xf32, #tpu.memory_space<vmem>>, vector<1x16xf32>,
          %get3A_168 = arith.index_cast %mul3A_135 : i32 to index
          %get3A_169 = arith.constant 16 : index
          %get3A_170 = tpu.vector_load %arg10[%get3A_168, %get3A_169] {strides = array<i32>} : memref<80x128xf32, #tpu.memory_space<vmem>>, vector<1x16xf32>,
          %get3A_171 = vector.shape_cast %get3A_170 : vector<1x16xf32> to vector<16xf32>
          %mul3A_172 = arith.mulf %get3A_171, %get3A_138 : vector<16xf32>
          %swap3A_173 = arith.index_cast %mul3A_135 : i32 to index
          %swap3A_174 = arith.constant 16 : index
          %swap3A_175 = tpu.vector_load %arg10[%swap3A_173, %swap3A_174] {strides = array<i32>} : memref<80x128xf32, #tpu.memory_space<vmem>>, vector<1x16xf32>,
          %swap3A_176 = vector.shape_cast %swap3A_175 : vector<1x16xf32> to vector<16xf32>
          %swap3A_177 = vector.shape_cast %mul3A_172 : vector<16xf32> to vector<1x16xf32>
          tpu.vector_store %arg10[%swap3A_173, %swap3A_174], %swap3A_177 {strides = array<i32>} : memref<80x128xf32, #tpu.memory_space<vmem>>, vector<1x16xf32>,
          %add3A_178 = arith.constant 1 : i32
          %add3A_179 = arith.addi %mul3A_135, %add3A_178 : i32
          %get3A_180 = arith.index_cast %add3A_179 : i32 to index
          %get3A_181 = arith.constant 16 : index
          %get3A_182 = tpu.vector_load %arg10[%get3A_180, %get3A_181] {strides = array<i32>} : memref<80x128xf32, #tpu.memory_space<vmem>>, vector<1x16xf32>,
          %get3A_183 = vector.shape_cast %get3A_182 : vector<1x16xf32> to vector<16xf32>
          %mul3A_184 = arith.mulf %get3A_183, %get3A_144 : vector<16xf32>
          %add3A_185 = arith.constant 1 : i32
          %add3A_186 = arith.addi %mul3A_135, %add3A_185 : i32
          %swap3A_187 = arith.index_cast %add3A_186 : i32 to index
          %swap3A_188 = arith.constant 16 : index
          %swap3A_189 = tpu.vector_load %arg10[%swap3A_187, %swap3A_188] {strides = array<i32>} : memref<80x128xf32, #tpu.memory_space<vmem>>, vector<1x16xf32>,
          %swap3A_190 = vector.shape_cast %swap3A_189 : vector<1x16xf32> to vector<16xf32>
          %swap3A_191 = vector.shape_cast %mul3A_184 : vector<16xf32> to vector<1x16xf32>
          tpu.vector_store %arg10[%swap3A_187, %swap3A_188], %swap3A_191 {strides = array<i32>} : memref<80x128xf32, #tpu.memory_space<vmem>>, vector<1x16xf32>,
          %get3A_192 = arith.index_cast %mul3A_135 : i32 to index
          %get3A_193 = arith.constant 32 : index
          %get3A_194 = tpu.vector_load %arg10[%get3A_192, %get3A_193] {strides = array<i32>} : memref<80x128xf32, #tpu.memory_space<vmem>>, vector<1x16xf32>,
          %get3A_195 = vector.shape_cast %get3A_194 : vector<1x16xf32> to vector<16xf32>
          %mul3A_196 = arith.mulf %get3A_195, %get3A_138 : vector<16xf32>
          %swap3A_197 = arith.index_cast %mul3A_135 : i32 to index
          %swap3A_198 = arith.constant 32 : index
          %swap3A_199 = tpu.vector_load %arg10[%swap3A_197, %swap3A_198] {strides = array<i32>} : memref<80x128xf32, #tpu.memory_space<vmem>>, vector<1x16xf32>,
          %swap3A_200 = vector.shape_cast %swap3A_199 : vector<1x16xf32> to vector<16xf32>
          %swap3A_201 = vector.shape_cast %mul3A_196 : vector<16xf32> to vector<1x16xf32>
          tpu.vector_store %arg10[%swap3A_197, %swap3A_198], %swap3A_201 {strides = array<i32>} : memref<80x128xf32, #tpu.memory_space<vmem>>, vector<1x16xf32>,
          %add3A_202 = arith.constant 1 : i32
          %add3A_203 = arith.addi %mul3A_135, %add3A_202 : i32
          %get3A_204 = arith.index_cast %add3A_203 : i32 to index
          %get3A_205 = arith.constant 32 : index
          %get3A_206 = tpu.vector_load %arg10[%get3A_204, %get3A_205] {strides = array<i32>} : memref<80x128xf32, #tpu.memory_space<vmem>>, vector<1x16xf32>,
          %get3A_207 = vector.shape_cast %get3A_206 : vector<1x16xf32> to vector<16xf32>
          %mul3A_208 = arith.mulf %get3A_207, %get3A_144 : vector<16xf32>
          %add3A_209 = arith.constant 1 : i32
          %add3A_210 = arith.addi %mul3A_135, %add3A_209 : i32
          %swap3A_211 = arith.index_cast %add3A_210 : i32 to index
          %swap3A_212 = arith.constant 32 : index
          %swap3A_213 = tpu.vector_load %arg10[%swap3A_211, %swap3A_212] {strides = array<i32>} : memref<80x128xf32, #tpu.memory_space<vmem>>, vector<1x16xf32>,
          %swap3A_214 = vector.shape_cast %swap3A_213 : vector<1x16xf32> to vector<16xf32>
          %swap3A_215 = vector.shape_cast %mul3A_208 : vector<16xf32> to vector<1x16xf32>
          tpu.vector_store %arg10[%swap3A_211, %swap3A_212], %swap3A_215 {strides = array<i32>} : memref<80x128xf32, #tpu.memory_space<vmem>>, vector<1x16xf32>,
          %get3A_216 = arith.index_cast %mul3A_135 : i32 to index
          %get3A_217 = arith.constant 48 : index
          %get3A_218 = tpu.vector_load %arg10[%get3A_216, %get3A_217] {strides = array<i32>} : memref<80x128xf32, #tpu.memory_space<vmem>>, vector<1x16xf32>,
          %get3A_219 = vector.shape_cast %get3A_218 : vector<1x16xf32> to vector<16xf32>
          %mul3A_220 = arith.mulf %get3A_219, %get3A_138 : vector<16xf32>
          %swap3A_221 = arith.index_cast %mul3A_135 : i32 to index
          %swap3A_222 = arith.constant 48 : index
          %swap3A_223 = tpu.vector_load %arg10[%swap3A_221, %swap3A_222] {strides = array<i32>} : memref<80x128xf32, #tpu.memory_space<vmem>>, vector<1x16xf32>,
          %swap3A_224 = vector.shape_cast %swap3A_223 : vector<1x16xf32> to vector<16xf32>
          %swap3A_225 = vector.shape_cast %mul3A_220 : vector<16xf32> to vector<1x16xf32>
          tpu.vector_store %arg10[%swap3A_221, %swap3A_222], %swap3A_225 {strides = array<i32>} : memref<80x128xf32, #tpu.memory_space<vmem>>, vector<1x16xf32>,
          %add3A_226 = arith.constant 1 : i32
          %add3A_227 = arith.addi %mul3A_135, %add3A_226 : i32
          %get3A_228 = arith.index_cast %add3A_227 : i32 to index
          %get3A_229 = arith.constant 48 : index
          %get3A_230 = tpu.vector_load %arg10[%get3A_228, %get3A_229] {strides = array<i32>} : memref<80x128xf32, #tpu.memory_space<vmem>>, vector<1x16xf32>,
          %get3A_231 = vector.shape_cast %get3A_230 : vector<1x16xf32> to vector<16xf32>
          %mul3A_232 = arith.mulf %get3A_231, %get3A_144 : vector<16xf32>
          %add3A_233 = arith.constant 1 : i32
          %add3A_234 = arith.addi %mul3A_135, %add3A_233 : i32
          %swap3A_235 = arith.index_cast %add3A_234 : i32 to index
          %swap3A_236 = arith.constant 48 : index
          %swap3A_237 = tpu.vector_load %arg10[%swap3A_235, %swap3A_236] {strides = array<i32>} : memref<80x128xf32, #tpu.memory_space<vmem>>, vector<1x16xf32>,
          %swap3A_238 = vector.shape_cast %swap3A_237 : vector<1x16xf32> to vector<16xf32>
          %swap3A_239 = vector.shape_cast %mul3A_232 : vector<16xf32> to vector<1x16xf32>
          tpu.vector_store %arg10[%swap3A_235, %swap3A_236], %swap3A_239 {strides = array<i32>} : memref<80x128xf32, #tpu.memory_space<vmem>>, vector<1x16xf32>,
          %get3A_240 = arith.index_cast %mul3A_135 : i32 to index
          %get3A_241 = arith.constant 64 : index
          %get3A_242 = tpu.vector_load %arg10[%get3A_240, %get3A_241] {strides = array<i32>} : memref<80x128xf32, #tpu.memory_space<vmem>>, vector<1x16xf32>,
          %get3A_243 = vector.shape_cast %get3A_242 : vector<1x16xf32> to vector<16xf32>
          %mul3A_244 = arith.mulf %get3A_243, %get3A_138 : vector<16xf32>
          %swap3A_245 = arith.index_cast %mul3A_135 : i32 to index
          %swap3A_246 = arith.constant 64 : index
          %swap3A_247 = tpu.vector_load %arg10[%swap3A_245, %swap3A_246] {strides = array<i32>} : memref<80x128xf32, #tpu.memory_space<vmem>>, vector<1x16xf32>,
          %swap3A_248 = vector.shape_cast %swap3A_247 : vector<1x16xf32> to vector<16xf32>
          %swap3A_249 = vector.shape_cast %mul3A_244 : vector<16xf32> to vector<1x16xf32>
          tpu.vector_store %arg10[%swap3A_245, %swap3A_246], %swap3A_249 {strides = array<i32>} : memref<80x128xf32, #tpu.memory_space<vmem>>, vector<1x16xf32>,
          %add3A_250 = arith.constant 1 : i32
          %add3A_251 = arith.addi %mul3A_135, %add3A_250 : i32
          %get3A_252 = arith.index_cast %add3A_251 : i32 to index
          %get3A_253 = arith.constant 64 : index
          %get3A_254 = tpu.vector_load %arg10[%get3A_252, %get3A_253] {strides = array<i32>} : memref<80x128xf32, #tpu.memory_space<vmem>>, vector<1x16xf32>,
          %get3A_255 = vector.shape_cast %get3A_254 : vector<1x16xf32> to vector<16xf32>
          %mul3A_256 = arith.mulf %get3A_255, %get3A_144 : vector<16xf32>
          %add3A_257 = arith.constant 1 : i32
          %add3A_258 = arith.addi %mul3A_135, %add3A_257 : i32
          %swap3A_259 = arith.index_cast %add3A_258 : i32 to index
          %swap3A_260 = arith.constant 64 : index
          %swap3A_261 = tpu.vector_load %arg10[%swap3A_259, %swap3A_260] {strides = array<i32>} : memref<80x128xf32, #tpu.memory_space<vmem>>, vector<1x16xf32>,
          %swap3A_262 = vector.shape_cast %swap3A_261 : vector<1x16xf32> to vector<16xf32>
          %swap3A_263 = vector.shape_cast %mul3A_256 : vector<16xf32> to vector<1x16xf32>
          tpu.vector_store %arg10[%swap3A_259, %swap3A_260], %swap3A_263 {strides = array<i32>} : memref<80x128xf32, #tpu.memory_space<vmem>>, vector<1x16xf32>,
          %get3A_264 = arith.index_cast %mul3A_135 : i32 to index
          %get3A_265 = arith.constant 80 : index
          %get3A_266 = tpu.vector_load %arg10[%get3A_264, %get3A_265] {strides = array<i32>} : memref<80x128xf32, #tpu.memory_space<vmem>>, vector<1x16xf32>,
          %get3A_267 = vector.shape_cast %get3A_266 : vector<1x16xf32> to vector<16xf32>
          %mul3A_268 = arith.mulf %get3A_267, %get3A_138 : vector<16xf32>
          %swap3A_269 = arith.index_cast %mul3A_135 : i32 to index
          %swap3A_270 = arith.constant 80 : index
          %swap3A_271 = tpu.vector_load %arg10[%swap3A_269, %swap3A_270] {strides = array<i32>} : memref<80x128xf32, #tpu.memory_space<vmem>>, vector<1x16xf32>,
          %swap3A_272 = vector.shape_cast %swap3A_271 : vector<1x16xf32> to vector<16xf32>
          %swap3A_273 = vector.shape_cast %mul3A_268 : vector<16xf32> to vector<1x16xf32>
          tpu.vector_store %arg10[%swap3A_269, %swap3A_270], %swap3A_273 {strides = array<i32>} : memref<80x128xf32, #tpu.memory_space<vmem>>, vector<1x16xf32>,
          %add3A_274 = arith.constant 1 : i32
          %add3A_275 = arith.addi %mul3A_135, %add3A_274 : i32
          %get3A_276 = arith.index_cast %add3A_275 : i32 to index
          %get3A_277 = arith.constant 80 : index
          %get3A_278 = tpu.vector_load %arg10[%get3A_276, %get3A_277] {strides = array<i32>} : memref<80x128xf32, #tpu.memory_space<vmem>>, vector<1x16xf32>,
          %get3A_279 = vector.shape_cast %get3A_278 : vector<1x16xf32> to vector<16xf32>
          %mul3A_280 = arith.mulf %get3A_279, %get3A_144 : vector<16xf32>
          %add3A_281 = arith.constant 1 : i32
          %add3A_282 = arith.addi %mul3A_135, %add3A_281 : i32
          %swap3A_283 = arith.index_cast %add3A_282 : i32 to index
          %swap3A_284 = arith.constant 80 : index
          %swap3A_285 = tpu.vector_load %arg10[%swap3A_283, %swap3A_284] {strides = array<i32>} : memref<80x128xf32, #tpu.memory_space<vmem>>, vector<1x16xf32>,
          %swap3A_286 = vector.shape_cast %swap3A_285 : vector<1x16xf32> to vector<16xf32>
          %swap3A_287 = vector.shape_cast %mul3A_280 : vector<16xf32> to vector<1x16xf32>
          tpu.vector_store %arg10[%swap3A_283, %swap3A_284], %swap3A_287 {strides = array<i32>} : memref<80x128xf32, #tpu.memory_space<vmem>>, vector<1x16xf32>,
          %get3A_288 = arith.index_cast %mul3A_135 : i32 to index
          %get3A_289 = arith.constant 96 : index
          %get3A_290 = tpu.vector_load %arg10[%get3A_288, %get3A_289] {strides = array<i32>} : memref<80x128xf32, #tpu.memory_space<vmem>>, vector<1x16xf32>,
          %get3A_291 = vector.shape_cast %get3A_290 : vector<1x16xf32> to vector<16xf32>
          %mul3A_292 = arith.mulf %get3A_291, %get3A_138 : vector<16xf32>
          %swap3A_293 = arith.index_cast %mul3A_135 : i32 to index
          %swap3A_294 = arith.constant 96 : index
          %swap3A_295 = tpu.vector_load %arg10[%swap3A_293, %swap3A_294] {strides = array<i32>} : memref<80x128xf32, #tpu.memory_space<vmem>>, vector<1x16xf32>,
          %swap3A_296 = vector.shape_cast %swap3A_295 : vector<1x16xf32> to vector<16xf32>
          %swap3A_297 = vector.shape_cast %mul3A_292 : vector<16xf32> to vector<1x16xf32>
          tpu.vector_store %arg10[%swap3A_293, %swap3A_294], %swap3A_297 {strides = array<i32>} : memref<80x128xf32, #tpu.memory_space<vmem>>, vector<1x16xf32>,
          %add3A_298 = arith.constant 1 : i32
          %add3A_299 = arith.addi %mul3A_135, %add3A_298 : i32
          %get3A_300 = arith.index_cast %add3A_299 : i32 to index
          %get3A_301 = arith.constant 96 : index
          %get3A_302 = tpu.vector_load %arg10[%get3A_300, %get3A_301] {strides = array<i32>} : memref<80x128xf32, #tpu.memory_space<vmem>>, vector<1x16xf32>,
          %get3A_303 = vector.shape_cast %get3A_302 : vector<1x16xf32> to vector<16xf32>
          %mul3A_304 = arith.mulf %get3A_303, %get3A_144 : vector<16xf32>
          %add3A_305 = arith.constant 1 : i32
          %add3A_306 = arith.addi %mul3A_135, %add3A_305 : i32
          %swap3A_307 = arith.index_cast %add3A_306 : i32 to index
          %swap3A_308 = arith.constant 96 : index
          %swap3A_309 = tpu.vector_load %arg10[%swap3A_307, %swap3A_308] {strides = array<i32>} : memref<80x128xf32, #tpu.memory_space<vmem>>, vector<1x16xf32>,
          %swap3A_310 = vector.shape_cast %swap3A_309 : vector<1x16xf32> to vector<16xf32>
          %swap3A_311 = vector.shape_cast %mul3A_304 : vector<16xf32> to vector<1x16xf32>
          tpu.vector_store %arg10[%swap3A_307, %swap3A_308], %swap3A_311 {strides = array<i32>} : memref<80x128xf32, #tpu.memory_space<vmem>>, vector<1x16xf32>,
          %get3A_312 = arith.index_cast %mul3A_135 : i32 to index
          %get3A_313 = arith.constant 112 : index
          %get3A_314 = tpu.vector_load %arg10[%get3A_312, %get3A_313] {strides = array<i32>} : memref<80x128xf32, #tpu.memory_space<vmem>>, vector<1x16xf32>,
          %get3A_315 = vector.shape_cast %get3A_314 : vector<1x16xf32> to vector<16xf32>
          %mul3A_316 = arith.mulf %get3A_315, %get3A_138 : vector<16xf32>
          %swap3A_317 = arith.index_cast %mul3A_135 : i32 to index
          %swap3A_318 = arith.constant 112 : index
          %swap3A_319 = tpu.vector_load %arg10[%swap3A_317, %swap3A_318] {strides = array<i32>} : memref<80x128xf32, #tpu.memory_space<vmem>>, vector<1x16xf32>,
          %swap3A_320 = vector.shape_cast %swap3A_319 : vector<1x16xf32> to vector<16xf32>
          %swap3A_321 = vector.shape_cast %mul3A_316 : vector<16xf32> to vector<1x16xf32>
          tpu.vector_store %arg10[%swap3A_317, %swap3A_318], %swap3A_321 {strides = array<i32>} : memref<80x128xf32, #tpu.memory_space<vmem>>, vector<1x16xf32>,
          %add3A_322 = arith.constant 1 : i32
          %add3A_323 = arith.addi %mul3A_135, %add3A_322 : i32
          %get3A_324 = arith.index_cast %add3A_323 : i32 to index
          %get3A_325 = arith.constant 112 : index
          %get3A_326 = tpu.vector_load %arg10[%get3A_324, %get3A_325] {strides = array<i32>} : memref<80x128xf32, #tpu.memory_space<vmem>>, vector<1x16xf32>,
          %get3A_327 = vector.shape_cast %get3A_326 : vector<1x16xf32> to vector<16xf32>
          %mul3A_328 = arith.mulf %get3A_327, %get3A_144 : vector<16xf32>
          %add3A_329 = arith.constant 1 : i32
          %add3A_330 = arith.addi %mul3A_135, %add3A_329 : i32
          %swap3A_331 = arith.index_cast %add3A_330 : i32 to index
          %swap3A_332 = arith.constant 112 : index
          %swap3A_333 = tpu.vector_load %arg10[%swap3A_331, %swap3A_332] {strides = array<i32>} : memref<80x128xf32, #tpu.memory_space<vmem>>, vector<1x16xf32>,
          %swap3A_334 = vector.shape_cast %swap3A_333 : vector<1x16xf32> to vector<16xf32>
          %swap3A_335 = vector.shape_cast %mul3A_328 : vector<16xf32> to vector<1x16xf32>
          tpu.vector_store %arg10[%swap3A_331, %swap3A_332], %swap3A_335 {strides = array<i32>} : memref<80x128xf32, #tpu.memory_space<vmem>>, vector<1x16xf32>,
          %scan3A_336 = arith.constant 0 : i32
          scf.yield %scan3A_336 : i32
        }
        %scan3A_130 = arith.constant 40 : i32
        "tpu.region"() ({
          %run_scoped3A = tpu.sem_alloc : memref<!tpu.dma_semaphore, #tpu.memory_space<semaphore_mem>>
          %dma_start3A_132 = arith.constant 0 : i32
          %dma_start3A_133 = tpu.memref_slice %arg14[%add3A_111, %dma_start3A_132] : memref<8x80xi32, #tpu.memory_space<vmem>> -> memref<1x80xi32, #tpu.memory_space<vmem>>
          %dma_start3A_134 = tpu.memref_squeeze %dma_start3A_133 : memref<1x80xi32, #tpu.memory_space<vmem>> -> memref<80xi32, #tpu.memory_space<vmem>>
          %dma_start3A_135 = arith.constant 0 : i32
          %dma_start3A_136 = arith.constant 0 : i32
          %dma_start3A_137 = tpu.memref_slice %arg8[%dma_start3A_135, %dma_start3A_136] : memref<10240x128xf32, #tpu.memory_space<vmem_shared>> -> memref<10240x128xf32, #tpu.memory_space<vmem_shared>>
          tpu.enqueue_indirect_dma source(%arg10 : memref<80x128xf32, #tpu.memory_space<vmem>>) target(%dma_start3A_137 : memref<10240x128xf32, #tpu.memory_space<vmem_shared>>) offsets(%dma_start3A_134 : memref<80xi32, #tpu.memory_space<vmem>>) semaphore(%run_scoped3A : memref<!tpu.dma_semaphore, #tpu.memory_space<semaphore_mem>>) {add = true}
          %dma_wait3A_138 = arith.constant 0 : i32
          %dma_wait3A_139 = tpu.memref_slice %arg14[%add3A_111, %dma_wait3A_138] : memref<8x80xi32, #tpu.memory_space<vmem>> -> memref<1x80xi32, #tpu.memory_space<vmem>>
          %dma_wait3A_140 = tpu.memref_squeeze %dma_wait3A_139 : memref<1x80xi32, #tpu.memory_space<vmem>> -> memref<80xi32, #tpu.memory_space<vmem>>
          %dma_wait3A_141 = arith.constant 0 : i32
          %dma_wait3A_142 = arith.constant 0 : i32
          %dma_wait3A_143 = tpu.memref_slice %arg8[%dma_wait3A_141, %dma_wait3A_142] : memref<10240x128xf32, #tpu.memory_space<vmem_shared>> -> memref<10240x128xf32, #tpu.memory_space<vmem_shared>>
          tpu.wait_indirect_dma semaphore(%run_scoped3A : memref<!tpu.dma_semaphore, #tpu.memory_space<semaphore_mem>>) src(%arg10 : memref<80x128xf32, #tpu.memory_space<vmem>>) dst(%dma_wait3A_143 : memref<10240x128xf32, #tpu.memory_space<vmem_shared>>)
          tpu.yield
        }) : () -> ()
        %scan3A_131 = arith.constant 0 : i32
        scf.yield %scan3A_131 : i32
      }
      %scan3A_70 = arith.constant 4 : i32
      %while3A_71 = arith.constant 0 : i32
      scf.yield %while3A_71 : i32
    }
    %while3A_35 = arith.constant 1 : i32
    %while3A_36 = scf.for %while3A_45 = %while3A_32 to %while3A_28 step %while3A_35 iter_args(%while3A_46 = %while3A_34) -> (i32)  : i32 {
      %mul3A_47 = arith.constant 8 : i32
      %mul3A_48 = arith.muli %while3A_45, %mul3A_47 : i32
      %add3A_49 = arith.addi %multiple_of3A, %mul3A_48 : i32
      %multiple_of3A_50 = tpu.assume_multiple %add3A_49, 8 : i32
      "tpu.region"() ({
        %run_scoped3A = tpu.sem_alloc : memref<!tpu.dma_semaphore, #tpu.memory_space<semaphore_mem>>
        %dma_start3A_72 = arith.constant 0 : i32
        %dma_start3A_73 = tpu.memref_slice %arg3[%multiple_of3A_50, %dma_start3A_72] : memref<4000x80xi32, #tpu.memory_space<hbm>> -> memref<8x80xi32, #tpu.memory_space<hbm>>
        %dma_start3A_74 = arith.constant 0 : i32
        %dma_start3A_75 = tpu.memref_slice %arg3[%multiple_of3A_50, %dma_start3A_74] : memref<4000x80xi32, #tpu.memory_space<hbm>> -> memref<8x80xi32, #tpu.memory_space<hbm>>
        tpu.enqueue_dma source(%dma_start3A_75 : memref<8x80xi32, #tpu.memory_space<hbm>>) target(%arg13 : memref<8x80xi32, #tpu.memory_space<vmem>>) target_semaphore(%run_scoped3A : memref<!tpu.dma_semaphore, #tpu.memory_space<semaphore_mem>>)
        %dma_wait3A = arith.constant 0 : i32
        %dma_wait3A_76 = tpu.memref_slice %arg3[%multiple_of3A_50, %dma_wait3A] : memref<4000x80xi32, #tpu.memory_space<hbm>> -> memref<8x80xi32, #tpu.memory_space<hbm>>
        %dma_wait3A_77 = arith.constant 0 : i32
        %dma_wait3A_78 = tpu.memref_slice %arg3[%multiple_of3A_50, %dma_wait3A_77] : memref<4000x80xi32, #tpu.memory_space<hbm>> -> memref<8x80xi32, #tpu.memory_space<hbm>>
        tpu.wait_dma2 semaphore(%run_scoped3A : memref<!tpu.dma_semaphore, #tpu.memory_space<semaphore_mem>>) src(%dma_wait3A_78 : memref<8x80xi32, #tpu.memory_space<hbm>>) dst(%arg13 : memref<8x80xi32, #tpu.memory_space<vmem>>)
        tpu.yield
      }) : () -> ()
      "tpu.region"() ({
        %run_scoped3A = tpu.sem_alloc : memref<!tpu.dma_semaphore, #tpu.memory_space<semaphore_mem>>
        %dma_start3A_72 = arith.constant 0 : i32
        %dma_start3A_73 = tpu.memref_slice %arg4[%multiple_of3A_50, %dma_start3A_72] : memref<4000x80xi32, #tpu.memory_space<hbm>> -> memref<8x80xi32, #tpu.memory_space<hbm>>
        %dma_start3A_74 = arith.constant 0 : i32
        %dma_start3A_75 = tpu.memref_slice %arg4[%multiple_of3A_50, %dma_start3A_74] : memref<4000x80xi32, #tpu.memory_space<hbm>> -> memref<8x80xi32, #tpu.memory_space<hbm>>
        tpu.enqueue_dma source(%dma_start3A_75 : memref<8x80xi32, #tpu.memory_space<hbm>>) target(%arg14 : memref<8x80xi32, #tpu.memory_space<vmem>>) target_semaphore(%run_scoped3A : memref<!tpu.dma_semaphore, #tpu.memory_space<semaphore_mem>>)
        %dma_wait3A = arith.constant 0 : i32
        %dma_wait3A_76 = tpu.memref_slice %arg4[%multiple_of3A_50, %dma_wait3A] : memref<4000x80xi32, #tpu.memory_space<hbm>> -> memref<8x80xi32, #tpu.memory_space<hbm>>
        %dma_wait3A_77 = arith.constant 0 : i32
        %dma_wait3A_78 = tpu.memref_slice %arg4[%multiple_of3A_50, %dma_wait3A_77] : memref<4000x80xi32, #tpu.memory_space<hbm>> -> memref<8x80xi32, #tpu.memory_space<hbm>>
        tpu.wait_dma2 semaphore(%run_scoped3A : memref<!tpu.dma_semaphore, #tpu.memory_space<semaphore_mem>>) src(%dma_wait3A_78 : memref<8x80xi32, #tpu.memory_space<hbm>>) dst(%arg14 : memref<8x80xi32, #tpu.memory_space<vmem>>)
        tpu.yield
      }) : () -> ()
      "tpu.region"() ({
        %run_scoped3A = tpu.sem_alloc : memref<!tpu.dma_semaphore, #tpu.memory_space<semaphore_mem>>
        %dma_start3A_72 = arith.constant 0 : i32
        %dma_start3A_73 = tpu.memref_slice %arg5[%multiple_of3A_50, %dma_start3A_72] : memref<4000x80xi32, #tpu.memory_space<hbm>> -> memref<8x80xi32, #tpu.memory_space<hbm>>
        %dma_start3A_74 = arith.constant 0 : i32
        %dma_start3A_75 = tpu.memref_slice %arg5[%multiple_of3A_50, %dma_start3A_74] : memref<4000x80xi32, #tpu.memory_space<hbm>> -> memref<8x80xi32, #tpu.memory_space<hbm>>
        tpu.enqueue_dma source(%dma_start3A_75 : memref<8x80xi32, #tpu.memory_space<hbm>>) target(%arg15 : memref<8x80xi32, #tpu.memory_space<vmem>>) target_semaphore(%run_scoped3A : memref<!tpu.dma_semaphore, #tpu.memory_space<semaphore_mem>>)
        %dma_wait3A = arith.constant 0 : i32
        %dma_wait3A_76 = tpu.memref_slice %arg5[%multiple_of3A_50, %dma_wait3A] : memref<4000x80xi32, #tpu.memory_space<hbm>> -> memref<8x80xi32, #tpu.memory_space<hbm>>
        %dma_wait3A_77 = arith.constant 0 : i32
        %dma_wait3A_78 = tpu.memref_slice %arg5[%multiple_of3A_50, %dma_wait3A_77] : memref<4000x80xi32, #tpu.memory_space<hbm>> -> memref<8x80xi32, #tpu.memory_space<hbm>>
        tpu.wait_dma2 semaphore(%run_scoped3A : memref<!tpu.dma_semaphore, #tpu.memory_space<semaphore_mem>>) src(%dma_wait3A_78 : memref<8x80xi32, #tpu.memory_space<hbm>>) dst(%arg15 : memref<8x80xi32, #tpu.memory_space<vmem>>)
        tpu.yield
      }) : () -> ()
      %dma_start3A = arith.constant 0 : i32
      %dma_start3A_51 = arith.constant 0 : i32
      %dma_start3A_52 = tpu.memref_slice %arg13[%dma_start3A, %dma_start3A_51] : memref<8x80xi32, #tpu.memory_space<vmem>> -> memref<1x80xi32, #tpu.memory_space<vmem>>
      %dma_start3A_53 = tpu.memref_squeeze %dma_start3A_52 : memref<1x80xi32, #tpu.memory_space<vmem>> -> memref<80xi32, #tpu.memory_space<vmem>>
      %dma_start3A_54 = arith.constant 0 : i32
      %dma_start3A_55 = arith.constant 0 : i32
      %dma_start3A_56 = tpu.memref_slice %arg2[%dma_start3A_54, %dma_start3A_55] : memref<80000x128xf32, #tpu.memory_space<hbm>> -> memref<80000x128xf32, #tpu.memory_space<hbm>>
      tpu.enqueue_indirect_dma source(%dma_start3A_56 : memref<80000x128xf32, #tpu.memory_space<hbm>>) target(%arg9 : memref<80x128xf32, #tpu.memory_space<vmem>>) offsets(%dma_start3A_53 : memref<80xi32, #tpu.memory_space<vmem>>) semaphore(%arg17 : memref<!tpu.dma_semaphore, #tpu.memory_space<semaphore_mem>>)
      %dma_start3A_57 = arith.constant 0 : i32
      %dma_start3A_58 = arith.constant 0 : i32
      %dma_start3A_59 = tpu.memref_slice %arg15[%dma_start3A_57, %dma_start3A_58] : memref<8x80xi32, #tpu.memory_space<vmem>> -> memref<1x80xi32, #tpu.memory_space<vmem>>
      %dma_start3A_60 = tpu.memref_squeeze %dma_start3A_59 : memref<1x80xi32, #tpu.memory_space<vmem>> -> memref<80xi32, #tpu.memory_space<vmem>>
      %dma_start3A_61 = arith.constant 0 : i32
      %dma_start3A_62 = arith.constant 0 : i32
      %dma_start3A_63 = tpu.memref_slice %arg6[%dma_start3A_61, %dma_start3A_62] : memref<80000x16xf32, #tpu.memory_space<hbm>> -> memref<80000x16xf32, #tpu.memory_space<hbm>>
      tpu.enqueue_indirect_dma source(%dma_start3A_63 : memref<80000x16xf32, #tpu.memory_space<hbm>>) target(%arg11 : memref<80x16xf32, #tpu.memory_space<vmem>>) offsets(%dma_start3A_60 : memref<80xi32, #tpu.memory_space<vmem>>) semaphore(%arg19 : memref<!tpu.dma_semaphore, #tpu.memory_space<semaphore_mem>>)
      %scan3A_64 = arith.constant 0 : i32
      %scan3A_65 = arith.constant 0 : i32
      %scan3A_66 = arith.constant 4 : i32
      %scan3A_67 = arith.addi %scan3A_65, %scan3A_66 : i32
      %scan3A_68 = arith.constant 1 : i32
      %scan3A_69 = scf.for %scan3A_72 = %scan3A_65 to %scan3A_67 step %scan3A_68 iter_args(%scan3A_73 = %scan3A_64) -> (i32)  : i32 {
        %mul3A_74 = arith.constant 2 : i32
        %mul3A_75 = arith.muli %mul3A_74, %scan3A_72 : i32
        %add3A_76 = arith.constant 1 : i32
        %add3A_77 = arith.addi %mul3A_75, %add3A_76 : i32
        %dma_start3A_78 = arith.constant 0 : i32
        %dma_start3A_79 = tpu.memref_slice %arg13[%add3A_77, %dma_start3A_78] : memref<8x80xi32, #tpu.memory_space<vmem>> -> memref<1x80xi32, #tpu.memory_space<vmem>>
        %dma_start3A_80 = tpu.memref_squeeze %dma_start3A_79 : memref<1x80xi32, #tpu.memory_space<vmem>> -> memref<80xi32, #tpu.memory_space<vmem>>
        %dma_start3A_81 = arith.constant 0 : i32
        %dma_start3A_82 = arith.constant 0 : i32
        %dma_start3A_83 = tpu.memref_slice %arg2[%dma_start3A_81, %dma_start3A_82] : memref<80000x128xf32, #tpu.memory_space<hbm>> -> memref<80000x128xf32, #tpu.memory_space<hbm>>
        tpu.enqueue_indirect_dma source(%dma_start3A_83 : memref<80000x128xf32, #tpu.memory_space<hbm>>) target(%arg10 : memref<80x128xf32, #tpu.memory_space<vmem>>) offsets(%dma_start3A_80 : memref<80xi32, #tpu.memory_space<vmem>>) semaphore(%arg18 : memref<!tpu.dma_semaphore, #tpu.memory_space<semaphore_mem>>)
        %dma_start3A_84 = arith.constant 0 : i32
        %dma_start3A_85 = tpu.memref_slice %arg15[%add3A_77, %dma_start3A_84] : memref<8x80xi32, #tpu.memory_space<vmem>> -> memref<1x80xi32, #tpu.memory_space<vmem>>
        %dma_start3A_86 = tpu.memref_squeeze %dma_start3A_85 : memref<1x80xi32, #tpu.memory_space<vmem>> -> memref<80xi32, #tpu.memory_space<vmem>>
        %dma_start3A_87 = arith.constant 0 : i32
        %dma_start3A_88 = arith.constant 0 : i32
        %dma_start3A_89 = tpu.memref_slice %arg6[%dma_start3A_87, %dma_start3A_88] : memref<80000x16xf32, #tpu.memory_space<hbm>> -> memref<80000x16xf32, #tpu.memory_space<hbm>>
        tpu.enqueue_indirect_dma source(%dma_start3A_89 : memref<80000x16xf32, #tpu.memory_space<hbm>>) target(%arg12 : memref<80x16xf32, #tpu.memory_space<vmem>>) offsets(%dma_start3A_86 : memref<80xi32, #tpu.memory_space<vmem>>) semaphore(%arg20 : memref<!tpu.dma_semaphore, #tpu.memory_space<semaphore_mem>>)
        %dma_wait3A = arith.constant 0 : i32
        %dma_wait3A_90 = tpu.memref_slice %arg13[%mul3A_75, %dma_wait3A] : memref<8x80xi32, #tpu.memory_space<vmem>> -> memref<1x80xi32, #tpu.memory_space<vmem>>
        %dma_wait3A_91 = tpu.memref_squeeze %dma_wait3A_90 : memref<1x80xi32, #tpu.memory_space<vmem>> -> memref<80xi32, #tpu.memory_space<vmem>>
        %dma_wait3A_92 = arith.constant 0 : i32
        %dma_wait3A_93 = arith.constant 0 : i32
        %dma_wait3A_94 = tpu.memref_slice %arg2[%dma_wait3A_92, %dma_wait3A_93] : memref<80000x128xf32, #tpu.memory_space<hbm>> -> memref<80000x128xf32, #tpu.memory_space<hbm>>
        tpu.wait_indirect_dma semaphore(%arg17 : memref<!tpu.dma_semaphore, #tpu.memory_space<semaphore_mem>>) src(%dma_wait3A_94 : memref<80000x128xf32, #tpu.memory_space<hbm>>) dst(%arg9 : memref<80x128xf32, #tpu.memory_space<vmem>>)
        %dma_wait3A_95 = arith.constant 0 : i32
        %dma_wait3A_96 = tpu.memref_slice %arg15[%mul3A_75, %dma_wait3A_95] : memref<8x80xi32, #tpu.memory_space<vmem>> -> memref<1x80xi32, #tpu.memory_space<vmem>>
        %dma_wait3A_97 = tpu.memref_squeeze %dma_wait3A_96 : memref<1x80xi32, #tpu.memory_space<vmem>> -> memref<80xi32, #tpu.memory_space<vmem>>
        %dma_wait3A_98 = arith.constant 0 : i32
        %dma_wait3A_99 = arith.constant 0 : i32
        %dma_wait3A_100 = tpu.memref_slice %arg6[%dma_wait3A_98, %dma_wait3A_99] : memref<80000x16xf32, #tpu.memory_space<hbm>> -> memref<80000x16xf32, #tpu.memory_space<hbm>>
        tpu.wait_indirect_dma semaphore(%arg19 : memref<!tpu.dma_semaphore, #tpu.memory_space<semaphore_mem>>) src(%dma_wait3A_100 : memref<80000x16xf32, #tpu.memory_space<hbm>>) dst(%arg11 : memref<80x16xf32, #tpu.memory_space<vmem>>)
        %scan3A_101 = arith.constant 0 : i32
        %scan3A_102 = arith.constant 0 : i32
        %scan3A_103 = arith.constant 40 : i32
        %scan3A_104 = arith.addi %scan3A_102, %scan3A_103 : i32
        %scan3A_105 = arith.constant 1 : i32
        %scan3A_106 = scf.for %scan3A_132 = %scan3A_102 to %scan3A_104 step %scan3A_105 iter_args(%scan3A_133 = %scan3A_101) -> (i32)  : i32 {
          %mul3A_134 = arith.constant 2 : i32
          %mul3A_135 = arith.muli %mul3A_134, %scan3A_132 : i32
          %get3A = arith.index_cast %mul3A_135 : i32 to index
          %get3A_136 = arith.constant 0 : index
          %get3A_137 = tpu.vector_load %arg11[%get3A, %get3A_136] {strides = array<i32>} : memref<80x16xf32, #tpu.memory_space<vmem>>, vector<1x16xf32>,
          %get3A_138 = vector.shape_cast %get3A_137 : vector<1x16xf32> to vector<16xf32>
          %add3A_139 = arith.constant 1 : i32
          %add3A_140 = arith.addi %mul3A_135, %add3A_139 : i32
          %get3A_141 = arith.index_cast %add3A_140 : i32 to index
          %get3A_142 = arith.constant 0 : index
          %get3A_143 = tpu.vector_load %arg11[%get3A_141, %get3A_142] {strides = array<i32>} : memref<80x16xf32, #tpu.memory_space<vmem>>, vector<1x16xf32>,
          %get3A_144 = vector.shape_cast %get3A_143 : vector<1x16xf32> to vector<16xf32>
          %get3A_145 = arith.index_cast %mul3A_135 : i32 to index
          %get3A_146 = arith.constant 0 : index
          %get3A_147 = tpu.vector_load %arg9[%get3A_145, %get3A_146] {strides = array<i32>} : memref<80x128xf32, #tpu.memory_space<vmem>>, vector<1x16xf32>,
          %get3A_148 = vector.shape_cast %get3A_147 : vector<1x16xf32> to vector<16xf32>
          %mul3A_149 = arith.mulf %get3A_148, %get3A_138 : vector<16xf32>
          %swap3A = arith.index_cast %mul3A_135 : i32 to index
          %swap3A_150 = arith.constant 0 : index
          %swap3A_151 = tpu.vector_load %arg9[%swap3A, %swap3A_150] {strides = array<i32>} : memref<80x128xf32, #tpu.memory_space<vmem>>, vector<1x16xf32>,
          %swap3A_152 = vector.shape_cast %swap3A_151 : vector<1x16xf32> to vector<16xf32>
          %swap3A_153 = vector.shape_cast %mul3A_149 : vector<16xf32> to vector<1x16xf32>
          tpu.vector_store %arg9[%swap3A, %swap3A_150], %swap3A_153 {strides = array<i32>} : memref<80x128xf32, #tpu.memory_space<vmem>>, vector<1x16xf32>,
          %add3A_154 = arith.constant 1 : i32
          %add3A_155 = arith.addi %mul3A_135, %add3A_154 : i32
          %get3A_156 = arith.index_cast %add3A_155 : i32 to index
          %get3A_157 = arith.constant 0 : index
          %get3A_158 = tpu.vector_load %arg9[%get3A_156, %get3A_157] {strides = array<i32>} : memref<80x128xf32, #tpu.memory_space<vmem>>, vector<1x16xf32>,
          %get3A_159 = vector.shape_cast %get3A_158 : vector<1x16xf32> to vector<16xf32>
          %mul3A_160 = arith.mulf %get3A_159, %get3A_144 : vector<16xf32>
          %add3A_161 = arith.constant 1 : i32
          %add3A_162 = arith.addi %mul3A_135, %add3A_161 : i32
          %swap3A_163 = arith.index_cast %add3A_162 : i32 to index
          %swap3A_164 = arith.constant 0 : index
          %swap3A_165 = tpu.vector_load %arg9[%swap3A_163, %swap3A_164] {strides = array<i32>} : memref<80x128xf32, #tpu.memory_space<vmem>>, vector<1x16xf32>,
          %swap3A_166 = vector.shape_cast %swap3A_165 : vector<1x16xf32> to vector<16xf32>
          %swap3A_167 = vector.shape_cast %mul3A_160 : vector<16xf32> to vector<1x16xf32>
          tpu.vector_store %arg9[%swap3A_163, %swap3A_164], %swap3A_167 {strides = array<i32>} : memref<80x128xf32, #tpu.memory_space<vmem>>, vector<1x16xf32>,
          %get3A_168 = arith.index_cast %mul3A_135 : i32 to index
          %get3A_169 = arith.constant 16 : index
          %get3A_170 = tpu.vector_load %arg9[%get3A_168, %get3A_169] {strides = array<i32>} : memref<80x128xf32, #tpu.memory_space<vmem>>, vector<1x16xf32>,
          %get3A_171 = vector.shape_cast %get3A_170 : vector<1x16xf32> to vector<16xf32>
          %mul3A_172 = arith.mulf %get3A_171, %get3A_138 : vector<16xf32>
          %swap3A_173 = arith.index_cast %mul3A_135 : i32 to index
          %swap3A_174 = arith.constant 16 : index
          %swap3A_175 = tpu.vector_load %arg9[%swap3A_173, %swap3A_174] {strides = array<i32>} : memref<80x128xf32, #tpu.memory_space<vmem>>, vector<1x16xf32>,
          %swap3A_176 = vector.shape_cast %swap3A_175 : vector<1x16xf32> to vector<16xf32>
          %swap3A_177 = vector.shape_cast %mul3A_172 : vector<16xf32> to vector<1x16xf32>
          tpu.vector_store %arg9[%swap3A_173, %swap3A_174], %swap3A_177 {strides = array<i32>} : memref<80x128xf32, #tpu.memory_space<vmem>>, vector<1x16xf32>,
          %add3A_178 = arith.constant 1 : i32
          %add3A_179 = arith.addi %mul3A_135, %add3A_178 : i32
          %get3A_180 = arith.index_cast %add3A_179 : i32 to index
          %get3A_181 = arith.constant 16 : index
          %get3A_182 = tpu.vector_load %arg9[%get3A_180, %get3A_181] {strides = array<i32>} : memref<80x128xf32, #tpu.memory_space<vmem>>, vector<1x16xf32>,
          %get3A_183 = vector.shape_cast %get3A_182 : vector<1x16xf32> to vector<16xf32>
          %mul3A_184 = arith.mulf %get3A_183, %get3A_144 : vector<16xf32>
          %add3A_185 = arith.constant 1 : i32
          %add3A_186 = arith.addi %mul3A_135, %add3A_185 : i32
          %swap3A_187 = arith.index_cast %add3A_186 : i32 to index
          %swap3A_188 = arith.constant 16 : index
          %swap3A_189 = tpu.vector_load %arg9[%swap3A_187, %swap3A_188] {strides = array<i32>} : memref<80x128xf32, #tpu.memory_space<vmem>>, vector<1x16xf32>,
          %swap3A_190 = vector.shape_cast %swap3A_189 : vector<1x16xf32> to vector<16xf32>
          %swap3A_191 = vector.shape_cast %mul3A_184 : vector<16xf32> to vector<1x16xf32>
          tpu.vector_store %arg9[%swap3A_187, %swap3A_188], %swap3A_191 {strides = array<i32>} : memref<80x128xf32, #tpu.memory_space<vmem>>, vector<1x16xf32>,
          %get3A_192 = arith.index_cast %mul3A_135 : i32 to index
          %get3A_193 = arith.constant 32 : index
          %get3A_194 = tpu.vector_load %arg9[%get3A_192, %get3A_193] {strides = array<i32>} : memref<80x128xf32, #tpu.memory_space<vmem>>, vector<1x16xf32>,
          %get3A_195 = vector.shape_cast %get3A_194 : vector<1x16xf32> to vector<16xf32>
          %mul3A_196 = arith.mulf %get3A_195, %get3A_138 : vector<16xf32>
          %swap3A_197 = arith.index_cast %mul3A_135 : i32 to index
          %swap3A_198 = arith.constant 32 : index
          %swap3A_199 = tpu.vector_load %arg9[%swap3A_197, %swap3A_198] {strides = array<i32>} : memref<80x128xf32, #tpu.memory_space<vmem>>, vector<1x16xf32>,
          %swap3A_200 = vector.shape_cast %swap3A_199 : vector<1x16xf32> to vector<16xf32>
          %swap3A_201 = vector.shape_cast %mul3A_196 : vector<16xf32> to vector<1x16xf32>
          tpu.vector_store %arg9[%swap3A_197, %swap3A_198], %swap3A_201 {strides = array<i32>} : memref<80x128xf32, #tpu.memory_space<vmem>>, vector<1x16xf32>,
          %add3A_202 = arith.constant 1 : i32
          %add3A_203 = arith.addi %mul3A_135, %add3A_202 : i32
          %get3A_204 = arith.index_cast %add3A_203 : i32 to index
          %get3A_205 = arith.constant 32 : index
          %get3A_206 = tpu.vector_load %arg9[%get3A_204, %get3A_205] {strides = array<i32>} : memref<80x128xf32, #tpu.memory_space<vmem>>, vector<1x16xf32>,
          %get3A_207 = vector.shape_cast %get3A_206 : vector<1x16xf32> to vector<16xf32>
          %mul3A_208 = arith.mulf %get3A_207, %get3A_144 : vector<16xf32>
          %add3A_209 = arith.constant 1 : i32
          %add3A_210 = arith.addi %mul3A_135, %add3A_209 : i32
          %swap3A_211 = arith.index_cast %add3A_210 : i32 to index
          %swap3A_212 = arith.constant 32 : index
          %swap3A_213 = tpu.vector_load %arg9[%swap3A_211, %swap3A_212] {strides = array<i32>} : memref<80x128xf32, #tpu.memory_space<vmem>>, vector<1x16xf32>,
          %swap3A_214 = vector.shape_cast %swap3A_213 : vector<1x16xf32> to vector<16xf32>
          %swap3A_215 = vector.shape_cast %mul3A_208 : vector<16xf32> to vector<1x16xf32>
          tpu.vector_store %arg9[%swap3A_211, %swap3A_212], %swap3A_215 {strides = array<i32>} : memref<80x128xf32, #tpu.memory_space<vmem>>, vector<1x16xf32>,
          %get3A_216 = arith.index_cast %mul3A_135 : i32 to index
          %get3A_217 = arith.constant 48 : index
          %get3A_218 = tpu.vector_load %arg9[%get3A_216, %get3A_217] {strides = array<i32>} : memref<80x128xf32, #tpu.memory_space<vmem>>, vector<1x16xf32>,
          %get3A_219 = vector.shape_cast %get3A_218 : vector<1x16xf32> to vector<16xf32>
          %mul3A_220 = arith.mulf %get3A_219, %get3A_138 : vector<16xf32>
          %swap3A_221 = arith.index_cast %mul3A_135 : i32 to index
          %swap3A_222 = arith.constant 48 : index
          %swap3A_223 = tpu.vector_load %arg9[%swap3A_221, %swap3A_222] {strides = array<i32>} : memref<80x128xf32, #tpu.memory_space<vmem>>, vector<1x16xf32>,
          %swap3A_224 = vector.shape_cast %swap3A_223 : vector<1x16xf32> to vector<16xf32>
          %swap3A_225 = vector.shape_cast %mul3A_220 : vector<16xf32> to vector<1x16xf32>
          tpu.vector_store %arg9[%swap3A_221, %swap3A_222], %swap3A_225 {strides = array<i32>} : memref<80x128xf32, #tpu.memory_space<vmem>>, vector<1x16xf32>,
          %add3A_226 = arith.constant 1 : i32
          %add3A_227 = arith.addi %mul3A_135, %add3A_226 : i32
          %get3A_228 = arith.index_cast %add3A_227 : i32 to index
          %get3A_229 = arith.constant 48 : index
          %get3A_230 = tpu.vector_load %arg9[%get3A_228, %get3A_229] {strides = array<i32>} : memref<80x128xf32, #tpu.memory_space<vmem>>, vector<1x16xf32>,
          %get3A_231 = vector.shape_cast %get3A_230 : vector<1x16xf32> to vector<16xf32>
          %mul3A_232 = arith.mulf %get3A_231, %get3A_144 : vector<16xf32>
          %add3A_233 = arith.constant 1 : i32
          %add3A_234 = arith.addi %mul3A_135, %add3A_233 : i32
          %swap3A_235 = arith.index_cast %add3A_234 : i32 to index
          %swap3A_236 = arith.constant 48 : index
          %swap3A_237 = tpu.vector_load %arg9[%swap3A_235, %swap3A_236] {strides = array<i32>} : memref<80x128xf32, #tpu.memory_space<vmem>>, vector<1x16xf32>,
          %swap3A_238 = vector.shape_cast %swap3A_237 : vector<1x16xf32> to vector<16xf32>
          %swap3A_239 = vector.shape_cast %mul3A_232 : vector<16xf32> to vector<1x16xf32>
          tpu.vector_store %arg9[%swap3A_235, %swap3A_236], %swap3A_239 {strides = array<i32>} : memref<80x128xf32, #tpu.memory_space<vmem>>, vector<1x16xf32>,
          %get3A_240 = arith.index_cast %mul3A_135 : i32 to index
          %get3A_241 = arith.constant 64 : index
          %get3A_242 = tpu.vector_load %arg9[%get3A_240, %get3A_241] {strides = array<i32>} : memref<80x128xf32, #tpu.memory_space<vmem>>, vector<1x16xf32>,
          %get3A_243 = vector.shape_cast %get3A_242 : vector<1x16xf32> to vector<16xf32>
          %mul3A_244 = arith.mulf %get3A_243, %get3A_138 : vector<16xf32>
          %swap3A_245 = arith.index_cast %mul3A_135 : i32 to index
          %swap3A_246 = arith.constant 64 : index
          %swap3A_247 = tpu.vector_load %arg9[%swap3A_245, %swap3A_246] {strides = array<i32>} : memref<80x128xf32, #tpu.memory_space<vmem>>, vector<1x16xf32>,
          %swap3A_248 = vector.shape_cast %swap3A_247 : vector<1x16xf32> to vector<16xf32>
          %swap3A_249 = vector.shape_cast %mul3A_244 : vector<16xf32> to vector<1x16xf32>
          tpu.vector_store %arg9[%swap3A_245, %swap3A_246], %swap3A_249 {strides = array<i32>} : memref<80x128xf32, #tpu.memory_space<vmem>>, vector<1x16xf32>,
          %add3A_250 = arith.constant 1 : i32
          %add3A_251 = arith.addi %mul3A_135, %add3A_250 : i32
          %get3A_252 = arith.index_cast %add3A_251 : i32 to index
          %get3A_253 = arith.constant 64 : index
          %get3A_254 = tpu.vector_load %arg9[%get3A_252, %get3A_253] {strides = array<i32>} : memref<80x128xf32, #tpu.memory_space<vmem>>, vector<1x16xf32>,
          %get3A_255 = vector.shape_cast %get3A_254 : vector<1x16xf32> to vector<16xf32>
          %mul3A_256 = arith.mulf %get3A_255, %get3A_144 : vector<16xf32>
          %add3A_257 = arith.constant 1 : i32
          %add3A_258 = arith.addi %mul3A_135, %add3A_257 : i32
          %swap3A_259 = arith.index_cast %add3A_258 : i32 to index
          %swap3A_260 = arith.constant 64 : index
          %swap3A_261 = tpu.vector_load %arg9[%swap3A_259, %swap3A_260] {strides = array<i32>} : memref<80x128xf32, #tpu.memory_space<vmem>>, vector<1x16xf32>,
          %swap3A_262 = vector.shape_cast %swap3A_261 : vector<1x16xf32> to vector<16xf32>
          %swap3A_263 = vector.shape_cast %mul3A_256 : vector<16xf32> to vector<1x16xf32>
          tpu.vector_store %arg9[%swap3A_259, %swap3A_260], %swap3A_263 {strides = array<i32>} : memref<80x128xf32, #tpu.memory_space<vmem>>, vector<1x16xf32>,
          %get3A_264 = arith.index_cast %mul3A_135 : i32 to index
          %get3A_265 = arith.constant 80 : index
          %get3A_266 = tpu.vector_load %arg9[%get3A_264, %get3A_265] {strides = array<i32>} : memref<80x128xf32, #tpu.memory_space<vmem>>, vector<1x16xf32>,
          %get3A_267 = vector.shape_cast %get3A_266 : vector<1x16xf32> to vector<16xf32>
          %mul3A_268 = arith.mulf %get3A_267, %get3A_138 : vector<16xf32>
          %swap3A_269 = arith.index_cast %mul3A_135 : i32 to index
          %swap3A_270 = arith.constant 80 : index
          %swap3A_271 = tpu.vector_load %arg9[%swap3A_269, %swap3A_270] {strides = array<i32>} : memref<80x128xf32, #tpu.memory_space<vmem>>, vector<1x16xf32>,
          %swap3A_272 = vector.shape_cast %swap3A_271 : vector<1x16xf32> to vector<16xf32>
          %swap3A_273 = vector.shape_cast %mul3A_268 : vector<16xf32> to vector<1x16xf32>
          tpu.vector_store %arg9[%swap3A_269, %swap3A_270], %swap3A_273 {strides = array<i32>} : memref<80x128xf32, #tpu.memory_space<vmem>>, vector<1x16xf32>,
          %add3A_274 = arith.constant 1 : i32
          %add3A_275 = arith.addi %mul3A_135, %add3A_274 : i32
          %get3A_276 = arith.index_cast %add3A_275 : i32 to index
          %get3A_277 = arith.constant 80 : index
          %get3A_278 = tpu.vector_load %arg9[%get3A_276, %get3A_277] {strides = array<i32>} : memref<80x128xf32, #tpu.memory_space<vmem>>, vector<1x16xf32>,
          %get3A_279 = vector.shape_cast %get3A_278 : vector<1x16xf32> to vector<16xf32>
          %mul3A_280 = arith.mulf %get3A_279, %get3A_144 : vector<16xf32>
          %add3A_281 = arith.constant 1 : i32
          %add3A_282 = arith.addi %mul3A_135, %add3A_281 : i32
          %swap3A_283 = arith.index_cast %add3A_282 : i32 to index
          %swap3A_284 = arith.constant 80 : index
          %swap3A_285 = tpu.vector_load %arg9[%swap3A_283, %swap3A_284] {strides = array<i32>} : memref<80x128xf32, #tpu.memory_space<vmem>>, vector<1x16xf32>,
          %swap3A_286 = vector.shape_cast %swap3A_285 : vector<1x16xf32> to vector<16xf32>
          %swap3A_287 = vector.shape_cast %mul3A_280 : vector<16xf32> to vector<1x16xf32>
          tpu.vector_store %arg9[%swap3A_283, %swap3A_284], %swap3A_287 {strides = array<i32>} : memref<80x128xf32, #tpu.memory_space<vmem>>, vector<1x16xf32>,
          %get3A_288 = arith.index_cast %mul3A_135 : i32 to index
          %get3A_289 = arith.constant 96 : index
          %get3A_290 = tpu.vector_load %arg9[%get3A_288, %get3A_289] {strides = array<i32>} : memref<80x128xf32, #tpu.memory_space<vmem>>, vector<1x16xf32>,
          %get3A_291 = vector.shape_cast %get3A_290 : vector<1x16xf32> to vector<16xf32>
          %mul3A_292 = arith.mulf %get3A_291, %get3A_138 : vector<16xf32>
          %swap3A_293 = arith.index_cast %mul3A_135 : i32 to index
          %swap3A_294 = arith.constant 96 : index
          %swap3A_295 = tpu.vector_load %arg9[%swap3A_293, %swap3A_294] {strides = array<i32>} : memref<80x128xf32, #tpu.memory_space<vmem>>, vector<1x16xf32>,
          %swap3A_296 = vector.shape_cast %swap3A_295 : vector<1x16xf32> to vector<16xf32>
          %swap3A_297 = vector.shape_cast %mul3A_292 : vector<16xf32> to vector<1x16xf32>
          tpu.vector_store %arg9[%swap3A_293, %swap3A_294], %swap3A_297 {strides = array<i32>} : memref<80x128xf32, #tpu.memory_space<vmem>>, vector<1x16xf32>,
          %add3A_298 = arith.constant 1 : i32
          %add3A_299 = arith.addi %mul3A_135, %add3A_298 : i32
          %get3A_300 = arith.index_cast %add3A_299 : i32 to index
          %get3A_301 = arith.constant 96 : index
          %get3A_302 = tpu.vector_load %arg9[%get3A_300, %get3A_301] {strides = array<i32>} : memref<80x128xf32, #tpu.memory_space<vmem>>, vector<1x16xf32>,
          %get3A_303 = vector.shape_cast %get3A_302 : vector<1x16xf32> to vector<16xf32>
          %mul3A_304 = arith.mulf %get3A_303, %get3A_144 : vector<16xf32>
          %add3A_305 = arith.constant 1 : i32
          %add3A_306 = arith.addi %mul3A_135, %add3A_305 : i32
          %swap3A_307 = arith.index_cast %add3A_306 : i32 to index
          %swap3A_308 = arith.constant 96 : index
          %swap3A_309 = tpu.vector_load %arg9[%swap3A_307, %swap3A_308] {strides = array<i32>} : memref<80x128xf32, #tpu.memory_space<vmem>>, vector<1x16xf32>,
          %swap3A_310 = vector.shape_cast %swap3A_309 : vector<1x16xf32> to vector<16xf32>
          %swap3A_311 = vector.shape_cast %mul3A_304 : vector<16xf32> to vector<1x16xf32>
          tpu.vector_store %arg9[%swap3A_307, %swap3A_308], %swap3A_311 {strides = array<i32>} : memref<80x128xf32, #tpu.memory_space<vmem>>, vector<1x16xf32>,
          %get3A_312 = arith.index_cast %mul3A_135 : i32 to index
          %get3A_313 = arith.constant 112 : index
          %get3A_314 = tpu.vector_load %arg9[%get3A_312, %get3A_313] {strides = array<i32>} : memref<80x128xf32, #tpu.memory_space<vmem>>, vector<1x16xf32>,
          %get3A_315 = vector.shape_cast %get3A_314 : vector<1x16xf32> to vector<16xf32>
          %mul3A_316 = arith.mulf %get3A_315, %get3A_138 : vector<16xf32>
          %swap3A_317 = arith.index_cast %mul3A_135 : i32 to index
          %swap3A_318 = arith.constant 112 : index
          %swap3A_319 = tpu.vector_load %arg9[%swap3A_317, %swap3A_318] {strides = array<i32>} : memref<80x128xf32, #tpu.memory_space<vmem>>, vector<1x16xf32>,
          %swap3A_320 = vector.shape_cast %swap3A_319 : vector<1x16xf32> to vector<16xf32>
          %swap3A_321 = vector.shape_cast %mul3A_316 : vector<16xf32> to vector<1x16xf32>
          tpu.vector_store %arg9[%swap3A_317, %swap3A_318], %swap3A_321 {strides = array<i32>} : memref<80x128xf32, #tpu.memory_space<vmem>>, vector<1x16xf32>,
          %add3A_322 = arith.constant 1 : i32
          %add3A_323 = arith.addi %mul3A_135, %add3A_322 : i32
          %get3A_324 = arith.index_cast %add3A_323 : i32 to index
          %get3A_325 = arith.constant 112 : index
          %get3A_326 = tpu.vector_load %arg9[%get3A_324, %get3A_325] {strides = array<i32>} : memref<80x128xf32, #tpu.memory_space<vmem>>, vector<1x16xf32>,
          %get3A_327 = vector.shape_cast %get3A_326 : vector<1x16xf32> to vector<16xf32>
          %mul3A_328 = arith.mulf %get3A_327, %get3A_144 : vector<16xf32>
          %add3A_329 = arith.constant 1 : i32
          %add3A_330 = arith.addi %mul3A_135, %add3A_329 : i32
          %swap3A_331 = arith.index_cast %add3A_330 : i32 to index
          %swap3A_332 = arith.constant 112 : index
          %swap3A_333 = tpu.vector_load %arg9[%swap3A_331, %swap3A_332] {strides = array<i32>} : memref<80x128xf32, #tpu.memory_space<vmem>>, vector<1x16xf32>,
          %swap3A_334 = vector.shape_cast %swap3A_333 : vector<1x16xf32> to vector<16xf32>
          %swap3A_335 = vector.shape_cast %mul3A_328 : vector<16xf32> to vector<1x16xf32>
          tpu.vector_store %arg9[%swap3A_331, %swap3A_332], %swap3A_335 {strides = array<i32>} : memref<80x128xf32, #tpu.memory_space<vmem>>, vector<1x16xf32>,
          %scan3A_336 = arith.constant 0 : i32
          scf.yield %scan3A_336 : i32
        }
        %scan3A_107 = arith.constant 40 : i32
        "tpu.region"() ({
          %run_scoped3A = tpu.sem_alloc : memref<!tpu.dma_semaphore, #tpu.memory_space<semaphore_mem>>
          %dma_start3A_132 = arith.constant 0 : i32
          %dma_start3A_133 = tpu.memref_slice %arg14[%mul3A_75, %dma_start3A_132] : memref<8x80xi32, #tpu.memory_space<vmem>> -> memref<1x80xi32, #tpu.memory_space<vmem>>
          %dma_start3A_134 = tpu.memref_squeeze %dma_start3A_133 : memref<1x80xi32, #tpu.memory_space<vmem>> -> memref<80xi32, #tpu.memory_space<vmem>>
          %dma_start3A_135 = arith.constant 0 : i32
          %dma_start3A_136 = arith.constant 0 : i32
          %dma_start3A_137 = tpu.memref_slice %arg8[%dma_start3A_135, %dma_start3A_136] : memref<10240x128xf32, #tpu.memory_space<vmem_shared>> -> memref<10240x128xf32, #tpu.memory_space<vmem_shared>>
          tpu.enqueue_indirect_dma source(%arg9 : memref<80x128xf32, #tpu.memory_space<vmem>>) target(%dma_start3A_137 : memref<10240x128xf32, #tpu.memory_space<vmem_shared>>) offsets(%dma_start3A_134 : memref<80xi32, #tpu.memory_space<vmem>>) semaphore(%run_scoped3A : memref<!tpu.dma_semaphore, #tpu.memory_space<semaphore_mem>>) {add = true}
          %dma_wait3A_138 = arith.constant 0 : i32
          %dma_wait3A_139 = tpu.memref_slice %arg14[%mul3A_75, %dma_wait3A_138] : memref<8x80xi32, #tpu.memory_space<vmem>> -> memref<1x80xi32, #tpu.memory_space<vmem>>
          %dma_wait3A_140 = tpu.memref_squeeze %dma_wait3A_139 : memref<1x80xi32, #tpu.memory_space<vmem>> -> memref<80xi32, #tpu.memory_space<vmem>>
          %dma_wait3A_141 = arith.constant 0 : i32
          %dma_wait3A_142 = arith.constant 0 : i32
          %dma_wait3A_143 = tpu.memref_slice %arg8[%dma_wait3A_141, %dma_wait3A_142] : memref<10240x128xf32, #tpu.memory_space<vmem_shared>> -> memref<10240x128xf32, #tpu.memory_space<vmem_shared>>
          tpu.wait_indirect_dma semaphore(%run_scoped3A : memref<!tpu.dma_semaphore, #tpu.memory_space<semaphore_mem>>) src(%arg9 : memref<80x128xf32, #tpu.memory_space<vmem>>) dst(%dma_wait3A_143 : memref<10240x128xf32, #tpu.memory_space<vmem_shared>>)
          tpu.yield
        }) : () -> ()
        %lt3A = arith.constant 3 : i32
        %lt3A_108 = arith.cmpi slt, %scan3A_72, %lt3A : i32
        %convert_element_type3A = arith.extui %lt3A_108 : i1 to i32
        %cond3A = arith.constant 0 : i32
        %cond3A_109 = arith.cmpi ne, %convert_element_type3A, %cond3A : i32
        scf.if %cond3A_109 {
          %add3A_132 = arith.constant 2 : i32
          %add3A_133 = arith.addi %mul3A_75, %add3A_132 : i32
          %dma_start3A_134 = arith.constant 0 : i32
          %dma_start3A_135 = tpu.memref_slice %arg13[%add3A_133, %dma_start3A_134] : memref<8x80xi32, #tpu.memory_space<vmem>> -> memref<1x80xi32, #tpu.memory_space<vmem>>
          %dma_start3A_136 = tpu.memref_squeeze %dma_start3A_135 : memref<1x80xi32, #tpu.memory_space<vmem>> -> memref<80xi32, #tpu.memory_space<vmem>>
          %dma_start3A_137 = arith.constant 0 : i32
          %dma_start3A_138 = arith.constant 0 : i32
          %dma_start3A_139 = tpu.memref_slice %arg2[%dma_start3A_137, %dma_start3A_138] : memref<80000x128xf32, #tpu.memory_space<hbm>> -> memref<80000x128xf32, #tpu.memory_space<hbm>>
          tpu.enqueue_indirect_dma source(%dma_start3A_139 : memref<80000x128xf32, #tpu.memory_space<hbm>>) target(%arg9 : memref<80x128xf32, #tpu.memory_space<vmem>>) offsets(%dma_start3A_136 : memref<80xi32, #tpu.memory_space<vmem>>) semaphore(%arg17 : memref<!tpu.dma_semaphore, #tpu.memory_space<semaphore_mem>>)
          %dma_start3A_140 = arith.constant 0 : i32
          %dma_start3A_141 = tpu.memref_slice %arg15[%add3A_133, %dma_start3A_140] : memref<8x80xi32, #tpu.memory_space<vmem>> -> memref<1x80xi32, #tpu.memory_space<vmem>>
          %dma_start3A_142 = tpu.memref_squeeze %dma_start3A_141 : memref<1x80xi32, #tpu.memory_space<vmem>> -> memref<80xi32, #tpu.memory_space<vmem>>
          %dma_start3A_143 = arith.constant 0 : i32
          %dma_start3A_144 = arith.constant 0 : i32
          %dma_start3A_145 = tpu.memref_slice %arg6[%dma_start3A_143, %dma_start3A_144] : memref<80000x16xf32, #tpu.memory_space<hbm>> -> memref<80000x16xf32, #tpu.memory_space<hbm>>
          tpu.enqueue_indirect_dma source(%dma_start3A_145 : memref<80000x16xf32, #tpu.memory_space<hbm>>) target(%arg11 : memref<80x16xf32, #tpu.memory_space<vmem>>) offsets(%dma_start3A_142 : memref<80xi32, #tpu.memory_space<vmem>>) semaphore(%arg19 : memref<!tpu.dma_semaphore, #tpu.memory_space<semaphore_mem>>)
        } else {
        }
        %add3A_110 = arith.constant 1 : i32
        %add3A_111 = arith.addi %mul3A_75, %add3A_110 : i32
        %dma_wait3A_112 = arith.constant 0 : i32
        %dma_wait3A_113 = tpu.memref_slice %arg13[%add3A_111, %dma_wait3A_112] : memref<8x80xi32, #tpu.memory_space<vmem>> -> memref<1x80xi32, #tpu.memory_space<vmem>>
        %dma_wait3A_114 = tpu.memref_squeeze %dma_wait3A_113 : memref<1x80xi32, #tpu.memory_space<vmem>> -> memref<80xi32, #tpu.memory_space<vmem>>
        %dma_wait3A_115 = arith.constant 0 : i32
        %dma_wait3A_116 = arith.constant 0 : i32
        %dma_wait3A_117 = tpu.memref_slice %arg2[%dma_wait3A_115, %dma_wait3A_116] : memref<80000x128xf32, #tpu.memory_space<hbm>> -> memref<80000x128xf32, #tpu.memory_space<hbm>>
        tpu.wait_indirect_dma semaphore(%arg18 : memref<!tpu.dma_semaphore, #tpu.memory_space<semaphore_mem>>) src(%dma_wait3A_117 : memref<80000x128xf32, #tpu.memory_space<hbm>>) dst(%arg10 : memref<80x128xf32, #tpu.memory_space<vmem>>)
        %dma_wait3A_118 = arith.constant 0 : i32
        %dma_wait3A_119 = tpu.memref_slice %arg15[%add3A_111, %dma_wait3A_118] : memref<8x80xi32, #tpu.memory_space<vmem>> -> memref<1x80xi32, #tpu.memory_space<vmem>>
        %dma_wait3A_120 = tpu.memref_squeeze %dma_wait3A_119 : memref<1x80xi32, #tpu.memory_space<vmem>> -> memref<80xi32, #tpu.memory_space<vmem>>
        %dma_wait3A_121 = arith.constant 0 : i32
        %dma_wait3A_122 = arith.constant 0 : i32
        %dma_wait3A_123 = tpu.memref_slice %arg6[%dma_wait3A_121, %dma_wait3A_122] : memref<80000x16xf32, #tpu.memory_space<hbm>> -> memref<80000x16xf32, #tpu.memory_space<hbm>>
        tpu.wait_indirect_dma semaphore(%arg20 : memref<!tpu.dma_semaphore, #tpu.memory_space<semaphore_mem>>) src(%dma_wait3A_123 : memref<80000x16xf32, #tpu.memory_space<hbm>>) dst(%arg12 : memref<80x16xf32, #tpu.memory_space<vmem>>)
        %scan3A_124 = arith.constant 0 : i32
        %scan3A_125 = arith.constant 0 : i32
        %scan3A_126 = arith.constant 40 : i32
        %scan3A_127 = arith.addi %scan3A_125, %scan3A_126 : i32
        %scan3A_128 = arith.constant 1 : i32
        %scan3A_129 = scf.for %scan3A_132 = %scan3A_125 to %scan3A_127 step %scan3A_128 iter_args(%scan3A_133 = %scan3A_124) -> (i32)  : i32 {
          %mul3A_134 = arith.constant 2 : i32
          %mul3A_135 = arith.muli %mul3A_134, %scan3A_132 : i32
          %get3A = arith.index_cast %mul3A_135 : i32 to index
          %get3A_136 = arith.constant 0 : index
          %get3A_137 = tpu.vector_load %arg12[%get3A, %get3A_136] {strides = array<i32>} : memref<80x16xf32, #tpu.memory_space<vmem>>, vector<1x16xf32>,
          %get3A_138 = vector.shape_cast %get3A_137 : vector<1x16xf32> to vector<16xf32>
          %add3A_139 = arith.constant 1 : i32
          %add3A_140 = arith.addi %mul3A_135, %add3A_139 : i32
          %get3A_141 = arith.index_cast %add3A_140 : i32 to index
          %get3A_142 = arith.constant 0 : index
          %get3A_143 = tpu.vector_load %arg12[%get3A_141, %get3A_142] {strides = array<i32>} : memref<80x16xf32, #tpu.memory_space<vmem>>, vector<1x16xf32>,
          %get3A_144 = vector.shape_cast %get3A_143 : vector<1x16xf32> to vector<16xf32>
          %get3A_145 = arith.index_cast %mul3A_135 : i32 to index
          %get3A_146 = arith.constant 0 : index
          %get3A_147 = tpu.vector_load %arg10[%get3A_145, %get3A_146] {strides = array<i32>} : memref<80x128xf32, #tpu.memory_space<vmem>>, vector<1x16xf32>,
          %get3A_148 = vector.shape_cast %get3A_147 : vector<1x16xf32> to vector<16xf32>
          %mul3A_149 = arith.mulf %get3A_148, %get3A_138 : vector<16xf32>
          %swap3A = arith.index_cast %mul3A_135 : i32 to index
          %swap3A_150 = arith.constant 0 : index
          %swap3A_151 = tpu.vector_load %arg10[%swap3A, %swap3A_150] {strides = array<i32>} : memref<80x128xf32, #tpu.memory_space<vmem>>, vector<1x16xf32>,
          %swap3A_152 = vector.shape_cast %swap3A_151 : vector<1x16xf32> to vector<16xf32>
          %swap3A_153 = vector.shape_cast %mul3A_149 : vector<16xf32> to vector<1x16xf32>
          tpu.vector_store %arg10[%swap3A, %swap3A_150], %swap3A_153 {strides = array<i32>} : memref<80x128xf32, #tpu.memory_space<vmem>>, vector<1x16xf32>,
          %add3A_154 = arith.constant 1 : i32
          %add3A_155 = arith.addi %mul3A_135, %add3A_154 : i32
          %get3A_156 = arith.index_cast %add3A_155 : i32 to index
          %get3A_157 = arith.constant 0 : index
          %get3A_158 = tpu.vector_load %arg10[%get3A_156, %get3A_157] {strides = array<i32>} : memref<80x128xf32, #tpu.memory_space<vmem>>, vector<1x16xf32>,
          %get3A_159 = vector.shape_cast %get3A_158 : vector<1x16xf32> to vector<16xf32>
          %mul3A_160 = arith.mulf %get3A_159, %get3A_144 : vector<16xf32>
          %add3A_161 = arith.constant 1 : i32
          %add3A_162 = arith.addi %mul3A_135, %add3A_161 : i32
          %swap3A_163 = arith.index_cast %add3A_162 : i32 to index
          %swap3A_164 = arith.constant 0 : index
          %swap3A_165 = tpu.vector_load %arg10[%swap3A_163, %swap3A_164] {strides = array<i32>} : memref<80x128xf32, #tpu.memory_space<vmem>>, vector<1x16xf32>,
          %swap3A_166 = vector.shape_cast %swap3A_165 : vector<1x16xf32> to vector<16xf32>
          %swap3A_167 = vector.shape_cast %mul3A_160 : vector<16xf32> to vector<1x16xf32>
          tpu.vector_store %arg10[%swap3A_163, %swap3A_164], %swap3A_167 {strides = array<i32>} : memref<80x128xf32, #tpu.memory_space<vmem>>, vector<1x16xf32>,
          %get3A_168 = arith.index_cast %mul3A_135 : i32 to index
          %get3A_169 = arith.constant 16 : index
          %get3A_170 = tpu.vector_load %arg10[%get3A_168, %get3A_169] {strides = array<i32>} : memref<80x128xf32, #tpu.memory_space<vmem>>, vector<1x16xf32>,
          %get3A_171 = vector.shape_cast %get3A_170 : vector<1x16xf32> to vector<16xf32>
          %mul3A_172 = arith.mulf %get3A_171, %get3A_138 : vector<16xf32>
          %swap3A_173 = arith.index_cast %mul3A_135 : i32 to index
          %swap3A_174 = arith.constant 16 : index
          %swap3A_175 = tpu.vector_load %arg10[%swap3A_173, %swap3A_174] {strides = array<i32>} : memref<80x128xf32, #tpu.memory_space<vmem>>, vector<1x16xf32>,
          %swap3A_176 = vector.shape_cast %swap3A_175 : vector<1x16xf32> to vector<16xf32>
          %swap3A_177 = vector.shape_cast %mul3A_172 : vector<16xf32> to vector<1x16xf32>
          tpu.vector_store %arg10[%swap3A_173, %swap3A_174], %swap3A_177 {strides = array<i32>} : memref<80x128xf32, #tpu.memory_space<vmem>>, vector<1x16xf32>,
          %add3A_178 = arith.constant 1 : i32
          %add3A_179 = arith.addi %mul3A_135, %add3A_178 : i32
          %get3A_180 = arith.index_cast %add3A_179 : i32 to index
          %get3A_181 = arith.constant 16 : index
          %get3A_182 = tpu.vector_load %arg10[%get3A_180, %get3A_181] {strides = array<i32>} : memref<80x128xf32, #tpu.memory_space<vmem>>, vector<1x16xf32>,
          %get3A_183 = vector.shape_cast %get3A_182 : vector<1x16xf32> to vector<16xf32>
          %mul3A_184 = arith.mulf %get3A_183, %get3A_144 : vector<16xf32>
          %add3A_185 = arith.constant 1 : i32
          %add3A_186 = arith.addi %mul3A_135, %add3A_185 : i32
          %swap3A_187 = arith.index_cast %add3A_186 : i32 to index
          %swap3A_188 = arith.constant 16 : index
          %swap3A_189 = tpu.vector_load %arg10[%swap3A_187, %swap3A_188] {strides = array<i32>} : memref<80x128xf32, #tpu.memory_space<vmem>>, vector<1x16xf32>,
          %swap3A_190 = vector.shape_cast %swap3A_189 : vector<1x16xf32> to vector<16xf32>
          %swap3A_191 = vector.shape_cast %mul3A_184 : vector<16xf32> to vector<1x16xf32>
          tpu.vector_store %arg10[%swap3A_187, %swap3A_188], %swap3A_191 {strides = array<i32>} : memref<80x128xf32, #tpu.memory_space<vmem>>, vector<1x16xf32>,
          %get3A_192 = arith.index_cast %mul3A_135 : i32 to index
          %get3A_193 = arith.constant 32 : index
          %get3A_194 = tpu.vector_load %arg10[%get3A_192, %get3A_193] {strides = array<i32>} : memref<80x128xf32, #tpu.memory_space<vmem>>, vector<1x16xf32>,
          %get3A_195 = vector.shape_cast %get3A_194 : vector<1x16xf32> to vector<16xf32>
          %mul3A_196 = arith.mulf %get3A_195, %get3A_138 : vector<16xf32>
          %swap3A_197 = arith.index_cast %mul3A_135 : i32 to index
          %swap3A_198 = arith.constant 32 : index
          %swap3A_199 = tpu.vector_load %arg10[%swap3A_197, %swap3A_198] {strides = array<i32>} : memref<80x128xf32, #tpu.memory_space<vmem>>, vector<1x16xf32>,
          %swap3A_200 = vector.shape_cast %swap3A_199 : vector<1x16xf32> to vector<16xf32>
          %swap3A_201 = vector.shape_cast %mul3A_196 : vector<16xf32> to vector<1x16xf32>
          tpu.vector_store %arg10[%swap3A_197, %swap3A_198], %swap3A_201 {strides = array<i32>} : memref<80x128xf32, #tpu.memory_space<vmem>>, vector<1x16xf32>,
          %add3A_202 = arith.constant 1 : i32
          %add3A_203 = arith.addi %mul3A_135, %add3A_202 : i32
          %get3A_204 = arith.index_cast %add3A_203 : i32 to index
          %get3A_205 = arith.constant 32 : index
          %get3A_206 = tpu.vector_load %arg10[%get3A_204, %get3A_205] {strides = array<i32>} : memref<80x128xf32, #tpu.memory_space<vmem>>, vector<1x16xf32>,
          %get3A_207 = vector.shape_cast %get3A_206 : vector<1x16xf32> to vector<16xf32>
          %mul3A_208 = arith.mulf %get3A_207, %get3A_144 : vector<16xf32>
          %add3A_209 = arith.constant 1 : i32
          %add3A_210 = arith.addi %mul3A_135, %add3A_209 : i32
          %swap3A_211 = arith.index_cast %add3A_210 : i32 to index
          %swap3A_212 = arith.constant 32 : index
          %swap3A_213 = tpu.vector_load %arg10[%swap3A_211, %swap3A_212] {strides = array<i32>} : memref<80x128xf32, #tpu.memory_space<vmem>>, vector<1x16xf32>,
          %swap3A_214 = vector.shape_cast %swap3A_213 : vector<1x16xf32> to vector<16xf32>
          %swap3A_215 = vector.shape_cast %mul3A_208 : vector<16xf32> to vector<1x16xf32>
          tpu.vector_store %arg10[%swap3A_211, %swap3A_212], %swap3A_215 {strides = array<i32>} : memref<80x128xf32, #tpu.memory_space<vmem>>, vector<1x16xf32>,
          %get3A_216 = arith.index_cast %mul3A_135 : i32 to index
          %get3A_217 = arith.constant 48 : index
          %get3A_218 = tpu.vector_load %arg10[%get3A_216, %get3A_217] {strides = array<i32>} : memref<80x128xf32, #tpu.memory_space<vmem>>, vector<1x16xf32>,
          %get3A_219 = vector.shape_cast %get3A_218 : vector<1x16xf32> to vector<16xf32>
          %mul3A_220 = arith.mulf %get3A_219, %get3A_138 : vector<16xf32>
          %swap3A_221 = arith.index_cast %mul3A_135 : i32 to index
          %swap3A_222 = arith.constant 48 : index
          %swap3A_223 = tpu.vector_load %arg10[%swap3A_221, %swap3A_222] {strides = array<i32>} : memref<80x128xf32, #tpu.memory_space<vmem>>, vector<1x16xf32>,
          %swap3A_224 = vector.shape_cast %swap3A_223 : vector<1x16xf32> to vector<16xf32>
          %swap3A_225 = vector.shape_cast %mul3A_220 : vector<16xf32> to vector<1x16xf32>
          tpu.vector_store %arg10[%swap3A_221, %swap3A_222], %swap3A_225 {strides = array<i32>} : memref<80x128xf32, #tpu.memory_space<vmem>>, vector<1x16xf32>,
          %add3A_226 = arith.constant 1 : i32
          %add3A_227 = arith.addi %mul3A_135, %add3A_226 : i32
          %get3A_228 = arith.index_cast %add3A_227 : i32 to index
          %get3A_229 = arith.constant 48 : index
          %get3A_230 = tpu.vector_load %arg10[%get3A_228, %get3A_229] {strides = array<i32>} : memref<80x128xf32, #tpu.memory_space<vmem>>, vector<1x16xf32>,
          %get3A_231 = vector.shape_cast %get3A_230 : vector<1x16xf32> to vector<16xf32>
          %mul3A_232 = arith.mulf %get3A_231, %get3A_144 : vector<16xf32>
          %add3A_233 = arith.constant 1 : i32
          %add3A_234 = arith.addi %mul3A_135, %add3A_233 : i32
          %swap3A_235 = arith.index_cast %add3A_234 : i32 to index
          %swap3A_236 = arith.constant 48 : index
          %swap3A_237 = tpu.vector_load %arg10[%swap3A_235, %swap3A_236] {strides = array<i32>} : memref<80x128xf32, #tpu.memory_space<vmem>>, vector<1x16xf32>,
          %swap3A_238 = vector.shape_cast %swap3A_237 : vector<1x16xf32> to vector<16xf32>
          %swap3A_239 = vector.shape_cast %mul3A_232 : vector<16xf32> to vector<1x16xf32>
          tpu.vector_store %arg10[%swap3A_235, %swap3A_236], %swap3A_239 {strides = array<i32>} : memref<80x128xf32, #tpu.memory_space<vmem>>, vector<1x16xf32>,
          %get3A_240 = arith.index_cast %mul3A_135 : i32 to index
          %get3A_241 = arith.constant 64 : index
          %get3A_242 = tpu.vector_load %arg10[%get3A_240, %get3A_241] {strides = array<i32>} : memref<80x128xf32, #tpu.memory_space<vmem>>, vector<1x16xf32>,
          %get3A_243 = vector.shape_cast %get3A_242 : vector<1x16xf32> to vector<16xf32>
          %mul3A_244 = arith.mulf %get3A_243, %get3A_138 : vector<16xf32>
          %swap3A_245 = arith.index_cast %mul3A_135 : i32 to index
          %swap3A_246 = arith.constant 64 : index
          %swap3A_247 = tpu.vector_load %arg10[%swap3A_245, %swap3A_246] {strides = array<i32>} : memref<80x128xf32, #tpu.memory_space<vmem>>, vector<1x16xf32>,
          %swap3A_248 = vector.shape_cast %swap3A_247 : vector<1x16xf32> to vector<16xf32>
          %swap3A_249 = vector.shape_cast %mul3A_244 : vector<16xf32> to vector<1x16xf32>
          tpu.vector_store %arg10[%swap3A_245, %swap3A_246], %swap3A_249 {strides = array<i32>} : memref<80x128xf32, #tpu.memory_space<vmem>>, vector<1x16xf32>,
          %add3A_250 = arith.constant 1 : i32
          %add3A_251 = arith.addi %mul3A_135, %add3A_250 : i32
          %get3A_252 = arith.index_cast %add3A_251 : i32 to index
          %get3A_253 = arith.constant 64 : index
          %get3A_254 = tpu.vector_load %arg10[%get3A_252, %get3A_253] {strides = array<i32>} : memref<80x128xf32, #tpu.memory_space<vmem>>, vector<1x16xf32>,
          %get3A_255 = vector.shape_cast %get3A_254 : vector<1x16xf32> to vector<16xf32>
          %mul3A_256 = arith.mulf %get3A_255, %get3A_144 : vector<16xf32>
          %add3A_257 = arith.constant 1 : i32
          %add3A_258 = arith.addi %mul3A_135, %add3A_257 : i32
          %swap3A_259 = arith.index_cast %add3A_258 : i32 to index
          %swap3A_260 = arith.constant 64 : index
          %swap3A_261 = tpu.vector_load %arg10[%swap3A_259, %swap3A_260] {strides = array<i32>} : memref<80x128xf32, #tpu.memory_space<vmem>>, vector<1x16xf32>,
          %swap3A_262 = vector.shape_cast %swap3A_261 : vector<1x16xf32> to vector<16xf32>
          %swap3A_263 = vector.shape_cast %mul3A_256 : vector<16xf32> to vector<1x16xf32>
          tpu.vector_store %arg10[%swap3A_259, %swap3A_260], %swap3A_263 {strides = array<i32>} : memref<80x128xf32, #tpu.memory_space<vmem>>, vector<1x16xf32>,
          %get3A_264 = arith.index_cast %mul3A_135 : i32 to index
          %get3A_265 = arith.constant 80 : index
          %get3A_266 = tpu.vector_load %arg10[%get3A_264, %get3A_265] {strides = array<i32>} : memref<80x128xf32, #tpu.memory_space<vmem>>, vector<1x16xf32>,
          %get3A_267 = vector.shape_cast %get3A_266 : vector<1x16xf32> to vector<16xf32>
          %mul3A_268 = arith.mulf %get3A_267, %get3A_138 : vector<16xf32>
          %swap3A_269 = arith.index_cast %mul3A_135 : i32 to index
          %swap3A_270 = arith.constant 80 : index
          %swap3A_271 = tpu.vector_load %arg10[%swap3A_269, %swap3A_270] {strides = array<i32>} : memref<80x128xf32, #tpu.memory_space<vmem>>, vector<1x16xf32>,
          %swap3A_272 = vector.shape_cast %swap3A_271 : vector<1x16xf32> to vector<16xf32>
          %swap3A_273 = vector.shape_cast %mul3A_268 : vector<16xf32> to vector<1x16xf32>
          tpu.vector_store %arg10[%swap3A_269, %swap3A_270], %swap3A_273 {strides = array<i32>} : memref<80x128xf32, #tpu.memory_space<vmem>>, vector<1x16xf32>,
          %add3A_274 = arith.constant 1 : i32
          %add3A_275 = arith.addi %mul3A_135, %add3A_274 : i32
          %get3A_276 = arith.index_cast %add3A_275 : i32 to index
          %get3A_277 = arith.constant 80 : index
          %get3A_278 = tpu.vector_load %arg10[%get3A_276, %get3A_277] {strides = array<i32>} : memref<80x128xf32, #tpu.memory_space<vmem>>, vector<1x16xf32>,
          %get3A_279 = vector.shape_cast %get3A_278 : vector<1x16xf32> to vector<16xf32>
          %mul3A_280 = arith.mulf %get3A_279, %get3A_144 : vector<16xf32>
          %add3A_281 = arith.constant 1 : i32
          %add3A_282 = arith.addi %mul3A_135, %add3A_281 : i32
          %swap3A_283 = arith.index_cast %add3A_282 : i32 to index
          %swap3A_284 = arith.constant 80 : index
          %swap3A_285 = tpu.vector_load %arg10[%swap3A_283, %swap3A_284] {strides = array<i32>} : memref<80x128xf32, #tpu.memory_space<vmem>>, vector<1x16xf32>,
          %swap3A_286 = vector.shape_cast %swap3A_285 : vector<1x16xf32> to vector<16xf32>
          %swap3A_287 = vector.shape_cast %mul3A_280 : vector<16xf32> to vector<1x16xf32>
          tpu.vector_store %arg10[%swap3A_283, %swap3A_284], %swap3A_287 {strides = array<i32>} : memref<80x128xf32, #tpu.memory_space<vmem>>, vector<1x16xf32>,
          %get3A_288 = arith.index_cast %mul3A_135 : i32 to index
          %get3A_289 = arith.constant 96 : index
          %get3A_290 = tpu.vector_load %arg10[%get3A_288, %get3A_289] {strides = array<i32>} : memref<80x128xf32, #tpu.memory_space<vmem>>, vector<1x16xf32>,
          %get3A_291 = vector.shape_cast %get3A_290 : vector<1x16xf32> to vector<16xf32>
          %mul3A_292 = arith.mulf %get3A_291, %get3A_138 : vector<16xf32>
          %swap3A_293 = arith.index_cast %mul3A_135 : i32 to index
          %swap3A_294 = arith.constant 96 : index
          %swap3A_295 = tpu.vector_load %arg10[%swap3A_293, %swap3A_294] {strides = array<i32>} : memref<80x128xf32, #tpu.memory_space<vmem>>, vector<1x16xf32>,
          %swap3A_296 = vector.shape_cast %swap3A_295 : vector<1x16xf32> to vector<16xf32>
          %swap3A_297 = vector.shape_cast %mul3A_292 : vector<16xf32> to vector<1x16xf32>
          tpu.vector_store %arg10[%swap3A_293, %swap3A_294], %swap3A_297 {strides = array<i32>} : memref<80x128xf32, #tpu.memory_space<vmem>>, vector<1x16xf32>,
          %add3A_298 = arith.constant 1 : i32
          %add3A_299 = arith.addi %mul3A_135, %add3A_298 : i32
          %get3A_300 = arith.index_cast %add3A_299 : i32 to index
          %get3A_301 = arith.constant 96 : index
          %get3A_302 = tpu.vector_load %arg10[%get3A_300, %get3A_301] {strides = array<i32>} : memref<80x128xf32, #tpu.memory_space<vmem>>, vector<1x16xf32>,
          %get3A_303 = vector.shape_cast %get3A_302 : vector<1x16xf32> to vector<16xf32>
          %mul3A_304 = arith.mulf %get3A_303, %get3A_144 : vector<16xf32>
          %add3A_305 = arith.constant 1 : i32
          %add3A_306 = arith.addi %mul3A_135, %add3A_305 : i32
          %swap3A_307 = arith.index_cast %add3A_306 : i32 to index
          %swap3A_308 = arith.constant 96 : index
          %swap3A_309 = tpu.vector_load %arg10[%swap3A_307, %swap3A_308] {strides = array<i32>} : memref<80x128xf32, #tpu.memory_space<vmem>>, vector<1x16xf32>,
          %swap3A_310 = vector.shape_cast %swap3A_309 : vector<1x16xf32> to vector<16xf32>
          %swap3A_311 = vector.shape_cast %mul3A_304 : vector<16xf32> to vector<1x16xf32>
          tpu.vector_store %arg10[%swap3A_307, %swap3A_308], %swap3A_311 {strides = array<i32>} : memref<80x128xf32, #tpu.memory_space<vmem>>, vector<1x16xf32>,
          %get3A_312 = arith.index_cast %mul3A_135 : i32 to index
          %get3A_313 = arith.constant 112 : index
          %get3A_314 = tpu.vector_load %arg10[%get3A_312, %get3A_313] {strides = array<i32>} : memref<80x128xf32, #tpu.memory_space<vmem>>, vector<1x16xf32>,
          %get3A_315 = vector.shape_cast %get3A_314 : vector<1x16xf32> to vector<16xf32>
          %mul3A_316 = arith.mulf %get3A_315, %get3A_138 : vector<16xf32>
          %swap3A_317 = arith.index_cast %mul3A_135 : i32 to index
          %swap3A_318 = arith.constant 112 : index
          %swap3A_319 = tpu.vector_load %arg10[%swap3A_317, %swap3A_318] {strides = array<i32>} : memref<80x128xf32, #tpu.memory_space<vmem>>, vector<1x16xf32>,
          %swap3A_320 = vector.shape_cast %swap3A_319 : vector<1x16xf32> to vector<16xf32>
          %swap3A_321 = vector.shape_cast %mul3A_316 : vector<16xf32> to vector<1x16xf32>
          tpu.vector_store %arg10[%swap3A_317, %swap3A_318], %swap3A_321 {strides = array<i32>} : memref<80x128xf32, #tpu.memory_space<vmem>>, vector<1x16xf32>,
          %add3A_322 = arith.constant 1 : i32
          %add3A_323 = arith.addi %mul3A_135, %add3A_322 : i32
          %get3A_324 = arith.index_cast %add3A_323 : i32 to index
          %get3A_325 = arith.constant 112 : index
          %get3A_326 = tpu.vector_load %arg10[%get3A_324, %get3A_325] {strides = array<i32>} : memref<80x128xf32, #tpu.memory_space<vmem>>, vector<1x16xf32>,
          %get3A_327 = vector.shape_cast %get3A_326 : vector<1x16xf32> to vector<16xf32>
          %mul3A_328 = arith.mulf %get3A_327, %get3A_144 : vector<16xf32>
          %add3A_329 = arith.constant 1 : i32
          %add3A_330 = arith.addi %mul3A_135, %add3A_329 : i32
          %swap3A_331 = arith.index_cast %add3A_330 : i32 to index
          %swap3A_332 = arith.constant 112 : index
          %swap3A_333 = tpu.vector_load %arg10[%swap3A_331, %swap3A_332] {strides = array<i32>} : memref<80x128xf32, #tpu.memory_space<vmem>>, vector<1x16xf32>,
          %swap3A_334 = vector.shape_cast %swap3A_333 : vector<1x16xf32> to vector<16xf32>
          %swap3A_335 = vector.shape_cast %mul3A_328 : vector<16xf32> to vector<1x16xf32>
          tpu.vector_store %arg10[%swap3A_331, %swap3A_332], %swap3A_335 {strides = array<i32>} : memref<80x128xf32, #tpu.memory_space<vmem>>, vector<1x16xf32>,
          %scan3A_336 = arith.constant 0 : i32
          scf.yield %scan3A_336 : i32
        }
        %scan3A_130 = arith.constant 40 : i32
        "tpu.region"() ({
          %run_scoped3A = tpu.sem_alloc : memref<!tpu.dma_semaphore, #tpu.memory_space<semaphore_mem>>
          %dma_start3A_132 = arith.constant 0 : i32
          %dma_start3A_133 = tpu.memref_slice %arg14[%add3A_111, %dma_start3A_132] : memref<8x80xi32, #tpu.memory_space<vmem>> -> memref<1x80xi32, #tpu.memory_space<vmem>>
          %dma_start3A_134 = tpu.memref_squeeze %dma_start3A_133 : memref<1x80xi32, #tpu.memory_space<vmem>> -> memref<80xi32, #tpu.memory_space<vmem>>
          %dma_start3A_135 = arith.constant 0 : i32
          %dma_start3A_136 = arith.constant 0 : i32
          %dma_start3A_137 = tpu.memref_slice %arg8[%dma_start3A_135, %dma_start3A_136] : memref<10240x128xf32, #tpu.memory_space<vmem_shared>> -> memref<10240x128xf32, #tpu.memory_space<vmem_shared>>
          tpu.enqueue_indirect_dma source(%arg10 : memref<80x128xf32, #tpu.memory_space<vmem>>) target(%dma_start3A_137 : memref<10240x128xf32, #tpu.memory_space<vmem_shared>>) offsets(%dma_start3A_134 : memref<80xi32, #tpu.memory_space<vmem>>) semaphore(%run_scoped3A : memref<!tpu.dma_semaphore, #tpu.memory_space<semaphore_mem>>) {add = true}
          %dma_wait3A_138 = arith.constant 0 : i32
          %dma_wait3A_139 = tpu.memref_slice %arg14[%add3A_111, %dma_wait3A_138] : memref<8x80xi32, #tpu.memory_space<vmem>> -> memref<1x80xi32, #tpu.memory_space<vmem>>
          %dma_wait3A_140 = tpu.memref_squeeze %dma_wait3A_139 : memref<1x80xi32, #tpu.memory_space<vmem>> -> memref<80xi32, #tpu.memory_space<vmem>>
          %dma_wait3A_141 = arith.constant 0 : i32
          %dma_wait3A_142 = arith.constant 0 : i32
          %dma_wait3A_143 = tpu.memref_slice %arg8[%dma_wait3A_141, %dma_wait3A_142] : memref<10240x128xf32, #tpu.memory_space<vmem_shared>> -> memref<10240x128xf32, #tpu.memory_space<vmem_shared>>
          tpu.wait_indirect_dma semaphore(%run_scoped3A : memref<!tpu.dma_semaphore, #tpu.memory_space<semaphore_mem>>) src(%arg10 : memref<80x128xf32, #tpu.memory_space<vmem>>) dst(%dma_wait3A_143 : memref<10240x128xf32, #tpu.memory_space<vmem_shared>>)
          tpu.yield
        }) : () -> ()
        %scan3A_131 = arith.constant 0 : i32
        scf.yield %scan3A_131 : i32
      }
      %scan3A_70 = arith.constant 4 : i32
      %while3A_71 = arith.constant 0 : i32
      scf.yield %while3A_71 : i32
    }
    %barrier3A_37 = arith.constant 0 : index
    tpu.barrier barrier_id(%barrier3A_37)
    %scan3A_38 = arith.constant 0 : i32
    %scan3A_39 = arith.constant 0 : i32
    %scan3A_40 = arith.constant 5 : i32
    %scan3A_41 = arith.addi %scan3A_39, %scan3A_40 : i32
    %scan3A_42 = arith.constant 1 : i32
    %scan3A_43 = scf.for %scan3A_45 = %scan3A_39 to %scan3A_41 step %scan3A_42 iter_args(%scan3A_46 = %scan3A_38) -> (i32)  : i32 {
      %mul3A_47 = arith.constant 640 : i32
      %mul3A_48 = arith.muli %arg1, %mul3A_47 : i32
      %mul3A_49 = arith.constant 128 : i32
      %mul3A_50 = arith.muli %scan3A_45, %mul3A_49 : i32
      %add3A_51 = arith.addi %mul3A_48, %mul3A_50 : i32
      %multiple_of3A_52 = tpu.assume_multiple %add3A_51, 8 : i32
      "tpu.region"() ({
        %run_scoped3A = tpu.sem_alloc : memref<!tpu.dma_semaphore, #tpu.memory_space<semaphore_mem>>
        %dma_start3A = arith.constant 0 : i32
        %dma_start3A_58 = tpu.memref_slice %arg8[%multiple_of3A_52, %dma_start3A] : memref<10240x128xf32, #tpu.memory_space<vmem_shared>> -> memref<128x128xf32, #tpu.memory_space<vmem_shared>>
        %dma_start3A_59 = arith.constant 0 : i32
        %dma_start3A_60 = tpu.memref_slice %arg8[%multiple_of3A_52, %dma_start3A_59] : memref<10240x128xf32, #tpu.memory_space<vmem_shared>> -> memref<128x128xf32, #tpu.memory_space<vmem_shared>>
        tpu.enqueue_dma source(%dma_start3A_60 : memref<128x128xf32, #tpu.memory_space<vmem_shared>>) target(%arg16 : memref<128x128xf32, #tpu.memory_space<vmem>>) target_semaphore(%run_scoped3A : memref<!tpu.dma_semaphore, #tpu.memory_space<semaphore_mem>>)
        %dma_wait3A = arith.constant 0 : i32
        %dma_wait3A_61 = tpu.memref_slice %arg8[%multiple_of3A_52, %dma_wait3A] : memref<10240x128xf32, #tpu.memory_space<vmem_shared>> -> memref<128x128xf32, #tpu.memory_space<vmem_shared>>
        %dma_wait3A_62 = arith.constant 0 : i32
        %dma_wait3A_63 = tpu.memref_slice %arg8[%multiple_of3A_52, %dma_wait3A_62] : memref<10240x128xf32, #tpu.memory_space<vmem_shared>> -> memref<128x128xf32, #tpu.memory_space<vmem_shared>>
        tpu.wait_dma2 semaphore(%run_scoped3A : memref<!tpu.dma_semaphore, #tpu.memory_space<semaphore_mem>>) src(%dma_wait3A_63 : memref<128x128xf32, #tpu.memory_space<vmem_shared>>) dst(%arg16 : memref<128x128xf32, #tpu.memory_space<vmem>>)
        tpu.yield
      }) : () -> ()
      %mul3A_53 = arith.constant 10240 : i32
      %mul3A_54 = arith.muli %arg0, %mul3A_53 : i32
      %add3A_55 = arith.addi %mul3A_54, %multiple_of3A_52 : i32
      %multiple_of3A_56 = tpu.assume_multiple %add3A_55, 8 : i32
      "tpu.region"() ({
        %run_scoped3A = tpu.sem_alloc : memref<!tpu.dma_semaphore, #tpu.memory_space<semaphore_mem>>
        %dma_start3A = arith.constant 0 : i32
        %dma_start3A_58 = tpu.memref_slice %arg7[%multiple_of3A_56, %dma_start3A] : memref<20480x128xf32, #tpu.memory_space<hbm>> -> memref<128x128xf32, #tpu.memory_space<hbm>>
        %dma_start3A_59 = arith.constant 0 : i32
        %dma_start3A_60 = tpu.memref_slice %arg7[%multiple_of3A_56, %dma_start3A_59] : memref<20480x128xf32, #tpu.memory_space<hbm>> -> memref<128x128xf32, #tpu.memory_space<hbm>>
        tpu.enqueue_dma source(%arg16 : memref<128x128xf32, #tpu.memory_space<vmem>>) target(%dma_start3A_60 : memref<128x128xf32, #tpu.memory_space<hbm>>) target_semaphore(%run_scoped3A : memref<!tpu.dma_semaphore, #tpu.memory_space<semaphore_mem>>)
        %dma_wait3A = arith.constant 0 : i32
        %dma_wait3A_61 = tpu.memref_slice %arg7[%multiple_of3A_56, %dma_wait3A] : memref<20480x128xf32, #tpu.memory_space<hbm>> -> memref<128x128xf32, #tpu.memory_space<hbm>>
        %dma_wait3A_62 = arith.constant 0 : i32
        %dma_wait3A_63 = tpu.memref_slice %arg7[%multiple_of3A_56, %dma_wait3A_62] : memref<20480x128xf32, #tpu.memory_space<hbm>> -> memref<128x128xf32, #tpu.memory_space<hbm>>
        tpu.wait_dma2 semaphore(%run_scoped3A : memref<!tpu.dma_semaphore, #tpu.memory_space<semaphore_mem>>) src(%arg16 : memref<128x128xf32, #tpu.memory_space<vmem>>) dst(%dma_wait3A_63 : memref<128x128xf32, #tpu.memory_space<hbm>>)
        tpu.yield
      }) : () -> ()
      %scan3A_57 = arith.constant 0 : i32
      scf.yield %scan3A_57 : i32
    }
    %scan3A_44 = arith.constant 5 : i32
    return
  }
}

#map = affine_map<(d0, d1) -> (0, 0)>
module attributes {stable_mosaic.version = 14 : i64} {
  func.func @_phase_p(%arg0: i32, %arg1: i32, %arg2: memref<4000x80xi32, #tpu.memory_space<hbm>>, %arg3: memref<4000x80xi32, #tpu.memory_space<hbm>>, %arg4: memref<4000x80xi32, #tpu.memory_space<hbm>>, %arg5: memref<80000x16xf32, #tpu.memory_space<hbm>>, %arg6: memref<4000x80xi32, #tpu.memory_space<hbm>>, %arg7: memref<4000x80xi32, #tpu.memory_space<hbm>>, %arg8: memref<80000x16xf32, #tpu.memory_space<vmem_shared>>, %arg9: memref<1000x16xf32, #tpu.memory_space<vmem>>, %arg10: memref<80x16xf32, #tpu.memory_space<vmem>>, %arg11: memref<8x80xi32, #tpu.memory_space<vmem>>, %arg12: memref<8x80xi32, #tpu.memory_space<vmem>>, %arg13: memref<8x80xi32, #tpu.memory_space<vmem>>, %arg14: memref<8x80xi32, #tpu.memory_space<vmem>>, %arg15: memref<8x80xi32, #tpu.memory_space<vmem>>) attributes {dimension_semantics = [#tpu.dimension_semantics<core_parallel>, #tpu.dimension_semantics<subcore_parallel>], iteration_bounds = array<i64: 2, 16>, scalar_prefetch = 0 : i64, scratch_operands = 8 : i64, tpu.core_type = #tpu.core_type<sc_vector_subcore>, window_params = [{transform_indices = #map}, {transform_indices = #map}, {transform_indices = #map}, {transform_indices = #map}, {transform_indices = #map}, {transform_indices = #map}]} {
    %broadcast_in_dim3A = arith.constant 0.000000e+00 : f32
    %broadcast_in_dim3A_0 = vector.broadcast %broadcast_in_dim3A : f32 to vector<16xf32>
    %broadcast_in_dim3A_1 = arith.constant 1.000000e+00 : f32
    %broadcast_in_dim3A_2 = vector.broadcast %broadcast_in_dim3A_1 : f32 to vector<16xf32>
    %eq3A = arith.constant 0 : i32
    %eq3A_3 = arith.cmpi eq, %arg0, %eq3A : i32
    %convert_element_type3A = arith.extui %eq3A_3 : i1 to i32
    %cond3A = arith.constant 0 : i32
    %cond3A_4 = arith.cmpi ne, %convert_element_type3A, %cond3A : i32
    scf.if %cond3A_4 {
      %scan3A = arith.constant 0 : i32
      %scan3A_21 = arith.constant 0 : i32
      %scan3A_22 = arith.constant 1000 : i32
      %scan3A_23 = arith.addi %scan3A_21, %scan3A_22 : i32
      %scan3A_24 = arith.constant 1 : i32
      %scan3A_25 = scf.for %scan3A_41 = %scan3A_21 to %scan3A_23 step %scan3A_24 iter_args(%scan3A_42 = %scan3A) -> (i32)  : i32 {
        %swap3A = arith.index_cast %scan3A_41 : i32 to index
        %swap3A_43 = arith.constant 0 : index
        %swap3A_44 = tpu.vector_load %arg9[%swap3A, %swap3A_43] {strides = array<i32>} : memref<1000x16xf32, #tpu.memory_space<vmem>>, vector<1x16xf32>,
        %swap3A_45 = vector.shape_cast %swap3A_44 : vector<1x16xf32> to vector<16xf32>
        %swap3A_46 = vector.shape_cast %broadcast_in_dim3A_0 : vector<16xf32> to vector<1x16xf32>
        tpu.vector_store %arg9[%swap3A, %swap3A_43], %swap3A_46 {strides = array<i32>} : memref<1000x16xf32, #tpu.memory_space<vmem>>, vector<1x16xf32>,
        %scan3A_47 = arith.constant 0 : i32
        scf.yield %scan3A_47 : i32
      }
      %scan3A_26 = arith.constant 1000 : i32
      %scan3A_27 = arith.constant 0 : i32
      %scan3A_28 = arith.constant 0 : i32
      %scan3A_29 = arith.constant 5 : i32
      %scan3A_30 = arith.addi %scan3A_28, %scan3A_29 : i32
      %scan3A_31 = arith.constant 1 : i32
      %scan3A_32 = scf.for %scan3A_41 = %scan3A_28 to %scan3A_30 step %scan3A_31 iter_args(%scan3A_42 = %scan3A_27) -> (i32)  : i32 {
        %mul3A = arith.constant 5000 : i32
        %mul3A_43 = arith.muli %arg1, %mul3A : i32
        %mul3A_44 = arith.constant 1000 : i32
        %mul3A_45 = arith.muli %scan3A_41, %mul3A_44 : i32
        %add3A = arith.addi %mul3A_43, %mul3A_45 : i32
        %multiple_of3A = tpu.assume_multiple %add3A, 8 : i32
        "tpu.region"() ({
          %run_scoped3A = tpu.sem_alloc : memref<!tpu.dma_semaphore, #tpu.memory_space<semaphore_mem>>
          %dma_start3A = arith.constant 0 : i32
          %dma_start3A_47 = tpu.memref_slice %arg8[%multiple_of3A, %dma_start3A] : memref<80000x16xf32, #tpu.memory_space<vmem_shared>> -> memref<1000x16xf32, #tpu.memory_space<vmem_shared>>
          %dma_start3A_48 = arith.constant 0 : i32
          %dma_start3A_49 = tpu.memref_slice %arg8[%multiple_of3A, %dma_start3A_48] : memref<80000x16xf32, #tpu.memory_space<vmem_shared>> -> memref<1000x16xf32, #tpu.memory_space<vmem_shared>>
          tpu.enqueue_dma source(%arg9 : memref<1000x16xf32, #tpu.memory_space<vmem>>) target(%dma_start3A_49 : memref<1000x16xf32, #tpu.memory_space<vmem_shared>>) target_semaphore(%run_scoped3A : memref<!tpu.dma_semaphore, #tpu.memory_space<semaphore_mem>>)
          %dma_wait3A = arith.constant 0 : i32
          %dma_wait3A_50 = tpu.memref_slice %arg8[%multiple_of3A, %dma_wait3A] : memref<80000x16xf32, #tpu.memory_space<vmem_shared>> -> memref<1000x16xf32, #tpu.memory_space<vmem_shared>>
          %dma_wait3A_51 = arith.constant 0 : i32
          %dma_wait3A_52 = tpu.memref_slice %arg8[%multiple_of3A, %dma_wait3A_51] : memref<80000x16xf32, #tpu.memory_space<vmem_shared>> -> memref<1000x16xf32, #tpu.memory_space<vmem_shared>>
          tpu.wait_dma2 semaphore(%run_scoped3A : memref<!tpu.dma_semaphore, #tpu.memory_space<semaphore_mem>>) src(%arg9 : memref<1000x16xf32, #tpu.memory_space<vmem>>) dst(%dma_wait3A_52 : memref<1000x16xf32, #tpu.memory_space<vmem_shared>>)
          tpu.yield
        }) : () -> ()
        %scan3A_46 = arith.constant 0 : i32
        scf.yield %scan3A_46 : i32
      }
      %scan3A_33 = arith.constant 5 : i32
      %scan3A_34 = arith.constant 0 : i32
      %scan3A_35 = arith.constant 0 : i32
      %scan3A_36 = arith.constant 80 : i32
      %scan3A_37 = arith.addi %scan3A_35, %scan3A_36 : i32
      %scan3A_38 = arith.constant 1 : i32
      %scan3A_39 = scf.for %scan3A_41 = %scan3A_35 to %scan3A_37 step %scan3A_38 iter_args(%scan3A_42 = %scan3A_34) -> (i32)  : i32 {
        %swap3A = arith.index_cast %scan3A_41 : i32 to index
        %swap3A_43 = arith.constant 0 : index
        %swap3A_44 = tpu.vector_load %arg10[%swap3A, %swap3A_43] {strides = array<i32>} : memref<80x16xf32, #tpu.memory_space<vmem>>, vector<1x16xf32>,
        %swap3A_45 = vector.shape_cast %swap3A_44 : vector<1x16xf32> to vector<16xf32>
        %swap3A_46 = vector.shape_cast %broadcast_in_dim3A_2 : vector<16xf32> to vector<1x16xf32>
        tpu.vector_store %arg10[%swap3A, %swap3A_43], %swap3A_46 {strides = array<i32>} : memref<80x16xf32, #tpu.memory_space<vmem>>, vector<1x16xf32>,
        %scan3A_47 = arith.constant 0 : i32
        scf.yield %scan3A_47 : i32
      }
      %scan3A_40 = arith.constant 80 : i32
    } else {
    }
    %barrier3A = arith.constant 0 : index
    tpu.barrier barrier_id(%barrier3A)
    %eq3A_5 = arith.constant 0 : i32
    %eq3A_6 = arith.cmpi eq, %arg0, %eq3A_5 : i32
    %convert_element_type3A_7 = arith.extui %eq3A_6 : i1 to i32
    %cond3A_8 = arith.constant 0 : i32
    %cond3A_9 = arith.cmpi ne, %convert_element_type3A_7, %cond3A_8 : i32
    scf.if %cond3A_9 {
      %mul3A = arith.constant 250 : i32
      %mul3A_21 = arith.muli %arg1, %mul3A : i32
      %and3A = arith.constant -8 : i32
      %and3A_22 = arith.andi %mul3A_21, %and3A : i32
      %multiple_of3A = tpu.assume_multiple %and3A_22, 8 : i32
      %eq3A_23 = arith.constant 15 : i32
      %eq3A_24 = arith.cmpi eq, %arg1, %eq3A_23 : i32
      %add3A = arith.constant 1 : i32
      %add3A_25 = arith.addi %arg1, %add3A : i32
      %mul3A_26 = arith.constant 250 : i32
      %mul3A_27 = arith.muli %add3A_25, %mul3A_26 : i32
      %and3A_28 = arith.constant -8 : i32
      %and3A_29 = arith.andi %mul3A_27, %and3A_28 : i32
      %jit3A = arith.constant 4000 : i32
      %select_n3A = arith.select %eq3A_24, %jit3A, %and3A_29 : i32
      %sub3A = arith.subi %select_n3A, %multiple_of3A : i32
      %shift_right_arithmetic3A = arith.constant 3 : i32
      %shift_right_arithmetic3A_30 = arith.shrsi %sub3A, %shift_right_arithmetic3A : i32
      %while3A = arith.constant 0 : i32
      %while3A_31 = arith.constant 0 : i32
      %while3A_32 = arith.subi %shift_right_arithmetic3A_30, %while3A : i32
      %while3A_33 = arith.addi %while3A, %while3A_32 : i32
      %while3A_34 = arith.constant 1 : i32
      %while3A_35 = arith.divsi %while3A_32, %while3A_34 : i32
      %while3A_36 = arith.muli %while3A_35, %while3A_34 : i32
      %while3A_37 = arith.addi %while3A, %while3A_36 : i32
      %while3A_38 = arith.constant 1 : i32
      %while3A_39 = scf.for %while3A_42 = %while3A to %while3A_37 step %while3A_38 iter_args(%while3A_43 = %while3A_31) -> (i32)  : i32 {
        %mul3A_44 = arith.constant 8 : i32
        %mul3A_45 = arith.muli %while3A_42, %mul3A_44 : i32
        %add3A_46 = arith.addi %multiple_of3A, %mul3A_45 : i32
        %multiple_of3A_47 = tpu.assume_multiple %add3A_46, 8 : i32
        "tpu.region"() ({
          %run_scoped3A = tpu.sem_alloc : memref<!tpu.dma_semaphore, #tpu.memory_space<semaphore_mem>>
          %dma_start3A = arith.constant 0 : i32
          %dma_start3A_62 = tpu.memref_slice %arg3[%multiple_of3A_47, %dma_start3A] : memref<4000x80xi32, #tpu.memory_space<hbm>> -> memref<8x80xi32, #tpu.memory_space<hbm>>
          %dma_start3A_63 = arith.constant 0 : i32
          %dma_start3A_64 = tpu.memref_slice %arg3[%multiple_of3A_47, %dma_start3A_63] : memref<4000x80xi32, #tpu.memory_space<hbm>> -> memref<8x80xi32, #tpu.memory_space<hbm>>
          tpu.enqueue_dma source(%dma_start3A_64 : memref<8x80xi32, #tpu.memory_space<hbm>>) target(%arg12 : memref<8x80xi32, #tpu.memory_space<vmem>>) target_semaphore(%run_scoped3A : memref<!tpu.dma_semaphore, #tpu.memory_space<semaphore_mem>>)
          %dma_wait3A = arith.constant 0 : i32
          %dma_wait3A_65 = tpu.memref_slice %arg3[%multiple_of3A_47, %dma_wait3A] : memref<4000x80xi32, #tpu.memory_space<hbm>> -> memref<8x80xi32, #tpu.memory_space<hbm>>
          %dma_wait3A_66 = arith.constant 0 : i32
          %dma_wait3A_67 = tpu.memref_slice %arg3[%multiple_of3A_47, %dma_wait3A_66] : memref<4000x80xi32, #tpu.memory_space<hbm>> -> memref<8x80xi32, #tpu.memory_space<hbm>>
          tpu.wait_dma2 semaphore(%run_scoped3A : memref<!tpu.dma_semaphore, #tpu.memory_space<semaphore_mem>>) src(%dma_wait3A_67 : memref<8x80xi32, #tpu.memory_space<hbm>>) dst(%arg12 : memref<8x80xi32, #tpu.memory_space<vmem>>)
          tpu.yield
        }) : () -> ()
        "tpu.region"() ({
          %run_scoped3A = tpu.sem_alloc : memref<!tpu.dma_semaphore, #tpu.memory_space<semaphore_mem>>
          %dma_start3A = arith.constant 0 : i32
          %dma_start3A_62 = tpu.memref_slice %arg4[%multiple_of3A_47, %dma_start3A] : memref<4000x80xi32, #tpu.memory_space<hbm>> -> memref<8x80xi32, #tpu.memory_space<hbm>>
          %dma_start3A_63 = arith.constant 0 : i32
          %dma_start3A_64 = tpu.memref_slice %arg4[%multiple_of3A_47, %dma_start3A_63] : memref<4000x80xi32, #tpu.memory_space<hbm>> -> memref<8x80xi32, #tpu.memory_space<hbm>>
          tpu.enqueue_dma source(%dma_start3A_64 : memref<8x80xi32, #tpu.memory_space<hbm>>) target(%arg13 : memref<8x80xi32, #tpu.memory_space<vmem>>) target_semaphore(%run_scoped3A : memref<!tpu.dma_semaphore, #tpu.memory_space<semaphore_mem>>)
          %dma_wait3A = arith.constant 0 : i32
          %dma_wait3A_65 = tpu.memref_slice %arg4[%multiple_of3A_47, %dma_wait3A] : memref<4000x80xi32, #tpu.memory_space<hbm>> -> memref<8x80xi32, #tpu.memory_space<hbm>>
          %dma_wait3A_66 = arith.constant 0 : i32
          %dma_wait3A_67 = tpu.memref_slice %arg4[%multiple_of3A_47, %dma_wait3A_66] : memref<4000x80xi32, #tpu.memory_space<hbm>> -> memref<8x80xi32, #tpu.memory_space<hbm>>
          tpu.wait_dma2 semaphore(%run_scoped3A : memref<!tpu.dma_semaphore, #tpu.memory_space<semaphore_mem>>) src(%dma_wait3A_67 : memref<8x80xi32, #tpu.memory_space<hbm>>) dst(%arg13 : memref<8x80xi32, #tpu.memory_space<vmem>>)
          tpu.yield
        }) : () -> ()
        %scan3A = arith.constant 0 : i32
        %scan3A_48 = arith.constant 0 : i32
        %scan3A_49 = arith.constant 8 : i32
        %scan3A_50 = arith.addi %scan3A_48, %scan3A_49 : i32
        %scan3A_51 = arith.constant 1 : i32
        %scan3A_52 = scf.for %scan3A_62 = %scan3A_48 to %scan3A_50 step %scan3A_51 iter_args(%scan3A_63 = %scan3A) -> (i32)  : i32 {
          %get3A = arith.index_cast %scan3A_62 : i32 to index
          %get3A_64 = arith.constant 0 : index
          %get3A_65 = tpu.vector_load %arg12[%get3A, %get3A_64] {strides = array<i32>} : memref<8x80xi32, #tpu.memory_space<vmem>>, vector<1x16xi32>,
          %get3A_66 = vector.shape_cast %get3A_65 : vector<1x16xi32> to vector<16xi32>
          %get3A_67 = arith.index_cast %scan3A_62 : i32 to index
          %get3A_68 = arith.constant 0 : index
          %get3A_69 = tpu.vector_load %arg13[%get3A_67, %get3A_68] {strides = array<i32>} : memref<8x80xi32, #tpu.memory_space<vmem>>, vector<1x16xi32>,
          %get3A_70 = vector.shape_cast %get3A_69 : vector<1x16xi32> to vector<16xi32>
          %mul3A_71 = arith.constant 8 : i32
          %mul3A_72 = vector.broadcast %mul3A_71 : i32 to vector<16xi32>
          %mul3A_73 = arith.muli %get3A_66, %mul3A_72 : vector<16xi32>
          %add3A_74 = arith.addi %mul3A_73, %get3A_70 : vector<16xi32>
          %swap3A = arith.index_cast %scan3A_62 : i32 to index
          %swap3A_75 = arith.constant 0 : index
          %swap3A_76 = tpu.vector_load %arg14[%swap3A, %swap3A_75] {strides = array<i32>} : memref<8x80xi32, #tpu.memory_space<vmem>>, vector<1x16xi32>,
          %swap3A_77 = vector.shape_cast %swap3A_76 : vector<1x16xi32> to vector<16xi32>
          %swap3A_78 = vector.shape_cast %add3A_74 : vector<16xi32> to vector<1x16xi32>
          tpu.vector_store %arg14[%swap3A, %swap3A_75], %swap3A_78 {strides = array<i32>} : memref<8x80xi32, #tpu.memory_space<vmem>>, vector<1x16xi32>,
          %get3A_79 = arith.index_cast %scan3A_62 : i32 to index
          %get3A_80 = arith.constant 16 : index
          %get3A_81 = tpu.vector_load %arg12[%get3A_79, %get3A_80] {strides = array<i32>} : memref<8x80xi32, #tpu.memory_space<vmem>>, vector<1x16xi32>,
          %get3A_82 = vector.shape_cast %get3A_81 : vector<1x16xi32> to vector<16xi32>
          %get3A_83 = arith.index_cast %scan3A_62 : i32 to index
          %get3A_84 = arith.constant 16 : index
          %get3A_85 = tpu.vector_load %arg13[%get3A_83, %get3A_84] {strides = array<i32>} : memref<8x80xi32, #tpu.memory_space<vmem>>, vector<1x16xi32>,
          %get3A_86 = vector.shape_cast %get3A_85 : vector<1x16xi32> to vector<16xi32>
          %mul3A_87 = arith.constant 8 : i32
          %mul3A_88 = vector.broadcast %mul3A_87 : i32 to vector<16xi32>
          %mul3A_89 = arith.muli %get3A_82, %mul3A_88 : vector<16xi32>
          %add3A_90 = arith.addi %mul3A_89, %get3A_86 : vector<16xi32>
          %swap3A_91 = arith.index_cast %scan3A_62 : i32 to index
          %swap3A_92 = arith.constant 16 : index
          %swap3A_93 = tpu.vector_load %arg14[%swap3A_91, %swap3A_92] {strides = array<i32>} : memref<8x80xi32, #tpu.memory_space<vmem>>, vector<1x16xi32>,
          %swap3A_94 = vector.shape_cast %swap3A_93 : vector<1x16xi32> to vector<16xi32>
          %swap3A_95 = vector.shape_cast %add3A_90 : vector<16xi32> to vector<1x16xi32>
          tpu.vector_store %arg14[%swap3A_91, %swap3A_92], %swap3A_95 {strides = array<i32>} : memref<8x80xi32, #tpu.memory_space<vmem>>, vector<1x16xi32>,
          %get3A_96 = arith.index_cast %scan3A_62 : i32 to index
          %get3A_97 = arith.constant 32 : index
          %get3A_98 = tpu.vector_load %arg12[%get3A_96, %get3A_97] {strides = array<i32>} : memref<8x80xi32, #tpu.memory_space<vmem>>, vector<1x16xi32>,
          %get3A_99 = vector.shape_cast %get3A_98 : vector<1x16xi32> to vector<16xi32>
          %get3A_100 = arith.index_cast %scan3A_62 : i32 to index
          %get3A_101 = arith.constant 32 : index
          %get3A_102 = tpu.vector_load %arg13[%get3A_100, %get3A_101] {strides = array<i32>} : memref<8x80xi32, #tpu.memory_space<vmem>>, vector<1x16xi32>,
          %get3A_103 = vector.shape_cast %get3A_102 : vector<1x16xi32> to vector<16xi32>
          %mul3A_104 = arith.constant 8 : i32
          %mul3A_105 = vector.broadcast %mul3A_104 : i32 to vector<16xi32>
          %mul3A_106 = arith.muli %get3A_99, %mul3A_105 : vector<16xi32>
          %add3A_107 = arith.addi %mul3A_106, %get3A_103 : vector<16xi32>
          %swap3A_108 = arith.index_cast %scan3A_62 : i32 to index
          %swap3A_109 = arith.constant 32 : index
          %swap3A_110 = tpu.vector_load %arg14[%swap3A_108, %swap3A_109] {strides = array<i32>} : memref<8x80xi32, #tpu.memory_space<vmem>>, vector<1x16xi32>,
          %swap3A_111 = vector.shape_cast %swap3A_110 : vector<1x16xi32> to vector<16xi32>
          %swap3A_112 = vector.shape_cast %add3A_107 : vector<16xi32> to vector<1x16xi32>
          tpu.vector_store %arg14[%swap3A_108, %swap3A_109], %swap3A_112 {strides = array<i32>} : memref<8x80xi32, #tpu.memory_space<vmem>>, vector<1x16xi32>,
          %get3A_113 = arith.index_cast %scan3A_62 : i32 to index
          %get3A_114 = arith.constant 48 : index
          %get3A_115 = tpu.vector_load %arg12[%get3A_113, %get3A_114] {strides = array<i32>} : memref<8x80xi32, #tpu.memory_space<vmem>>, vector<1x16xi32>,
          %get3A_116 = vector.shape_cast %get3A_115 : vector<1x16xi32> to vector<16xi32>
          %get3A_117 = arith.index_cast %scan3A_62 : i32 to index
          %get3A_118 = arith.constant 48 : index
          %get3A_119 = tpu.vector_load %arg13[%get3A_117, %get3A_118] {strides = array<i32>} : memref<8x80xi32, #tpu.memory_space<vmem>>, vector<1x16xi32>,
          %get3A_120 = vector.shape_cast %get3A_119 : vector<1x16xi32> to vector<16xi32>
          %mul3A_121 = arith.constant 8 : i32
          %mul3A_122 = vector.broadcast %mul3A_121 : i32 to vector<16xi32>
          %mul3A_123 = arith.muli %get3A_116, %mul3A_122 : vector<16xi32>
          %add3A_124 = arith.addi %mul3A_123, %get3A_120 : vector<16xi32>
          %swap3A_125 = arith.index_cast %scan3A_62 : i32 to index
          %swap3A_126 = arith.constant 48 : index
          %swap3A_127 = tpu.vector_load %arg14[%swap3A_125, %swap3A_126] {strides = array<i32>} : memref<8x80xi32, #tpu.memory_space<vmem>>, vector<1x16xi32>,
          %swap3A_128 = vector.shape_cast %swap3A_127 : vector<1x16xi32> to vector<16xi32>
          %swap3A_129 = vector.shape_cast %add3A_124 : vector<16xi32> to vector<1x16xi32>
          tpu.vector_store %arg14[%swap3A_125, %swap3A_126], %swap3A_129 {strides = array<i32>} : memref<8x80xi32, #tpu.memory_space<vmem>>, vector<1x16xi32>,
          %get3A_130 = arith.index_cast %scan3A_62 : i32 to index
          %get3A_131 = arith.constant 64 : index
          %get3A_132 = tpu.vector_load %arg12[%get3A_130, %get3A_131] {strides = array<i32>} : memref<8x80xi32, #tpu.memory_space<vmem>>, vector<1x16xi32>,
          %get3A_133 = vector.shape_cast %get3A_132 : vector<1x16xi32> to vector<16xi32>
          %get3A_134 = arith.index_cast %scan3A_62 : i32 to index
          %get3A_135 = arith.constant 64 : index
          %get3A_136 = tpu.vector_load %arg13[%get3A_134, %get3A_135] {strides = array<i32>} : memref<8x80xi32, #tpu.memory_space<vmem>>, vector<1x16xi32>,
          %get3A_137 = vector.shape_cast %get3A_136 : vector<1x16xi32> to vector<16xi32>
          %mul3A_138 = arith.constant 8 : i32
          %mul3A_139 = vector.broadcast %mul3A_138 : i32 to vector<16xi32>
          %mul3A_140 = arith.muli %get3A_133, %mul3A_139 : vector<16xi32>
          %add3A_141 = arith.addi %mul3A_140, %get3A_137 : vector<16xi32>
          %swap3A_142 = arith.index_cast %scan3A_62 : i32 to index
          %swap3A_143 = arith.constant 64 : index
          %swap3A_144 = tpu.vector_load %arg14[%swap3A_142, %swap3A_143] {strides = array<i32>} : memref<8x80xi32, #tpu.memory_space<vmem>>, vector<1x16xi32>,
          %swap3A_145 = vector.shape_cast %swap3A_144 : vector<1x16xi32> to vector<16xi32>
          %swap3A_146 = vector.shape_cast %add3A_141 : vector<16xi32> to vector<1x16xi32>
          tpu.vector_store %arg14[%swap3A_142, %swap3A_143], %swap3A_146 {strides = array<i32>} : memref<8x80xi32, #tpu.memory_space<vmem>>, vector<1x16xi32>,
          %scan3A_147 = arith.constant 0 : i32
          scf.yield %scan3A_147 : i32
        }
        %scan3A_53 = arith.constant 8 : i32
        %scan3A_54 = arith.constant 0 : i32
        %scan3A_55 = arith.constant 0 : i32
        %scan3A_56 = arith.constant 8 : i32
        %scan3A_57 = arith.addi %scan3A_55, %scan3A_56 : i32
        %scan3A_58 = arith.constant 1 : i32
        %scan3A_59 = scf.for %scan3A_62 = %scan3A_55 to %scan3A_57 step %scan3A_58 iter_args(%scan3A_63 = %scan3A_54) -> (i32)  : i32 {
          "tpu.region"() ({
            %run_scoped3A = tpu.sem_alloc : memref<!tpu.dma_semaphore, #tpu.memory_space<semaphore_mem>>
            %dma_start3A = arith.constant 0 : i32
            %dma_start3A_65 = tpu.memref_slice %arg14[%scan3A_62, %dma_start3A] : memref<8x80xi32, #tpu.memory_space<vmem>> -> memref<1x80xi32, #tpu.memory_space<vmem>>
            %dma_start3A_66 = tpu.memref_squeeze %dma_start3A_65 : memref<1x80xi32, #tpu.memory_space<vmem>> -> memref<80xi32, #tpu.memory_space<vmem>>
            %dma_start3A_67 = arith.constant 0 : i32
            %dma_start3A_68 = arith.constant 0 : i32
            %dma_start3A_69 = tpu.memref_slice %arg8[%dma_start3A_67, %dma_start3A_68] : memref<80000x16xf32, #tpu.memory_space<vmem_shared>> -> memref<80000x16xf32, #tpu.memory_space<vmem_shared>>
            tpu.enqueue_indirect_dma source(%arg10 : memref<80x16xf32, #tpu.memory_space<vmem>>) target(%dma_start3A_69 : memref<80000x16xf32, #tpu.memory_space<vmem_shared>>) offsets(%dma_start3A_66 : memref<80xi32, #tpu.memory_space<vmem>>) semaphore(%run_scoped3A : memref<!tpu.dma_semaphore, #tpu.memory_space<semaphore_mem>>) {add = true}
            %dma_wait3A = arith.constant 0 : i32
            %dma_wait3A_70 = tpu.memref_slice %arg14[%scan3A_62, %dma_wait3A] : memref<8x80xi32, #tpu.memory_space<vmem>> -> memref<1x80xi32, #tpu.memory_space<vmem>>
            %dma_wait3A_71 = tpu.memref_squeeze %dma_wait3A_70 : memref<1x80xi32, #tpu.memory_space<vmem>> -> memref<80xi32, #tpu.memory_space<vmem>>
            %dma_wait3A_72 = arith.constant 0 : i32
            %dma_wait3A_73 = arith.constant 0 : i32
            %dma_wait3A_74 = tpu.memref_slice %arg8[%dma_wait3A_72, %dma_wait3A_73] : memref<80000x16xf32, #tpu.memory_space<vmem_shared>> -> memref<80000x16xf32, #tpu.memory_space<vmem_shared>>
            tpu.wait_indirect_dma semaphore(%run_scoped3A : memref<!tpu.dma_semaphore, #tpu.memory_space<semaphore_mem>>) src(%arg10 : memref<80x16xf32, #tpu.memory_space<vmem>>) dst(%dma_wait3A_74 : memref<80000x16xf32, #tpu.memory_space<vmem_shared>>)
            tpu.yield
          }) : () -> ()
          %scan3A_64 = arith.constant 0 : i32
          scf.yield %scan3A_64 : i32
        }
        %scan3A_60 = arith.constant 8 : i32
        %while3A_61 = arith.constant 0 : i32
        scf.yield %while3A_61 : i32
      }
      %while3A_40 = arith.constant 1 : i32
      %while3A_41 = scf.for %while3A_42 = %while3A_37 to %while3A_33 step %while3A_40 iter_args(%while3A_43 = %while3A_39) -> (i32)  : i32 {
        %mul3A_44 = arith.constant 8 : i32
        %mul3A_45 = arith.muli %while3A_42, %mul3A_44 : i32
        %add3A_46 = arith.addi %multiple_of3A, %mul3A_45 : i32
        %multiple_of3A_47 = tpu.assume_multiple %add3A_46, 8 : i32
        "tpu.region"() ({
          %run_scoped3A = tpu.sem_alloc : memref<!tpu.dma_semaphore, #tpu.memory_space<semaphore_mem>>
          %dma_start3A = arith.constant 0 : i32
          %dma_start3A_62 = tpu.memref_slice %arg3[%multiple_of3A_47, %dma_start3A] : memref<4000x80xi32, #tpu.memory_space<hbm>> -> memref<8x80xi32, #tpu.memory_space<hbm>>
          %dma_start3A_63 = arith.constant 0 : i32
          %dma_start3A_64 = tpu.memref_slice %arg3[%multiple_of3A_47, %dma_start3A_63] : memref<4000x80xi32, #tpu.memory_space<hbm>> -> memref<8x80xi32, #tpu.memory_space<hbm>>
          tpu.enqueue_dma source(%dma_start3A_64 : memref<8x80xi32, #tpu.memory_space<hbm>>) target(%arg12 : memref<8x80xi32, #tpu.memory_space<vmem>>) target_semaphore(%run_scoped3A : memref<!tpu.dma_semaphore, #tpu.memory_space<semaphore_mem>>)
          %dma_wait3A = arith.constant 0 : i32
          %dma_wait3A_65 = tpu.memref_slice %arg3[%multiple_of3A_47, %dma_wait3A] : memref<4000x80xi32, #tpu.memory_space<hbm>> -> memref<8x80xi32, #tpu.memory_space<hbm>>
          %dma_wait3A_66 = arith.constant 0 : i32
          %dma_wait3A_67 = tpu.memref_slice %arg3[%multiple_of3A_47, %dma_wait3A_66] : memref<4000x80xi32, #tpu.memory_space<hbm>> -> memref<8x80xi32, #tpu.memory_space<hbm>>
          tpu.wait_dma2 semaphore(%run_scoped3A : memref<!tpu.dma_semaphore, #tpu.memory_space<semaphore_mem>>) src(%dma_wait3A_67 : memref<8x80xi32, #tpu.memory_space<hbm>>) dst(%arg12 : memref<8x80xi32, #tpu.memory_space<vmem>>)
          tpu.yield
        }) : () -> ()
        "tpu.region"() ({
          %run_scoped3A = tpu.sem_alloc : memref<!tpu.dma_semaphore, #tpu.memory_space<semaphore_mem>>
          %dma_start3A = arith.constant 0 : i32
          %dma_start3A_62 = tpu.memref_slice %arg4[%multiple_of3A_47, %dma_start3A] : memref<4000x80xi32, #tpu.memory_space<hbm>> -> memref<8x80xi32, #tpu.memory_space<hbm>>
          %dma_start3A_63 = arith.constant 0 : i32
          %dma_start3A_64 = tpu.memref_slice %arg4[%multiple_of3A_47, %dma_start3A_63] : memref<4000x80xi32, #tpu.memory_space<hbm>> -> memref<8x80xi32, #tpu.memory_space<hbm>>
          tpu.enqueue_dma source(%dma_start3A_64 : memref<8x80xi32, #tpu.memory_space<hbm>>) target(%arg13 : memref<8x80xi32, #tpu.memory_space<vmem>>) target_semaphore(%run_scoped3A : memref<!tpu.dma_semaphore, #tpu.memory_space<semaphore_mem>>)
          %dma_wait3A = arith.constant 0 : i32
          %dma_wait3A_65 = tpu.memref_slice %arg4[%multiple_of3A_47, %dma_wait3A] : memref<4000x80xi32, #tpu.memory_space<hbm>> -> memref<8x80xi32, #tpu.memory_space<hbm>>
          %dma_wait3A_66 = arith.constant 0 : i32
          %dma_wait3A_67 = tpu.memref_slice %arg4[%multiple_of3A_47, %dma_wait3A_66] : memref<4000x80xi32, #tpu.memory_space<hbm>> -> memref<8x80xi32, #tpu.memory_space<hbm>>
          tpu.wait_dma2 semaphore(%run_scoped3A : memref<!tpu.dma_semaphore, #tpu.memory_space<semaphore_mem>>) src(%dma_wait3A_67 : memref<8x80xi32, #tpu.memory_space<hbm>>) dst(%arg13 : memref<8x80xi32, #tpu.memory_space<vmem>>)
          tpu.yield
        }) : () -> ()
        %scan3A = arith.constant 0 : i32
        %scan3A_48 = arith.constant 0 : i32
        %scan3A_49 = arith.constant 8 : i32
        %scan3A_50 = arith.addi %scan3A_48, %scan3A_49 : i32
        %scan3A_51 = arith.constant 1 : i32
        %scan3A_52 = scf.for %scan3A_62 = %scan3A_48 to %scan3A_50 step %scan3A_51 iter_args(%scan3A_63 = %scan3A) -> (i32)  : i32 {
          %get3A = arith.index_cast %scan3A_62 : i32 to index
          %get3A_64 = arith.constant 0 : index
          %get3A_65 = tpu.vector_load %arg12[%get3A, %get3A_64] {strides = array<i32>} : memref<8x80xi32, #tpu.memory_space<vmem>>, vector<1x16xi32>,
          %get3A_66 = vector.shape_cast %get3A_65 : vector<1x16xi32> to vector<16xi32>
          %get3A_67 = arith.index_cast %scan3A_62 : i32 to index
          %get3A_68 = arith.constant 0 : index
          %get3A_69 = tpu.vector_load %arg13[%get3A_67, %get3A_68] {strides = array<i32>} : memref<8x80xi32, #tpu.memory_space<vmem>>, vector<1x16xi32>,
          %get3A_70 = vector.shape_cast %get3A_69 : vector<1x16xi32> to vector<16xi32>
          %mul3A_71 = arith.constant 8 : i32
          %mul3A_72 = vector.broadcast %mul3A_71 : i32 to vector<16xi32>
          %mul3A_73 = arith.muli %get3A_66, %mul3A_72 : vector<16xi32>
          %add3A_74 = arith.addi %mul3A_73, %get3A_70 : vector<16xi32>
          %swap3A = arith.index_cast %scan3A_62 : i32 to index
          %swap3A_75 = arith.constant 0 : index
          %swap3A_76 = tpu.vector_load %arg14[%swap3A, %swap3A_75] {strides = array<i32>} : memref<8x80xi32, #tpu.memory_space<vmem>>, vector<1x16xi32>,
          %swap3A_77 = vector.shape_cast %swap3A_76 : vector<1x16xi32> to vector<16xi32>
          %swap3A_78 = vector.shape_cast %add3A_74 : vector<16xi32> to vector<1x16xi32>
          tpu.vector_store %arg14[%swap3A, %swap3A_75], %swap3A_78 {strides = array<i32>} : memref<8x80xi32, #tpu.memory_space<vmem>>, vector<1x16xi32>,
          %get3A_79 = arith.index_cast %scan3A_62 : i32 to index
          %get3A_80 = arith.constant 16 : index
          %get3A_81 = tpu.vector_load %arg12[%get3A_79, %get3A_80] {strides = array<i32>} : memref<8x80xi32, #tpu.memory_space<vmem>>, vector<1x16xi32>,
          %get3A_82 = vector.shape_cast %get3A_81 : vector<1x16xi32> to vector<16xi32>
          %get3A_83 = arith.index_cast %scan3A_62 : i32 to index
          %get3A_84 = arith.constant 16 : index
          %get3A_85 = tpu.vector_load %arg13[%get3A_83, %get3A_84] {strides = array<i32>} : memref<8x80xi32, #tpu.memory_space<vmem>>, vector<1x16xi32>,
          %get3A_86 = vector.shape_cast %get3A_85 : vector<1x16xi32> to vector<16xi32>
          %mul3A_87 = arith.constant 8 : i32
          %mul3A_88 = vector.broadcast %mul3A_87 : i32 to vector<16xi32>
          %mul3A_89 = arith.muli %get3A_82, %mul3A_88 : vector<16xi32>
          %add3A_90 = arith.addi %mul3A_89, %get3A_86 : vector<16xi32>
          %swap3A_91 = arith.index_cast %scan3A_62 : i32 to index
          %swap3A_92 = arith.constant 16 : index
          %swap3A_93 = tpu.vector_load %arg14[%swap3A_91, %swap3A_92] {strides = array<i32>} : memref<8x80xi32, #tpu.memory_space<vmem>>, vector<1x16xi32>,
          %swap3A_94 = vector.shape_cast %swap3A_93 : vector<1x16xi32> to vector<16xi32>
          %swap3A_95 = vector.shape_cast %add3A_90 : vector<16xi32> to vector<1x16xi32>
          tpu.vector_store %arg14[%swap3A_91, %swap3A_92], %swap3A_95 {strides = array<i32>} : memref<8x80xi32, #tpu.memory_space<vmem>>, vector<1x16xi32>,
          %get3A_96 = arith.index_cast %scan3A_62 : i32 to index
          %get3A_97 = arith.constant 32 : index
          %get3A_98 = tpu.vector_load %arg12[%get3A_96, %get3A_97] {strides = array<i32>} : memref<8x80xi32, #tpu.memory_space<vmem>>, vector<1x16xi32>,
          %get3A_99 = vector.shape_cast %get3A_98 : vector<1x16xi32> to vector<16xi32>
          %get3A_100 = arith.index_cast %scan3A_62 : i32 to index
          %get3A_101 = arith.constant 32 : index
          %get3A_102 = tpu.vector_load %arg13[%get3A_100, %get3A_101] {strides = array<i32>} : memref<8x80xi32, #tpu.memory_space<vmem>>, vector<1x16xi32>,
          %get3A_103 = vector.shape_cast %get3A_102 : vector<1x16xi32> to vector<16xi32>
          %mul3A_104 = arith.constant 8 : i32
          %mul3A_105 = vector.broadcast %mul3A_104 : i32 to vector<16xi32>
          %mul3A_106 = arith.muli %get3A_99, %mul3A_105 : vector<16xi32>
          %add3A_107 = arith.addi %mul3A_106, %get3A_103 : vector<16xi32>
          %swap3A_108 = arith.index_cast %scan3A_62 : i32 to index
          %swap3A_109 = arith.constant 32 : index
          %swap3A_110 = tpu.vector_load %arg14[%swap3A_108, %swap3A_109] {strides = array<i32>} : memref<8x80xi32, #tpu.memory_space<vmem>>, vector<1x16xi32>,
          %swap3A_111 = vector.shape_cast %swap3A_110 : vector<1x16xi32> to vector<16xi32>
          %swap3A_112 = vector.shape_cast %add3A_107 : vector<16xi32> to vector<1x16xi32>
          tpu.vector_store %arg14[%swap3A_108, %swap3A_109], %swap3A_112 {strides = array<i32>} : memref<8x80xi32, #tpu.memory_space<vmem>>, vector<1x16xi32>,
          %get3A_113 = arith.index_cast %scan3A_62 : i32 to index
          %get3A_114 = arith.constant 48 : index
          %get3A_115 = tpu.vector_load %arg12[%get3A_113, %get3A_114] {strides = array<i32>} : memref<8x80xi32, #tpu.memory_space<vmem>>, vector<1x16xi32>,
          %get3A_116 = vector.shape_cast %get3A_115 : vector<1x16xi32> to vector<16xi32>
          %get3A_117 = arith.index_cast %scan3A_62 : i32 to index
          %get3A_118 = arith.constant 48 : index
          %get3A_119 = tpu.vector_load %arg13[%get3A_117, %get3A_118] {strides = array<i32>} : memref<8x80xi32, #tpu.memory_space<vmem>>, vector<1x16xi32>,
          %get3A_120 = vector.shape_cast %get3A_119 : vector<1x16xi32> to vector<16xi32>
          %mul3A_121 = arith.constant 8 : i32
          %mul3A_122 = vector.broadcast %mul3A_121 : i32 to vector<16xi32>
          %mul3A_123 = arith.muli %get3A_116, %mul3A_122 : vector<16xi32>
          %add3A_124 = arith.addi %mul3A_123, %get3A_120 : vector<16xi32>
          %swap3A_125 = arith.index_cast %scan3A_62 : i32 to index
          %swap3A_126 = arith.constant 48 : index
          %swap3A_127 = tpu.vector_load %arg14[%swap3A_125, %swap3A_126] {strides = array<i32>} : memref<8x80xi32, #tpu.memory_space<vmem>>, vector<1x16xi32>,
          %swap3A_128 = vector.shape_cast %swap3A_127 : vector<1x16xi32> to vector<16xi32>
          %swap3A_129 = vector.shape_cast %add3A_124 : vector<16xi32> to vector<1x16xi32>
          tpu.vector_store %arg14[%swap3A_125, %swap3A_126], %swap3A_129 {strides = array<i32>} : memref<8x80xi32, #tpu.memory_space<vmem>>, vector<1x16xi32>,
          %get3A_130 = arith.index_cast %scan3A_62 : i32 to index
          %get3A_131 = arith.constant 64 : index
          %get3A_132 = tpu.vector_load %arg12[%get3A_130, %get3A_131] {strides = array<i32>} : memref<8x80xi32, #tpu.memory_space<vmem>>, vector<1x16xi32>,
          %get3A_133 = vector.shape_cast %get3A_132 : vector<1x16xi32> to vector<16xi32>
          %get3A_134 = arith.index_cast %scan3A_62 : i32 to index
          %get3A_135 = arith.constant 64 : index
          %get3A_136 = tpu.vector_load %arg13[%get3A_134, %get3A_135] {strides = array<i32>} : memref<8x80xi32, #tpu.memory_space<vmem>>, vector<1x16xi32>,
          %get3A_137 = vector.shape_cast %get3A_136 : vector<1x16xi32> to vector<16xi32>
          %mul3A_138 = arith.constant 8 : i32
          %mul3A_139 = vector.broadcast %mul3A_138 : i32 to vector<16xi32>
          %mul3A_140 = arith.muli %get3A_133, %mul3A_139 : vector<16xi32>
          %add3A_141 = arith.addi %mul3A_140, %get3A_137 : vector<16xi32>
          %swap3A_142 = arith.index_cast %scan3A_62 : i32 to index
          %swap3A_143 = arith.constant 64 : index
          %swap3A_144 = tpu.vector_load %arg14[%swap3A_142, %swap3A_143] {strides = array<i32>} : memref<8x80xi32, #tpu.memory_space<vmem>>, vector<1x16xi32>,
          %swap3A_145 = vector.shape_cast %swap3A_144 : vector<1x16xi32> to vector<16xi32>
          %swap3A_146 = vector.shape_cast %add3A_141 : vector<16xi32> to vector<1x16xi32>
          tpu.vector_store %arg14[%swap3A_142, %swap3A_143], %swap3A_146 {strides = array<i32>} : memref<8x80xi32, #tpu.memory_space<vmem>>, vector<1x16xi32>,
          %scan3A_147 = arith.constant 0 : i32
          scf.yield %scan3A_147 : i32
        }
        %scan3A_53 = arith.constant 8 : i32
        %scan3A_54 = arith.constant 0 : i32
        %scan3A_55 = arith.constant 0 : i32
        %scan3A_56 = arith.constant 8 : i32
        %scan3A_57 = arith.addi %scan3A_55, %scan3A_56 : i32
        %scan3A_58 = arith.constant 1 : i32
        %scan3A_59 = scf.for %scan3A_62 = %scan3A_55 to %scan3A_57 step %scan3A_58 iter_args(%scan3A_63 = %scan3A_54) -> (i32)  : i32 {
          "tpu.region"() ({
            %run_scoped3A = tpu.sem_alloc : memref<!tpu.dma_semaphore, #tpu.memory_space<semaphore_mem>>
            %dma_start3A = arith.constant 0 : i32
            %dma_start3A_65 = tpu.memref_slice %arg14[%scan3A_62, %dma_start3A] : memref<8x80xi32, #tpu.memory_space<vmem>> -> memref<1x80xi32, #tpu.memory_space<vmem>>
            %dma_start3A_66 = tpu.memref_squeeze %dma_start3A_65 : memref<1x80xi32, #tpu.memory_space<vmem>> -> memref<80xi32, #tpu.memory_space<vmem>>
            %dma_start3A_67 = arith.constant 0 : i32
            %dma_start3A_68 = arith.constant 0 : i32
            %dma_start3A_69 = tpu.memref_slice %arg8[%dma_start3A_67, %dma_start3A_68] : memref<80000x16xf32, #tpu.memory_space<vmem_shared>> -> memref<80000x16xf32, #tpu.memory_space<vmem_shared>>
            tpu.enqueue_indirect_dma source(%arg10 : memref<80x16xf32, #tpu.memory_space<vmem>>) target(%dma_start3A_69 : memref<80000x16xf32, #tpu.memory_space<vmem_shared>>) offsets(%dma_start3A_66 : memref<80xi32, #tpu.memory_space<vmem>>) semaphore(%run_scoped3A : memref<!tpu.dma_semaphore, #tpu.memory_space<semaphore_mem>>) {add = true}
            %dma_wait3A = arith.constant 0 : i32
            %dma_wait3A_70 = tpu.memref_slice %arg14[%scan3A_62, %dma_wait3A] : memref<8x80xi32, #tpu.memory_space<vmem>> -> memref<1x80xi32, #tpu.memory_space<vmem>>
            %dma_wait3A_71 = tpu.memref_squeeze %dma_wait3A_70 : memref<1x80xi32, #tpu.memory_space<vmem>> -> memref<80xi32, #tpu.memory_space<vmem>>
            %dma_wait3A_72 = arith.constant 0 : i32
            %dma_wait3A_73 = arith.constant 0 : i32
            %dma_wait3A_74 = tpu.memref_slice %arg8[%dma_wait3A_72, %dma_wait3A_73] : memref<80000x16xf32, #tpu.memory_space<vmem_shared>> -> memref<80000x16xf32, #tpu.memory_space<vmem_shared>>
            tpu.wait_indirect_dma semaphore(%run_scoped3A : memref<!tpu.dma_semaphore, #tpu.memory_space<semaphore_mem>>) src(%arg10 : memref<80x16xf32, #tpu.memory_space<vmem>>) dst(%dma_wait3A_74 : memref<80000x16xf32, #tpu.memory_space<vmem_shared>>)
            tpu.yield
          }) : () -> ()
          %scan3A_64 = arith.constant 0 : i32
          scf.yield %scan3A_64 : i32
        }
        %scan3A_60 = arith.constant 8 : i32
        %while3A_61 = arith.constant 0 : i32
        scf.yield %while3A_61 : i32
      }
    } else {
    }
    %eq3A_10 = arith.constant 1 : i32
    %eq3A_11 = arith.cmpi eq, %arg0, %eq3A_10 : i32
    %convert_element_type3A_12 = arith.extui %eq3A_11 : i1 to i32
    %cond3A_13 = arith.constant 0 : i32
    %cond3A_14 = arith.cmpi ne, %convert_element_type3A_12, %cond3A_13 : i32
    scf.if %cond3A_14 {
      %mul3A = arith.constant 250 : i32
      %mul3A_21 = arith.muli %arg1, %mul3A : i32
      %and3A = arith.constant -8 : i32
      %and3A_22 = arith.andi %mul3A_21, %and3A : i32
      %multiple_of3A = tpu.assume_multiple %and3A_22, 8 : i32
      %eq3A_23 = arith.constant 15 : i32
      %eq3A_24 = arith.cmpi eq, %arg1, %eq3A_23 : i32
      %add3A = arith.constant 1 : i32
      %add3A_25 = arith.addi %arg1, %add3A : i32
      %mul3A_26 = arith.constant 250 : i32
      %mul3A_27 = arith.muli %add3A_25, %mul3A_26 : i32
      %and3A_28 = arith.constant -8 : i32
      %and3A_29 = arith.andi %mul3A_27, %and3A_28 : i32
      %jit3A = arith.constant 4000 : i32
      %select_n3A = arith.select %eq3A_24, %jit3A, %and3A_29 : i32
      %sub3A = arith.subi %select_n3A, %multiple_of3A : i32
      %shift_right_arithmetic3A = arith.constant 3 : i32
      %shift_right_arithmetic3A_30 = arith.shrsi %sub3A, %shift_right_arithmetic3A : i32
      %while3A = arith.constant 0 : i32
      %while3A_31 = arith.constant 0 : i32
      %while3A_32 = arith.subi %shift_right_arithmetic3A_30, %while3A : i32
      %while3A_33 = arith.addi %while3A, %while3A_32 : i32
      %while3A_34 = arith.constant 1 : i32
      %while3A_35 = arith.divsi %while3A_32, %while3A_34 : i32
      %while3A_36 = arith.muli %while3A_35, %while3A_34 : i32
      %while3A_37 = arith.addi %while3A, %while3A_36 : i32
      %while3A_38 = arith.constant 1 : i32
      %while3A_39 = scf.for %while3A_42 = %while3A to %while3A_37 step %while3A_38 iter_args(%while3A_43 = %while3A_31) -> (i32)  : i32 {
        %mul3A_44 = arith.constant 8 : i32
        %mul3A_45 = arith.muli %while3A_42, %mul3A_44 : i32
        %add3A_46 = arith.addi %multiple_of3A, %mul3A_45 : i32
        %multiple_of3A_47 = tpu.assume_multiple %add3A_46, 8 : i32
        "tpu.region"() ({
          %run_scoped3A = tpu.sem_alloc : memref<!tpu.dma_semaphore, #tpu.memory_space<semaphore_mem>>
          %dma_start3A = arith.constant 0 : i32
          %dma_start3A_55 = tpu.memref_slice %arg2[%multiple_of3A_47, %dma_start3A] : memref<4000x80xi32, #tpu.memory_space<hbm>> -> memref<8x80xi32, #tpu.memory_space<hbm>>
          %dma_start3A_56 = arith.constant 0 : i32
          %dma_start3A_57 = tpu.memref_slice %arg2[%multiple_of3A_47, %dma_start3A_56] : memref<4000x80xi32, #tpu.memory_space<hbm>> -> memref<8x80xi32, #tpu.memory_space<hbm>>
          tpu.enqueue_dma source(%dma_start3A_57 : memref<8x80xi32, #tpu.memory_space<hbm>>) target(%arg11 : memref<8x80xi32, #tpu.memory_space<vmem>>) target_semaphore(%run_scoped3A : memref<!tpu.dma_semaphore, #tpu.memory_space<semaphore_mem>>)
          %dma_wait3A = arith.constant 0 : i32
          %dma_wait3A_58 = tpu.memref_slice %arg2[%multiple_of3A_47, %dma_wait3A] : memref<4000x80xi32, #tpu.memory_space<hbm>> -> memref<8x80xi32, #tpu.memory_space<hbm>>
          %dma_wait3A_59 = arith.constant 0 : i32
          %dma_wait3A_60 = tpu.memref_slice %arg2[%multiple_of3A_47, %dma_wait3A_59] : memref<4000x80xi32, #tpu.memory_space<hbm>> -> memref<8x80xi32, #tpu.memory_space<hbm>>
          tpu.wait_dma2 semaphore(%run_scoped3A : memref<!tpu.dma_semaphore, #tpu.memory_space<semaphore_mem>>) src(%dma_wait3A_60 : memref<8x80xi32, #tpu.memory_space<hbm>>) dst(%arg11 : memref<8x80xi32, #tpu.memory_space<vmem>>)
          tpu.yield
        }) : () -> ()
        "tpu.region"() ({
          %run_scoped3A = tpu.sem_alloc : memref<!tpu.dma_semaphore, #tpu.memory_space<semaphore_mem>>
          %dma_start3A = arith.constant 0 : i32
          %dma_start3A_55 = tpu.memref_slice %arg3[%multiple_of3A_47, %dma_start3A] : memref<4000x80xi32, #tpu.memory_space<hbm>> -> memref<8x80xi32, #tpu.memory_space<hbm>>
          %dma_start3A_56 = arith.constant 0 : i32
          %dma_start3A_57 = tpu.memref_slice %arg3[%multiple_of3A_47, %dma_start3A_56] : memref<4000x80xi32, #tpu.memory_space<hbm>> -> memref<8x80xi32, #tpu.memory_space<hbm>>
          tpu.enqueue_dma source(%dma_start3A_57 : memref<8x80xi32, #tpu.memory_space<hbm>>) target(%arg12 : memref<8x80xi32, #tpu.memory_space<vmem>>) target_semaphore(%run_scoped3A : memref<!tpu.dma_semaphore, #tpu.memory_space<semaphore_mem>>)
          %dma_wait3A = arith.constant 0 : i32
          %dma_wait3A_58 = tpu.memref_slice %arg3[%multiple_of3A_47, %dma_wait3A] : memref<4000x80xi32, #tpu.memory_space<hbm>> -> memref<8x80xi32, #tpu.memory_space<hbm>>
          %dma_wait3A_59 = arith.constant 0 : i32
          %dma_wait3A_60 = tpu.memref_slice %arg3[%multiple_of3A_47, %dma_wait3A_59] : memref<4000x80xi32, #tpu.memory_space<hbm>> -> memref<8x80xi32, #tpu.memory_space<hbm>>
          tpu.wait_dma2 semaphore(%run_scoped3A : memref<!tpu.dma_semaphore, #tpu.memory_space<semaphore_mem>>) src(%dma_wait3A_60 : memref<8x80xi32, #tpu.memory_space<hbm>>) dst(%arg12 : memref<8x80xi32, #tpu.memory_space<vmem>>)
          tpu.yield
        }) : () -> ()
        "tpu.region"() ({
          %run_scoped3A = tpu.sem_alloc : memref<!tpu.dma_semaphore, #tpu.memory_space<semaphore_mem>>
          %dma_start3A = arith.constant 0 : i32
          %dma_start3A_55 = tpu.memref_slice %arg4[%multiple_of3A_47, %dma_start3A] : memref<4000x80xi32, #tpu.memory_space<hbm>> -> memref<8x80xi32, #tpu.memory_space<hbm>>
          %dma_start3A_56 = arith.constant 0 : i32
          %dma_start3A_57 = tpu.memref_slice %arg4[%multiple_of3A_47, %dma_start3A_56] : memref<4000x80xi32, #tpu.memory_space<hbm>> -> memref<8x80xi32, #tpu.memory_space<hbm>>
          tpu.enqueue_dma source(%dma_start3A_57 : memref<8x80xi32, #tpu.memory_space<hbm>>) target(%arg13 : memref<8x80xi32, #tpu.memory_space<vmem>>) target_semaphore(%run_scoped3A : memref<!tpu.dma_semaphore, #tpu.memory_space<semaphore_mem>>)
          %dma_wait3A = arith.constant 0 : i32
          %dma_wait3A_58 = tpu.memref_slice %arg4[%multiple_of3A_47, %dma_wait3A] : memref<4000x80xi32, #tpu.memory_space<hbm>> -> memref<8x80xi32, #tpu.memory_space<hbm>>
          %dma_wait3A_59 = arith.constant 0 : i32
          %dma_wait3A_60 = tpu.memref_slice %arg4[%multiple_of3A_47, %dma_wait3A_59] : memref<4000x80xi32, #tpu.memory_space<hbm>> -> memref<8x80xi32, #tpu.memory_space<hbm>>
          tpu.wait_dma2 semaphore(%run_scoped3A : memref<!tpu.dma_semaphore, #tpu.memory_space<semaphore_mem>>) src(%dma_wait3A_60 : memref<8x80xi32, #tpu.memory_space<hbm>>) dst(%arg13 : memref<8x80xi32, #tpu.memory_space<vmem>>)
          tpu.yield
        }) : () -> ()
        %scan3A = arith.constant 0 : i32
        %scan3A_48 = arith.constant 0 : i32
        %scan3A_49 = arith.constant 8 : i32
        %scan3A_50 = arith.addi %scan3A_48, %scan3A_49 : i32
        %scan3A_51 = arith.constant 1 : i32
        %scan3A_52 = scf.for %scan3A_55 = %scan3A_48 to %scan3A_50 step %scan3A_51 iter_args(%scan3A_56 = %scan3A) -> (i32)  : i32 {
          %get3A = arith.index_cast %scan3A_55 : i32 to index
          %get3A_57 = arith.constant 0 : index
          %get3A_58 = tpu.vector_load %arg11[%get3A, %get3A_57] {strides = array<i32>} : memref<8x80xi32, #tpu.memory_space<vmem>>, vector<1x16xi32>,
          %get3A_59 = vector.shape_cast %get3A_58 : vector<1x16xi32> to vector<16xi32>
          %get3A_60 = arith.index_cast %scan3A_55 : i32 to index
          %get3A_61 = arith.constant 0 : index
          %get3A_62 = tpu.vector_load %arg12[%get3A_60, %get3A_61] {strides = array<i32>} : memref<8x80xi32, #tpu.memory_space<vmem>>, vector<1x16xi32>,
          %get3A_63 = vector.shape_cast %get3A_62 : vector<1x16xi32> to vector<16xi32>
          %get3A_64 = arith.index_cast %scan3A_55 : i32 to index
          %get3A_65 = arith.constant 0 : index
          %get3A_66 = tpu.vector_load %arg13[%get3A_64, %get3A_65] {strides = array<i32>} : memref<8x80xi32, #tpu.memory_space<vmem>>, vector<1x16xi32>,
          %get3A_67 = vector.shape_cast %get3A_66 : vector<1x16xi32> to vector<16xi32>
          %mul3A_68 = arith.constant 8 : i32
          %mul3A_69 = vector.broadcast %mul3A_68 : i32 to vector<16xi32>
          %mul3A_70 = arith.muli %get3A_59, %mul3A_69 : vector<16xi32>
          %add3A_71 = arith.addi %mul3A_70, %get3A_67 : vector<16xi32>
          %swap3A = arith.index_cast %scan3A_55 : i32 to index
          %swap3A_72 = arith.constant 0 : index
          %swap3A_73 = tpu.vector_load %arg14[%swap3A, %swap3A_72] {strides = array<i32>} : memref<8x80xi32, #tpu.memory_space<vmem>>, vector<1x16xi32>,
          %swap3A_74 = vector.shape_cast %swap3A_73 : vector<1x16xi32> to vector<16xi32>
          %swap3A_75 = vector.shape_cast %add3A_71 : vector<16xi32> to vector<1x16xi32>
          tpu.vector_store %arg14[%swap3A, %swap3A_72], %swap3A_75 {strides = array<i32>} : memref<8x80xi32, #tpu.memory_space<vmem>>, vector<1x16xi32>,
          %mul3A_76 = arith.constant 8 : i32
          %mul3A_77 = vector.broadcast %mul3A_76 : i32 to vector<16xi32>
          %mul3A_78 = arith.muli %get3A_63, %mul3A_77 : vector<16xi32>
          %add3A_79 = arith.addi %mul3A_78, %get3A_67 : vector<16xi32>
          %swap3A_80 = arith.index_cast %scan3A_55 : i32 to index
          %swap3A_81 = arith.constant 0 : index
          %swap3A_82 = tpu.vector_load %arg15[%swap3A_80, %swap3A_81] {strides = array<i32>} : memref<8x80xi32, #tpu.memory_space<vmem>>, vector<1x16xi32>,
          %swap3A_83 = vector.shape_cast %swap3A_82 : vector<1x16xi32> to vector<16xi32>
          %swap3A_84 = vector.shape_cast %add3A_79 : vector<16xi32> to vector<1x16xi32>
          tpu.vector_store %arg15[%swap3A_80, %swap3A_81], %swap3A_84 {strides = array<i32>} : memref<8x80xi32, #tpu.memory_space<vmem>>, vector<1x16xi32>,
          %get3A_85 = arith.index_cast %scan3A_55 : i32 to index
          %get3A_86 = arith.constant 16 : index
          %get3A_87 = tpu.vector_load %arg11[%get3A_85, %get3A_86] {strides = array<i32>} : memref<8x80xi32, #tpu.memory_space<vmem>>, vector<1x16xi32>,
          %get3A_88 = vector.shape_cast %get3A_87 : vector<1x16xi32> to vector<16xi32>
          %get3A_89 = arith.index_cast %scan3A_55 : i32 to index
          %get3A_90 = arith.constant 16 : index
          %get3A_91 = tpu.vector_load %arg12[%get3A_89, %get3A_90] {strides = array<i32>} : memref<8x80xi32, #tpu.memory_space<vmem>>, vector<1x16xi32>,
          %get3A_92 = vector.shape_cast %get3A_91 : vector<1x16xi32> to vector<16xi32>
          %get3A_93 = arith.index_cast %scan3A_55 : i32 to index
          %get3A_94 = arith.constant 16 : index
          %get3A_95 = tpu.vector_load %arg13[%get3A_93, %get3A_94] {strides = array<i32>} : memref<8x80xi32, #tpu.memory_space<vmem>>, vector<1x16xi32>,
          %get3A_96 = vector.shape_cast %get3A_95 : vector<1x16xi32> to vector<16xi32>
          %mul3A_97 = arith.constant 8 : i32
          %mul3A_98 = vector.broadcast %mul3A_97 : i32 to vector<16xi32>
          %mul3A_99 = arith.muli %get3A_88, %mul3A_98 : vector<16xi32>
          %add3A_100 = arith.addi %mul3A_99, %get3A_96 : vector<16xi32>
          %swap3A_101 = arith.index_cast %scan3A_55 : i32 to index
          %swap3A_102 = arith.constant 16 : index
          %swap3A_103 = tpu.vector_load %arg14[%swap3A_101, %swap3A_102] {strides = array<i32>} : memref<8x80xi32, #tpu.memory_space<vmem>>, vector<1x16xi32>,
          %swap3A_104 = vector.shape_cast %swap3A_103 : vector<1x16xi32> to vector<16xi32>
          %swap3A_105 = vector.shape_cast %add3A_100 : vector<16xi32> to vector<1x16xi32>
          tpu.vector_store %arg14[%swap3A_101, %swap3A_102], %swap3A_105 {strides = array<i32>} : memref<8x80xi32, #tpu.memory_space<vmem>>, vector<1x16xi32>,
          %mul3A_106 = arith.constant 8 : i32
          %mul3A_107 = vector.broadcast %mul3A_106 : i32 to vector<16xi32>
          %mul3A_108 = arith.muli %get3A_92, %mul3A_107 : vector<16xi32>
          %add3A_109 = arith.addi %mul3A_108, %get3A_96 : vector<16xi32>
          %swap3A_110 = arith.index_cast %scan3A_55 : i32 to index
          %swap3A_111 = arith.constant 16 : index
          %swap3A_112 = tpu.vector_load %arg15[%swap3A_110, %swap3A_111] {strides = array<i32>} : memref<8x80xi32, #tpu.memory_space<vmem>>, vector<1x16xi32>,
          %swap3A_113 = vector.shape_cast %swap3A_112 : vector<1x16xi32> to vector<16xi32>
          %swap3A_114 = vector.shape_cast %add3A_109 : vector<16xi32> to vector<1x16xi32>
          tpu.vector_store %arg15[%swap3A_110, %swap3A_111], %swap3A_114 {strides = array<i32>} : memref<8x80xi32, #tpu.memory_space<vmem>>, vector<1x16xi32>,
          %get3A_115 = arith.index_cast %scan3A_55 : i32 to index
          %get3A_116 = arith.constant 32 : index
          %get3A_117 = tpu.vector_load %arg11[%get3A_115, %get3A_116] {strides = array<i32>} : memref<8x80xi32, #tpu.memory_space<vmem>>, vector<1x16xi32>,
          %get3A_118 = vector.shape_cast %get3A_117 : vector<1x16xi32> to vector<16xi32>
          %get3A_119 = arith.index_cast %scan3A_55 : i32 to index
          %get3A_120 = arith.constant 32 : index
          %get3A_121 = tpu.vector_load %arg12[%get3A_119, %get3A_120] {strides = array<i32>} : memref<8x80xi32, #tpu.memory_space<vmem>>, vector<1x16xi32>,
          %get3A_122 = vector.shape_cast %get3A_121 : vector<1x16xi32> to vector<16xi32>
          %get3A_123 = arith.index_cast %scan3A_55 : i32 to index
          %get3A_124 = arith.constant 32 : index
          %get3A_125 = tpu.vector_load %arg13[%get3A_123, %get3A_124] {strides = array<i32>} : memref<8x80xi32, #tpu.memory_space<vmem>>, vector<1x16xi32>,
          %get3A_126 = vector.shape_cast %get3A_125 : vector<1x16xi32> to vector<16xi32>
          %mul3A_127 = arith.constant 8 : i32
          %mul3A_128 = vector.broadcast %mul3A_127 : i32 to vector<16xi32>
          %mul3A_129 = arith.muli %get3A_118, %mul3A_128 : vector<16xi32>
          %add3A_130 = arith.addi %mul3A_129, %get3A_126 : vector<16xi32>
          %swap3A_131 = arith.index_cast %scan3A_55 : i32 to index
          %swap3A_132 = arith.constant 32 : index
          %swap3A_133 = tpu.vector_load %arg14[%swap3A_131, %swap3A_132] {strides = array<i32>} : memref<8x80xi32, #tpu.memory_space<vmem>>, vector<1x16xi32>,
          %swap3A_134 = vector.shape_cast %swap3A_133 : vector<1x16xi32> to vector<16xi32>
          %swap3A_135 = vector.shape_cast %add3A_130 : vector<16xi32> to vector<1x16xi32>
          tpu.vector_store %arg14[%swap3A_131, %swap3A_132], %swap3A_135 {strides = array<i32>} : memref<8x80xi32, #tpu.memory_space<vmem>>, vector<1x16xi32>,
          %mul3A_136 = arith.constant 8 : i32
          %mul3A_137 = vector.broadcast %mul3A_136 : i32 to vector<16xi32>
          %mul3A_138 = arith.muli %get3A_122, %mul3A_137 : vector<16xi32>
          %add3A_139 = arith.addi %mul3A_138, %get3A_126 : vector<16xi32>
          %swap3A_140 = arith.index_cast %scan3A_55 : i32 to index
          %swap3A_141 = arith.constant 32 : index
          %swap3A_142 = tpu.vector_load %arg15[%swap3A_140, %swap3A_141] {strides = array<i32>} : memref<8x80xi32, #tpu.memory_space<vmem>>, vector<1x16xi32>,
          %swap3A_143 = vector.shape_cast %swap3A_142 : vector<1x16xi32> to vector<16xi32>
          %swap3A_144 = vector.shape_cast %add3A_139 : vector<16xi32> to vector<1x16xi32>
          tpu.vector_store %arg15[%swap3A_140, %swap3A_141], %swap3A_144 {strides = array<i32>} : memref<8x80xi32, #tpu.memory_space<vmem>>, vector<1x16xi32>,
          %get3A_145 = arith.index_cast %scan3A_55 : i32 to index
          %get3A_146 = arith.constant 48 : index
          %get3A_147 = tpu.vector_load %arg11[%get3A_145, %get3A_146] {strides = array<i32>} : memref<8x80xi32, #tpu.memory_space<vmem>>, vector<1x16xi32>,
          %get3A_148 = vector.shape_cast %get3A_147 : vector<1x16xi32> to vector<16xi32>
          %get3A_149 = arith.index_cast %scan3A_55 : i32 to index
          %get3A_150 = arith.constant 48 : index
          %get3A_151 = tpu.vector_load %arg12[%get3A_149, %get3A_150] {strides = array<i32>} : memref<8x80xi32, #tpu.memory_space<vmem>>, vector<1x16xi32>,
          %get3A_152 = vector.shape_cast %get3A_151 : vector<1x16xi32> to vector<16xi32>
          %get3A_153 = arith.index_cast %scan3A_55 : i32 to index
          %get3A_154 = arith.constant 48 : index
          %get3A_155 = tpu.vector_load %arg13[%get3A_153, %get3A_154] {strides = array<i32>} : memref<8x80xi32, #tpu.memory_space<vmem>>, vector<1x16xi32>,
          %get3A_156 = vector.shape_cast %get3A_155 : vector<1x16xi32> to vector<16xi32>
          %mul3A_157 = arith.constant 8 : i32
          %mul3A_158 = vector.broadcast %mul3A_157 : i32 to vector<16xi32>
          %mul3A_159 = arith.muli %get3A_148, %mul3A_158 : vector<16xi32>
          %add3A_160 = arith.addi %mul3A_159, %get3A_156 : vector<16xi32>
          %swap3A_161 = arith.index_cast %scan3A_55 : i32 to index
          %swap3A_162 = arith.constant 48 : index
          %swap3A_163 = tpu.vector_load %arg14[%swap3A_161, %swap3A_162] {strides = array<i32>} : memref<8x80xi32, #tpu.memory_space<vmem>>, vector<1x16xi32>,
          %swap3A_164 = vector.shape_cast %swap3A_163 : vector<1x16xi32> to vector<16xi32>
          %swap3A_165 = vector.shape_cast %add3A_160 : vector<16xi32> to vector<1x16xi32>
          tpu.vector_store %arg14[%swap3A_161, %swap3A_162], %swap3A_165 {strides = array<i32>} : memref<8x80xi32, #tpu.memory_space<vmem>>, vector<1x16xi32>,
          %mul3A_166 = arith.constant 8 : i32
          %mul3A_167 = vector.broadcast %mul3A_166 : i32 to vector<16xi32>
          %mul3A_168 = arith.muli %get3A_152, %mul3A_167 : vector<16xi32>
          %add3A_169 = arith.addi %mul3A_168, %get3A_156 : vector<16xi32>
          %swap3A_170 = arith.index_cast %scan3A_55 : i32 to index
          %swap3A_171 = arith.constant 48 : index
          %swap3A_172 = tpu.vector_load %arg15[%swap3A_170, %swap3A_171] {strides = array<i32>} : memref<8x80xi32, #tpu.memory_space<vmem>>, vector<1x16xi32>,
          %swap3A_173 = vector.shape_cast %swap3A_172 : vector<1x16xi32> to vector<16xi32>
          %swap3A_174 = vector.shape_cast %add3A_169 : vector<16xi32> to vector<1x16xi32>
          tpu.vector_store %arg15[%swap3A_170, %swap3A_171], %swap3A_174 {strides = array<i32>} : memref<8x80xi32, #tpu.memory_space<vmem>>, vector<1x16xi32>,
          %get3A_175 = arith.index_cast %scan3A_55 : i32 to index
          %get3A_176 = arith.constant 64 : index
          %get3A_177 = tpu.vector_load %arg11[%get3A_175, %get3A_176] {strides = array<i32>} : memref<8x80xi32, #tpu.memory_space<vmem>>, vector<1x16xi32>,
          %get3A_178 = vector.shape_cast %get3A_177 : vector<1x16xi32> to vector<16xi32>
          %get3A_179 = arith.index_cast %scan3A_55 : i32 to index
          %get3A_180 = arith.constant 64 : index
          %get3A_181 = tpu.vector_load %arg12[%get3A_179, %get3A_180] {strides = array<i32>} : memref<8x80xi32, #tpu.memory_space<vmem>>, vector<1x16xi32>,
          %get3A_182 = vector.shape_cast %get3A_181 : vector<1x16xi32> to vector<16xi32>
          %get3A_183 = arith.index_cast %scan3A_55 : i32 to index
          %get3A_184 = arith.constant 64 : index
          %get3A_185 = tpu.vector_load %arg13[%get3A_183, %get3A_184] {strides = array<i32>} : memref<8x80xi32, #tpu.memory_space<vmem>>, vector<1x16xi32>,
          %get3A_186 = vector.shape_cast %get3A_185 : vector<1x16xi32> to vector<16xi32>
          %mul3A_187 = arith.constant 8 : i32
          %mul3A_188 = vector.broadcast %mul3A_187 : i32 to vector<16xi32>
          %mul3A_189 = arith.muli %get3A_178, %mul3A_188 : vector<16xi32>
          %add3A_190 = arith.addi %mul3A_189, %get3A_186 : vector<16xi32>
          %swap3A_191 = arith.index_cast %scan3A_55 : i32 to index
          %swap3A_192 = arith.constant 64 : index
          %swap3A_193 = tpu.vector_load %arg14[%swap3A_191, %swap3A_192] {strides = array<i32>} : memref<8x80xi32, #tpu.memory_space<vmem>>, vector<1x16xi32>,
          %swap3A_194 = vector.shape_cast %swap3A_193 : vector<1x16xi32> to vector<16xi32>
          %swap3A_195 = vector.shape_cast %add3A_190 : vector<16xi32> to vector<1x16xi32>
          tpu.vector_store %arg14[%swap3A_191, %swap3A_192], %swap3A_195 {strides = array<i32>} : memref<8x80xi32, #tpu.memory_space<vmem>>, vector<1x16xi32>,
          %mul3A_196 = arith.constant 8 : i32
          %mul3A_197 = vector.broadcast %mul3A_196 : i32 to vector<16xi32>
          %mul3A_198 = arith.muli %get3A_182, %mul3A_197 : vector<16xi32>
          %add3A_199 = arith.addi %mul3A_198, %get3A_186 : vector<16xi32>
          %swap3A_200 = arith.index_cast %scan3A_55 : i32 to index
          %swap3A_201 = arith.constant 64 : index
          %swap3A_202 = tpu.vector_load %arg15[%swap3A_200, %swap3A_201] {strides = array<i32>} : memref<8x80xi32, #tpu.memory_space<vmem>>, vector<1x16xi32>,
          %swap3A_203 = vector.shape_cast %swap3A_202 : vector<1x16xi32> to vector<16xi32>
          %swap3A_204 = vector.shape_cast %add3A_199 : vector<16xi32> to vector<1x16xi32>
          tpu.vector_store %arg15[%swap3A_200, %swap3A_201], %swap3A_204 {strides = array<i32>} : memref<8x80xi32, #tpu.memory_space<vmem>>, vector<1x16xi32>,
          %scan3A_205 = arith.constant 0 : i32
          scf.yield %scan3A_205 : i32
        }
        %scan3A_53 = arith.constant 8 : i32
        "tpu.region"() ({
          %run_scoped3A = tpu.sem_alloc : memref<!tpu.dma_semaphore, #tpu.memory_space<semaphore_mem>>
          %dma_start3A = arith.constant 0 : i32
          %dma_start3A_55 = tpu.memref_slice %arg6[%multiple_of3A_47, %dma_start3A] : memref<4000x80xi32, #tpu.memory_space<hbm>> -> memref<8x80xi32, #tpu.memory_space<hbm>>
          %dma_start3A_56 = arith.constant 0 : i32
          %dma_start3A_57 = tpu.memref_slice %arg6[%multiple_of3A_47, %dma_start3A_56] : memref<4000x80xi32, #tpu.memory_space<hbm>> -> memref<8x80xi32, #tpu.memory_space<hbm>>
          tpu.enqueue_dma source(%arg14 : memref<8x80xi32, #tpu.memory_space<vmem>>) target(%dma_start3A_57 : memref<8x80xi32, #tpu.memory_space<hbm>>) target_semaphore(%run_scoped3A : memref<!tpu.dma_semaphore, #tpu.memory_space<semaphore_mem>>)
          %dma_wait3A = arith.constant 0 : i32
          %dma_wait3A_58 = tpu.memref_slice %arg6[%multiple_of3A_47, %dma_wait3A] : memref<4000x80xi32, #tpu.memory_space<hbm>> -> memref<8x80xi32, #tpu.memory_space<hbm>>
          %dma_wait3A_59 = arith.constant 0 : i32
          %dma_wait3A_60 = tpu.memref_slice %arg6[%multiple_of3A_47, %dma_wait3A_59] : memref<4000x80xi32, #tpu.memory_space<hbm>> -> memref<8x80xi32, #tpu.memory_space<hbm>>
          tpu.wait_dma2 semaphore(%run_scoped3A : memref<!tpu.dma_semaphore, #tpu.memory_space<semaphore_mem>>) src(%arg14 : memref<8x80xi32, #tpu.memory_space<vmem>>) dst(%dma_wait3A_60 : memref<8x80xi32, #tpu.memory_space<hbm>>)
          tpu.yield
        }) : () -> ()
        "tpu.region"() ({
          %run_scoped3A = tpu.sem_alloc : memref<!tpu.dma_semaphore, #tpu.memory_space<semaphore_mem>>
          %dma_start3A = arith.constant 0 : i32
          %dma_start3A_55 = tpu.memref_slice %arg7[%multiple_of3A_47, %dma_start3A] : memref<4000x80xi32, #tpu.memory_space<hbm>> -> memref<8x80xi32, #tpu.memory_space<hbm>>
          %dma_start3A_56 = arith.constant 0 : i32
          %dma_start3A_57 = tpu.memref_slice %arg7[%multiple_of3A_47, %dma_start3A_56] : memref<4000x80xi32, #tpu.memory_space<hbm>> -> memref<8x80xi32, #tpu.memory_space<hbm>>
          tpu.enqueue_dma source(%arg15 : memref<8x80xi32, #tpu.memory_space<vmem>>) target(%dma_start3A_57 : memref<8x80xi32, #tpu.memory_space<hbm>>) target_semaphore(%run_scoped3A : memref<!tpu.dma_semaphore, #tpu.memory_space<semaphore_mem>>)
          %dma_wait3A = arith.constant 0 : i32
          %dma_wait3A_58 = tpu.memref_slice %arg7[%multiple_of3A_47, %dma_wait3A] : memref<4000x80xi32, #tpu.memory_space<hbm>> -> memref<8x80xi32, #tpu.memory_space<hbm>>
          %dma_wait3A_59 = arith.constant 0 : i32
          %dma_wait3A_60 = tpu.memref_slice %arg7[%multiple_of3A_47, %dma_wait3A_59] : memref<4000x80xi32, #tpu.memory_space<hbm>> -> memref<8x80xi32, #tpu.memory_space<hbm>>
          tpu.wait_dma2 semaphore(%run_scoped3A : memref<!tpu.dma_semaphore, #tpu.memory_space<semaphore_mem>>) src(%arg15 : memref<8x80xi32, #tpu.memory_space<vmem>>) dst(%dma_wait3A_60 : memref<8x80xi32, #tpu.memory_space<hbm>>)
          tpu.yield
        }) : () -> ()
        %while3A_54 = arith.constant 0 : i32
        scf.yield %while3A_54 : i32
      }
      %while3A_40 = arith.constant 1 : i32
      %while3A_41 = scf.for %while3A_42 = %while3A_37 to %while3A_33 step %while3A_40 iter_args(%while3A_43 = %while3A_39) -> (i32)  : i32 {
        %mul3A_44 = arith.constant 8 : i32
        %mul3A_45 = arith.muli %while3A_42, %mul3A_44 : i32
        %add3A_46 = arith.addi %multiple_of3A, %mul3A_45 : i32
        %multiple_of3A_47 = tpu.assume_multiple %add3A_46, 8 : i32
        "tpu.region"() ({
          %run_scoped3A = tpu.sem_alloc : memref<!tpu.dma_semaphore, #tpu.memory_space<semaphore_mem>>
          %dma_start3A = arith.constant 0 : i32
          %dma_start3A_55 = tpu.memref_slice %arg2[%multiple_of3A_47, %dma_start3A] : memref<4000x80xi32, #tpu.memory_space<hbm>> -> memref<8x80xi32, #tpu.memory_space<hbm>>
          %dma_start3A_56 = arith.constant 0 : i32
          %dma_start3A_57 = tpu.memref_slice %arg2[%multiple_of3A_47, %dma_start3A_56] : memref<4000x80xi32, #tpu.memory_space<hbm>> -> memref<8x80xi32, #tpu.memory_space<hbm>>
          tpu.enqueue_dma source(%dma_start3A_57 : memref<8x80xi32, #tpu.memory_space<hbm>>) target(%arg11 : memref<8x80xi32, #tpu.memory_space<vmem>>) target_semaphore(%run_scoped3A : memref<!tpu.dma_semaphore, #tpu.memory_space<semaphore_mem>>)
          %dma_wait3A = arith.constant 0 : i32
          %dma_wait3A_58 = tpu.memref_slice %arg2[%multiple_of3A_47, %dma_wait3A] : memref<4000x80xi32, #tpu.memory_space<hbm>> -> memref<8x80xi32, #tpu.memory_space<hbm>>
          %dma_wait3A_59 = arith.constant 0 : i32
          %dma_wait3A_60 = tpu.memref_slice %arg2[%multiple_of3A_47, %dma_wait3A_59] : memref<4000x80xi32, #tpu.memory_space<hbm>> -> memref<8x80xi32, #tpu.memory_space<hbm>>
          tpu.wait_dma2 semaphore(%run_scoped3A : memref<!tpu.dma_semaphore, #tpu.memory_space<semaphore_mem>>) src(%dma_wait3A_60 : memref<8x80xi32, #tpu.memory_space<hbm>>) dst(%arg11 : memref<8x80xi32, #tpu.memory_space<vmem>>)
          tpu.yield
        }) : () -> ()
        "tpu.region"() ({
          %run_scoped3A = tpu.sem_alloc : memref<!tpu.dma_semaphore, #tpu.memory_space<semaphore_mem>>
          %dma_start3A = arith.constant 0 : i32
          %dma_start3A_55 = tpu.memref_slice %arg3[%multiple_of3A_47, %dma_start3A] : memref<4000x80xi32, #tpu.memory_space<hbm>> -> memref<8x80xi32, #tpu.memory_space<hbm>>
          %dma_start3A_56 = arith.constant 0 : i32
          %dma_start3A_57 = tpu.memref_slice %arg3[%multiple_of3A_47, %dma_start3A_56] : memref<4000x80xi32, #tpu.memory_space<hbm>> -> memref<8x80xi32, #tpu.memory_space<hbm>>
          tpu.enqueue_dma source(%dma_start3A_57 : memref<8x80xi32, #tpu.memory_space<hbm>>) target(%arg12 : memref<8x80xi32, #tpu.memory_space<vmem>>) target_semaphore(%run_scoped3A : memref<!tpu.dma_semaphore, #tpu.memory_space<semaphore_mem>>)
          %dma_wait3A = arith.constant 0 : i32
          %dma_wait3A_58 = tpu.memref_slice %arg3[%multiple_of3A_47, %dma_wait3A] : memref<4000x80xi32, #tpu.memory_space<hbm>> -> memref<8x80xi32, #tpu.memory_space<hbm>>
          %dma_wait3A_59 = arith.constant 0 : i32
          %dma_wait3A_60 = tpu.memref_slice %arg3[%multiple_of3A_47, %dma_wait3A_59] : memref<4000x80xi32, #tpu.memory_space<hbm>> -> memref<8x80xi32, #tpu.memory_space<hbm>>
          tpu.wait_dma2 semaphore(%run_scoped3A : memref<!tpu.dma_semaphore, #tpu.memory_space<semaphore_mem>>) src(%dma_wait3A_60 : memref<8x80xi32, #tpu.memory_space<hbm>>) dst(%arg12 : memref<8x80xi32, #tpu.memory_space<vmem>>)
          tpu.yield
        }) : () -> ()
        "tpu.region"() ({
          %run_scoped3A = tpu.sem_alloc : memref<!tpu.dma_semaphore, #tpu.memory_space<semaphore_mem>>
          %dma_start3A = arith.constant 0 : i32
          %dma_start3A_55 = tpu.memref_slice %arg4[%multiple_of3A_47, %dma_start3A] : memref<4000x80xi32, #tpu.memory_space<hbm>> -> memref<8x80xi32, #tpu.memory_space<hbm>>
          %dma_start3A_56 = arith.constant 0 : i32
          %dma_start3A_57 = tpu.memref_slice %arg4[%multiple_of3A_47, %dma_start3A_56] : memref<4000x80xi32, #tpu.memory_space<hbm>> -> memref<8x80xi32, #tpu.memory_space<hbm>>
          tpu.enqueue_dma source(%dma_start3A_57 : memref<8x80xi32, #tpu.memory_space<hbm>>) target(%arg13 : memref<8x80xi32, #tpu.memory_space<vmem>>) target_semaphore(%run_scoped3A : memref<!tpu.dma_semaphore, #tpu.memory_space<semaphore_mem>>)
          %dma_wait3A = arith.constant 0 : i32
          %dma_wait3A_58 = tpu.memref_slice %arg4[%multiple_of3A_47, %dma_wait3A] : memref<4000x80xi32, #tpu.memory_space<hbm>> -> memref<8x80xi32, #tpu.memory_space<hbm>>
          %dma_wait3A_59 = arith.constant 0 : i32
          %dma_wait3A_60 = tpu.memref_slice %arg4[%multiple_of3A_47, %dma_wait3A_59] : memref<4000x80xi32, #tpu.memory_space<hbm>> -> memref<8x80xi32, #tpu.memory_space<hbm>>
          tpu.wait_dma2 semaphore(%run_scoped3A : memref<!tpu.dma_semaphore, #tpu.memory_space<semaphore_mem>>) src(%dma_wait3A_60 : memref<8x80xi32, #tpu.memory_space<hbm>>) dst(%arg13 : memref<8x80xi32, #tpu.memory_space<vmem>>)
          tpu.yield
        }) : () -> ()
        %scan3A = arith.constant 0 : i32
        %scan3A_48 = arith.constant 0 : i32
        %scan3A_49 = arith.constant 8 : i32
        %scan3A_50 = arith.addi %scan3A_48, %scan3A_49 : i32
        %scan3A_51 = arith.constant 1 : i32
        %scan3A_52 = scf.for %scan3A_55 = %scan3A_48 to %scan3A_50 step %scan3A_51 iter_args(%scan3A_56 = %scan3A) -> (i32)  : i32 {
          %get3A = arith.index_cast %scan3A_55 : i32 to index
          %get3A_57 = arith.constant 0 : index
          %get3A_58 = tpu.vector_load %arg11[%get3A, %get3A_57] {strides = array<i32>} : memref<8x80xi32, #tpu.memory_space<vmem>>, vector<1x16xi32>,
          %get3A_59 = vector.shape_cast %get3A_58 : vector<1x16xi32> to vector<16xi32>
          %get3A_60 = arith.index_cast %scan3A_55 : i32 to index
          %get3A_61 = arith.constant 0 : index
          %get3A_62 = tpu.vector_load %arg12[%get3A_60, %get3A_61] {strides = array<i32>} : memref<8x80xi32, #tpu.memory_space<vmem>>, vector<1x16xi32>,
          %get3A_63 = vector.shape_cast %get3A_62 : vector<1x16xi32> to vector<16xi32>
          %get3A_64 = arith.index_cast %scan3A_55 : i32 to index
          %get3A_65 = arith.constant 0 : index
          %get3A_66 = tpu.vector_load %arg13[%get3A_64, %get3A_65] {strides = array<i32>} : memref<8x80xi32, #tpu.memory_space<vmem>>, vector<1x16xi32>,
          %get3A_67 = vector.shape_cast %get3A_66 : vector<1x16xi32> to vector<16xi32>
          %mul3A_68 = arith.constant 8 : i32
          %mul3A_69 = vector.broadcast %mul3A_68 : i32 to vector<16xi32>
          %mul3A_70 = arith.muli %get3A_59, %mul3A_69 : vector<16xi32>
          %add3A_71 = arith.addi %mul3A_70, %get3A_67 : vector<16xi32>
          %swap3A = arith.index_cast %scan3A_55 : i32 to index
          %swap3A_72 = arith.constant 0 : index
          %swap3A_73 = tpu.vector_load %arg14[%swap3A, %swap3A_72] {strides = array<i32>} : memref<8x80xi32, #tpu.memory_space<vmem>>, vector<1x16xi32>,
          %swap3A_74 = vector.shape_cast %swap3A_73 : vector<1x16xi32> to vector<16xi32>
          %swap3A_75 = vector.shape_cast %add3A_71 : vector<16xi32> to vector<1x16xi32>
          tpu.vector_store %arg14[%swap3A, %swap3A_72], %swap3A_75 {strides = array<i32>} : memref<8x80xi32, #tpu.memory_space<vmem>>, vector<1x16xi32>,
          %mul3A_76 = arith.constant 8 : i32
          %mul3A_77 = vector.broadcast %mul3A_76 : i32 to vector<16xi32>
          %mul3A_78 = arith.muli %get3A_63, %mul3A_77 : vector<16xi32>
          %add3A_79 = arith.addi %mul3A_78, %get3A_67 : vector<16xi32>
          %swap3A_80 = arith.index_cast %scan3A_55 : i32 to index
          %swap3A_81 = arith.constant 0 : index
          %swap3A_82 = tpu.vector_load %arg15[%swap3A_80, %swap3A_81] {strides = array<i32>} : memref<8x80xi32, #tpu.memory_space<vmem>>, vector<1x16xi32>,
          %swap3A_83 = vector.shape_cast %swap3A_82 : vector<1x16xi32> to vector<16xi32>
          %swap3A_84 = vector.shape_cast %add3A_79 : vector<16xi32> to vector<1x16xi32>
          tpu.vector_store %arg15[%swap3A_80, %swap3A_81], %swap3A_84 {strides = array<i32>} : memref<8x80xi32, #tpu.memory_space<vmem>>, vector<1x16xi32>,
          %get3A_85 = arith.index_cast %scan3A_55 : i32 to index
          %get3A_86 = arith.constant 16 : index
          %get3A_87 = tpu.vector_load %arg11[%get3A_85, %get3A_86] {strides = array<i32>} : memref<8x80xi32, #tpu.memory_space<vmem>>, vector<1x16xi32>,
          %get3A_88 = vector.shape_cast %get3A_87 : vector<1x16xi32> to vector<16xi32>
          %get3A_89 = arith.index_cast %scan3A_55 : i32 to index
          %get3A_90 = arith.constant 16 : index
          %get3A_91 = tpu.vector_load %arg12[%get3A_89, %get3A_90] {strides = array<i32>} : memref<8x80xi32, #tpu.memory_space<vmem>>, vector<1x16xi32>,
          %get3A_92 = vector.shape_cast %get3A_91 : vector<1x16xi32> to vector<16xi32>
          %get3A_93 = arith.index_cast %scan3A_55 : i32 to index
          %get3A_94 = arith.constant 16 : index
          %get3A_95 = tpu.vector_load %arg13[%get3A_93, %get3A_94] {strides = array<i32>} : memref<8x80xi32, #tpu.memory_space<vmem>>, vector<1x16xi32>,
          %get3A_96 = vector.shape_cast %get3A_95 : vector<1x16xi32> to vector<16xi32>
          %mul3A_97 = arith.constant 8 : i32
          %mul3A_98 = vector.broadcast %mul3A_97 : i32 to vector<16xi32>
          %mul3A_99 = arith.muli %get3A_88, %mul3A_98 : vector<16xi32>
          %add3A_100 = arith.addi %mul3A_99, %get3A_96 : vector<16xi32>
          %swap3A_101 = arith.index_cast %scan3A_55 : i32 to index
          %swap3A_102 = arith.constant 16 : index
          %swap3A_103 = tpu.vector_load %arg14[%swap3A_101, %swap3A_102] {strides = array<i32>} : memref<8x80xi32, #tpu.memory_space<vmem>>, vector<1x16xi32>,
          %swap3A_104 = vector.shape_cast %swap3A_103 : vector<1x16xi32> to vector<16xi32>
          %swap3A_105 = vector.shape_cast %add3A_100 : vector<16xi32> to vector<1x16xi32>
          tpu.vector_store %arg14[%swap3A_101, %swap3A_102], %swap3A_105 {strides = array<i32>} : memref<8x80xi32, #tpu.memory_space<vmem>>, vector<1x16xi32>,
          %mul3A_106 = arith.constant 8 : i32
          %mul3A_107 = vector.broadcast %mul3A_106 : i32 to vector<16xi32>
          %mul3A_108 = arith.muli %get3A_92, %mul3A_107 : vector<16xi32>
          %add3A_109 = arith.addi %mul3A_108, %get3A_96 : vector<16xi32>
          %swap3A_110 = arith.index_cast %scan3A_55 : i32 to index
          %swap3A_111 = arith.constant 16 : index
          %swap3A_112 = tpu.vector_load %arg15[%swap3A_110, %swap3A_111] {strides = array<i32>} : memref<8x80xi32, #tpu.memory_space<vmem>>, vector<1x16xi32>,
          %swap3A_113 = vector.shape_cast %swap3A_112 : vector<1x16xi32> to vector<16xi32>
          %swap3A_114 = vector.shape_cast %add3A_109 : vector<16xi32> to vector<1x16xi32>
          tpu.vector_store %arg15[%swap3A_110, %swap3A_111], %swap3A_114 {strides = array<i32>} : memref<8x80xi32, #tpu.memory_space<vmem>>, vector<1x16xi32>,
          %get3A_115 = arith.index_cast %scan3A_55 : i32 to index
          %get3A_116 = arith.constant 32 : index
          %get3A_117 = tpu.vector_load %arg11[%get3A_115, %get3A_116] {strides = array<i32>} : memref<8x80xi32, #tpu.memory_space<vmem>>, vector<1x16xi32>,
          %get3A_118 = vector.shape_cast %get3A_117 : vector<1x16xi32> to vector<16xi32>
          %get3A_119 = arith.index_cast %scan3A_55 : i32 to index
          %get3A_120 = arith.constant 32 : index
          %get3A_121 = tpu.vector_load %arg12[%get3A_119, %get3A_120] {strides = array<i32>} : memref<8x80xi32, #tpu.memory_space<vmem>>, vector<1x16xi32>,
          %get3A_122 = vector.shape_cast %get3A_121 : vector<1x16xi32> to vector<16xi32>
          %get3A_123 = arith.index_cast %scan3A_55 : i32 to index
          %get3A_124 = arith.constant 32 : index
          %get3A_125 = tpu.vector_load %arg13[%get3A_123, %get3A_124] {strides = array<i32>} : memref<8x80xi32, #tpu.memory_space<vmem>>, vector<1x16xi32>,
          %get3A_126 = vector.shape_cast %get3A_125 : vector<1x16xi32> to vector<16xi32>
          %mul3A_127 = arith.constant 8 : i32
          %mul3A_128 = vector.broadcast %mul3A_127 : i32 to vector<16xi32>
          %mul3A_129 = arith.muli %get3A_118, %mul3A_128 : vector<16xi32>
          %add3A_130 = arith.addi %mul3A_129, %get3A_126 : vector<16xi32>
          %swap3A_131 = arith.index_cast %scan3A_55 : i32 to index
          %swap3A_132 = arith.constant 32 : index
          %swap3A_133 = tpu.vector_load %arg14[%swap3A_131, %swap3A_132] {strides = array<i32>} : memref<8x80xi32, #tpu.memory_space<vmem>>, vector<1x16xi32>,
          %swap3A_134 = vector.shape_cast %swap3A_133 : vector<1x16xi32> to vector<16xi32>
          %swap3A_135 = vector.shape_cast %add3A_130 : vector<16xi32> to vector<1x16xi32>
          tpu.vector_store %arg14[%swap3A_131, %swap3A_132], %swap3A_135 {strides = array<i32>} : memref<8x80xi32, #tpu.memory_space<vmem>>, vector<1x16xi32>,
          %mul3A_136 = arith.constant 8 : i32
          %mul3A_137 = vector.broadcast %mul3A_136 : i32 to vector<16xi32>
          %mul3A_138 = arith.muli %get3A_122, %mul3A_137 : vector<16xi32>
          %add3A_139 = arith.addi %mul3A_138, %get3A_126 : vector<16xi32>
          %swap3A_140 = arith.index_cast %scan3A_55 : i32 to index
          %swap3A_141 = arith.constant 32 : index
          %swap3A_142 = tpu.vector_load %arg15[%swap3A_140, %swap3A_141] {strides = array<i32>} : memref<8x80xi32, #tpu.memory_space<vmem>>, vector<1x16xi32>,
          %swap3A_143 = vector.shape_cast %swap3A_142 : vector<1x16xi32> to vector<16xi32>
          %swap3A_144 = vector.shape_cast %add3A_139 : vector<16xi32> to vector<1x16xi32>
          tpu.vector_store %arg15[%swap3A_140, %swap3A_141], %swap3A_144 {strides = array<i32>} : memref<8x80xi32, #tpu.memory_space<vmem>>, vector<1x16xi32>,
          %get3A_145 = arith.index_cast %scan3A_55 : i32 to index
          %get3A_146 = arith.constant 48 : index
          %get3A_147 = tpu.vector_load %arg11[%get3A_145, %get3A_146] {strides = array<i32>} : memref<8x80xi32, #tpu.memory_space<vmem>>, vector<1x16xi32>,
          %get3A_148 = vector.shape_cast %get3A_147 : vector<1x16xi32> to vector<16xi32>
          %get3A_149 = arith.index_cast %scan3A_55 : i32 to index
          %get3A_150 = arith.constant 48 : index
          %get3A_151 = tpu.vector_load %arg12[%get3A_149, %get3A_150] {strides = array<i32>} : memref<8x80xi32, #tpu.memory_space<vmem>>, vector<1x16xi32>,
          %get3A_152 = vector.shape_cast %get3A_151 : vector<1x16xi32> to vector<16xi32>
          %get3A_153 = arith.index_cast %scan3A_55 : i32 to index
          %get3A_154 = arith.constant 48 : index
          %get3A_155 = tpu.vector_load %arg13[%get3A_153, %get3A_154] {strides = array<i32>} : memref<8x80xi32, #tpu.memory_space<vmem>>, vector<1x16xi32>,
          %get3A_156 = vector.shape_cast %get3A_155 : vector<1x16xi32> to vector<16xi32>
          %mul3A_157 = arith.constant 8 : i32
          %mul3A_158 = vector.broadcast %mul3A_157 : i32 to vector<16xi32>
          %mul3A_159 = arith.muli %get3A_148, %mul3A_158 : vector<16xi32>
          %add3A_160 = arith.addi %mul3A_159, %get3A_156 : vector<16xi32>
          %swap3A_161 = arith.index_cast %scan3A_55 : i32 to index
          %swap3A_162 = arith.constant 48 : index
          %swap3A_163 = tpu.vector_load %arg14[%swap3A_161, %swap3A_162] {strides = array<i32>} : memref<8x80xi32, #tpu.memory_space<vmem>>, vector<1x16xi32>,
          %swap3A_164 = vector.shape_cast %swap3A_163 : vector<1x16xi32> to vector<16xi32>
          %swap3A_165 = vector.shape_cast %add3A_160 : vector<16xi32> to vector<1x16xi32>
          tpu.vector_store %arg14[%swap3A_161, %swap3A_162], %swap3A_165 {strides = array<i32>} : memref<8x80xi32, #tpu.memory_space<vmem>>, vector<1x16xi32>,
          %mul3A_166 = arith.constant 8 : i32
          %mul3A_167 = vector.broadcast %mul3A_166 : i32 to vector<16xi32>
          %mul3A_168 = arith.muli %get3A_152, %mul3A_167 : vector<16xi32>
          %add3A_169 = arith.addi %mul3A_168, %get3A_156 : vector<16xi32>
          %swap3A_170 = arith.index_cast %scan3A_55 : i32 to index
          %swap3A_171 = arith.constant 48 : index
          %swap3A_172 = tpu.vector_load %arg15[%swap3A_170, %swap3A_171] {strides = array<i32>} : memref<8x80xi32, #tpu.memory_space<vmem>>, vector<1x16xi32>,
          %swap3A_173 = vector.shape_cast %swap3A_172 : vector<1x16xi32> to vector<16xi32>
          %swap3A_174 = vector.shape_cast %add3A_169 : vector<16xi32> to vector<1x16xi32>
          tpu.vector_store %arg15[%swap3A_170, %swap3A_171], %swap3A_174 {strides = array<i32>} : memref<8x80xi32, #tpu.memory_space<vmem>>, vector<1x16xi32>,
          %get3A_175 = arith.index_cast %scan3A_55 : i32 to index
          %get3A_176 = arith.constant 64 : index
          %get3A_177 = tpu.vector_load %arg11[%get3A_175, %get3A_176] {strides = array<i32>} : memref<8x80xi32, #tpu.memory_space<vmem>>, vector<1x16xi32>,
          %get3A_178 = vector.shape_cast %get3A_177 : vector<1x16xi32> to vector<16xi32>
          %get3A_179 = arith.index_cast %scan3A_55 : i32 to index
          %get3A_180 = arith.constant 64 : index
          %get3A_181 = tpu.vector_load %arg12[%get3A_179, %get3A_180] {strides = array<i32>} : memref<8x80xi32, #tpu.memory_space<vmem>>, vector<1x16xi32>,
          %get3A_182 = vector.shape_cast %get3A_181 : vector<1x16xi32> to vector<16xi32>
          %get3A_183 = arith.index_cast %scan3A_55 : i32 to index
          %get3A_184 = arith.constant 64 : index
          %get3A_185 = tpu.vector_load %arg13[%get3A_183, %get3A_184] {strides = array<i32>} : memref<8x80xi32, #tpu.memory_space<vmem>>, vector<1x16xi32>,
          %get3A_186 = vector.shape_cast %get3A_185 : vector<1x16xi32> to vector<16xi32>
          %mul3A_187 = arith.constant 8 : i32
          %mul3A_188 = vector.broadcast %mul3A_187 : i32 to vector<16xi32>
          %mul3A_189 = arith.muli %get3A_178, %mul3A_188 : vector<16xi32>
          %add3A_190 = arith.addi %mul3A_189, %get3A_186 : vector<16xi32>
          %swap3A_191 = arith.index_cast %scan3A_55 : i32 to index
          %swap3A_192 = arith.constant 64 : index
          %swap3A_193 = tpu.vector_load %arg14[%swap3A_191, %swap3A_192] {strides = array<i32>} : memref<8x80xi32, #tpu.memory_space<vmem>>, vector<1x16xi32>,
          %swap3A_194 = vector.shape_cast %swap3A_193 : vector<1x16xi32> to vector<16xi32>
          %swap3A_195 = vector.shape_cast %add3A_190 : vector<16xi32> to vector<1x16xi32>
          tpu.vector_store %arg14[%swap3A_191, %swap3A_192], %swap3A_195 {strides = array<i32>} : memref<8x80xi32, #tpu.memory_space<vmem>>, vector<1x16xi32>,
          %mul3A_196 = arith.constant 8 : i32
          %mul3A_197 = vector.broadcast %mul3A_196 : i32 to vector<16xi32>
          %mul3A_198 = arith.muli %get3A_182, %mul3A_197 : vector<16xi32>
          %add3A_199 = arith.addi %mul3A_198, %get3A_186 : vector<16xi32>
          %swap3A_200 = arith.index_cast %scan3A_55 : i32 to index
          %swap3A_201 = arith.constant 64 : index
          %swap3A_202 = tpu.vector_load %arg15[%swap3A_200, %swap3A_201] {strides = array<i32>} : memref<8x80xi32, #tpu.memory_space<vmem>>, vector<1x16xi32>,
          %swap3A_203 = vector.shape_cast %swap3A_202 : vector<1x16xi32> to vector<16xi32>
          %swap3A_204 = vector.shape_cast %add3A_199 : vector<16xi32> to vector<1x16xi32>
          tpu.vector_store %arg15[%swap3A_200, %swap3A_201], %swap3A_204 {strides = array<i32>} : memref<8x80xi32, #tpu.memory_space<vmem>>, vector<1x16xi32>,
          %scan3A_205 = arith.constant 0 : i32
          scf.yield %scan3A_205 : i32
        }
        %scan3A_53 = arith.constant 8 : i32
        "tpu.region"() ({
          %run_scoped3A = tpu.sem_alloc : memref<!tpu.dma_semaphore, #tpu.memory_space<semaphore_mem>>
          %dma_start3A = arith.constant 0 : i32
          %dma_start3A_55 = tpu.memref_slice %arg6[%multiple_of3A_47, %dma_start3A] : memref<4000x80xi32, #tpu.memory_space<hbm>> -> memref<8x80xi32, #tpu.memory_space<hbm>>
          %dma_start3A_56 = arith.constant 0 : i32
          %dma_start3A_57 = tpu.memref_slice %arg6[%multiple_of3A_47, %dma_start3A_56] : memref<4000x80xi32, #tpu.memory_space<hbm>> -> memref<8x80xi32, #tpu.memory_space<hbm>>
          tpu.enqueue_dma source(%arg14 : memref<8x80xi32, #tpu.memory_space<vmem>>) target(%dma_start3A_57 : memref<8x80xi32, #tpu.memory_space<hbm>>) target_semaphore(%run_scoped3A : memref<!tpu.dma_semaphore, #tpu.memory_space<semaphore_mem>>)
          %dma_wait3A = arith.constant 0 : i32
          %dma_wait3A_58 = tpu.memref_slice %arg6[%multiple_of3A_47, %dma_wait3A] : memref<4000x80xi32, #tpu.memory_space<hbm>> -> memref<8x80xi32, #tpu.memory_space<hbm>>
          %dma_wait3A_59 = arith.constant 0 : i32
          %dma_wait3A_60 = tpu.memref_slice %arg6[%multiple_of3A_47, %dma_wait3A_59] : memref<4000x80xi32, #tpu.memory_space<hbm>> -> memref<8x80xi32, #tpu.memory_space<hbm>>
          tpu.wait_dma2 semaphore(%run_scoped3A : memref<!tpu.dma_semaphore, #tpu.memory_space<semaphore_mem>>) src(%arg14 : memref<8x80xi32, #tpu.memory_space<vmem>>) dst(%dma_wait3A_60 : memref<8x80xi32, #tpu.memory_space<hbm>>)
          tpu.yield
        }) : () -> ()
        "tpu.region"() ({
          %run_scoped3A = tpu.sem_alloc : memref<!tpu.dma_semaphore, #tpu.memory_space<semaphore_mem>>
          %dma_start3A = arith.constant 0 : i32
          %dma_start3A_55 = tpu.memref_slice %arg7[%multiple_of3A_47, %dma_start3A] : memref<4000x80xi32, #tpu.memory_space<hbm>> -> memref<8x80xi32, #tpu.memory_space<hbm>>
          %dma_start3A_56 = arith.constant 0 : i32
          %dma_start3A_57 = tpu.memref_slice %arg7[%multiple_of3A_47, %dma_start3A_56] : memref<4000x80xi32, #tpu.memory_space<hbm>> -> memref<8x80xi32, #tpu.memory_space<hbm>>
          tpu.enqueue_dma source(%arg15 : memref<8x80xi32, #tpu.memory_space<vmem>>) target(%dma_start3A_57 : memref<8x80xi32, #tpu.memory_space<hbm>>) target_semaphore(%run_scoped3A : memref<!tpu.dma_semaphore, #tpu.memory_space<semaphore_mem>>)
          %dma_wait3A = arith.constant 0 : i32
          %dma_wait3A_58 = tpu.memref_slice %arg7[%multiple_of3A_47, %dma_wait3A] : memref<4000x80xi32, #tpu.memory_space<hbm>> -> memref<8x80xi32, #tpu.memory_space<hbm>>
          %dma_wait3A_59 = arith.constant 0 : i32
          %dma_wait3A_60 = tpu.memref_slice %arg7[%multiple_of3A_47, %dma_wait3A_59] : memref<4000x80xi32, #tpu.memory_space<hbm>> -> memref<8x80xi32, #tpu.memory_space<hbm>>
          tpu.wait_dma2 semaphore(%run_scoped3A : memref<!tpu.dma_semaphore, #tpu.memory_space<semaphore_mem>>) src(%arg15 : memref<8x80xi32, #tpu.memory_space<vmem>>) dst(%dma_wait3A_60 : memref<8x80xi32, #tpu.memory_space<hbm>>)
          tpu.yield
        }) : () -> ()
        %while3A_54 = arith.constant 0 : i32
        scf.yield %while3A_54 : i32
      }
    } else {
    }
    %barrier3A_15 = arith.constant 0 : index
    tpu.barrier barrier_id(%barrier3A_15)
    %eq3A_16 = arith.constant 0 : i32
    %eq3A_17 = arith.cmpi eq, %arg0, %eq3A_16 : i32
    %convert_element_type3A_18 = arith.extui %eq3A_17 : i1 to i32
    %cond3A_19 = arith.constant 0 : i32
    %cond3A_20 = arith.cmpi ne, %convert_element_type3A_18, %cond3A_19 : i32
    scf.if %cond3A_20 {
      %scan3A = arith.constant 0 : i32
      %scan3A_21 = arith.constant 0 : i32
      %scan3A_22 = arith.constant 5 : i32
      %scan3A_23 = arith.addi %scan3A_21, %scan3A_22 : i32
      %scan3A_24 = arith.constant 1 : i32
      %scan3A_25 = scf.for %scan3A_27 = %scan3A_21 to %scan3A_23 step %scan3A_24 iter_args(%scan3A_28 = %scan3A) -> (i32)  : i32 {
        %mul3A = arith.constant 5000 : i32
        %mul3A_29 = arith.muli %arg1, %mul3A : i32
        %mul3A_30 = arith.constant 1000 : i32
        %mul3A_31 = arith.muli %scan3A_27, %mul3A_30 : i32
        %add3A = arith.addi %mul3A_29, %mul3A_31 : i32
        %multiple_of3A = tpu.assume_multiple %add3A, 8 : i32
        "tpu.region"() ({
          %run_scoped3A = tpu.sem_alloc : memref<!tpu.dma_semaphore, #tpu.memory_space<semaphore_mem>>
          %dma_start3A = arith.constant 0 : i32
          %dma_start3A_40 = tpu.memref_slice %arg8[%multiple_of3A, %dma_start3A] : memref<80000x16xf32, #tpu.memory_space<vmem_shared>> -> memref<1000x16xf32, #tpu.memory_space<vmem_shared>>
          %dma_start3A_41 = arith.constant 0 : i32
          %dma_start3A_42 = tpu.memref_slice %arg8[%multiple_of3A, %dma_start3A_41] : memref<80000x16xf32, #tpu.memory_space<vmem_shared>> -> memref<1000x16xf32, #tpu.memory_space<vmem_shared>>
          tpu.enqueue_dma source(%dma_start3A_42 : memref<1000x16xf32, #tpu.memory_space<vmem_shared>>) target(%arg9 : memref<1000x16xf32, #tpu.memory_space<vmem>>) target_semaphore(%run_scoped3A : memref<!tpu.dma_semaphore, #tpu.memory_space<semaphore_mem>>)
          %dma_wait3A = arith.constant 0 : i32
          %dma_wait3A_43 = tpu.memref_slice %arg8[%multiple_of3A, %dma_wait3A] : memref<80000x16xf32, #tpu.memory_space<vmem_shared>> -> memref<1000x16xf32, #tpu.memory_space<vmem_shared>>
          %dma_wait3A_44 = arith.constant 0 : i32
          %dma_wait3A_45 = tpu.memref_slice %arg8[%multiple_of3A, %dma_wait3A_44] : memref<80000x16xf32, #tpu.memory_space<vmem_shared>> -> memref<1000x16xf32, #tpu.memory_space<vmem_shared>>
          tpu.wait_dma2 semaphore(%run_scoped3A : memref<!tpu.dma_semaphore, #tpu.memory_space<semaphore_mem>>) src(%dma_wait3A_45 : memref<1000x16xf32, #tpu.memory_space<vmem_shared>>) dst(%arg9 : memref<1000x16xf32, #tpu.memory_space<vmem>>)
          tpu.yield
        }) : () -> ()
        %scan3A_32 = arith.constant 0 : i32
        %scan3A_33 = arith.constant 0 : i32
        %scan3A_34 = arith.constant 1000 : i32
        %scan3A_35 = arith.addi %scan3A_33, %scan3A_34 : i32
        %scan3A_36 = arith.constant 1 : i32
        %scan3A_37 = scf.for %scan3A_40 = %scan3A_33 to %scan3A_35 step %scan3A_36 iter_args(%scan3A_41 = %scan3A_32) -> (i32)  : i32 {
          %get3A = arith.index_cast %scan3A_40 : i32 to index
          %get3A_42 = arith.constant 0 : index
          %get3A_43 = tpu.vector_load %arg9[%get3A, %get3A_42] {strides = array<i32>} : memref<1000x16xf32, #tpu.memory_space<vmem>>, vector<1x16xf32>,
          %get3A_44 = vector.shape_cast %get3A_43 : vector<1x16xf32> to vector<16xf32>
          %max3A = arith.constant 1.000000e+00 : f32
          %max3A_45 = vector.broadcast %max3A : f32 to vector<16xf32>
          %max3A_46 = arith.maximumf %get3A_44, %max3A_45 : vector<16xf32>
          %div3A = arith.constant 1.000000e+00 : f32
          %div3A_47 = vector.broadcast %div3A : f32 to vector<16xf32>
          %div3A_48 = arith.divf %div3A_47, %max3A_46 : vector<16xf32>
          %swap3A = arith.index_cast %scan3A_40 : i32 to index
          %swap3A_49 = arith.constant 0 : index
          %swap3A_50 = tpu.vector_load %arg9[%swap3A, %swap3A_49] {strides = array<i32>} : memref<1000x16xf32, #tpu.memory_space<vmem>>, vector<1x16xf32>,
          %swap3A_51 = vector.shape_cast %swap3A_50 : vector<1x16xf32> to vector<16xf32>
          %swap3A_52 = vector.shape_cast %div3A_48 : vector<16xf32> to vector<1x16xf32>
          tpu.vector_store %arg9[%swap3A, %swap3A_49], %swap3A_52 {strides = array<i32>} : memref<1000x16xf32, #tpu.memory_space<vmem>>, vector<1x16xf32>,
          %scan3A_53 = arith.constant 0 : i32
          scf.yield %scan3A_53 : i32
        }
        %scan3A_38 = arith.constant 1000 : i32
        "tpu.region"() ({
          %run_scoped3A = tpu.sem_alloc : memref<!tpu.dma_semaphore, #tpu.memory_space<semaphore_mem>>
          %dma_start3A = arith.constant 0 : i32
          %dma_start3A_40 = tpu.memref_slice %arg5[%multiple_of3A, %dma_start3A] : memref<80000x16xf32, #tpu.memory_space<hbm>> -> memref<1000x16xf32, #tpu.memory_space<hbm>>
          %dma_start3A_41 = arith.constant 0 : i32
          %dma_start3A_42 = tpu.memref_slice %arg5[%multiple_of3A, %dma_start3A_41] : memref<80000x16xf32, #tpu.memory_space<hbm>> -> memref<1000x16xf32, #tpu.memory_space<hbm>>
          tpu.enqueue_dma source(%arg9 : memref<1000x16xf32, #tpu.memory_space<vmem>>) target(%dma_start3A_42 : memref<1000x16xf32, #tpu.memory_space<hbm>>) target_semaphore(%run_scoped3A : memref<!tpu.dma_semaphore, #tpu.memory_space<semaphore_mem>>)
          %dma_wait3A = arith.constant 0 : i32
          %dma_wait3A_43 = tpu.memref_slice %arg5[%multiple_of3A, %dma_wait3A] : memref<80000x16xf32, #tpu.memory_space<hbm>> -> memref<1000x16xf32, #tpu.memory_space<hbm>>
          %dma_wait3A_44 = arith.constant 0 : i32
          %dma_wait3A_45 = tpu.memref_slice %arg5[%multiple_of3A, %dma_wait3A_44] : memref<80000x16xf32, #tpu.memory_space<hbm>> -> memref<1000x16xf32, #tpu.memory_space<hbm>>
          tpu.wait_dma2 semaphore(%run_scoped3A : memref<!tpu.dma_semaphore, #tpu.memory_space<semaphore_mem>>) src(%arg9 : memref<1000x16xf32, #tpu.memory_space<vmem>>) dst(%dma_wait3A_45 : memref<1000x16xf32, #tpu.memory_space<hbm>>)
          tpu.yield
        }) : () -> ()
        %scan3A_39 = arith.constant 0 : i32
        scf.yield %scan3A_39 : i32
      }
      %scan3A_26 = arith.constant 5 : i32
    } else {
    }
    return
  }
}

module attributes {stable_mosaic.version = 14 : i64} {
  func.func @_tc_a_body(%arg0: i32, %arg1: memref<400x128xf32, #tpu.memory_space<vmem>>, %arg2: memref<128x1024xf32, #tpu.memory_space<vmem>>, %arg3: memref<128x128xf32, #tpu.memory_space<vmem>>, %arg4: memref<1x128xf32, #tpu.memory_space<vmem>>, %arg5: memref<3200x128xf32, #tpu.memory_space<vmem>>, %arg6: memref<400x128xf32, #tpu.memory_space<vmem>>) attributes {dimension_semantics = [#tpu.dimension_semantics<arbitrary>], iteration_bounds = array<i64: 25>, scalar_prefetch = 0 : i64, scratch_operands = 0 : i64, tpu.core_type = #tpu.core_type<tc>, window_params = [{transform_indices = @transform_0, window_bounds = array<i64: 400, 128>}, {pipeline_mode = #tpu.pipeline_mode<synchronous>, transform_indices = @transform_1, window_bounds = array<i64: 128, 1024>}, {pipeline_mode = #tpu.pipeline_mode<synchronous>, transform_indices = @transform_2, window_bounds = array<i64: 128, 128>}, {pipeline_mode = #tpu.pipeline_mode<synchronous>, transform_indices = @transform_3, window_bounds = array<i64: 1, 128>}, {transform_indices = @transform_4, window_bounds = array<i64: 3200, 128>}, {transform_indices = @transform_5, window_bounds = array<i64: 400, 128>}]} {
    %get3A = arith.constant 0 : index
    %get3A_0 = arith.constant 0 : index
    %get3A_1 = vector.load %arg1[%get3A, %get3A_0] : memref<400x128xf32, #tpu.memory_space<vmem>>, vector<400x128xf32>
    %get3A_2 = arith.constant 0 : index
    %get3A_3 = arith.constant 0 : index
    %get3A_4 = vector.load %arg2[%get3A_2, %get3A_3] : memref<128x1024xf32, #tpu.memory_space<vmem>>, vector<128x1024xf32>
    %dot_general3A = arith.constant dense<0.000000e+00> : vector<400x1024xf32>
    %dot_general3A_5 = tpu.matmul %get3A_1, %get3A_4, %dot_general3A {dimension_numbers = #tpu.dot_dimension_numbers<[1], [0], [0], [1], [0, 0, 1, 1], [], []>, transpose_lhs_hint = false} : vector<400x128xf32>, vector<128x1024xf32>, vector<400x1024xf32> -> vector<400x1024xf32>
    %reshape3A = vector.shape_cast %dot_general3A_5 : vector<400x1024xf32> to vector<3200x128xf32>
    %swap3A = arith.constant 0 : index
    %swap3A_6 = arith.constant 0 : index
    %swap3A_7 = vector.load %arg5[%swap3A, %swap3A_6] : memref<3200x128xf32, #tpu.memory_space<vmem>>, vector<3200x128xf32>
    tpu.vector_store %arg5[%swap3A, %swap3A_6], %reshape3A {strides = array<i32>} : memref<3200x128xf32, #tpu.memory_space<vmem>>, vector<3200x128xf32>,
    %get3A_8 = arith.constant 0 : index
    %get3A_9 = arith.constant 0 : index
    %get3A_10 = vector.load %arg3[%get3A_8, %get3A_9] : memref<128x128xf32, #tpu.memory_space<vmem>>, vector<128x128xf32>
    %dot_general3A_11 = arith.constant dense<0.000000e+00> : vector<400x128xf32>
    %dot_general3A_12 = tpu.matmul %get3A_1, %get3A_10, %dot_general3A_11 {dimension_numbers = #tpu.dot_dimension_numbers<[1], [0], [0], [1], [0, 0, 1, 1], [], []>, transpose_lhs_hint = false} : vector<400x128xf32>, vector<128x128xf32>, vector<400x128xf32> -> vector<400x128xf32>
    %get3A_13 = arith.constant 0 : index
    %get3A_14 = arith.constant 0 : index
    %get3A_15 = vector.load %arg4[%get3A_13, %get3A_14] : memref<1x128xf32, #tpu.memory_space<vmem>>, vector<1x128xf32>
    %add3A = vector.broadcast %get3A_15 : vector<1x128xf32> to vector<400x128xf32>
    %add3A_16 = arith.addf %dot_general3A_12, %add3A : vector<400x128xf32>
    %swap3A_17 = arith.constant 0 : index
    %swap3A_18 = arith.constant 0 : index
    %swap3A_19 = vector.load %arg6[%swap3A_17, %swap3A_18] : memref<400x128xf32, #tpu.memory_space<vmem>>, vector<400x128xf32>
    tpu.vector_store %arg6[%swap3A_17, %swap3A_18], %add3A_16 {strides = array<i32>} : memref<400x128xf32, #tpu.memory_space<vmem>>, vector<400x128xf32>,
    return
  }
  func.func @transform_0(%arg0: i32) -> (i32, i32) {
    %c0_i32 = arith.constant 0 : i32
    %c0_i32_0 = arith.constant 0 : i32
    return %arg0, %c0_i32 : i32, i32
  }
  func.func @transform_1(%arg0: i32) -> (i32, i32) {
    %c0_i32 = arith.constant 0 : i32
    %c0_i32_0 = arith.constant 0 : i32
    %c0_i32_1 = arith.constant 0 : i32
    return %c0_i32, %c0_i32_0 : i32, i32
  }
  func.func @transform_2(%arg0: i32) -> (i32, i32) {
    %c0_i32 = arith.constant 0 : i32
    %c0_i32_0 = arith.constant 0 : i32
    %c0_i32_1 = arith.constant 0 : i32
    return %c0_i32, %c0_i32_0 : i32, i32
  }
  func.func @transform_3(%arg0: i32) -> (i32, i32) {
    %c0_i32 = arith.constant 0 : i32
    %c0_i32_0 = arith.constant 0 : i32
    %c0_i32_1 = arith.constant 0 : i32
    return %c0_i32, %c0_i32_0 : i32, i32
  }
  func.func @transform_4(%arg0: i32) -> (i32, i32) {
    %c0_i32 = arith.constant 0 : i32
    %c0_i32_0 = arith.constant 0 : i32
    return %arg0, %c0_i32 : i32, i32
  }
  func.func @transform_5(%arg0: i32) -> (i32, i32) {
    %c0_i32 = arith.constant 0 : i32
    %c0_i32_0 = arith.constant 0 : i32
    return %arg0, %c0_i32 : i32, i32
  }
}

module attributes {stable_mosaic.version = 14 : i64} {
  func.func @_tc_b_body(%arg0: i32, %arg1: memref<400x128xf32, #tpu.memory_space<vmem>>, %arg2: memref<2x400x128xf32, #tpu.memory_space<vmem>>, %arg3: memref<128x1024xf32, #tpu.memory_space<vmem>>, %arg4: memref<128x128xf32, #tpu.memory_space<vmem>>, %arg5: memref<1x128xf32, #tpu.memory_space<vmem>>, %arg6: memref<3200x128xf32, #tpu.memory_space<vmem>>, %arg7: memref<400x128xf32, #tpu.memory_space<vmem>>) attributes {dimension_semantics = [#tpu.dimension_semantics<arbitrary>], iteration_bounds = array<i64: 25>, scalar_prefetch = 0 : i64, scratch_operands = 0 : i64, tpu.core_type = #tpu.core_type<tc>, window_params = [{transform_indices = @transform_0, window_bounds = array<i64: 400, 128>}, {transform_indices = @transform_1, window_bounds = array<i64: 2, 400, 128>}, {pipeline_mode = #tpu.pipeline_mode<synchronous>, transform_indices = @transform_2, window_bounds = array<i64: 128, 1024>}, {pipeline_mode = #tpu.pipeline_mode<synchronous>, transform_indices = @transform_3, window_bounds = array<i64: 128, 128>}, {pipeline_mode = #tpu.pipeline_mode<synchronous>, transform_indices = @transform_4, window_bounds = array<i64: 1, 128>}, {transform_indices = @transform_5, window_bounds = array<i64: 3200, 128>}, {transform_indices = @transform_6, window_bounds = array<i64: 400, 128>}]} {
    %get3A = arith.constant 0 : index
    %get3A_0 = arith.constant 0 : index
    %get3A_1 = vector.load %arg1[%get3A, %get3A_0] : memref<400x128xf32, #tpu.memory_space<vmem>>, vector<400x128xf32>
    %get3A_2 = arith.constant 0 : index
    %get3A_3 = arith.constant 0 : index
    %get3A_4 = arith.constant 0 : index
    %get3A_5 = vector.load %arg2[%get3A_2, %get3A_3, %get3A_4] : memref<2x400x128xf32, #tpu.memory_space<vmem>>, vector<1x400x128xf32>
    %get3A_6 = vector.shape_cast %get3A_5 : vector<1x400x128xf32> to vector<400x128xf32>
    %add3A = arith.addf %get3A_1, %get3A_6 : vector<400x128xf32>
    %get3A_7 = arith.constant 1 : index
    %get3A_8 = arith.constant 0 : index
    %get3A_9 = arith.constant 0 : index
    %get3A_10 = vector.load %arg2[%get3A_7, %get3A_8, %get3A_9] : memref<2x400x128xf32, #tpu.memory_space<vmem>>, vector<1x400x128xf32>
    %get3A_11 = vector.shape_cast %get3A_10 : vector<1x400x128xf32> to vector<400x128xf32>
    %add3A_12 = arith.addf %add3A, %get3A_11 : vector<400x128xf32>
    %max3A = arith.constant 0.000000e+00 : f32
    %max3A_13 = vector.broadcast %max3A : f32 to vector<400x128xf32>
    %max3A_14 = arith.maximumf %add3A_12, %max3A_13 : vector<400x128xf32>
    %get3A_15 = arith.constant 0 : index
    %get3A_16 = arith.constant 0 : index
    %get3A_17 = vector.load %arg3[%get3A_15, %get3A_16] : memref<128x1024xf32, #tpu.memory_space<vmem>>, vector<128x1024xf32>
    %dot_general3A = arith.constant dense<0.000000e+00> : vector<400x1024xf32>
    %dot_general3A_18 = tpu.matmul %max3A_14, %get3A_17, %dot_general3A {dimension_numbers = #tpu.dot_dimension_numbers<[1], [0], [0], [1], [0, 0, 1, 1], [], []>, transpose_lhs_hint = false} : vector<400x128xf32>, vector<128x1024xf32>, vector<400x1024xf32> -> vector<400x1024xf32>
    %reshape3A = vector.shape_cast %dot_general3A_18 : vector<400x1024xf32> to vector<3200x128xf32>
    %swap3A = arith.constant 0 : index
    %swap3A_19 = arith.constant 0 : index
    %swap3A_20 = vector.load %arg6[%swap3A, %swap3A_19] : memref<3200x128xf32, #tpu.memory_space<vmem>>, vector<3200x128xf32>
    tpu.vector_store %arg6[%swap3A, %swap3A_19], %reshape3A {strides = array<i32>} : memref<3200x128xf32, #tpu.memory_space<vmem>>, vector<3200x128xf32>,
    %get3A_21 = arith.constant 0 : index
    %get3A_22 = arith.constant 0 : index
    %get3A_23 = vector.load %arg4[%get3A_21, %get3A_22] : memref<128x128xf32, #tpu.memory_space<vmem>>, vector<128x128xf32>
    %dot_general3A_24 = arith.constant dense<0.000000e+00> : vector<400x128xf32>
    %dot_general3A_25 = tpu.matmul %max3A_14, %get3A_23, %dot_general3A_24 {dimension_numbers = #tpu.dot_dimension_numbers<[1], [0], [0], [1], [0, 0, 1, 1], [], []>, transpose_lhs_hint = false} : vector<400x128xf32>, vector<128x128xf32>, vector<400x128xf32> -> vector<400x128xf32>
    %get3A_26 = arith.constant 0 : index
    %get3A_27 = arith.constant 0 : index
    %get3A_28 = vector.load %arg5[%get3A_26, %get3A_27] : memref<1x128xf32, #tpu.memory_space<vmem>>, vector<1x128xf32>
    %add3A_29 = vector.broadcast %get3A_28 : vector<1x128xf32> to vector<400x128xf32>
    %add3A_30 = arith.addf %dot_general3A_25, %add3A_29 : vector<400x128xf32>
    %swap3A_31 = arith.constant 0 : index
    %swap3A_32 = arith.constant 0 : index
    %swap3A_33 = vector.load %arg7[%swap3A_31, %swap3A_32] : memref<400x128xf32, #tpu.memory_space<vmem>>, vector<400x128xf32>
    tpu.vector_store %arg7[%swap3A_31, %swap3A_32], %add3A_30 {strides = array<i32>} : memref<400x128xf32, #tpu.memory_space<vmem>>, vector<400x128xf32>,
    return
  }
  func.func @transform_0(%arg0: i32) -> (i32, i32) {
    %c0_i32 = arith.constant 0 : i32
    %c0_i32_0 = arith.constant 0 : i32
    return %arg0, %c0_i32 : i32, i32
  }
  func.func @transform_1(%arg0: i32) -> (i32, i32, i32) {
    %c0_i32 = arith.constant 0 : i32
    %c0_i32_0 = arith.constant 0 : i32
    %c0_i32_1 = arith.constant 0 : i32
    return %c0_i32, %arg0, %c0_i32_0 : i32, i32, i32
  }
  func.func @transform_2(%arg0: i32) -> (i32, i32) {
    %c0_i32 = arith.constant 0 : i32
    %c0_i32_0 = arith.constant 0 : i32
    %c0_i32_1 = arith.constant 0 : i32
    return %c0_i32, %c0_i32_0 : i32, i32
  }
  func.func @transform_3(%arg0: i32) -> (i32, i32) {
    %c0_i32 = arith.constant 0 : i32
    %c0_i32_0 = arith.constant 0 : i32
    %c0_i32_1 = arith.constant 0 : i32
    return %c0_i32, %c0_i32_0 : i32, i32
  }
  func.func @transform_4(%arg0: i32) -> (i32, i32) {
    %c0_i32 = arith.constant 0 : i32
    %c0_i32_0 = arith.constant 0 : i32
    %c0_i32_1 = arith.constant 0 : i32
    return %c0_i32, %c0_i32_0 : i32, i32
  }
  func.func @transform_5(%arg0: i32) -> (i32, i32) {
    %c0_i32 = arith.constant 0 : i32
    %c0_i32_0 = arith.constant 0 : i32
    return %arg0, %c0_i32 : i32, i32
  }
  func.func @transform_6(%arg0: i32) -> (i32, i32) {
    %c0_i32 = arith.constant 0 : i32
    %c0_i32_0 = arith.constant 0 : i32
    return %arg0, %c0_i32 : i32, i32
  }
}

module attributes {stable_mosaic.version = 14 : i64} {
  func.func @_tc_c_body(%arg0: i32, %arg1: memref<400x128xf32, #tpu.memory_space<vmem>>, %arg2: memref<2x400x128xf32, #tpu.memory_space<vmem>>, %arg3: memref<400x128xf32, #tpu.memory_space<vmem>>) attributes {dimension_semantics = [#tpu.dimension_semantics<arbitrary>], iteration_bounds = array<i64: 25>, scalar_prefetch = 0 : i64, scratch_operands = 0 : i64, tpu.core_type = #tpu.core_type<tc>, window_params = [{transform_indices = @transform_0, window_bounds = array<i64: 400, 128>}, {transform_indices = @transform_1, window_bounds = array<i64: 2, 400, 128>}, {transform_indices = @transform_2, window_bounds = array<i64: 400, 128>}]} {
    %get3A = arith.constant 0 : index
    %get3A_0 = arith.constant 0 : index
    %get3A_1 = vector.load %arg1[%get3A, %get3A_0] : memref<400x128xf32, #tpu.memory_space<vmem>>, vector<400x128xf32>
    %get3A_2 = arith.constant 0 : index
    %get3A_3 = arith.constant 0 : index
    %get3A_4 = arith.constant 0 : index
    %get3A_5 = vector.load %arg2[%get3A_2, %get3A_3, %get3A_4] : memref<2x400x128xf32, #tpu.memory_space<vmem>>, vector<1x400x128xf32>
    %get3A_6 = vector.shape_cast %get3A_5 : vector<1x400x128xf32> to vector<400x128xf32>
    %add3A = arith.addf %get3A_1, %get3A_6 : vector<400x128xf32>
    %get3A_7 = arith.constant 1 : index
    %get3A_8 = arith.constant 0 : index
    %get3A_9 = arith.constant 0 : index
    %get3A_10 = vector.load %arg2[%get3A_7, %get3A_8, %get3A_9] : memref<2x400x128xf32, #tpu.memory_space<vmem>>, vector<1x400x128xf32>
    %get3A_11 = vector.shape_cast %get3A_10 : vector<1x400x128xf32> to vector<400x128xf32>
    %add3A_12 = arith.addf %add3A, %get3A_11 : vector<400x128xf32>
    %swap3A = arith.constant 0 : index
    %swap3A_13 = arith.constant 0 : index
    %swap3A_14 = vector.load %arg3[%swap3A, %swap3A_13] : memref<400x128xf32, #tpu.memory_space<vmem>>, vector<400x128xf32>
    tpu.vector_store %arg3[%swap3A, %swap3A_13], %add3A_12 {strides = array<i32>} : memref<400x128xf32, #tpu.memory_space<vmem>>, vector<400x128xf32>,
    return
  }
  func.func @transform_0(%arg0: i32) -> (i32, i32) {
    %c0_i32 = arith.constant 0 : i32
    %c0_i32_0 = arith.constant 0 : i32
    return %arg0, %c0_i32 : i32, i32
  }
  func.func @transform_1(%arg0: i32) -> (i32, i32, i32) {
    %c0_i32 = arith.constant 0 : i32
    %c0_i32_0 = arith.constant 0 : i32
    %c0_i32_1 = arith.constant 0 : i32
    return %c0_i32, %arg0, %c0_i32_0 : i32, i32, i32
  }
  func.func @transform_2(%arg0: i32) -> (i32, i32) {
    %c0_i32 = arith.constant 0 : i32
    %c0_i32_0 = arith.constant 0 : i32
    return %arg0, %c0_i32 : i32, i32
  }
}

</mosaic_0001>

<sc_bundles>
// kernel: kernel.11.cloned.1.call-start
scs
__scs_entry_jumppad:
0x0: {  	(pc) =	sbr.rel $0x88, $3  }
0x1: {  	(tag) =	ssettag $0x0;
	lr =	simm.s32 $0x1  }
0x2: {  	[smem:$0x3F98] =	sst lr;
	_ =	strace $0xD0000000  }
0x3: {  	_ = 	snop  }
0x4: {  	_ = 	snop  }
0x5: {  	_ = 	snop  }
0x6: {  	_ = 	snop  }
0x7: {  	_ = 	snop  }
__scs_overlays_trampoline_lowered:
0x8: {  	[smem:$0x3FA7] =	sst s0  }
0x9: {  	[smem:$0x3FA8] =	sst s1  }
0xa: {  	[smem:$0x3FA9] =	sst s2  }
0xb: {  	[smem:$0x3FAA] =	sst s3  }
0xc: {  	[smem:$0x3FAB] =	sst s4  }
0xd: {  	[smem:$0x3FAC] =	sst s5  }
0xe: {  	[smem:$0x3FAD] =	sst s6  }
0xf: {  	[smem:$0x3FAE] =	sst s7  }
0x10: {  	[smem:$0x3FAF] =	sst s8  }
0x11: {  	[smem:$0x3FB0] =	sst s9;
	s0 =	simm.s32 @!p0 $0x0  }
0x12: {  	s1 =	sld [smem:$0x3F96];
	s0 =	simm.s32 @p0 $0x1  }
0x13: {  	[smem:$0x3FB1] =	sst s0;
	s0 =	simm.s32 @!p1 $0x0  }
0x14: {  	s2 =	sld [smem:$0x3F95];
	s0 =	simm.s32 @p1 $0x1  }
0x15: {  	[smem:$0x3FB2] =	sst s0;
	s0 =	simm.s32 @!p2 $0x0  }
0x16: {  	s3 =	sld [smem:$0x3FDB];
	s0 =	simm.s32 @p2 $0x1  }
0x17: {  	s4 =	simm.s32 $0x1BF5;
	[smem:$0x3FB4] =	sst s0  }
0x18: {  	s0 =	sld [smem:$0x3F97];
	_ =	swait.ge [sflag:s4], $0x0  }
0x19: {  	s7 =	sld [smem:$0x3F98]  }
0x1a: {  	s8 =	sadd.s32 $0xFFFFE003, lr  }
0x1b: {  	s9 =	sadd.s32 $0xFFFFFEF7, lr;
	s5 =	simm.s32 $0xFFFFFFFF;
	p2 =	slt.u32 s8, $0xFFFFF086  }
0x1c: {  	p1 =	slt.u32 s9, $0xF7A;
	s5 =	simm.s32 @!p2 $0x0  }
0x1d: {  	s5 =	simm.s32 @p1 $0x1;
	p0 =	seq.s32 s7, s2  }
0x1e: {  	s7 =	smul.u32 @!p0 $0xF7A, s2;
	p2 =	seq.s32 @!p0 s5, $0x0  }
0x1f: {  	s9 =	smul.u32 $0xF7A, s1;
	s8 =	simm.s32 @!p0 $0x1BF5;
	p2 =	por !p2, p0  }
0x20: {  	[sflag:s8] =	ssyncset.s32 @!p0 $0xFFFFF086;
	s6 =	sadd.s32 @!p0 s3, s7;
	s7 =	simm.s32 @!p0 $0x108  }
0x21: {  	s3 =	sadd.s32 s3, s9;
	s6 =	sadd.s32 @!p0 $0x88, s6;
	s7 =	simm.s32 @p2 $0x1082  }
0x22: {  	[simem:s7], [sflag:s8] =	dma.local @!p0 [hbm:s6], $0xF7A  }
0x23: {  	s9 =	sor.u32 $0xD0000000, s2;
	s6 =	simm.s32 $0x108;
	_ =	swait.ge @!p0 [sflag:s8], $0x0  }
0x24: {  	s3 =	sadd.s32 $0x88, s3;
	s6 =	simm.s32 @!p1 $0x1082;
	[sflag:s4] =	ssyncset.s32 $0xFFFFF086  }
0x25: {  	[simem:s6], [sflag:s4] =	dma.local [hbm:s3], $0xF7A  }
0x26: {  	[smem:$0x3F98] =	sst s1;
	(tag) =	ssettag s2;
	_ =	strace s9  }
0x27: {  	s1 =	sld [smem:$0x3FA8]  }
0x28: {  	s2 =	sld [smem:$0x3FA9]  }
0x29: {  	s4 =	sld [smem:$0x3FAB]  }
0x2a: {  	p0 =	seq.s32 s5, $0x0;
	s5 =	sld [smem:$0x3FAC]  }
0x2b: {  	s6 =	sld [smem:$0x3FAD]  }
0x2c: {  	s7 =	sld [smem:$0x3FAE]  }
0x2d: {  	s3 =	simm.s32 $0x108;
	s8 =	sld [smem:$0x3FAF]  }
0x2e: {  	s3 =	simm.s32 @!p0 $0x1082;
	s9 =	sld [smem:$0x3FB0]  }
0x2f: {  	lr =	sadd.s32 s0, s3;
	s0 =	sld [smem:$0x3FA7]  }
0x30: {  	s3 =	sld [smem:$0x3FAA]  }
0x31: {  	[smem:$0x3FB3] =	sst s10  }
0x32: {  	s10 =	sld [smem:$0x3FB1];
	_ =	sdelay $0x3  }
0x33: {  	p0 =	seq.s32 s10, $0x1;
	s10 =	sld [smem:$0x3FB3];
	_ =	sdelay $0x3  }
0x34: {  	[smem:$0x3FB3] =	sst s10  }
0x35: {  	s10 =	sld [smem:$0x3FB2];
	_ =	sdelay $0x3  }
0x36: {  	p1 =	seq.s32 s10, $0x1;
	s10 =	sld [smem:$0x3FB3];
	_ =	sdelay $0x3  }
0x37: {  	[smem:$0x3FB3] =	sst s10  }
0x38: {  	s10 =	sld [smem:$0x3FB4]  }
0x39: {  	_ = 	snop;
	(pc) =	sbr.ind lr, $3  }
0x3a: {  	_ = 	snop  }
0x3b: {  	_ = 	snop  }
0x3c: {  	p2 =	seq.s32 s10, $0x1;
	s10 =	sld [smem:$0x3FB3]  }
0x3d: {  	_ =	shalt  }
0x3e: {  	_ =	shalt  }
0x3f: {  	_ =	shalt  }
0x40: {  	_ =	shalt  }
0x41: {  	_ =	shalt  }
0x42: {  	_ =	shalt  }
0x43: {  	_ =	shalt  }
0x44: {  	_ =	shalt  }
0x45: {  	_ =	shalt  }
0x46: {  	_ =	shalt  }
0x47: {  	_ =	shalt  }
0x48: {  	_ =	shalt  }
0x49: {  	_ =	shalt  }
0x4a: {  	_ =	shalt  }
0x4b: {  	_ =	shalt  }
0x4c: {  	_ =	shalt  }
0x4d: {  	_ =	shalt  }
0x4e: {  	_ =	shalt  }
0x4f: {  	_ =	shalt  }
0x50: {  	_ =	shalt  }
0x51: {  	_ =	shalt  }
0x52: {  	_ =	shalt  }
0x53: {  	_ =	shalt  }
0x54: {  	_ =	shalt  }
0x55: {  	_ =	shalt  }
0x56: {  	_ =	shalt  }
0x57: {  	_ =	shalt  }
0x58: {  	_ =	shalt  }
0x59: {  	_ =	shalt  }
0x5a: {  	_ =	shalt  }
0x5b: {  	_ =	shalt  }
0x5c: {  	_ =	shalt  }
0x5d: {  	_ =	shalt  }
0x5e: {  	_ =	shalt  }
0x5f: {  	_ =	shalt  }
0x60: {  	_ =	shalt  }
0x61: {  	_ =	shalt  }
0x62: {  	_ =	shalt  }
0x63: {  	_ =	shalt  }
0x64: {  	_ =	shalt  }
0x65: {  	_ =	shalt  }
0x66: {  	_ =	shalt  }
0x67: {  	_ =	shalt  }
0x68: {  	_ =	shalt  }
0x69: {  	_ =	shalt  }
0x6a: {  	_ =	shalt  }
0x6b: {  	_ =	shalt  }
0x6c: {  	_ =	shalt  }
0x6d: {  	_ =	shalt  }
0x6e: {  	_ =	shalt  }
0x6f: {  	_ =	shalt  }
0x70: {  	_ =	shalt  }
0x71: {  	_ =	shalt  }
0x72: {  	_ =	shalt  }
0x73: {  	_ =	shalt  }
0x74: {  	_ =	shalt  }
0x75: {  	_ =	shalt  }
0x76: {  	_ =	shalt  }
0x77: {  	_ =	shalt  }
0x78: {  	_ =	shalt  }
0x79: {  	_ =	shalt  }
0x7a: {  	_ =	shalt  }
0x7b: {  	_ =	shalt  }
0x7c: {  	_ =	shalt  }
0x7d: {  	_ =	shalt  }
0x7e: {  	_ =	shalt  }
0x7f: {  	_ =	shalt  }
0x80: {  	_ =	shalt  }
0x81: {  	_ =	shalt  }
0x82: {  	_ =	shalt  }
0x83: {  	_ =	shalt  }
0x84: {  	_ =	shalt  }
0x85: {  	_ =	shalt  }
0x86: {  	_ =	shalt  }
0x87: {  	_ =	shalt  }
.Lfunc_end0:
.L_simem_size_0:
called_computation.1_lowered:
.L_overlay_start_0:
0x88: {  	s2 =	sld [smem:$0x3FD9]  }
0x89: {  	s3 =	sld [smem:$0x3FFE];
	_ =	sdelay $0x1  }
0x8a: {  	s1 =	srdreg.scid  }
0x8b: {  	s0 =	sand.u32 $0x1, s1  }
0x8c: {  	s17 =	sshll.u32 s0, $0xA;
	s2 =	sadd.s32 s3, s2  }
0x8d: {  	s2 =	sadd.s32 s2, s17  }
0x8e: {  	[smem:$0x3FBF] =	sst s2  }
0x8f: {  	_ = 	snop  }
0x90: {  	s2 =	sld [smem:$0x3FD0];
	(tm) =	ssettm $0x1  }
0x91: {  	s18 =	sld [smem:$0x3FFB];
	_ =	sdelay $0x3  }
0x92: {  	_ =	strace s18  }
0x93: {  	s3 =	sld [smem:$0x3FFC];
	_ =	sdelay $0x3  }
0x94: {  	_ =	strace s3  }
0x95: {  	s3 =	sld [smem:$0x3FFD];
	_ =	sdelay $0x3  }
0x96: {  	_ =	strace s3  }
0x97: {  	_ =	strace $0x8FFFFFFF  }
0x98: {  	s19 =	sld [smem:$0x3FDB];
	_ =	sdelay $0x1  }
0x99: {  	s4 =	simm.s32 $_scs_section_size  }
0x9a: {  	s5 =	simm.s32 $_size__tile_overlayer_lowered;
	s6 =	simm.s32 $_tile_overlayer_lowered  }
0x9b: {  	s22 =	simm.s32 $0x1BFF;
	s21 =	sshll.u32 s6, $0x1;
	s3 =	sadd.s32 s4, s19  }
0x9c: {  	s7 =	simm.s32 $0x0;
	s20 =	sshll.u32 s5, $0x1;
	s5 =	sadd.s32 s21, s3  }
0x9d: {  	[timem:s7], [sflag:s22] =	dma.local [hbm:s5], s20  }
0x9e: {  	_ =	swait.ge [sflag:s22], s20  }
0x9f: {  	s4 =	ssub.s32 $0x0, s20;
	[sflag:s22] =	ssyncset.done $0x0  }
0xa0: {  	[sflag:s22] =	ssyncadd.s32 s4;
	_ =	sdelay $0x1  }
0xa1: {  	s23 =	simm.s32 $0x1B8B  }
0xa2: {  	_ =	swait.ge [sflag:s23], $0x1  }
0xa3: {  	[sflag:s23] =	ssyncset.done $0x0  }
0xa4: {  	s25 =	simm.s32 $0x1B8E;
	s24 =	sld [smem:$0x3FFE];
	[sflag:s23] =	ssyncadd.s32 $0xFFFFFFFF  }
0xa5: {  	s26 =	simm.s32 $execute0_lowered;
	[smem:$0x3FD2] =	sst s25  }
0xa6: {  	s5 =	sshll.u32 s26, $0x1;
	_ =	strace $0x80000049;
	[dreg:$0x1] =	wrdreg $0xFFFFFFFF  }
0xa7: {  	s28 =	simm.s32 $_size_execute0_lowered;
	s3 =	sadd.s32 s3, s5;
	[dreg:$0x0] =	wrdreg $0x0  }
0xa8: {  	s5 =	sshll.u32 s28, $0x1;
	[dreg:$0x2] =	wrdreg s3  }
0xa9: {  	[dreg:$0x3] =	wrdreg s5  }
0xaa: {  	[dreg:$0x4] =	wrdreg $0xC0  }
0xab: {  	_ =	task [dreg:s7], $0x5FFFF  }
0xac: {  	[dreg:$0x1] =	wrdreg $0xFFFFFFFF  }
0xad: {  	[dreg:$0x0] =	wrdreg $0x60  }
0xae: {  	[dreg:$0x2] =	wrdreg s24  }
0xaf: {  	[dreg:$0x3] =	wrdreg s2  }
0xb0: {  	[dreg:$0x4] =	wrdreg $0x0  }
0xb1: {  	[dreg:$0x5] =	wrdreg $0x9  }
0xb2: {  	_ =	task.clear_ibuf [dreg:s7], $0x6FFFF;
	_ =	strace $0x90000049  }
0xb3: {  	s29 =	simm.s32 $0x9;
	_ =	strace $0x8000004B  }
0xb4: {  	_ =	swait.ge [sflag:s29], $0x1  }
0xb5: {  	[sflag:s29] =	ssyncadd.s32 $0xFFFFFFFF  }
0xb6: {  	_ =	strace $0x9000004B  }
0xb7: {  	_ =	sfence  }
0xb8: {  	s30 =	sld [smem:$0x0];
	_ =	sdelay $0x2  }
0xb9: {  	s31 =	sshll.u32 s1, $0xD;
	s1 =	sshrl.u32 s1, $0x2  }
0xba: {  	s3 =	sand.u32 $0x4000, s31;
	s1 =	sadd.s32 s1, s30  }
0xbb: {  	s0 =	sor.u32 s3, s0;
	s1 =	sshll.u32 s1, $0x11  }
0xbc: {  	s0 =	sor.u32 s1, s0  }
0xbd: {  	s0 =	sadd.s32 $0x8F2B, s0  }
0xbe: {  	[sflag:s0] =	ssyncadd.remote.s32 $0x1  }
0xbf: {  	_ =	sfence.sel $0xFFFF  }
0xc0: {  	[dreg:$0x0] =	wrdreg $0xFFFFFFFF;
	(pc) =	sbr.abs _section_cstart, $3  }
0xc1: {  	[dreg:$0x1] =	wrdreg $0xFFFFFFFF  }
0xc2: {  	_ =	task.clear_ibuf [dreg:s7], $0x2FFFF;
	_ =	strace $0x9FFFFFFF  }
0xc3: {  	(tm) =	ssettm $0x7FFFFFFF  }
tec
execute0_lowered:
.L_overlay_start_1:
0x0: {  	(tag) =	ssettag $0x1  }
0x1: {  	s0 =	rddreg [dreg:$0x0]  }
0x2: {  	s1 =	rddreg [dreg:$0x1]  }
0x3: {  	s2 =	rddreg [dreg:$0x2];
	s3 =	simm.s32 $0x0  }
0x4: {  	s17 =	srdreg.scid;
	s13 =	stileid.u32;
	s28 =	simm.s32 $0x5  }
0x5: {  	s29 =	simm.s32 $0x19A00;
	s30 =	simm.s32 $0x19C80;
	s31 =	simm.s32 $0x19F00  }
0x6: {  	[smem:$0x7FF] =	sst s3;
	s5 =	sadd.s32 $0x29E00, s0;
	s6 =	sadd.s32 $0x16200, s0  }
0x7: {  	s9 =	smul.u32 $0x50000, s13;
	s7 =	sadd.s32 $0xC400, s0;
	s8 =	sadd.s32 $0x20000, s0  }
0x8: {  	s3 =	sand.u32 $0x1, s17;
	s0 =	sadd.s32 $0x162600, s0;
	_ =	strace $0x8000004A  }
0x9: {  	s4 =	sshll.u32 s3, $0x4;
	s10 =	ssub.s32 $0x2, s3;
	s3 =	smul.u32 $0x2800, s3  }
0xa: {  	s4 =	sor.u32 s13, s4;
	s11 =	sshrl.u32 s10, $0x1;
	s9 =	sshrl.u32 s9, $0x2  }
0xb: {  	s13 =	smul.u32 $0x280, s13;
	s12 =	ssub.s32 s10, s11;
	s19 =	sadd.s32 s9, s2  }
0xc: {  	s4 =	smul.u32 $0x7D, s4;
	s21 =	smax.u32 s12, $0x1;
	s22 =	sadd.s32 $0x4000, s19  }
0xd: {  	s23 =	sadd.s32 $0x80, s13;
	s24 =	sadd.s32 $0x8000, s19;
	[dreg:$0x4] =	wrdreg s19  }
0xe: {  	s25 =	sadd.s32 s3, s13;
	s14 =	sadd.s32 $0xC000, s19;
	[dreg:$0x5] =	wrdreg s21  }
0xf: {  	s16 =	sadd.s32 $0x100, s13;
	s17 =	sadd.s32 $0x180, s13;
	[dreg:$0x6] =	wrdreg s22  }
0x10: {  	s13 =	sadd.s32 $0x200, s13;
	s18 =	sand.u32 $0x7, s4;
	[dreg:$0x7] =	wrdreg s24  }
0x11: {  	s10 =	sand.u32 $0xFF8, s4;
	s26 =	sadd.s32 s3, s23;
	[dreg:$0x8] =	wrdreg s14  }
0x12: {  	s9 =	sshll.u32 s25, $0x4;
	s4 =	sshll.u32 s23, $0x7;
	s21 =	sadd.s32 $0x10000, s19  }
0x13: {  	s23 =	sshll.u32 s16, $0x7;
	s24 =	sshll.u32 s17, $0x7;
	s25 =	sshll.u32 s13, $0x7  }
0x14: {  	s20 =	sadd.s32 $0x7D, s18;
	s12 =	sshll.u32 s26, $0x4;
	s9 =	sadd.s32 s0, s9  }
0x15: {  	s18 =	sadd.s32 s3, s16;
	[dreg:$0xe] =	wrdreg s21;
	s22 =	sadd.s32 s4, s2  }
0x16: {  	s26 =	sadd.s32 s25, s2;
	s4 =	simm.s32 $0x14000;
	[dreg:$0x9] =	wrdreg s9  }
0x17: {  	s16 =	simm.s32 $0x3;
	s11 =	sshrl.u32 s20, $0x3;
	[dreg:$0xf] =	wrdreg s22  }
0x18: {  	s15 =	sadd.s32 s0, s12;
	s14 =	sshll.u32 s18, $0x4;
	[dreg:$0x12] =	wrdreg s26  }
0x19: {  	s26 =	simm.s32 $0x1A180;
	s12 =	simm.s32 $0x19000;
	s18 =	simm.s32 $0x4  }
0x1a: {  	s9 =	simm.s32 $0x0;
	[dreg:$0xa] =	wrdreg s15;
	s15 =	sadd.s32 s3, s17  }
0x1b: {  	s3 =	sadd.s32 s3, s13;
	s14 =	sadd.s32 s0, s14;
	p0 =	slt.s32 s11, $0x1  }
0x1c: {  	s13 =	simm.s32 $0x16800;
	s15 =	sshll.u32 s15, $0x4;
	s3 =	sshll.u32 s3, $0x4  }
.Ltmp0:
0x1d: {  	[dreg:$0xb] =	wrdreg s14;
	s20 =	sadd.s32 s0, s15;
	(pc) =	sbr.rel .LBB2_1-.Ltmp0, $4  }
0x1e: {  	s17 =	simm.s32 $0x2;
	s0 =	sadd.s32 s0, s3;
	[dreg:$0xc] =	wrdreg s20  }
0x1f: {  	s14 =	simm.s32 $0x19500;
	[dreg:$0xd] =	wrdreg s0;
	s0 =	sadd.s32 s23, s2  }
0x20: {  	s15 =	simm.s32 $0x1;
	[dreg:$0x10] =	wrdreg s0;
	s0 =	sadd.s32 s24, s2  }
0x21: {  	v0 =	vimm.f32 $0.0e+00;
	s20 =	simm.s32 $0x0;
	[dreg:$0x11] =	wrdreg s0;
	s0 =	simm.s32 $0x50  }
.LBB2_11:
0x22: {  	[bflag:$0x0] =	sbarrier.arrive $0xFFFF  }
0x23: {  	s19 =	rddreg [dreg:$0x4]  }
0x24: {  	[tilespmem:s26], [sflag:$0x5] =	stream.linear.gather [spmem:s19], $0x4000, $0x38;
	[tilespmem:$0x1E180] =	vst v63  }
0x25: {  	_ =	swait.ge [sflag:s28], $0x4000  }
0x26: {  	[sflag:s28] =	ssyncset.done $0x0  }
0x27: {  	s3 =	simm.s32 $0x0;
	s9 =	rddreg [dreg:$0x9];
	[sflag:s28] =	ssyncadd.s32 $0xFFFFC000  }
0x28: {  	[hbm4b:s9+s3] =	stream.linear.scatter [tilespmem:s26], [sflag:$0x5], $0x4000, $0x38;
	[tilespmem:$0x1E180] =	vst v63  }
0x29: {  	_ =	swait.ge [sflag:s28], $0x4000  }
0x2a: {  	[sflag:s28] =	ssyncset.done $0x0  }
0x2b: {  	s21 =	rddreg [dreg:$0xf];
	[sflag:s28] =	ssyncadd.s32 $0xFFFFC000  }
0x2c: {  	[tilespmem:s26], [sflag:$0x5] =	stream.linear.gather [spmem:s21], $0x4000, $0x38;
	[tilespmem:$0x1E180] =	vst v63  }
0x2d: {  	_ =	swait.ge [sflag:s28], $0x4000  }
0x2e: {  	[sflag:s28] =	ssyncset.done $0x0  }
0x2f: {  	s22 =	rddreg [dreg:$0xa];
	[sflag:s28] =	ssyncadd.s32 $0xFFFFC000  }
0x30: {  	[hbm4b:s22+s3] =	stream.linear.scatter [tilespmem:s26], [sflag:$0x5], $0x4000, $0x38;
	[tilespmem:$0x1E180] =	vst v63  }
0x31: {  	_ =	swait.ge [sflag:s28], $0x4000  }
0x32: {  	[sflag:s28] =	ssyncset.done $0x0  }
0x33: {  	s23 =	rddreg [dreg:$0x10];
	[sflag:s28] =	ssyncadd.s32 $0xFFFFC000  }
0x34: {  	[tilespmem:s26], [sflag:$0x5] =	stream.linear.gather [spmem:s23], $0x4000, $0x38;
	[tilespmem:$0x1E180] =	vst v63  }
0x35: {  	_ =	swait.ge [sflag:s28], $0x4000  }
0x36: {  	[sflag:s28] =	ssyncset.done $0x0  }
0x37: {  	s24 =	rddreg [dreg:$0xb];
	[sflag:s28] =	ssyncadd.s32 $0xFFFFC000  }
0x38: {  	[hbm4b:s24+s3] =	stream.linear.scatter [tilespmem:s26], [sflag:$0x5], $0x4000, $0x38;
	[tilespmem:$0x1E180] =	vst v63  }
0x39: {  	_ =	swait.ge [sflag:s28], $0x4000  }
0x3a: {  	[sflag:s28] =	ssyncset.done $0x0  }
0x3b: {  	s25 =	rddreg [dreg:$0x11];
	[sflag:s28] =	ssyncadd.s32 $0xFFFFC000  }
0x3c: {  	[tilespmem:s26], [sflag:$0x5] =	stream.linear.gather [spmem:s25], $0x4000, $0x38;
	[tilespmem:$0x1E180] =	vst v63  }
0x3d: {  	_ =	swait.ge [sflag:s28], $0x4000  }
0x3e: {  	[sflag:s28] =	ssyncset.done $0x0  }
0x3f: {  	s21 =	rddreg [dreg:$0xc];
	[sflag:s28] =	ssyncadd.s32 $0xFFFFC000  }
0x40: {  	[hbm4b:s21+s3] =	stream.linear.scatter [tilespmem:s26], [sflag:$0x5], $0x4000, $0x38;
	[tilespmem:$0x1E180] =	vst v63  }
0x41: {  	_ =	swait.ge [sflag:s28], $0x4000  }
0x42: {  	[sflag:s28] =	ssyncset.done $0x0  }
0x43: {  	s22 =	rddreg [dreg:$0x12];
	[sflag:s28] =	ssyncadd.s32 $0xFFFFC000  }
0x44: {  	[tilespmem:s26], [sflag:$0x5] =	stream.linear.gather [spmem:s22], $0x4000, $0x38;
	[tilespmem:$0x1E180] =	vst v63  }
0x45: {  	_ =	swait.ge [sflag:s28], $0x4000  }
0x46: {  	[sflag:s28] =	ssyncset.done $0x0  }
0x47: {  	s23 =	rddreg [dreg:$0xd];
	[sflag:s28] =	ssyncadd.s32 $0xFFFFC000  }
0x48: {  	[hbm4b:s23+s3] =	stream.linear.scatter [tilespmem:s26], [sflag:$0x5], $0x4000, $0x38;
	[tilespmem:$0x1E180] =	vst v63  }
0x49: {  	_ =	swait.ge [sflag:s28], $0x4000  }
0x4a: {  	s24 =	rddreg [dreg:$0x13]  }
0x4b: {  	s25 =	rddreg [dreg:$0x5];
	s9 =	sadd.s32 $0x1, s24  }
0x4c: {  	p1 =	sne.s32 s9, s25  }
.Ltmp1:
0x4d: {  	_ = 	snop;
	(pc) =	sbr.rel @!p1 .LBB2_12-.Ltmp1, $3  }
0x4e: {  	_ =	sdelay $0x1  }
0x4f: {  	[sflag:s28] =	ssyncset.done $0x0  }
0x50: {  	[sflag:s28] =	ssyncadd.s32 $0xFFFFC000  }
.LBB2_1:
0x51: {  	[dreg:$0x13] =	wrdreg s9;
	s3 =	simm.s32 $0x0;
	s9 =	simm.s32 $0x200  }
.LBB2_2:
0x52: {  	p1 =	sne.s32 s9, $0xFE00;
	[tilespmem:s3+$0x1A1F0] =	vst v0  }
0x53: {  	[tilespmem:s3+$0x1A180] =	vst v0  }
0x54: {  	[tilespmem:s3+$0x1A190] =	vst v0  }
.Ltmp2:
0x55: {  	[tilespmem:s3+$0x1A1A0] =	vst v0;
	(pc) =	sbr.rel @p1 .LBB2_2-.Ltmp2, $4  }
0x56: {  	[tilespmem:s3+$0x1A1B0] =	vst v0  }
0x57: {  	[tilespmem:s3+$0x1A1C0] =	vst v0  }
0x58: {  	[tilespmem:s3+$0x1A1D0] =	vst v0  }
0x59: {  	[tilespmem:s3+$0x1A1E0] =	vst v0;
	s3 =	sshra.s32 s9, $0x2;
	s9 =	sadd.s32 $0x200, s9  }
0x5a: {  	[tilespmem:s3+$0x1A1F0] =	vst v0  }
0x5b: {  	[tilespmem:s3+$0x1A180] =	vst v0  }
0x5c: {  	[tilespmem:s3+$0x1A190] =	vst v0  }
0x5d: {  	[tilespmem:s3+$0x1A1A0] =	vst v0  }
0x5e: {  	[tilespmem:s3+$0x1A1B0] =	vst v0  }
0x5f: {  	[tilespmem:s3+$0x1A1C0] =	vst v0  }
0x60: {  	[tilespmem:s3+$0x1A1D0] =	vst v0  }
0x61: {  	[tilespmem:s3+$0x1A1E0] =	vst v0  }
0x62: {  	[spmem:s19] =	stream.linear.scatter [tilespmem:s26], [sflag:$0x5], $0x4000, $0x38;
	[tilespmem:$0x1E180] =	vst v63  }
0x63: {  	_ =	swait.ge [sflag:s28], $0x4000  }
0x64: {  	[sflag:s28] =	ssyncset.done $0x0  }
0x65: {  	s22 =	rddreg [dreg:$0x6];
	[sflag:s28] =	ssyncadd.s32 $0xFFFFC000  }
0x66: {  	[spmem:s22] =	stream.linear.scatter [tilespmem:s26], [sflag:$0x5], $0x4000, $0x38;
	[tilespmem:$0x1E180] =	vst v63  }
0x67: {  	_ =	swait.ge [sflag:s28], $0x4000  }
0x68: {  	[sflag:s28] =	ssyncset.done $0x0  }
0x69: {  	s23 =	rddreg [dreg:$0x7];
	[sflag:s28] =	ssyncadd.s32 $0xFFFFC000  }
0x6a: {  	[spmem:s23] =	stream.linear.scatter [tilespmem:s26], [sflag:$0x5], $0x4000, $0x38;
	[tilespmem:$0x1E180] =	vst v63  }
0x6b: {  	_ =	swait.ge [sflag:s28], $0x4000  }
0x6c: {  	[sflag:s28] =	ssyncset.done $0x0  }
0x6d: {  	s24 =	rddreg [dreg:$0x8];
	[sflag:s28] =	ssyncadd.s32 $0xFFFFC000  }
0x6e: {  	[spmem:s24] =	stream.linear.scatter [tilespmem:s26], [sflag:$0x5], $0x4000, $0x38;
	[tilespmem:$0x1E180] =	vst v63  }
0x6f: {  	_ =	swait.ge [sflag:s28], $0x4000  }
0x70: {  	[sflag:s28] =	ssyncset.done $0x0  }
0x71: {  	s25 =	rddreg [dreg:$0xe];
	[sflag:s28] =	ssyncadd.s32 $0xFFFFC000  }
0x72: {  	[spmem:s25] =	stream.linear.scatter [tilespmem:s26], [sflag:$0x5], $0x4000, $0x38;
	[tilespmem:$0x1E180] =	vst v63  }
.Ltmp3:
0x73: {  	_ =	swait.ge [sflag:s28], $0x4000;
	(pc) =	sbr.rel @p0 .LBB2_11-.Ltmp3, $4  }
0x74: {  	[sflag:s28] =	ssyncset.done $0x0  }
0x75: {  	[sflag:s28] =	ssyncadd.s32 $0xFFFFC000  }
0x76: {  	[bflag:$0x0] =	sbarrier.arrive $0xFFFF  }
0x77: {  	s21 =	simm.s32 $0x0  }
.LBB2_4:
0x78: {  	s3 =	sshll.u32 s21, $0x3  }
0x79: {  	s3 =	sadd.s32 s10, s3  }
0x7a: {  	s3 =	smul.u32 $0x50, s3;
	_ =	sdelay $0x1  }
0x7b: {  	s3 =	sshrl.u32 s3, $0x3  }
0x7c: {  	s9 =	sadd.s32 s6, s3  }
0x7d: {  	[tilespmem:s29], [sflag:$0x5] =	stream.linear.gather [hbm4b:s9+s20], $0x280, $0x38;
	[tilespmem:$0x1E180] =	vst v63  }
0x7e: {  	_ =	swait.ge [sflag:s28], $0x280  }
0x7f: {  	[sflag:s28] =	ssyncset.done $0x0  }
0x80: {  	s25 =	sadd.s32 s7, s3;
	[sflag:s28] =	ssyncadd.s32 $0xFFFFFD80  }
0x81: {  	[tilespmem:s30], [sflag:$0x5] =	stream.linear.gather [hbm4b:s25+s20], $0x280, $0x38;
	[tilespmem:$0x1E180] =	vst v63  }
0x82: {  	_ =	swait.ge [sflag:s28], $0x280  }
0x83: {  	[sflag:s28] =	ssyncset.done $0x0  }
0x84: {  	s3 =	sadd.s32 s8, s3;
	[sflag:s28] =	ssyncadd.s32 $0xFFFFFD80  }
0x85: {  	[tilespmem:s31], [sflag:$0x5] =	stream.linear.gather [hbm4b:s3+s20], $0x280, $0x38;
	[tilespmem:$0x1E180] =	vst v63  }
0x86: {  	_ =	swait.ge [sflag:s28], $0x280  }
0x87: {  	[sflag:s28] =	ssyncset.done $0x0  }
0x88: {  	[sflag:s28] =	ssyncadd.s32 $0xFFFFFD80  }
0x89: {  	[tilespmem:s4], [sflag:$0x1] =	stream.indirect.gather [hbm4b:s5+s0], $0x80, s29, s0, $0xb8;
	[tilespmem:$0x1E180] =	vst v63  }
0x8a: {  	s22 =	simm.s32 $0x0  }
0x8b: {  	[tilespmem:s12], [sflag:$0x3] =	stream.indirect.gather [hbm4b:s1+s0], $0x10, s31, s0, $0xb8;
	[tilespmem:$0x1E180] =	vst v63  }
.LBB2_5:
0x8c: {  	s24 =	smul.u32 $0xA0, s22;
	_ =	sdelay $0x1  }
0x8d: {  	s3 =	sadd.s32 $0x19A50, s24  }
0x8e: {  	[tilespmem:s13], [sflag:$0x2] =	stream.indirect.gather [hbm4b:s5+s0], $0x80, s3, s0, $0xb8;
	[tilespmem:$0x1E180] =	vst v63  }
0x8f: {  	s19 =	sadd.s32 $0x19F50, s24  }
0x90: {  	[tilespmem:s14], [sflag:$0x4] =	stream.indirect.gather [hbm4b:s1+s0], $0x10, s19, s0, $0xb8;
	[tilespmem:$0x1E180] =	vst v63  }
0x91: {  	_ =	swait.ge [sflag:s15], $0x2800  }
0x92: {  	[sflag:s15] =	ssyncset.done $0x0  }
0x93: {  	[sflag:s15] =	ssyncadd.s32 $0xFFFFD800  }
0x94: {  	_ =	swait.ge [sflag:s16], $0x500  }
0x95: {  	[sflag:s16] =	ssyncset.done $0x0  }
0x96: {  	s25 =	simm.s32 $0x14080;
	[sflag:s16] =	ssyncadd.s32 $0xFFFFFB00  }
0x97: {  	v1 =	vld [tilespmem:s25+$0xFFFFFFF0]  }
0x98: {  	v7 =	vld [tilespmem:s25+$0xFFFFFFE0]  }
0x99: {  	v13 =	vld [tilespmem:s25+$0xFFFFFFD0]  }
0x9a: {  	v11 =	vld [tilespmem:s25+$0xFFFFFF80]  }
0x9b: {  	v2 =	vld [tilespmem:s25+$0xFFFFFFA0]  }
0x9c: {  	v5 =	vld [tilespmem:s25+$0x40]  }
0x9d: {  	v3 =	vld [tilespmem:s25+$0xFFFFFFB0]  }
0x9e: {  	v4 =	vld [tilespmem:s25+$0x30]  }
0x9f: {  	v9 =	vld [tilespmem:s25+$0xFFFFFFC0]  }
0xa0: {  	v16 =	vld [tilespmem:s25+$0x0]  }
0xa1: {  	s23 =	simm.s32 $0x10;
	v14 =	vld [tilespmem:s25+$0xFFFFFF90]  }
0xa2: {  	v8 =	vld [tilespmem:s23+$0x18FF0]  }
0xa3: {  	v6 =	vld [tilespmem:s23+$0x19000]  }
0xa4: {  	v15 =	vld [tilespmem:s25+$0x20]  }
0xa5: {  	v12 =	vld [tilespmem:s25+$0x10]  }
0xa6: {  	v10 =	vld [tilespmem:s25+$0x60]  }
0xa7: {  	v17 =	vmul.f32 v11, v8;
	v14 =	vmul.f32 v14, v8;
	v11 =	vld [tilespmem:s25+$0x50]  }
0xa8: {  	s9 =	simm.s32 $0xC0;
	s3 =	simm.s32 $0x14080;
	s23 =	sadd.s32 $0x50, s24;
	v16 =	vmul.f32 v16, v6;
	v18 =	vmul.f32 v13, v8;
	v13 =	vld [tilespmem:s25+$0x70]  }
.LBB2_6:
0xa9: {  	p1 =	sne.s32 s9, $0x13C0  }
0xaa: {  	[tilespmem:s25+$0xFFFFFF80] =	vst v17;
	v15 =	vmul.f32 v15, v6;
	v7 =	vmul.f32 v7, v8;
	s3 =	sadd.s32 $0x100, s3;
	s19 =	smov.u32 s9;
	s9 =	sadd.s32 $0x80, s9  }
0xab: {  	v17 =	vmul.f32 v1, v8;
	v12 =	vmul.f32 v12, v6;
	[tilespmem:s25+$0xFFFFFFD0] =	vst v18  }
0xac: {  	v9 =	vmul.f32 v9, v8;
	[tilespmem:s25+$0xFFFFFFE0] =	vst v7;
	v10 =	vmul.f32 v10, v6  }
0xad: {  	v5 =	vmul.f32 v5, v6;
	[tilespmem:s25+$0x0] =	vst v16;
	v11 =	vmul.f32 v11, v6  }
0xae: {  	v2 =	vmul.f32 v2, v8;
	[tilespmem:s25+$0xFFFFFF90] =	vst v14;
	v13 =	vmul.f32 v13, v6  }
0xaf: {  	v3 =	vmul.f32 v3, v8;
	v4 =	vmul.f32 v4, v6;
	v1 =	vld [tilespmem:s3+$0xFFFFFFF0];
	[tilespmem:s25+$0xFFFFFFF0] =	vst v17  }
0xb0: {  	v7 =	vld [tilespmem:s3+$0xFFFFFFE0];
	[tilespmem:s25+$0xFFFFFFC0] =	vst v9  }
0xb1: {  	v18 =	vld [tilespmem:s3+$0xFFFFFFD0];
	[tilespmem:s25+$0x40] =	vst v5  }
0xb2: {  	v14 =	vld [tilespmem:s3+$0xFFFFFF80];
	[tilespmem:s25+$0xFFFFFFA0] =	vst v2  }
0xb3: {  	v2 =	vld [tilespmem:s3+$0xFFFFFFA0];
	[tilespmem:s25+$0x20] =	vst v15  }
0xb4: {  	v5 =	vld [tilespmem:s3+$0x40];
	[tilespmem:s25+$0xFFFFFFB0] =	vst v3  }
0xb5: {  	v3 =	vld [tilespmem:s3+$0xFFFFFFB0];
	[tilespmem:s25+$0x30] =	vst v4  }
0xb6: {  	v4 =	vld [tilespmem:s3+$0x30];
	[tilespmem:s25+$0x70] =	vst v13  }
0xb7: {  	v9 =	vld [tilespmem:s3+$0xFFFFFFC0];
	[tilespmem:s25+$0x10] =	vst v12  }
0xb8: {  	v13 =	vld [tilespmem:s3+$0x0];
	[tilespmem:s25+$0x50] =	vst v11  }
0xb9: {  	s19 =	sshra.s32 s19, $0x2;
	v11 =	vld [tilespmem:s3+$0xFFFFFF90];
	[tilespmem:s25+$0x60] =	vst v10;
	s25 =	smov.u32 s3  }
0xba: {  	v8 =	vld [tilespmem:s19+$0x18FF0]  }
0xbb: {  	v6 =	vld [tilespmem:s19+$0x19000]  }
.Ltmp4:
0xbc: {  	v15 =	vld [tilespmem:s3+$0x20];
	(pc) =	sbr.rel @p1 .LBB2_6-.Ltmp4, $4  }
0xbd: {  	v12 =	vld [tilespmem:s3+$0x10]  }
0xbe: {  	v10 =	vld [tilespmem:s3+$0x60]  }
0xbf: {  	v17 =	vmul.f32 v14, v8;
	v14 =	vmul.f32 v11, v8;
	v11 =	vld [tilespmem:s3+$0x50]  }
0xc0: {  	v18 =	vmul.f32 v18, v8;
	v16 =	vmul.f32 v13, v6;
	v13 =	vld [tilespmem:s3+$0x70]  }
0xc1: {  	[tilespmem:s25+$0xFFFFFF80] =	vst v17  }
0xc2: {  	[tilespmem:s25+$0xFFFFFF90] =	vst v14  }
0xc3: {  	v7 =	vmul.f32 v7, v8;
	[tilespmem:s25+$0xFFFFFFD0] =	vst v18  }
0xc4: {  	v1 =	vmul.f32 v1, v8;
	[tilespmem:s25+$0x0] =	vst v16  }
0xc5: {  	v5 =	vmul.f32 v5, v6;
	[tilespmem:s25+$0xFFFFFFE0] =	vst v7  }
0xc6: {  	v3 =	vmul.f32 v3, v8;
	[tilespmem:s25+$0xFFFFFFF0] =	vst v1  }
0xc7: {  	v7 =	vmul.f32 v9, v8;
	[tilespmem:s25+$0x40] =	vst v5  }
0xc8: {  	v1 =	vmul.f32 v2, v8;
	[tilespmem:s25+$0xFFFFFFB0] =	vst v3  }
0xc9: {  	v2 =	vmul.f32 v15, v6;
	[tilespmem:s25+$0xFFFFFFC0] =	vst v7  }
0xca: {  	v3 =	vmul.f32 v12, v6;
	[tilespmem:s25+$0xFFFFFFA0] =	vst v1  }
0xcb: {  	v1 =	vmul.f32 v4, v6;
	[tilespmem:s25+$0x20] =	vst v2  }
0xcc: {  	v2 =	vmul.f32 v13, v6;
	[tilespmem:s25+$0x10] =	vst v3  }
0xcd: {  	s3 =	smul.u32 $0x280, s22;
	[tilespmem:s25+$0x30] =	vst v1;
	v1 =	vmul.f32 v11, v6  }
0xce: {  	[tilespmem:s25+$0x70] =	vst v2;
	v2 =	vmul.f32 v10, v6  }
0xcf: {  	s3 =	sshra.s32 s3, $0x2;
	[tilespmem:s25+$0x50] =	vst v1  }
0xd0: {  	s3 =	sadd.s32 $0x19C80, s3;
	[tilespmem:s25+$0x60] =	vst v2  }
0xd1: {  	[spmem:s2] =	stream.indirect.scatter.add.f32 [tilespmem:s4], [sflag:$0x5], $0x80, s3, s0, $0xb8;
	[tilespmem:$0x1E180] =	vst v63  }
0xd2: {  	p1 =	seq.s32 s22, $0x3;
	_ =	swait.ge [sflag:s28], $0x2800  }
0xd3: {  	s9 =	simm.s32 @!p1 $0x50;
	[sflag:s28] =	ssyncset.done $0x0  }
0xd4: {  	s19 =	simm.s32 @!p1 $0x14000;
	s3 =	sadd.s32 @!p1 $0x19AA0, s24;
	[sflag:s28] =	ssyncadd.s32 $0xFFFFD800  }
0xd5: {  	[tilespmem:s19], [sflag:$0x1] =	stream.indirect.gather @!p1 [hbm4b:s5+s9], $0x80, s3, s9, $0xb8;
	[tilespmem:$0x1E180] =	vst v63  }
0xd6: {  	s3 =	sadd.s32 @!p1 $0x19FA0, s24;
	s19 =	simm.s32 @!p1 $0x19000  }
0xd7: {  	[tilespmem:s19], [sflag:$0x3] =	stream.indirect.gather @!p1 [hbm4b:s1+s9], $0x10, s3, s9, $0xb8;
	[tilespmem:$0x1E180] =	vst v63  }
0xd8: {  	_ =	swait.ge [sflag:s17], $0x2800  }
0xd9: {  	[sflag:s17] =	ssyncset.done $0x0  }
0xda: {  	[sflag:s17] =	ssyncadd.s32 $0xFFFFD800  }
0xdb: {  	_ =	swait.ge [sflag:s18], $0x500  }
0xdc: {  	[sflag:s18] =	ssyncset.done $0x0  }
0xdd: {  	s24 =	simm.s32 $0x16880;
	[sflag:s18] =	ssyncadd.s32 $0xFFFFFB00  }
0xde: {  	v1 =	vld [tilespmem:s24+$0xFFFFFFF0]  }
0xdf: {  	v7 =	vld [tilespmem:s24+$0xFFFFFFE0]  }
0xe0: {  	v13 =	vld [tilespmem:s24+$0xFFFFFFD0]  }
0xe1: {  	v11 =	vld [tilespmem:s24+$0xFFFFFF80]  }
0xe2: {  	v2 =	vld [tilespmem:s24+$0xFFFFFFA0]  }
0xe3: {  	v5 =	vld [tilespmem:s24+$0x40]  }
0xe4: {  	v3 =	vld [tilespmem:s24+$0xFFFFFFB0]  }
0xe5: {  	v4 =	vld [tilespmem:s24+$0x30]  }
0xe6: {  	v9 =	vld [tilespmem:s24+$0xFFFFFFC0]  }
0xe7: {  	v16 =	vld [tilespmem:s24+$0x0]  }
0xe8: {  	s25 =	simm.s32 $0x10;
	v14 =	vld [tilespmem:s24+$0xFFFFFF90]  }
0xe9: {  	v8 =	vld [tilespmem:s25+$0x194F0]  }
0xea: {  	v6 =	vld [tilespmem:s25+$0x19500]  }
0xeb: {  	v15 =	vld [tilespmem:s24+$0x20]  }
0xec: {  	v12 =	vld [tilespmem:s24+$0x10]  }
0xed: {  	v10 =	vld [tilespmem:s24+$0x60]  }
0xee: {  	v17 =	vmul.f32 v11, v8;
	v14 =	vmul.f32 v14, v8;
	v11 =	vld [tilespmem:s24+$0x50]  }
0xef: {  	s9 =	simm.s32 $0xC0;
	s3 =	simm.s32 $0x16880;
	v16 =	vmul.f32 v16, v6;
	v18 =	vmul.f32 v13, v8;
	v13 =	vld [tilespmem:s24+$0x70]  }
.LBB2_8:
0xf0: {  	p1 =	sne.s32 s9, $0x13C0  }
0xf1: {  	[tilespmem:s24+$0xFFFFFF80] =	vst v17;
	v15 =	vmul.f32 v15, v6;
	v7 =	vmul.f32 v7, v8;
	s3 =	sadd.s32 $0x100, s3;
	s19 =	smov.u32 s9;
	s9 =	sadd.s32 $0x80, s9  }
0xf2: {  	v17 =	vmul.f32 v1, v8;
	v12 =	vmul.f32 v12, v6;
	[tilespmem:s24+$0xFFFFFFD0] =	vst v18  }
0xf3: {  	v9 =	vmul.f32 v9, v8;
	[tilespmem:s24+$0xFFFFFFE0] =	vst v7;
	v10 =	vmul.f32 v10, v6  }
0xf4: {  	v5 =	vmul.f32 v5, v6;
	[tilespmem:s24+$0x0] =	vst v16;
	v11 =	vmul.f32 v11, v6  }
0xf5: {  	v2 =	vmul.f32 v2, v8;
	[tilespmem:s24+$0xFFFFFF90] =	vst v14;
	v13 =	vmul.f32 v13, v6  }
0xf6: {  	v3 =	vmul.f32 v3, v8;
	v4 =	vmul.f32 v4, v6;
	v1 =	vld [tilespmem:s3+$0xFFFFFFF0];
	[tilespmem:s24+$0xFFFFFFF0] =	vst v17  }
0xf7: {  	v7 =	vld [tilespmem:s3+$0xFFFFFFE0];
	[tilespmem:s24+$0xFFFFFFC0] =	vst v9  }
0xf8: {  	v18 =	vld [tilespmem:s3+$0xFFFFFFD0];
	[tilespmem:s24+$0x40] =	vst v5  }
0xf9: {  	v14 =	vld [tilespmem:s3+$0xFFFFFF80];
	[tilespmem:s24+$0xFFFFFFA0] =	vst v2  }
0xfa: {  	v2 =	vld [tilespmem:s3+$0xFFFFFFA0];
	[tilespmem:s24+$0x20] =	vst v15  }
0xfb: {  	v5 =	vld [tilespmem:s3+$0x40];
	[tilespmem:s24+$0xFFFFFFB0] =	vst v3  }
0xfc: {  	v3 =	vld [tilespmem:s3+$0xFFFFFFB0];
	[tilespmem:s24+$0x30] =	vst v4  }
0xfd: {  	v4 =	vld [tilespmem:s3+$0x30];
	[tilespmem:s24+$0x70] =	vst v13  }
0xfe: {  	v9 =	vld [tilespmem:s3+$0xFFFFFFC0];
	[tilespmem:s24+$0x10] =	vst v12  }
0xff: {  	v13 =	vld [tilespmem:s3+$0x0];
	[tilespmem:s24+$0x50] =	vst v11  }
0x100: {  	s19 =	sshra.s32 s19, $0x2;
	v11 =	vld [tilespmem:s3+$0xFFFFFF90];
	[tilespmem:s24+$0x60] =	vst v10;
	s24 =	smov.u32 s3  }
0x101: {  	v8 =	vld [tilespmem:s19+$0x194F0]  }
0x102: {  	v6 =	vld [tilespmem:s19+$0x19500]  }
.Ltmp5:
0x103: {  	v15 =	vld [tilespmem:s3+$0x20];
	(pc) =	sbr.rel @p1 .LBB2_8-.Ltmp5, $4  }
0x104: {  	v12 =	vld [tilespmem:s3+$0x10]  }
0x105: {  	v10 =	vld [tilespmem:s3+$0x60]  }
0x106: {  	v17 =	vmul.f32 v14, v8;
	v14 =	vmul.f32 v11, v8;
	v11 =	vld [tilespmem:s3+$0x50]  }
0x107: {  	v18 =	vmul.f32 v18, v8;
	v16 =	vmul.f32 v13, v6;
	v13 =	vld [tilespmem:s3+$0x70]  }
0x108: {  	[tilespmem:s24+$0xFFFFFF80] =	vst v17  }
0x109: {  	[tilespmem:s24+$0xFFFFFF90] =	vst v14  }
0x10a: {  	v7 =	vmul.f32 v7, v8;
	[tilespmem:s24+$0xFFFFFFD0] =	vst v18  }
0x10b: {  	v1 =	vmul.f32 v1, v8;
	[tilespmem:s24+$0x0] =	vst v16  }
0x10c: {  	v63 =	vmul.f32 v9, v8;
	[tilespmem:s24+$0xFFFFFFE0] =	vst v7  }
0x10d: {  	v5 =	vmul.f32 v5, v6;
	[tilespmem:s24+$0xFFFFFFF0] =	vst v1  }
0x10e: {  	v3 =	vmul.f32 v3, v8;
	[tilespmem:s24+$0xFFFFFFC0] =	vst v63  }
0x10f: {  	v1 =	vmul.f32 v2, v8;
	[tilespmem:s24+$0x40] =	vst v5  }
0x110: {  	v2 =	vmul.f32 v15, v6;
	[tilespmem:s24+$0xFFFFFFB0] =	vst v3  }
0x111: {  	v3 =	vmul.f32 v12, v6;
	[tilespmem:s24+$0xFFFFFFA0] =	vst v1  }
0x112: {  	v1 =	vmul.f32 v4, v6;
	[tilespmem:s24+$0x20] =	vst v2  }
0x113: {  	v2 =	vmul.f32 v13, v6;
	[tilespmem:s24+$0x10] =	vst v3  }
0x114: {  	[tilespmem:s24+$0x30] =	vst v1;
	v1 =	vmul.f32 v11, v6  }
0x115: {  	s22 =	sadd.s32 $0x1, s22;
	[tilespmem:s24+$0x70] =	vst v2;
	v2 =	vmul.f32 v10, v6  }
0x116: {  	p1 =	sne.s32 s22, $0x4;
	[tilespmem:s24+$0x50] =	vst v1  }
.Ltmp6:
0x117: {  	s3 =	sadd.s32 $0x19C80, s23;
	[tilespmem:s24+$0x60] =	vst v2;
	(pc) =	sbr.rel @p1 .LBB2_5-.Ltmp6, $4  }
0x118: {  	[spmem:s2] =	stream.indirect.scatter.add.f32 [tilespmem:s13], [sflag:$0x5], $0x80, s3, s0, $0xb8;
	[tilespmem:$0x1E180] =	vst v63  }
0x119: {  	_ =	swait.ge [sflag:s28], $0x2800  }
0x11a: {  	[sflag:s28] =	ssyncset.done $0x0  }
0x11b: {  	[sflag:s28] =	ssyncadd.s32 $0xFFFFD800  }
0x11c: {  	s21 =	sadd.s32 $0x1, s21  }
0x11d: {  	p1 =	sne.s32 s21, s11  }
.Ltmp7:
0x11e: {  	_ = 	snop;
	(pc) =	sbr.rel @p1 .LBB2_4-.Ltmp7, $4  }
.Ltmp8:
0x11f: {  	_ = 	snop;
	(pc) =	sbr.rel @!p1 .LBB2_11-.Ltmp8, $4  }
0x120: {  	_ = 	snop  }
0x121: {  	_ = 	snop  }
0x122: {  	_ = 	snop  }
0x123: {  	_ = 	snop  }
.LBB2_12:
0x124: {  	_ =	sfence.sel $0x180000  }
0x125: {  	[bflag:$0x0] =	sbarrier.arrive $0xFFFF  }
0x126: {  	_ =	strace $0x9000004A  }
0x127: {  	s0 =	stileid.u32;
	[bflag:$0x2] =	sbarrier.arrive $0xFFFF  }
0x128: {  	p0 =	sne.s32 s0, $0x0;
	s0 =	rddreg [dreg:$0x3]  }
0x129: {  	s0 =	sadd.s32 @!p0 $0x100000, s0  }
0x12a: {  	[sflag:s0] =	ssyncadd.tile.s32 @!p0 $0x1;
	_ =	shalt  }
.Lfunc_end2:
_tile_overlayer_lowered:
.L_overlay_start_2:
0x12b: {  	(tag) =	ssettag $0x2  }
0x12c: {  	s0 =	rddreg [dreg:$0x0];
	s2 =	stileid.u32  }
0x12d: {  	s1 =	rddreg [dreg:$0x1];
	p0 =	sne.s32 s2, $0x0  }
0x12e: {  	s3 =	rddreg [dreg:$0x2];
	[bflag:$0x3] =	sbarrier.arrive $0xFFFF;
	s2 =	simm.s32 @!p0 $0x1C05  }
0x12f: {  	[timem:s3], [sflag:s2] =	dma.local @!p0 [hbm:s0], s1  }
0x130: {  	s0 =	simm.s32 @!p0 $0x5  }
0x131: {  	_ =	swait.ge @!p0 [sflag:s0], s1  }
0x132: {  	s1 =	ssub.s32 @!p0 $0x0, s1;
	[sflag:s0] =	ssyncset.done @!p0 $0x0  }
0x133: {  	[sflag:s0] =	ssyncadd.s32 @!p0 s1  }
0x134: {  	[bflag:$0x3] =	sbarrier.arrive $0xFFFF  }
0x135: {  	_ =	shalt  }

// kernel: kernel.14.cloned.1.call-start
scs
__scs_entry_jumppad:
0x0: {  	(pc) =	sbr.rel $0x88, $3  }
0x1: {  	(tag) =	ssettag $0x0;
	lr =	simm.s32 $0x1  }
0x2: {  	[smem:$0x3F98] =	sst lr;
	_ =	strace $0xD0000000  }
0x3: {  	_ = 	snop  }
0x4: {  	_ = 	snop  }
0x5: {  	_ = 	snop  }
0x6: {  	_ = 	snop  }
0x7: {  	_ = 	snop  }
__scs_overlays_trampoline_lowered:
0x8: {  	[smem:$0x3FA7] =	sst s0  }
0x9: {  	[smem:$0x3FA8] =	sst s1  }
0xa: {  	[smem:$0x3FA9] =	sst s2  }
0xb: {  	[smem:$0x3FAA] =	sst s3  }
0xc: {  	[smem:$0x3FAB] =	sst s4  }
0xd: {  	[smem:$0x3FAC] =	sst s5  }
0xe: {  	[smem:$0x3FAD] =	sst s6  }
0xf: {  	[smem:$0x3FAE] =	sst s7  }
0x10: {  	[smem:$0x3FAF] =	sst s8  }
0x11: {  	[smem:$0x3FB0] =	sst s9;
	s0 =	simm.s32 @!p0 $0x0  }
0x12: {  	s1 =	sld [smem:$0x3F96];
	s0 =	simm.s32 @p0 $0x1  }
0x13: {  	[smem:$0x3FB1] =	sst s0;
	s0 =	simm.s32 @!p1 $0x0  }
0x14: {  	s2 =	sld [smem:$0x3F95];
	s0 =	simm.s32 @p1 $0x1  }
0x15: {  	[smem:$0x3FB2] =	sst s0;
	s0 =	simm.s32 @!p2 $0x0  }
0x16: {  	s3 =	sld [smem:$0x3FDB];
	s0 =	simm.s32 @p2 $0x1  }
0x17: {  	s4 =	simm.s32 $0x1BF5;
	[smem:$0x3FB4] =	sst s0  }
0x18: {  	s0 =	sld [smem:$0x3F97];
	_ =	swait.ge [sflag:s4], $0x0  }
0x19: {  	s7 =	sld [smem:$0x3F98]  }
0x1a: {  	s8 =	sadd.s32 $0xFFFFE003, lr  }
0x1b: {  	s9 =	sadd.s32 $0xFFFFFEF7, lr;
	s5 =	simm.s32 $0xFFFFFFFF;
	p2 =	slt.u32 s8, $0xFFFFF086  }
0x1c: {  	p1 =	slt.u32 s9, $0xF7A;
	s5 =	simm.s32 @!p2 $0x0  }
0x1d: {  	s5 =	simm.s32 @p1 $0x1;
	p0 =	seq.s32 s7, s2  }
0x1e: {  	s7 =	smul.u32 @!p0 $0xF7A, s2;
	p2 =	seq.s32 @!p0 s5, $0x0  }
0x1f: {  	s9 =	smul.u32 $0xF7A, s1;
	s8 =	simm.s32 @!p0 $0x1BF5;
	p2 =	por !p2, p0  }
0x20: {  	[sflag:s8] =	ssyncset.s32 @!p0 $0xFFFFF086;
	s6 =	sadd.s32 @!p0 s3, s7;
	s7 =	simm.s32 @!p0 $0x108  }
0x21: {  	s3 =	sadd.s32 s3, s9;
	s6 =	sadd.s32 @!p0 $0x88, s6;
	s7 =	simm.s32 @p2 $0x1082  }
0x22: {  	[simem:s7], [sflag:s8] =	dma.local @!p0 [hbm:s6], $0xF7A  }
0x23: {  	s9 =	sor.u32 $0xD0000000, s2;
	s6 =	simm.s32 $0x108;
	_ =	swait.ge @!p0 [sflag:s8], $0x0  }
0x24: {  	s3 =	sadd.s32 $0x88, s3;
	s6 =	simm.s32 @!p1 $0x1082;
	[sflag:s4] =	ssyncset.s32 $0xFFFFF086  }
0x25: {  	[simem:s6], [sflag:s4] =	dma.local [hbm:s3], $0xF7A  }
0x26: {  	[smem:$0x3F98] =	sst s1;
	(tag) =	ssettag s2;
	_ =	strace s9  }
0x27: {  	s1 =	sld [smem:$0x3FA8]  }
0x28: {  	s2 =	sld [smem:$0x3FA9]  }
0x29: {  	s4 =	sld [smem:$0x3FAB]  }
0x2a: {  	p0 =	seq.s32 s5, $0x0;
	s5 =	sld [smem:$0x3FAC]  }
0x2b: {  	s6 =	sld [smem:$0x3FAD]  }
0x2c: {  	s7 =	sld [smem:$0x3FAE]  }
0x2d: {  	s3 =	simm.s32 $0x108;
	s8 =	sld [smem:$0x3FAF]  }
0x2e: {  	s3 =	simm.s32 @!p0 $0x1082;
	s9 =	sld [smem:$0x3FB0]  }
0x2f: {  	lr =	sadd.s32 s0, s3;
	s0 =	sld [smem:$0x3FA7]  }
0x30: {  	s3 =	sld [smem:$0x3FAA]  }
0x31: {  	[smem:$0x3FB3] =	sst s10  }
0x32: {  	s10 =	sld [smem:$0x3FB1];
	_ =	sdelay $0x3  }
0x33: {  	p0 =	seq.s32 s10, $0x1;
	s10 =	sld [smem:$0x3FB3];
	_ =	sdelay $0x3  }
0x34: {  	[smem:$0x3FB3] =	sst s10  }
0x35: {  	s10 =	sld [smem:$0x3FB2];
	_ =	sdelay $0x3  }
0x36: {  	p1 =	seq.s32 s10, $0x1;
	s10 =	sld [smem:$0x3FB3];
	_ =	sdelay $0x3  }
0x37: {  	[smem:$0x3FB3] =	sst s10  }
0x38: {  	s10 =	sld [smem:$0x3FB4]  }
0x39: {  	_ = 	snop;
	(pc) =	sbr.ind lr, $3  }
0x3a: {  	_ = 	snop  }
0x3b: {  	_ = 	snop  }
0x3c: {  	p2 =	seq.s32 s10, $0x1;
	s10 =	sld [smem:$0x3FB3]  }
0x3d: {  	_ =	shalt  }
0x3e: {  	_ =	shalt  }
0x3f: {  	_ =	shalt  }
0x40: {  	_ =	shalt  }
0x41: {  	_ =	shalt  }
0x42: {  	_ =	shalt  }
0x43: {  	_ =	shalt  }
0x44: {  	_ =	shalt  }
0x45: {  	_ =	shalt  }
0x46: {  	_ =	shalt  }
0x47: {  	_ =	shalt  }
0x48: {  	_ =	shalt  }
0x49: {  	_ =	shalt  }
0x4a: {  	_ =	shalt  }
0x4b: {  	_ =	shalt  }
0x4c: {  	_ =	shalt  }
0x4d: {  	_ =	shalt  }
0x4e: {  	_ =	shalt  }
0x4f: {  	_ =	shalt  }
0x50: {  	_ =	shalt  }
0x51: {  	_ =	shalt  }
0x52: {  	_ =	shalt  }
0x53: {  	_ =	shalt  }
0x54: {  	_ =	shalt  }
0x55: {  	_ =	shalt  }
0x56: {  	_ =	shalt  }
0x57: {  	_ =	shalt  }
0x58: {  	_ =	shalt  }
0x59: {  	_ =	shalt  }
0x5a: {  	_ =	shalt  }
0x5b: {  	_ =	shalt  }
0x5c: {  	_ =	shalt  }
0x5d: {  	_ =	shalt  }
0x5e: {  	_ =	shalt  }
0x5f: {  	_ =	shalt  }
0x60: {  	_ =	shalt  }
0x61: {  	_ =	shalt  }
0x62: {  	_ =	shalt  }
0x63: {  	_ =	shalt  }
0x64: {  	_ =	shalt  }
0x65: {  	_ =	shalt  }
0x66: {  	_ =	shalt  }
0x67: {  	_ =	shalt  }
0x68: {  	_ =	shalt  }
0x69: {  	_ =	shalt  }
0x6a: {  	_ =	shalt  }
0x6b: {  	_ =	shalt  }
0x6c: {  	_ =	shalt  }
0x6d: {  	_ =	shalt  }
0x6e: {  	_ =	shalt  }
0x6f: {  	_ =	shalt  }
0x70: {  	_ =	shalt  }
0x71: {  	_ =	shalt  }
0x72: {  	_ =	shalt  }
0x73: {  	_ =	shalt  }
0x74: {  	_ =	shalt  }
0x75: {  	_ =	shalt  }
0x76: {  	_ =	shalt  }
0x77: {  	_ =	shalt  }
0x78: {  	_ =	shalt  }
0x79: {  	_ =	shalt  }
0x7a: {  	_ =	shalt  }
0x7b: {  	_ =	shalt  }
0x7c: {  	_ =	shalt  }
0x7d: {  	_ =	shalt  }
0x7e: {  	_ =	shalt  }
0x7f: {  	_ =	shalt  }
0x80: {  	_ =	shalt  }
0x81: {  	_ =	shalt  }
0x82: {  	_ =	shalt  }
0x83: {  	_ =	shalt  }
0x84: {  	_ =	shalt  }
0x85: {  	_ =	shalt  }
0x86: {  	_ =	shalt  }
0x87: {  	_ =	shalt  }
.Lfunc_end0:
.L_simem_size_0:
called_computation.2_lowered:
.L_overlay_start_0:
0x88: {  	s2 =	sld [smem:$0x3FD9]  }
0x89: {  	s3 =	sld [smem:$0x3FFE];
	_ =	sdelay $0x1  }
0x8a: {  	s1 =	srdreg.scid  }
0x8b: {  	s0 =	sand.u32 $0x1, s1  }
0x8c: {  	s17 =	sshll.u32 s0, $0xA;
	s2 =	sadd.s32 s3, s2  }
0x8d: {  	s2 =	sadd.s32 s2, s17  }
0x8e: {  	[smem:$0x3FBF] =	sst s2  }
0x8f: {  	_ = 	snop  }
0x90: {  	s2 =	sld [smem:$0x3FD0];
	(tm) =	ssettm $0x1  }
0x91: {  	s18 =	sld [smem:$0x3FFB];
	_ =	sdelay $0x3  }
0x92: {  	_ =	strace s18  }
0x93: {  	s3 =	sld [smem:$0x3FFC];
	_ =	sdelay $0x3  }
0x94: {  	_ =	strace s3  }
0x95: {  	s3 =	sld [smem:$0x3FFD];
	_ =	sdelay $0x3  }
0x96: {  	_ =	strace s3  }
0x97: {  	_ =	strace $0x8FFFFFFF  }
0x98: {  	s19 =	sld [smem:$0x3FDB];
	_ =	sdelay $0x1  }
0x99: {  	s4 =	simm.s32 $_scs_section_size  }
0x9a: {  	s5 =	simm.s32 $_size__tile_overlayer_lowered;
	s6 =	simm.s32 $_tile_overlayer_lowered  }
0x9b: {  	s22 =	simm.s32 $0x1BFF;
	s21 =	sshll.u32 s6, $0x1;
	s3 =	sadd.s32 s4, s19  }
0x9c: {  	s7 =	simm.s32 $0x0;
	s20 =	sshll.u32 s5, $0x1;
	s5 =	sadd.s32 s21, s3  }
0x9d: {  	[timem:s7], [sflag:s22] =	dma.local [hbm:s5], s20  }
0x9e: {  	_ =	swait.ge [sflag:s22], s20  }
0x9f: {  	s4 =	ssub.s32 $0x0, s20;
	[sflag:s22] =	ssyncset.done $0x0  }
0xa0: {  	[sflag:s22] =	ssyncadd.s32 s4;
	_ =	sdelay $0x1  }
0xa1: {  	s23 =	simm.s32 $0x1B8B  }
0xa2: {  	_ =	swait.ge [sflag:s23], $0x1  }
0xa3: {  	[sflag:s23] =	ssyncset.done $0x0  }
0xa4: {  	s25 =	simm.s32 $0x1B8E;
	s24 =	sld [smem:$0x3FFE];
	[sflag:s23] =	ssyncadd.s32 $0xFFFFFFFF  }
0xa5: {  	s26 =	simm.s32 $execute0_lowered;
	[smem:$0x3FD2] =	sst s25  }
0xa6: {  	s5 =	sshll.u32 s26, $0x1;
	_ =	strace $0x8000004C;
	[dreg:$0x1] =	wrdreg $0xFFFFFFFF  }
0xa7: {  	s28 =	simm.s32 $_size_execute0_lowered;
	s3 =	sadd.s32 s3, s5;
	[dreg:$0x0] =	wrdreg $0x0  }
0xa8: {  	s5 =	sshll.u32 s28, $0x1;
	[dreg:$0x2] =	wrdreg s3  }
0xa9: {  	[dreg:$0x3] =	wrdreg s5  }
0xaa: {  	[dreg:$0x4] =	wrdreg $0xC0  }
0xab: {  	_ =	task [dreg:s7], $0x5FFFF  }
0xac: {  	[dreg:$0x1] =	wrdreg $0xFFFFFFFF  }
0xad: {  	[dreg:$0x0] =	wrdreg $0x60  }
0xae: {  	[dreg:$0x2] =	wrdreg s24  }
0xaf: {  	[dreg:$0x3] =	wrdreg s2  }
0xb0: {  	[dreg:$0x4] =	wrdreg $0x0  }
0xb1: {  	[dreg:$0x5] =	wrdreg $0x9  }
0xb2: {  	_ =	task.clear_ibuf [dreg:s7], $0x6FFFF;
	_ =	strace $0x9000004C  }
0xb3: {  	s29 =	simm.s32 $0x9;
	_ =	strace $0x8000004E  }
0xb4: {  	_ =	swait.ge [sflag:s29], $0x1  }
0xb5: {  	[sflag:s29] =	ssyncadd.s32 $0xFFFFFFFF  }
0xb6: {  	_ =	strace $0x9000004E  }
0xb7: {  	_ =	sfence  }
0xb8: {  	s30 =	sld [smem:$0x0];
	_ =	sdelay $0x2  }
0xb9: {  	s31 =	sshll.u32 s1, $0xD;
	s1 =	sshrl.u32 s1, $0x2  }
0xba: {  	s3 =	sand.u32 $0x4000, s31;
	s1 =	sadd.s32 s1, s30  }
0xbb: {  	s0 =	sor.u32 s3, s0;
	s1 =	sshll.u32 s1, $0x11  }
0xbc: {  	s0 =	sor.u32 s1, s0  }
0xbd: {  	s0 =	sadd.s32 $0x8F2B, s0  }
0xbe: {  	[sflag:s0] =	ssyncadd.remote.s32 $0x1  }
0xbf: {  	_ =	sfence.sel $0xFFFF  }
0xc0: {  	[dreg:$0x0] =	wrdreg $0xFFFFFFFF;
	(pc) =	sbr.abs _section_cstart, $3  }
0xc1: {  	[dreg:$0x1] =	wrdreg $0xFFFFFFFF  }
0xc2: {  	_ =	task.clear_ibuf [dreg:s7], $0x2FFFF;
	_ =	strace $0x9FFFFFFF  }
0xc3: {  	(tm) =	ssettm $0x7FFFFFFF  }
tec
execute0_lowered:
.L_overlay_start_1:
0x0: {  	(tag) =	ssettag $0x1  }
0x1: {  	s0 =	rddreg [dreg:$0x0]  }
0x2: {  	s1 =	rddreg [dreg:$0x1]  }
0x3: {  	s2 =	rddreg [dreg:$0x2];
	s3 =	simm.s32 $0x0  }
0x4: {  	s17 =	srdreg.scid;
	s13 =	stileid.u32;
	s28 =	simm.s32 $0x5  }
0x5: {  	s29 =	simm.s32 $0x19A00;
	s30 =	simm.s32 $0x19C80;
	s31 =	simm.s32 $0x19F00  }
0x6: {  	[smem:$0x7FF] =	sst s3;
	s5 =	sadd.s32 $0x29E00, s0;
	s6 =	sadd.s32 $0x16200, s0  }
0x7: {  	s9 =	smul.u32 $0x50000, s13;
	s7 =	sadd.s32 $0xC400, s0;
	s8 =	sadd.s32 $0x20000, s0  }
0x8: {  	s3 =	sand.u32 $0x1, s17;
	s0 =	sadd.s32 $0x162600, s0;
	_ =	strace $0x8000004D  }
0x9: {  	s4 =	sshll.u32 s3, $0x4;
	s10 =	ssub.s32 $0x2, s3;
	s3 =	smul.u32 $0x2800, s3  }
0xa: {  	s4 =	sor.u32 s13, s4;
	s11 =	sshrl.u32 s10, $0x1;
	s9 =	sshrl.u32 s9, $0x2  }
0xb: {  	s13 =	smul.u32 $0x280, s13;
	s12 =	ssub.s32 s10, s11;
	s19 =	sadd.s32 s9, s2  }
0xc: {  	s4 =	smul.u32 $0x7D, s4;
	s21 =	smax.u32 s12, $0x1;
	s22 =	sadd.s32 $0x4000, s19  }
0xd: {  	s23 =	sadd.s32 $0x80, s13;
	s24 =	sadd.s32 $0x8000, s19;
	[dreg:$0x4] =	wrdreg s19  }
0xe: {  	s25 =	sadd.s32 s3, s13;
	s14 =	sadd.s32 $0xC000, s19;
	[dreg:$0x5] =	wrdreg s21  }
0xf: {  	s16 =	sadd.s32 $0x100, s13;
	s17 =	sadd.s32 $0x180, s13;
	[dreg:$0x6] =	wrdreg s22  }
0x10: {  	s13 =	sadd.s32 $0x200, s13;
	s18 =	sand.u32 $0x7, s4;
	[dreg:$0x7] =	wrdreg s24  }
0x11: {  	s10 =	sand.u32 $0xFF8, s4;
	s26 =	sadd.s32 s3, s23;
	[dreg:$0x8] =	wrdreg s14  }
0x12: {  	s9 =	sshll.u32 s25, $0x4;
	s4 =	sshll.u32 s23, $0x7;
	s21 =	sadd.s32 $0x10000, s19  }
0x13: {  	s23 =	sshll.u32 s16, $0x7;
	s24 =	sshll.u32 s17, $0x7;
	s25 =	sshll.u32 s13, $0x7  }
0x14: {  	s20 =	sadd.s32 $0x7D, s18;
	s12 =	sshll.u32 s26, $0x4;
	s9 =	sadd.s32 s0, s9  }
0x15: {  	s18 =	sadd.s32 s3, s16;
	[dreg:$0xe] =	wrdreg s21;
	s22 =	sadd.s32 s4, s2  }
0x16: {  	s26 =	sadd.s32 s25, s2;
	s4 =	simm.s32 $0x14000;
	[dreg:$0x9] =	wrdreg s9  }
0x17: {  	s16 =	simm.s32 $0x3;
	s11 =	sshrl.u32 s20, $0x3;
	[dreg:$0xf] =	wrdreg s22  }
0x18: {  	s15 =	sadd.s32 s0, s12;
	s14 =	sshll.u32 s18, $0x4;
	[dreg:$0x12] =	wrdreg s26  }
0x19: {  	s26 =	simm.s32 $0x1A180;
	s12 =	simm.s32 $0x19000;
	s18 =	simm.s32 $0x4  }
0x1a: {  	s9 =	simm.s32 $0x0;
	[dreg:$0xa] =	wrdreg s15;
	s15 =	sadd.s32 s3, s17  }
0x1b: {  	s3 =	sadd.s32 s3, s13;
	s14 =	sadd.s32 s0, s14;
	p0 =	slt.s32 s11, $0x1  }
0x1c: {  	s13 =	simm.s32 $0x16800;
	s15 =	sshll.u32 s15, $0x4;
	s3 =	sshll.u32 s3, $0x4  }
.Ltmp0:
0x1d: {  	[dreg:$0xb] =	wrdreg s14;
	s20 =	sadd.s32 s0, s15;
	(pc) =	sbr.rel .LBB2_1-.Ltmp0, $4  }
0x1e: {  	s17 =	simm.s32 $0x2;
	s0 =	sadd.s32 s0, s3;
	[dreg:$0xc] =	wrdreg s20  }
0x1f: {  	s14 =	simm.s32 $0x19500;
	[dreg:$0xd] =	wrdreg s0;
	s0 =	sadd.s32 s23, s2  }
0x20: {  	s15 =	simm.s32 $0x1;
	[dreg:$0x10] =	wrdreg s0;
	s0 =	sadd.s32 s24, s2  }
0x21: {  	v0 =	vimm.f32 $0.0e+00;
	s20 =	simm.s32 $0x0;
	[dreg:$0x11] =	wrdreg s0;
	s0 =	simm.s32 $0x50  }
.LBB2_11:
0x22: {  	[bflag:$0x0] =	sbarrier.arrive $0xFFFF  }
0x23: {  	s19 =	rddreg [dreg:$0x4]  }
0x24: {  	[tilespmem:s26], [sflag:$0x5] =	stream.linear.gather [spmem:s19], $0x4000, $0x38;
	[tilespmem:$0x1E180] =	vst v63  }
0x25: {  	_ =	swait.ge [sflag:s28], $0x4000  }
0x26: {  	[sflag:s28] =	ssyncset.done $0x0  }
0x27: {  	s3 =	simm.s32 $0x0;
	s9 =	rddreg [dreg:$0x9];
	[sflag:s28] =	ssyncadd.s32 $0xFFFFC000  }
0x28: {  	[hbm4b:s9+s3] =	stream.linear.scatter [tilespmem:s26], [sflag:$0x5], $0x4000, $0x38;
	[tilespmem:$0x1E180] =	vst v63  }
0x29: {  	_ =	swait.ge [sflag:s28], $0x4000  }
0x2a: {  	[sflag:s28] =	ssyncset.done $0x0  }
0x2b: {  	s21 =	rddreg [dreg:$0xf];
	[sflag:s28] =	ssyncadd.s32 $0xFFFFC000  }
0x2c: {  	[tilespmem:s26], [sflag:$0x5] =	stream.linear.gather [spmem:s21], $0x4000, $0x38;
	[tilespmem:$0x1E180] =	vst v63  }
0x2d: {  	_ =	swait.ge [sflag:s28], $0x4000  }
0x2e: {  	[sflag:s28] =	ssyncset.done $0x0  }
0x2f: {  	s22 =	rddreg [dreg:$0xa];
	[sflag:s28] =	ssyncadd.s32 $0xFFFFC000  }
0x30: {  	[hbm4b:s22+s3] =	stream.linear.scatter [tilespmem:s26], [sflag:$0x5], $0x4000, $0x38;
	[tilespmem:$0x1E180] =	vst v63  }
0x31: {  	_ =	swait.ge [sflag:s28], $0x4000  }
0x32: {  	[sflag:s28] =	ssyncset.done $0x0  }
0x33: {  	s23 =	rddreg [dreg:$0x10];
	[sflag:s28] =	ssyncadd.s32 $0xFFFFC000  }
0x34: {  	[tilespmem:s26], [sflag:$0x5] =	stream.linear.gather [spmem:s23], $0x4000, $0x38;
	[tilespmem:$0x1E180] =	vst v63  }
0x35: {  	_ =	swait.ge [sflag:s28], $0x4000  }
0x36: {  	[sflag:s28] =	ssyncset.done $0x0  }
0x37: {  	s24 =	rddreg [dreg:$0xb];
	[sflag:s28] =	ssyncadd.s32 $0xFFFFC000  }
0x38: {  	[hbm4b:s24+s3] =	stream.linear.scatter [tilespmem:s26], [sflag:$0x5], $0x4000, $0x38;
	[tilespmem:$0x1E180] =	vst v63  }
0x39: {  	_ =	swait.ge [sflag:s28], $0x4000  }
0x3a: {  	[sflag:s28] =	ssyncset.done $0x0  }
0x3b: {  	s25 =	rddreg [dreg:$0x11];
	[sflag:s28] =	ssyncadd.s32 $0xFFFFC000  }
0x3c: {  	[tilespmem:s26], [sflag:$0x5] =	stream.linear.gather [spmem:s25], $0x4000, $0x38;
	[tilespmem:$0x1E180] =	vst v63  }
0x3d: {  	_ =	swait.ge [sflag:s28], $0x4000  }
0x3e: {  	[sflag:s28] =	ssyncset.done $0x0  }
0x3f: {  	s21 =	rddreg [dreg:$0xc];
	[sflag:s28] =	ssyncadd.s32 $0xFFFFC000  }
0x40: {  	[hbm4b:s21+s3] =	stream.linear.scatter [tilespmem:s26], [sflag:$0x5], $0x4000, $0x38;
	[tilespmem:$0x1E180] =	vst v63  }
0x41: {  	_ =	swait.ge [sflag:s28], $0x4000  }
0x42: {  	[sflag:s28] =	ssyncset.done $0x0  }
0x43: {  	s22 =	rddreg [dreg:$0x12];
	[sflag:s28] =	ssyncadd.s32 $0xFFFFC000  }
0x44: {  	[tilespmem:s26], [sflag:$0x5] =	stream.linear.gather [spmem:s22], $0x4000, $0x38;
	[tilespmem:$0x1E180] =	vst v63  }
0x45: {  	_ =	swait.ge [sflag:s28], $0x4000  }
0x46: {  	[sflag:s28] =	ssyncset.done $0x0  }
0x47: {  	s23 =	rddreg [dreg:$0xd];
	[sflag:s28] =	ssyncadd.s32 $0xFFFFC000  }
0x48: {  	[hbm4b:s23+s3] =	stream.linear.scatter [tilespmem:s26], [sflag:$0x5], $0x4000, $0x38;
	[tilespmem:$0x1E180] =	vst v63  }
0x49: {  	_ =	swait.ge [sflag:s28], $0x4000  }
0x4a: {  	s24 =	rddreg [dreg:$0x13]  }
0x4b: {  	s25 =	rddreg [dreg:$0x5];
	s9 =	sadd.s32 $0x1, s24  }
0x4c: {  	p1 =	sne.s32 s9, s25  }
.Ltmp1:
0x4d: {  	_ = 	snop;
	(pc) =	sbr.rel @!p1 .LBB2_12-.Ltmp1, $3  }
0x4e: {  	_ =	sdelay $0x1  }
0x4f: {  	[sflag:s28] =	ssyncset.done $0x0  }
0x50: {  	[sflag:s28] =	ssyncadd.s32 $0xFFFFC000  }
.LBB2_1:
0x51: {  	[dreg:$0x13] =	wrdreg s9;
	s3 =	simm.s32 $0x0;
	s9 =	simm.s32 $0x200  }
.LBB2_2:
0x52: {  	p1 =	sne.s32 s9, $0xFE00;
	[tilespmem:s3+$0x1A1F0] =	vst v0  }
0x53: {  	[tilespmem:s3+$0x1A180] =	vst v0  }
0x54: {  	[tilespmem:s3+$0x1A190] =	vst v0  }
.Ltmp2:
0x55: {  	[tilespmem:s3+$0x1A1A0] =	vst v0;
	(pc) =	sbr.rel @p1 .LBB2_2-.Ltmp2, $4  }
0x56: {  	[tilespmem:s3+$0x1A1B0] =	vst v0  }
0x57: {  	[tilespmem:s3+$0x1A1C0] =	vst v0  }
0x58: {  	[tilespmem:s3+$0x1A1D0] =	vst v0  }
0x59: {  	[tilespmem:s3+$0x1A1E0] =	vst v0;
	s3 =	sshra.s32 s9, $0x2;
	s9 =	sadd.s32 $0x200, s9  }
0x5a: {  	[tilespmem:s3+$0x1A1F0] =	vst v0  }
0x5b: {  	[tilespmem:s3+$0x1A180] =	vst v0  }
0x5c: {  	[tilespmem:s3+$0x1A190] =	vst v0  }
0x5d: {  	[tilespmem:s3+$0x1A1A0] =	vst v0  }
0x5e: {  	[tilespmem:s3+$0x1A1B0] =	vst v0  }
0x5f: {  	[tilespmem:s3+$0x1A1C0] =	vst v0  }
0x60: {  	[tilespmem:s3+$0x1A1D0] =	vst v0  }
0x61: {  	[tilespmem:s3+$0x1A1E0] =	vst v0  }
0x62: {  	[spmem:s19] =	stream.linear.scatter [tilespmem:s26], [sflag:$0x5], $0x4000, $0x38;
	[tilespmem:$0x1E180] =	vst v63  }
0x63: {  	_ =	swait.ge [sflag:s28], $0x4000  }
0x64: {  	[sflag:s28] =	ssyncset.done $0x0  }
0x65: {  	s22 =	rddreg [dreg:$0x6];
	[sflag:s28] =	ssyncadd.s32 $0xFFFFC000  }
0x66: {  	[spmem:s22] =	stream.linear.scatter [tilespmem:s26], [sflag:$0x5], $0x4000, $0x38;
	[tilespmem:$0x1E180] =	vst v63  }
0x67: {  	_ =	swait.ge [sflag:s28], $0x4000  }
0x68: {  	[sflag:s28] =	ssyncset.done $0x0  }
0x69: {  	s23 =	rddreg [dreg:$0x7];
	[sflag:s28] =	ssyncadd.s32 $0xFFFFC000  }
0x6a: {  	[spmem:s23] =	stream.linear.scatter [tilespmem:s26], [sflag:$0x5], $0x4000, $0x38;
	[tilespmem:$0x1E180] =	vst v63  }
0x6b: {  	_ =	swait.ge [sflag:s28], $0x4000  }
0x6c: {  	[sflag:s28] =	ssyncset.done $0x0  }
0x6d: {  	s24 =	rddreg [dreg:$0x8];
	[sflag:s28] =	ssyncadd.s32 $0xFFFFC000  }
0x6e: {  	[spmem:s24] =	stream.linear.scatter [tilespmem:s26], [sflag:$0x5], $0x4000, $0x38;
	[tilespmem:$0x1E180] =	vst v63  }
0x6f: {  	_ =	swait.ge [sflag:s28], $0x4000  }
0x70: {  	[sflag:s28] =	ssyncset.done $0x0  }
0x71: {  	s25 =	rddreg [dreg:$0xe];
	[sflag:s28] =	ssyncadd.s32 $0xFFFFC000  }
0x72: {  	[spmem:s25] =	stream.linear.scatter [tilespmem:s26], [sflag:$0x5], $0x4000, $0x38;
	[tilespmem:$0x1E180] =	vst v63  }
.Ltmp3:
0x73: {  	_ =	swait.ge [sflag:s28], $0x4000;
	(pc) =	sbr.rel @p0 .LBB2_11-.Ltmp3, $4  }
0x74: {  	[sflag:s28] =	ssyncset.done $0x0  }
0x75: {  	[sflag:s28] =	ssyncadd.s32 $0xFFFFC000  }
0x76: {  	[bflag:$0x0] =	sbarrier.arrive $0xFFFF  }
0x77: {  	s21 =	simm.s32 $0x0  }
.LBB2_4:
0x78: {  	s3 =	sshll.u32 s21, $0x3  }
0x79: {  	s3 =	sadd.s32 s10, s3  }
0x7a: {  	s3 =	smul.u32 $0x50, s3;
	_ =	sdelay $0x1  }
0x7b: {  	s3 =	sshrl.u32 s3, $0x3  }
0x7c: {  	s9 =	sadd.s32 s6, s3  }
0x7d: {  	[tilespmem:s29], [sflag:$0x5] =	stream.linear.gather [hbm4b:s9+s20], $0x280, $0x38;
	[tilespmem:$0x1E180] =	vst v63  }
0x7e: {  	_ =	swait.ge [sflag:s28], $0x280  }
0x7f: {  	[sflag:s28] =	ssyncset.done $0x0  }
0x80: {  	s25 =	sadd.s32 s7, s3;
	[sflag:s28] =	ssyncadd.s32 $0xFFFFFD80  }
0x81: {  	[tilespmem:s30], [sflag:$0x5] =	stream.linear.gather [hbm4b:s25+s20], $0x280, $0x38;
	[tilespmem:$0x1E180] =	vst v63  }
0x82: {  	_ =	swait.ge [sflag:s28], $0x280  }
0x83: {  	[sflag:s28] =	ssyncset.done $0x0  }
0x84: {  	s3 =	sadd.s32 s8, s3;
	[sflag:s28] =	ssyncadd.s32 $0xFFFFFD80  }
0x85: {  	[tilespmem:s31], [sflag:$0x5] =	stream.linear.gather [hbm4b:s3+s20], $0x280, $0x38;
	[tilespmem:$0x1E180] =	vst v63  }
0x86: {  	_ =	swait.ge [sflag:s28], $0x280  }
0x87: {  	[sflag:s28] =	ssyncset.done $0x0  }
0x88: {  	[sflag:s28] =	ssyncadd.s32 $0xFFFFFD80  }
0x89: {  	[tilespmem:s4], [sflag:$0x1] =	stream.indirect.gather [hbm4b:s5+s0], $0x80, s29, s0, $0xb8;
	[tilespmem:$0x1E180] =	vst v63  }
0x8a: {  	s22 =	simm.s32 $0x0  }
0x8b: {  	[tilespmem:s12], [sflag:$0x3] =	stream.indirect.gather [hbm4b:s1+s0], $0x10, s31, s0, $0xb8;
	[tilespmem:$0x1E180] =	vst v63  }
.LBB2_5:
0x8c: {  	s24 =	smul.u32 $0xA0, s22;
	_ =	sdelay $0x1  }
0x8d: {  	s3 =	sadd.s32 $0x19A50, s24  }
0x8e: {  	[tilespmem:s13], [sflag:$0x2] =	stream.indirect.gather [hbm4b:s5+s0], $0x80, s3, s0, $0xb8;
	[tilespmem:$0x1E180] =	vst v63  }
0x8f: {  	s19 =	sadd.s32 $0x19F50, s24  }
0x90: {  	[tilespmem:s14], [sflag:$0x4] =	stream.indirect.gather [hbm4b:s1+s0], $0x10, s19, s0, $0xb8;
	[tilespmem:$0x1E180] =	vst v63  }
0x91: {  	_ =	swait.ge [sflag:s15], $0x2800  }
0x92: {  	[sflag:s15] =	ssyncset.done $0x0  }
0x93: {  	[sflag:s15] =	ssyncadd.s32 $0xFFFFD800  }
0x94: {  	_ =	swait.ge [sflag:s16], $0x500  }
0x95: {  	[sflag:s16] =	ssyncset.done $0x0  }
0x96: {  	s25 =	simm.s32 $0x14080;
	[sflag:s16] =	ssyncadd.s32 $0xFFFFFB00  }
0x97: {  	v1 =	vld [tilespmem:s25+$0xFFFFFFF0]  }
0x98: {  	v7 =	vld [tilespmem:s25+$0xFFFFFFE0]  }
0x99: {  	v13 =	vld [tilespmem:s25+$0xFFFFFFD0]  }
0x9a: {  	v11 =	vld [tilespmem:s25+$0xFFFFFF80]  }
0x9b: {  	v2 =	vld [tilespmem:s25+$0xFFFFFFA0]  }
0x9c: {  	v5 =	vld [tilespmem:s25+$0x40]  }
0x9d: {  	v3 =	vld [tilespmem:s25+$0xFFFFFFB0]  }
0x9e: {  	v4 =	vld [tilespmem:s25+$0x30]  }
0x9f: {  	v9 =	vld [tilespmem:s25+$0xFFFFFFC0]  }
0xa0: {  	v16 =	vld [tilespmem:s25+$0x0]  }
0xa1: {  	s23 =	simm.s32 $0x10;
	v14 =	vld [tilespmem:s25+$0xFFFFFF90]  }
0xa2: {  	v8 =	vld [tilespmem:s23+$0x18FF0]  }
0xa3: {  	v6 =	vld [tilespmem:s23+$0x19000]  }
0xa4: {  	v15 =	vld [tilespmem:s25+$0x20]  }
0xa5: {  	v12 =	vld [tilespmem:s25+$0x10]  }
0xa6: {  	v10 =	vld [tilespmem:s25+$0x60]  }
0xa7: {  	v17 =	vmul.f32 v11, v8;
	v14 =	vmul.f32 v14, v8;
	v11 =	vld [tilespmem:s25+$0x50]  }
0xa8: {  	s9 =	simm.s32 $0xC0;
	s3 =	simm.s32 $0x14080;
	s23 =	sadd.s32 $0x50, s24;
	v16 =	vmul.f32 v16, v6;
	v18 =	vmul.f32 v13, v8;
	v13 =	vld [tilespmem:s25+$0x70]  }
.LBB2_6:
0xa9: {  	p1 =	sne.s32 s9, $0x13C0  }
0xaa: {  	[tilespmem:s25+$0xFFFFFF80] =	vst v17;
	v15 =	vmul.f32 v15, v6;
	v7 =	vmul.f32 v7, v8;
	s3 =	sadd.s32 $0x100, s3;
	s19 =	smov.u32 s9;
	s9 =	sadd.s32 $0x80, s9  }
0xab: {  	v17 =	vmul.f32 v1, v8;
	v12 =	vmul.f32 v12, v6;
	[tilespmem:s25+$0xFFFFFFD0] =	vst v18  }
0xac: {  	v9 =	vmul.f32 v9, v8;
	[tilespmem:s25+$0xFFFFFFE0] =	vst v7;
	v10 =	vmul.f32 v10, v6  }
0xad: {  	v5 =	vmul.f32 v5, v6;
	[tilespmem:s25+$0x0] =	vst v16;
	v11 =	vmul.f32 v11, v6  }
0xae: {  	v2 =	vmul.f32 v2, v8;
	[tilespmem:s25+$0xFFFFFF90] =	vst v14;
	v13 =	vmul.f32 v13, v6  }
0xaf: {  	v3 =	vmul.f32 v3, v8;
	v4 =	vmul.f32 v4, v6;
	v1 =	vld [tilespmem:s3+$0xFFFFFFF0];
	[tilespmem:s25+$0xFFFFFFF0] =	vst v17  }
0xb0: {  	v7 =	vld [tilespmem:s3+$0xFFFFFFE0];
	[tilespmem:s25+$0xFFFFFFC0] =	vst v9  }
0xb1: {  	v18 =	vld [tilespmem:s3+$0xFFFFFFD0];
	[tilespmem:s25+$0x40] =	vst v5  }
0xb2: {  	v14 =	vld [tilespmem:s3+$0xFFFFFF80];
	[tilespmem:s25+$0xFFFFFFA0] =	vst v2  }
0xb3: {  	v2 =	vld [tilespmem:s3+$0xFFFFFFA0];
	[tilespmem:s25+$0x20] =	vst v15  }
0xb4: {  	v5 =	vld [tilespmem:s3+$0x40];
	[tilespmem:s25+$0xFFFFFFB0] =	vst v3  }
0xb5: {  	v3 =	vld [tilespmem:s3+$0xFFFFFFB0];
	[tilespmem:s25+$0x30] =	vst v4  }
0xb6: {  	v4 =	vld [tilespmem:s3+$0x30];
	[tilespmem:s25+$0x70] =	vst v13  }
0xb7: {  	v9 =	vld [tilespmem:s3+$0xFFFFFFC0];
	[tilespmem:s25+$0x10] =	vst v12  }
0xb8: {  	v13 =	vld [tilespmem:s3+$0x0];
	[tilespmem:s25+$0x50] =	vst v11  }
0xb9: {  	s19 =	sshra.s32 s19, $0x2;
	v11 =	vld [tilespmem:s3+$0xFFFFFF90];
	[tilespmem:s25+$0x60] =	vst v10;
	s25 =	smov.u32 s3  }
0xba: {  	v8 =	vld [tilespmem:s19+$0x18FF0]  }
0xbb: {  	v6 =	vld [tilespmem:s19+$0x19000]  }
.Ltmp4:
0xbc: {  	v15 =	vld [tilespmem:s3+$0x20];
	(pc) =	sbr.rel @p1 .LBB2_6-.Ltmp4, $4  }
0xbd: {  	v12 =	vld [tilespmem:s3+$0x10]  }
0xbe: {  	v10 =	vld [tilespmem:s3+$0x60]  }
0xbf: {  	v17 =	vmul.f32 v14, v8;
	v14 =	vmul.f32 v11, v8;
	v11 =	vld [tilespmem:s3+$0x50]  }
0xc0: {  	v18 =	vmul.f32 v18, v8;
	v16 =	vmul.f32 v13, v6;
	v13 =	vld [tilespmem:s3+$0x70]  }
0xc1: {  	[tilespmem:s25+$0xFFFFFF80] =	vst v17  }
0xc2: {  	[tilespmem:s25+$0xFFFFFF90] =	vst v14  }
0xc3: {  	v7 =	vmul.f32 v7, v8;
	[tilespmem:s25+$0xFFFFFFD0] =	vst v18  }
0xc4: {  	v1 =	vmul.f32 v1, v8;
	[tilespmem:s25+$0x0] =	vst v16  }
0xc5: {  	v5 =	vmul.f32 v5, v6;
	[tilespmem:s25+$0xFFFFFFE0] =	vst v7  }
0xc6: {  	v3 =	vmul.f32 v3, v8;
	[tilespmem:s25+$0xFFFFFFF0] =	vst v1  }
0xc7: {  	v7 =	vmul.f32 v9, v8;
	[tilespmem:s25+$0x40] =	vst v5  }
0xc8: {  	v1 =	vmul.f32 v2, v8;
	[tilespmem:s25+$0xFFFFFFB0] =	vst v3  }
0xc9: {  	v2 =	vmul.f32 v15, v6;
	[tilespmem:s25+$0xFFFFFFC0] =	vst v7  }
0xca: {  	v3 =	vmul.f32 v12, v6;
	[tilespmem:s25+$0xFFFFFFA0] =	vst v1  }
0xcb: {  	v1 =	vmul.f32 v4, v6;
	[tilespmem:s25+$0x20] =	vst v2  }
0xcc: {  	v2 =	vmul.f32 v13, v6;
	[tilespmem:s25+$0x10] =	vst v3  }
0xcd: {  	s3 =	smul.u32 $0x280, s22;
	[tilespmem:s25+$0x30] =	vst v1;
	v1 =	vmul.f32 v11, v6  }
0xce: {  	[tilespmem:s25+$0x70] =	vst v2;
	v2 =	vmul.f32 v10, v6  }
0xcf: {  	s3 =	sshra.s32 s3, $0x2;
	[tilespmem:s25+$0x50] =	vst v1  }
0xd0: {  	s3 =	sadd.s32 $0x19C80, s3;
	[tilespmem:s25+$0x60] =	vst v2  }
0xd1: {  	[spmem:s2] =	stream.indirect.scatter.add.f32 [tilespmem:s4], [sflag:$0x5], $0x80, s3, s0, $0xb8;
	[tilespmem:$0x1E180] =	vst v63  }
0xd2: {  	p1 =	seq.s32 s22, $0x3;
	_ =	swait.ge [sflag:s28], $0x2800  }
0xd3: {  	s9 =	simm.s32 @!p1 $0x50;
	[sflag:s28] =	ssyncset.done $0x0  }
0xd4: {  	s19 =	simm.s32 @!p1 $0x14000;
	s3 =	sadd.s32 @!p1 $0x19AA0, s24;
	[sflag:s28] =	ssyncadd.s32 $0xFFFFD800  }
0xd5: {  	[tilespmem:s19], [sflag:$0x1] =	stream.indirect.gather @!p1 [hbm4b:s5+s9], $0x80, s3, s9, $0xb8;
	[tilespmem:$0x1E180] =	vst v63  }
0xd6: {  	s3 =	sadd.s32 @!p1 $0x19FA0, s24;
	s19 =	simm.s32 @!p1 $0x19000  }
0xd7: {  	[tilespmem:s19], [sflag:$0x3] =	stream.indirect.gather @!p1 [hbm4b:s1+s9], $0x10, s3, s9, $0xb8;
	[tilespmem:$0x1E180] =	vst v63  }
0xd8: {  	_ =	swait.ge [sflag:s17], $0x2800  }
0xd9: {  	[sflag:s17] =	ssyncset.done $0x0  }
0xda: {  	[sflag:s17] =	ssyncadd.s32 $0xFFFFD800  }
0xdb: {  	_ =	swait.ge [sflag:s18], $0x500  }
0xdc: {  	[sflag:s18] =	ssyncset.done $0x0  }
0xdd: {  	s24 =	simm.s32 $0x16880;
	[sflag:s18] =	ssyncadd.s32 $0xFFFFFB00  }
0xde: {  	v1 =	vld [tilespmem:s24+$0xFFFFFFF0]  }
0xdf: {  	v7 =	vld [tilespmem:s24+$0xFFFFFFE0]  }
0xe0: {  	v13 =	vld [tilespmem:s24+$0xFFFFFFD0]  }
0xe1: {  	v11 =	vld [tilespmem:s24+$0xFFFFFF80]  }
0xe2: {  	v2 =	vld [tilespmem:s24+$0xFFFFFFA0]  }
0xe3: {  	v5 =	vld [tilespmem:s24+$0x40]  }
0xe4: {  	v3 =	vld [tilespmem:s24+$0xFFFFFFB0]  }
0xe5: {  	v4 =	vld [tilespmem:s24+$0x30]  }
0xe6: {  	v9 =	vld [tilespmem:s24+$0xFFFFFFC0]  }
0xe7: {  	v16 =	vld [tilespmem:s24+$0x0]  }
0xe8: {  	s25 =	simm.s32 $0x10;
	v14 =	vld [tilespmem:s24+$0xFFFFFF90]  }
0xe9: {  	v8 =	vld [tilespmem:s25+$0x194F0]  }
0xea: {  	v6 =	vld [tilespmem:s25+$0x19500]  }
0xeb: {  	v15 =	vld [tilespmem:s24+$0x20]  }
0xec: {  	v12 =	vld [tilespmem:s24+$0x10]  }
0xed: {  	v10 =	vld [tilespmem:s24+$0x60]  }
0xee: {  	v17 =	vmul.f32 v11, v8;
	v14 =	vmul.f32 v14, v8;
	v11 =	vld [tilespmem:s24+$0x50]  }
0xef: {  	s9 =	simm.s32 $0xC0;
	s3 =	simm.s32 $0x16880;
	v16 =	vmul.f32 v16, v6;
	v18 =	vmul.f32 v13, v8;
	v13 =	vld [tilespmem:s24+$0x70]  }
.LBB2_8:
0xf0: {  	p1 =	sne.s32 s9, $0x13C0  }
0xf1: {  	[tilespmem:s24+$0xFFFFFF80] =	vst v17;
	v15 =	vmul.f32 v15, v6;
	v7 =	vmul.f32 v7, v8;
	s3 =	sadd.s32 $0x100, s3;
	s19 =	smov.u32 s9;
	s9 =	sadd.s32 $0x80, s9  }
0xf2: {  	v17 =	vmul.f32 v1, v8;
	v12 =	vmul.f32 v12, v6;
	[tilespmem:s24+$0xFFFFFFD0] =	vst v18  }
0xf3: {  	v9 =	vmul.f32 v9, v8;
	[tilespmem:s24+$0xFFFFFFE0] =	vst v7;
	v10 =	vmul.f32 v10, v6  }
0xf4: {  	v5 =	vmul.f32 v5, v6;
	[tilespmem:s24+$0x0] =	vst v16;
	v11 =	vmul.f32 v11, v6  }
0xf5: {  	v2 =	vmul.f32 v2, v8;
	[tilespmem:s24+$0xFFFFFF90] =	vst v14;
	v13 =	vmul.f32 v13, v6  }
0xf6: {  	v3 =	vmul.f32 v3, v8;
	v4 =	vmul.f32 v4, v6;
	v1 =	vld [tilespmem:s3+$0xFFFFFFF0];
	[tilespmem:s24+$0xFFFFFFF0] =	vst v17  }
0xf7: {  	v7 =	vld [tilespmem:s3+$0xFFFFFFE0];
	[tilespmem:s24+$0xFFFFFFC0] =	vst v9  }
0xf8: {  	v18 =	vld [tilespmem:s3+$0xFFFFFFD0];
	[tilespmem:s24+$0x40] =	vst v5  }
0xf9: {  	v14 =	vld [tilespmem:s3+$0xFFFFFF80];
	[tilespmem:s24+$0xFFFFFFA0] =	vst v2  }
0xfa: {  	v2 =	vld [tilespmem:s3+$0xFFFFFFA0];
	[tilespmem:s24+$0x20] =	vst v15  }
0xfb: {  	v5 =	vld [tilespmem:s3+$0x40];
	[tilespmem:s24+$0xFFFFFFB0] =	vst v3  }
0xfc: {  	v3 =	vld [tilespmem:s3+$0xFFFFFFB0];
	[tilespmem:s24+$0x30] =	vst v4  }
0xfd: {  	v4 =	vld [tilespmem:s3+$0x30];
	[tilespmem:s24+$0x70] =	vst v13  }
0xfe: {  	v9 =	vld [tilespmem:s3+$0xFFFFFFC0];
	[tilespmem:s24+$0x10] =	vst v12  }
0xff: {  	v13 =	vld [tilespmem:s3+$0x0];
	[tilespmem:s24+$0x50] =	vst v11  }
0x100: {  	s19 =	sshra.s32 s19, $0x2;
	v11 =	vld [tilespmem:s3+$0xFFFFFF90];
	[tilespmem:s24+$0x60] =	vst v10;
	s24 =	smov.u32 s3  }
0x101: {  	v8 =	vld [tilespmem:s19+$0x194F0]  }
0x102: {  	v6 =	vld [tilespmem:s19+$0x19500]  }
.Ltmp5:
0x103: {  	v15 =	vld [tilespmem:s3+$0x20];
	(pc) =	sbr.rel @p1 .LBB2_8-.Ltmp5, $4  }
0x104: {  	v12 =	vld [tilespmem:s3+$0x10]  }
0x105: {  	v10 =	vld [tilespmem:s3+$0x60]  }
0x106: {  	v17 =	vmul.f32 v14, v8;
	v14 =	vmul.f32 v11, v8;
	v11 =	vld [tilespmem:s3+$0x50]  }
0x107: {  	v18 =	vmul.f32 v18, v8;
	v16 =	vmul.f32 v13, v6;
	v13 =	vld [tilespmem:s3+$0x70]  }
0x108: {  	[tilespmem:s24+$0xFFFFFF80] =	vst v17  }
0x109: {  	[tilespmem:s24+$0xFFFFFF90] =	vst v14  }
0x10a: {  	v7 =	vmul.f32 v7, v8;
	[tilespmem:s24+$0xFFFFFFD0] =	vst v18  }
0x10b: {  	v1 =	vmul.f32 v1, v8;
	[tilespmem:s24+$0x0] =	vst v16  }
0x10c: {  	v63 =	vmul.f32 v9, v8;
	[tilespmem:s24+$0xFFFFFFE0] =	vst v7  }
0x10d: {  	v5 =	vmul.f32 v5, v6;
	[tilespmem:s24+$0xFFFFFFF0] =	vst v1  }
0x10e: {  	v3 =	vmul.f32 v3, v8;
	[tilespmem:s24+$0xFFFFFFC0] =	vst v63  }
0x10f: {  	v1 =	vmul.f32 v2, v8;
	[tilespmem:s24+$0x40] =	vst v5  }
0x110: {  	v2 =	vmul.f32 v15, v6;
	[tilespmem:s24+$0xFFFFFFB0] =	vst v3  }
0x111: {  	v3 =	vmul.f32 v12, v6;
	[tilespmem:s24+$0xFFFFFFA0] =	vst v1  }
0x112: {  	v1 =	vmul.f32 v4, v6;
	[tilespmem:s24+$0x20] =	vst v2  }
0x113: {  	v2 =	vmul.f32 v13, v6;
	[tilespmem:s24+$0x10] =	vst v3  }
0x114: {  	[tilespmem:s24+$0x30] =	vst v1;
	v1 =	vmul.f32 v11, v6  }
0x115: {  	s22 =	sadd.s32 $0x1, s22;
	[tilespmem:s24+$0x70] =	vst v2;
	v2 =	vmul.f32 v10, v6  }
0x116: {  	p1 =	sne.s32 s22, $0x4;
	[tilespmem:s24+$0x50] =	vst v1  }
.Ltmp6:
0x117: {  	s3 =	sadd.s32 $0x19C80, s23;
	[tilespmem:s24+$0x60] =	vst v2;
	(pc) =	sbr.rel @p1 .LBB2_5-.Ltmp6, $4  }
0x118: {  	[spmem:s2] =	stream.indirect.scatter.add.f32 [tilespmem:s13], [sflag:$0x5], $0x80, s3, s0, $0xb8;
	[tilespmem:$0x1E180] =	vst v63  }
0x119: {  	_ =	swait.ge [sflag:s28], $0x2800  }
0x11a: {  	[sflag:s28] =	ssyncset.done $0x0  }
0x11b: {  	[sflag:s28] =	ssyncadd.s32 $0xFFFFD800  }
0x11c: {  	s21 =	sadd.s32 $0x1, s21  }
0x11d: {  	p1 =	sne.s32 s21, s11  }
.Ltmp7:
0x11e: {  	_ = 	snop;
	(pc) =	sbr.rel @p1 .LBB2_4-.Ltmp7, $4  }
.Ltmp8:
0x11f: {  	_ = 	snop;
	(pc) =	sbr.rel @!p1 .LBB2_11-.Ltmp8, $4  }
0x120: {  	_ = 	snop  }
0x121: {  	_ = 	snop  }
0x122: {  	_ = 	snop  }
0x123: {  	_ = 	snop  }
.LBB2_12:
0x124: {  	_ =	sfence.sel $0x180000  }
0x125: {  	[bflag:$0x0] =	sbarrier.arrive $0xFFFF  }
0x126: {  	_ =	strace $0x9000004D  }
0x127: {  	s0 =	stileid.u32;
	[bflag:$0x2] =	sbarrier.arrive $0xFFFF  }
0x128: {  	p0 =	sne.s32 s0, $0x0;
	s0 =	rddreg [dreg:$0x3]  }
0x129: {  	s0 =	sadd.s32 @!p0 $0x100000, s0  }
0x12a: {  	[sflag:s0] =	ssyncadd.tile.s32 @!p0 $0x1;
	_ =	shalt  }
.Lfunc_end2:
_tile_overlayer_lowered:
.L_overlay_start_2:
0x12b: {  	(tag) =	ssettag $0x2  }
0x12c: {  	s0 =	rddreg [dreg:$0x0];
	s2 =	stileid.u32  }
0x12d: {  	s1 =	rddreg [dreg:$0x1];
	p0 =	sne.s32 s2, $0x0  }
0x12e: {  	s3 =	rddreg [dreg:$0x2];
	[bflag:$0x3] =	sbarrier.arrive $0xFFFF;
	s2 =	simm.s32 @!p0 $0x1C05  }
0x12f: {  	[timem:s3], [sflag:s2] =	dma.local @!p0 [hbm:s0], s1  }
0x130: {  	s0 =	simm.s32 @!p0 $0x5  }
0x131: {  	_ =	swait.ge @!p0 [sflag:s0], s1  }
0x132: {  	s1 =	ssub.s32 @!p0 $0x0, s1;
	[sflag:s0] =	ssyncset.done @!p0 $0x0  }
0x133: {  	[sflag:s0] =	ssyncadd.s32 @!p0 s1  }
0x134: {  	[bflag:$0x3] =	sbarrier.arrive $0xFFFF  }
0x135: {  	_ =	shalt  }

// kernel: kernel.8.cloned.1.call-start
scs
__scs_entry_jumppad:
0x0: {  	(pc) =	sbr.rel $0x88, $3  }
0x1: {  	(tag) =	ssettag $0x0;
	lr =	simm.s32 $0x1  }
0x2: {  	[smem:$0x3F98] =	sst lr;
	_ =	strace $0xD0000000  }
0x3: {  	_ = 	snop  }
0x4: {  	_ = 	snop  }
0x5: {  	_ = 	snop  }
0x6: {  	_ = 	snop  }
0x7: {  	_ = 	snop  }
__scs_overlays_trampoline_lowered:
0x8: {  	[smem:$0x3FA7] =	sst s0  }
0x9: {  	[smem:$0x3FA8] =	sst s1  }
0xa: {  	[smem:$0x3FA9] =	sst s2  }
0xb: {  	[smem:$0x3FAA] =	sst s3  }
0xc: {  	[smem:$0x3FAB] =	sst s4  }
0xd: {  	[smem:$0x3FAC] =	sst s5  }
0xe: {  	[smem:$0x3FAD] =	sst s6  }
0xf: {  	[smem:$0x3FAE] =	sst s7  }
0x10: {  	[smem:$0x3FAF] =	sst s8  }
0x11: {  	[smem:$0x3FB0] =	sst s9;
	s0 =	simm.s32 @!p0 $0x0  }
0x12: {  	s1 =	sld [smem:$0x3F96];
	s0 =	simm.s32 @p0 $0x1  }
0x13: {  	[smem:$0x3FB1] =	sst s0;
	s0 =	simm.s32 @!p1 $0x0  }
0x14: {  	s2 =	sld [smem:$0x3F95];
	s0 =	simm.s32 @p1 $0x1  }
0x15: {  	[smem:$0x3FB2] =	sst s0;
	s0 =	simm.s32 @!p2 $0x0  }
0x16: {  	s3 =	sld [smem:$0x3FDB];
	s0 =	simm.s32 @p2 $0x1  }
0x17: {  	s4 =	simm.s32 $0x1BF5;
	[smem:$0x3FB4] =	sst s0  }
0x18: {  	s0 =	sld [smem:$0x3F97];
	_ =	swait.ge [sflag:s4], $0x0  }
0x19: {  	s7 =	sld [smem:$0x3F98]  }
0x1a: {  	s8 =	sadd.s32 $0xFFFFE003, lr  }
0x1b: {  	s9 =	sadd.s32 $0xFFFFFEF7, lr;
	s5 =	simm.s32 $0xFFFFFFFF;
	p2 =	slt.u32 s8, $0xFFFFF086  }
0x1c: {  	p1 =	slt.u32 s9, $0xF7A;
	s5 =	simm.s32 @!p2 $0x0  }
0x1d: {  	s5 =	simm.s32 @p1 $0x1;
	p0 =	seq.s32 s7, s2  }
0x1e: {  	s7 =	smul.u32 @!p0 $0xF7A, s2;
	p2 =	seq.s32 @!p0 s5, $0x0  }
0x1f: {  	s9 =	smul.u32 $0xF7A, s1;
	s8 =	simm.s32 @!p0 $0x1BF5;
	p2 =	por !p2, p0  }
0x20: {  	[sflag:s8] =	ssyncset.s32 @!p0 $0xFFFFF086;
	s6 =	sadd.s32 @!p0 s3, s7;
	s7 =	simm.s32 @!p0 $0x108  }
0x21: {  	s3 =	sadd.s32 s3, s9;
	s6 =	sadd.s32 @!p0 $0x88, s6;
	s7 =	simm.s32 @p2 $0x1082  }
0x22: {  	[simem:s7], [sflag:s8] =	dma.local @!p0 [hbm:s6], $0xF7A  }
0x23: {  	s9 =	sor.u32 $0xD0000000, s2;
	s6 =	simm.s32 $0x108;
	_ =	swait.ge @!p0 [sflag:s8], $0x0  }
0x24: {  	s3 =	sadd.s32 $0x88, s3;
	s6 =	simm.s32 @!p1 $0x1082;
	[sflag:s4] =	ssyncset.s32 $0xFFFFF086  }
0x25: {  	[simem:s6], [sflag:s4] =	dma.local [hbm:s3], $0xF7A  }
0x26: {  	[smem:$0x3F98] =	sst s1;
	(tag) =	ssettag s2;
	_ =	strace s9  }
0x27: {  	s1 =	sld [smem:$0x3FA8]  }
0x28: {  	s2 =	sld [smem:$0x3FA9]  }
0x29: {  	s4 =	sld [smem:$0x3FAB]  }
0x2a: {  	p0 =	seq.s32 s5, $0x0;
	s5 =	sld [smem:$0x3FAC]  }
0x2b: {  	s6 =	sld [smem:$0x3FAD]  }
0x2c: {  	s7 =	sld [smem:$0x3FAE]  }
0x2d: {  	s3 =	simm.s32 $0x108;
	s8 =	sld [smem:$0x3FAF]  }
0x2e: {  	s3 =	simm.s32 @!p0 $0x1082;
	s9 =	sld [smem:$0x3FB0]  }
0x2f: {  	lr =	sadd.s32 s0, s3;
	s0 =	sld [smem:$0x3FA7]  }
0x30: {  	s3 =	sld [smem:$0x3FAA]  }
0x31: {  	[smem:$0x3FB3] =	sst s10  }
0x32: {  	s10 =	sld [smem:$0x3FB1];
	_ =	sdelay $0x3  }
0x33: {  	p0 =	seq.s32 s10, $0x1;
	s10 =	sld [smem:$0x3FB3];
	_ =	sdelay $0x3  }
0x34: {  	[smem:$0x3FB3] =	sst s10  }
0x35: {  	s10 =	sld [smem:$0x3FB2];
	_ =	sdelay $0x3  }
0x36: {  	p1 =	seq.s32 s10, $0x1;
	s10 =	sld [smem:$0x3FB3];
	_ =	sdelay $0x3  }
0x37: {  	[smem:$0x3FB3] =	sst s10  }
0x38: {  	s10 =	sld [smem:$0x3FB4]  }
0x39: {  	_ = 	snop;
	(pc) =	sbr.ind lr, $3  }
0x3a: {  	_ = 	snop  }
0x3b: {  	_ = 	snop  }
0x3c: {  	p2 =	seq.s32 s10, $0x1;
	s10 =	sld [smem:$0x3FB3]  }
0x3d: {  	_ =	shalt  }
0x3e: {  	_ =	shalt  }
0x3f: {  	_ =	shalt  }
0x40: {  	_ =	shalt  }
0x41: {  	_ =	shalt  }
0x42: {  	_ =	shalt  }
0x43: {  	_ =	shalt  }
0x44: {  	_ =	shalt  }
0x45: {  	_ =	shalt  }
0x46: {  	_ =	shalt  }
0x47: {  	_ =	shalt  }
0x48: {  	_ =	shalt  }
0x49: {  	_ =	shalt  }
0x4a: {  	_ =	shalt  }
0x4b: {  	_ =	shalt  }
0x4c: {  	_ =	shalt  }
0x4d: {  	_ =	shalt  }
0x4e: {  	_ =	shalt  }
0x4f: {  	_ =	shalt  }
0x50: {  	_ =	shalt  }
0x51: {  	_ =	shalt  }
0x52: {  	_ =	shalt  }
0x53: {  	_ =	shalt  }
0x54: {  	_ =	shalt  }
0x55: {  	_ =	shalt  }
0x56: {  	_ =	shalt  }
0x57: {  	_ =	shalt  }
0x58: {  	_ =	shalt  }
0x59: {  	_ =	shalt  }
0x5a: {  	_ =	shalt  }
0x5b: {  	_ =	shalt  }
0x5c: {  	_ =	shalt  }
0x5d: {  	_ =	shalt  }
0x5e: {  	_ =	shalt  }
0x5f: {  	_ =	shalt  }
0x60: {  	_ =	shalt  }
0x61: {  	_ =	shalt  }
0x62: {  	_ =	shalt  }
0x63: {  	_ =	shalt  }
0x64: {  	_ =	shalt  }
0x65: {  	_ =	shalt  }
0x66: {  	_ =	shalt  }
0x67: {  	_ =	shalt  }
0x68: {  	_ =	shalt  }
0x69: {  	_ =	shalt  }
0x6a: {  	_ =	shalt  }
0x6b: {  	_ =	shalt  }
0x6c: {  	_ =	shalt  }
0x6d: {  	_ =	shalt  }
0x6e: {  	_ =	shalt  }
0x6f: {  	_ =	shalt  }
0x70: {  	_ =	shalt  }
0x71: {  	_ =	shalt  }
0x72: {  	_ =	shalt  }
0x73: {  	_ =	shalt  }
0x74: {  	_ =	shalt  }
0x75: {  	_ =	shalt  }
0x76: {  	_ =	shalt  }
0x77: {  	_ =	shalt  }
0x78: {  	_ =	shalt  }
0x79: {  	_ =	shalt  }
0x7a: {  	_ =	shalt  }
0x7b: {  	_ =	shalt  }
0x7c: {  	_ =	shalt  }
0x7d: {  	_ =	shalt  }
0x7e: {  	_ =	shalt  }
0x7f: {  	_ =	shalt  }
0x80: {  	_ =	shalt  }
0x81: {  	_ =	shalt  }
0x82: {  	_ =	shalt  }
0x83: {  	_ =	shalt  }
0x84: {  	_ =	shalt  }
0x85: {  	_ =	shalt  }
0x86: {  	_ =	shalt  }
0x87: {  	_ =	shalt  }
.Lfunc_end0:
.L_simem_size_0:
called_computation_lowered:
.L_overlay_start_0:
0x88: {  	s2 =	sld [smem:$0x3FD9]  }
0x89: {  	s3 =	sld [smem:$0x3FFE];
	_ =	sdelay $0x1  }
0x8a: {  	s1 =	srdreg.scid  }
0x8b: {  	s0 =	sand.u32 $0x1, s1  }
0x8c: {  	s17 =	sshll.u32 s0, $0xA;
	s2 =	sadd.s32 s3, s2  }
0x8d: {  	s2 =	sadd.s32 s2, s17  }
0x8e: {  	[smem:$0x3FBF] =	sst s2  }
0x8f: {  	_ = 	snop  }
0x90: {  	s2 =	sld [smem:$0x3FC7]  }
0x91: {  	s18 =	sld [smem:$0x3FD0];
	(tm) =	ssettm $0x1  }
0x92: {  	s4 =	sld [smem:$0x3FFB];
	_ =	sdelay $0x3  }
0x93: {  	_ =	strace s4  }
0x94: {  	s4 =	sld [smem:$0x3FFC];
	_ =	sdelay $0x3  }
0x95: {  	_ =	strace s4  }
0x96: {  	s4 =	sld [smem:$0x3FFD];
	_ =	sdelay $0x3  }
0x97: {  	_ =	strace s4  }
0x98: {  	_ =	strace $0x8FFFFFFF  }
0x99: {  	s19 =	sld [smem:$0x3FDB];
	_ =	sdelay $0x1  }
0x9a: {  	s5 =	simm.s32 $_scs_section_size  }
0x9b: {  	s6 =	simm.s32 $_size__tile_overlayer_lowered;
	s7 =	simm.s32 $_tile_overlayer_lowered  }
0x9c: {  	s22 =	simm.s32 $0x1BFF;
	s21 =	sshll.u32 s7, $0x1;
	s4 =	sadd.s32 s5, s19  }
0x9d: {  	s8 =	simm.s32 $0x0;
	s20 =	sshll.u32 s6, $0x1;
	s6 =	sadd.s32 s21, s4  }
0x9e: {  	[timem:s8], [sflag:s22] =	dma.local [hbm:s6], s20  }
0x9f: {  	_ =	swait.ge [sflag:s22], s20  }
0xa0: {  	s5 =	ssub.s32 $0x0, s20;
	[sflag:s22] =	ssyncset.done $0x0  }
0xa1: {  	[sflag:s22] =	ssyncadd.s32 s5;
	_ =	sdelay $0x1  }
0xa2: {  	s23 =	simm.s32 $0x1B8B  }
0xa3: {  	_ =	swait.ge [sflag:s23], $0x1  }
0xa4: {  	[sflag:s23] =	ssyncset.done $0x0  }
0xa5: {  	s25 =	simm.s32 $0x1B8E;
	s24 =	sld [smem:$0x3FFE];
	[sflag:s23] =	ssyncadd.s32 $0xFFFFFFFF  }
0xa6: {  	s26 =	simm.s32 $execute0_lowered;
	[smem:$0x3FD2] =	sst s25  }
0xa7: {  	s6 =	sshll.u32 s26, $0x1;
	_ =	strace $0x80000046;
	[dreg:$0x1] =	wrdreg $0xFFFFFFFF  }
0xa8: {  	s28 =	simm.s32 $_size_execute0_lowered;
	s4 =	sadd.s32 s4, s6;
	[dreg:$0x0] =	wrdreg $0x0  }
0xa9: {  	s6 =	sshll.u32 s28, $0x1;
	[dreg:$0x2] =	wrdreg s4  }
0xaa: {  	[dreg:$0x3] =	wrdreg s6  }
0xab: {  	[dreg:$0x4] =	wrdreg $0xC0  }
0xac: {  	_ =	task [dreg:s8], $0x5FFFF  }
0xad: {  	[dreg:$0x1] =	wrdreg $0xFFFFFFFF  }
0xae: {  	[dreg:$0x0] =	wrdreg $0x60  }
0xaf: {  	[dreg:$0x2] =	wrdreg s24  }
0xb0: {  	[dreg:$0x3] =	wrdreg s2  }
0xb1: {  	[dreg:$0x4] =	wrdreg s18  }
0xb2: {  	[dreg:$0x5] =	wrdreg $0x0  }
0xb3: {  	[dreg:$0x6] =	wrdreg $0x9  }
0xb4: {  	_ =	task.clear_ibuf [dreg:s8], $0x7FFFF;
	_ =	strace $0x90000046  }
0xb5: {  	s29 =	simm.s32 $0x9;
	_ =	strace $0x80000048  }
0xb6: {  	_ =	swait.ge [sflag:s29], $0x1  }
0xb7: {  	[sflag:s29] =	ssyncadd.s32 $0xFFFFFFFF  }
0xb8: {  	_ =	strace $0x90000048  }
0xb9: {  	_ =	sfence  }
0xba: {  	s30 =	sld [smem:$0x0];
	_ =	sdelay $0x2  }
0xbb: {  	s31 =	sshll.u32 s1, $0xD;
	s1 =	sshrl.u32 s1, $0x2  }
0xbc: {  	s3 =	sand.u32 $0x4000, s31;
	s1 =	sadd.s32 s1, s30  }
0xbd: {  	s0 =	sor.u32 s3, s0;
	s1 =	sshll.u32 s1, $0x11  }
0xbe: {  	s0 =	sor.u32 s1, s0  }
0xbf: {  	s0 =	sadd.s32 $0x8F2B, s0  }
0xc0: {  	[sflag:s0] =	ssyncadd.remote.s32 $0x1  }
0xc1: {  	_ =	sfence.sel $0xFFFF  }
0xc2: {  	[dreg:$0x0] =	wrdreg $0xFFFFFFFF;
	(pc) =	sbr.abs _section_cstart, $3  }
0xc3: {  	[dreg:$0x1] =	wrdreg $0xFFFFFFFF  }
0xc4: {  	_ =	task.clear_ibuf [dreg:s8], $0x2FFFF;
	_ =	strace $0x9FFFFFFF  }
0xc5: {  	(tm) =	ssettm $0x7FFFFFFF  }
tec
execute0_lowered:
.L_overlay_start_1:
0x0: {  	(tag) =	ssettag $0x1  }
0x1: {  	s0 =	rddreg [dreg:$0x0]  }
0x2: {  	s1 =	rddreg [dreg:$0x1]  }
0x3: {  	s4 =	rddreg [dreg:$0x2]  }
0x4: {  	s2 =	rddreg [dreg:$0x3];
	s3 =	simm.s32 $0x0;
	s7 =	srdreg.scid  }
0x5: {  	s17 =	stileid.u32;
	s28 =	simm.s32 $0x18100;
	s29 =	simm.s32 $0x50  }
0x6: {  	s30 =	simm.s32 $0x18380;
	s31 =	simm.s32 $0x17700;
	[smem:$0x7FF] =	sst s3  }
0x7: {  	s5 =	sadd.s32 $0x2600, s0;
	s6 =	sadd.s32 $0xC400, s0;
	s9 =	smul.u32 $0xFA, s17  }
0x8: {  	s10 =	sand.u32 $0x1, s7;
	s7 =	sadd.s32 $0x16200, s0;
	s13 =	smul.u32 $0x1388, s17  }
0x9: {  	s8 =	sadd.s32 $0x20000, s0;
	s14 =	smul.u32 $0x4E200, s17;
	s20 =	ssub.s32 $0x2, s10  }
0xa: {  	_ =	strace $0x80000047;
	p0 =	seq.s32 s10, $0x0;
	s11 =	sshrl.u32 s20, $0x1  }
0xb: {  	s12 =	sand.u32 $0x6, s9;
	s9 =	sand.u32 $0xFF8, s9;
	s22 =	sshrl.u32 s14, $0x2  }
0xc: {  	s23 =	sadd.s32 $0x3E8, s13;
	s25 =	sadd.s32 $0x7D0, s13;
	s18 =	sadd.s32 $0xBB8, s13  }
0xd: {  	s13 =	sadd.s32 $0xFA0, s13;
	s0 =	ssub.s32 s20, s11;
	s21 =	sadd.s32 $0xFA, s12  }
0xe: {  	s26 =	sshll.u32 s23, $0x4;
	s15 =	sshll.u32 s25, $0x4;
	s19 =	sshll.u32 s18, $0x4  }
0xf: {  	s20 =	sshll.u32 s13, $0x4;
	s11 =	sshll.u32 s23, $0x1;
	s13 =	sshll.u32 s13, $0x1  }
0x10: {  	s12 =	sshrl.u32 s21, $0x3;
	s24 =	smax.u32 s0, $0x1;
	s0 =	sadd.s32 s22, s2  }
0x11: {  	s16 =	sadd.s32 s15, s2;
	s15 =	sadd.s32 s19, s2;
	[dreg:$0x6] =	wrdreg s0  }
0x12: {  	s11 =	sadd.s32 s4, s11;
	s21 =	sshll.u32 s25, $0x1;
	[dreg:$0x8] =	wrdreg s16  }
0x13: {  	s23 =	sadd.s32 s4, s13;
	s19 =	simm.s32 $0x18510;
	[dreg:$0x9] =	wrdreg s15  }
0x14: {  	s0 =	sadd.s32 s26, s2;
	s16 =	smul.u32 $0x2710, s17;
	[dreg:$0xc] =	wrdreg s11  }
0x15: {  	s17 =	smul.u32 $0x7D, s17;
	s15 =	sadd.s32 s20, s2;
	[dreg:$0xf] =	wrdreg s23  }
0x16: {  	s11 =	sadd.s32 s4, s21;
	p1 =	slt.s32 s12, $0x1;
	[dreg:$0x5] =	wrdreg s24  }
0x17: {  	s20 =	simm.s32 $0x18560;
	s21 =	simm.s32 $0x185B0;
	[dreg:$0x7] =	wrdreg s0  }
0x18: {  	s23 =	simm.s32 $0x18600;
	s0 =	sshll.u32 s18, $0x1;
	[dreg:$0xd] =	wrdreg s11  }
0x19: {  	s18 =	simm.s32 $0x184C0;
	s11 =	simm.s32 $0x0;
	s22 =	sshrl.u32 s17, $0x2  }
0x1a: {  	[dreg:$0xa] =	wrdreg s15;
	s16 =	sadd.s32 s4, s16;
	s14 =	smul.u32 $0x50, s22  }
.Ltmp0:
0x1b: {  	s0 =	sadd.s32 s4, s0;
	[dreg:$0xb] =	wrdreg s16;
	(pc) =	sbr.rel .LBB2_1-.Ltmp0, $4  }
0x1c: {  	s4 =	simm.s32 $0x18420;
	s17 =	simm.s32 $0x18470;
	[dreg:$0xe] =	wrdreg s0  }
0x1d: {  	s16 =	simm.s32 $0x13880;
	s0 =	simm.s32 $0x183D0;
	s25 =	sadd.s32 s14, s6  }
0x1e: {  	s22 =	simm.s32 $0x17C00;
	s26 =	sadd.s32 s14, s1;
	[dreg:$0x10] =	wrdreg s25  }
0x1f: {  	v0 =	vimm.f32 $0.0e+00;
	v1 =	vimm.f32 $1.000000000e+00;
	[dreg:$0x11] =	wrdreg s26;
	s25 =	simm.s32 $0x1;
	s26 =	simm.s32 $0x17E80  }
.LBB2_24:
0x20: {  	[bflag:$0x0] =	sbarrier.arrive $0xFFFF  }
0x21: {  	s24 =	rddreg [dreg:$0x5]  }
0x22: {  	s16 =	simm.s32 $0x13880;
	s15 =	rddreg [dreg:$0xa]  }
.LBB2_25:
0x23: {  	s11 =	sadd.s32 $0x1, s11  }
0x24: {  	p2 =	sne.s32 s11, s24  }
.Ltmp1:
0x25: {  	_ = 	snop;
	(pc) =	sbr.rel @!p2 .LBB2_26-.Ltmp1, $1  }
0x26: {  	_ =	sdelay $0x3  }
.LBB2_1:
.Ltmp2:
0x27: {  	(pc) =	sbr.rel @!p0 .LBB2_19-.Ltmp2, $1  }
0x28: {  	_ =	sdelay $0x3  }
0x29: {  	s10 =	simm.s32 $0x40;
	s13 =	simm.s32 $0x0  }
.LBB2_3:
0x2a: {  	p2 =	seq.s32 s10, $0xF9C0;
	[tilespmem:s13+$0x13880] =	vst v0;
	s13 =	smov.u32 s10;
	s10 =	sadd.s32 $0x40, s10  }
.Ltmp3:
0x2b: {  	(pc) =	sbr.rel @!p2 .LBB2_3-.Ltmp3, $2  }
0x2c: {  	_ =	sdelay $0x2  }
0x2d: {  	s13 =	sshra.s32 s13, $0x2  }
0x2e: {  	[tilespmem:s13+$0x13880] =	vst v0;
	s10 =	rddreg [dreg:$0x6]  }
0x2f: {  	[spmem:s10] =	stream.linear.scatter [tilespmem:s16], [sflag:$0x1], $0x3E80, $0x38;
	[tilespmem:$0x18880] =	vst v63  }
0x30: {  	_ =	swait.ge [sflag:s25], $0x3E80  }
0x31: {  	[sflag:s25] =	ssyncset.done $0x0  }
0x32: {  	s14 =	rddreg [dreg:$0x7];
	[sflag:s25] =	ssyncadd.s32 $0xFFFFC180  }
0x33: {  	[spmem:s14] =	stream.linear.scatter [tilespmem:s16], [sflag:$0x1], $0x3E80, $0x38;
	[tilespmem:$0x18880] =	vst v63  }
0x34: {  	_ =	swait.ge [sflag:s25], $0x3E80  }
0x35: {  	[sflag:s25] =	ssyncset.done $0x0  }
0x36: {  	s13 =	rddreg [dreg:$0x8];
	[sflag:s25] =	ssyncadd.s32 $0xFFFFC180  }
0x37: {  	[spmem:s13] =	stream.linear.scatter [tilespmem:s16], [sflag:$0x1], $0x3E80, $0x38;
	[tilespmem:$0x18880] =	vst v63  }
0x38: {  	_ =	swait.ge [sflag:s25], $0x3E80  }
0x39: {  	[sflag:s25] =	ssyncset.done $0x0  }
0x3a: {  	s14 =	rddreg [dreg:$0x9];
	[sflag:s25] =	ssyncadd.s32 $0xFFFFC180  }
0x3b: {  	[spmem:s14] =	stream.linear.scatter [tilespmem:s16], [sflag:$0x1], $0x3E80, $0x38;
	[tilespmem:$0x18880] =	vst v63  }
0x3c: {  	_ =	swait.ge [sflag:s25], $0x3E80  }
0x3d: {  	[sflag:s25] =	ssyncset.done $0x0  }
0x3e: {  	[sflag:s25] =	ssyncadd.s32 $0xFFFFC180  }
0x3f: {  	[spmem:s15] =	stream.linear.scatter [tilespmem:s16], [sflag:$0x1], $0x3E80, $0x38;
	[tilespmem:$0x18880] =	vst v63  }
0x40: {  	_ =	swait.ge [sflag:s25], $0x3E80  }
0x41: {  	[sflag:s25] =	ssyncset.done $0x0  }
0x42: {  	s10 =	simm.s32 $0x40;
	s13 =	simm.s32 $0x0;
	[sflag:s25] =	ssyncadd.s32 $0xFFFFC180  }
.LBB2_5:
0x43: {  	p2 =	sne.s32 s10, $0x13C0;
	[tilespmem:s13+$0x17700] =	vst v1;
	s13 =	smov.u32 s10;
	s10 =	sadd.s32 $0x40, s10  }
.Ltmp4:
0x44: {  	(pc) =	sbr.rel @p2 .LBB2_5-.Ltmp4, $2  }
0x45: {  	_ =	sdelay $0x2  }
0x46: {  	s13 =	sshra.s32 s13, $0x2  }
.Ltmp5:
0x47: {  	(pc) =	sbr.rel @p1 .LBB2_8-.Ltmp5, $4  }
0x48: {  	[tilespmem:s13+$0x17700] =	vst v1  }
0x49: {  	[bflag:$0x0] =	sbarrier.arrive $0xFFFF  }
0x4a: {  	s13 =	rddreg [dreg:$0x11]  }
0x4b: {  	s10 =	smov.u32 s12;
	s14 =	rddreg [dreg:$0x10]  }
.LBB2_7:
0x4c: {  	[tilespmem:s26], [sflag:$0x1] =	stream.linear.gather [hbm4b:s14+s3], $0x280, $0x38;
	[tilespmem:$0x18880] =	vst v63  }
0x4d: {  	_ =	swait.ge [sflag:s25], $0x280  }
0x4e: {  	[sflag:s25] =	ssyncset.done $0x0  }
0x4f: {  	[sflag:s25] =	ssyncadd.s32 $0xFFFFFD80  }
0x50: {  	[tilespmem:s28], [sflag:$0x1] =	stream.linear.gather [hbm4b:s13+s3], $0x280, $0x38;
	[tilespmem:$0x18880] =	vst v63  }
0x51: {  	_ =	swait.ge [sflag:s25], $0x280  }
0x52: {  	[sflag:s25] =	ssyncset.done $0x0  }
0x53: {  	[sflag:s25] =	ssyncadd.s32 $0xFFFFFD80  }
0x54: {  	v2 =	vld [tilespmem:$0x17E80]  }
0x55: {  	v3 =	vld [tilespmem:$0x18100]  }
0x56: {  	v4 =	vld [tilespmem:$0x17E90]  }
0x57: {  	v5 =	vld [tilespmem:$0x18110]  }
0x58: {  	v6 =	vld [tilespmem:$0x17EA0]  }
0x59: {  	v7 =	vld [tilespmem:$0x18120]  }
0x5a: {  	v8 =	vld [tilespmem:$0x17EB0]  }
0x5b: {  	v9 =	vld [tilespmem:$0x18130]  }
0x5c: {  	v10 =	vld [tilespmem:$0x17EC0]  }
0x5d: {  	v11 =	vld [tilespmem:$0x18140]  }
0x5e: {  	v12 =	vld [tilespmem:$0x17ED0]  }
0x5f: {  	v13 =	vld [tilespmem:$0x18150]  }
0x60: {  	v14 =	vld [tilespmem:$0x17EE0]  }
0x61: {  	v15 =	vld [tilespmem:$0x18160]  }
0x62: {  	v16 =	vld [tilespmem:$0x17EF0]  }
0x63: {  	v17 =	vld [tilespmem:$0x18170]  }
0x64: {  	v18 =	vld [tilespmem:$0x17F00]  }
0x65: {  	v19 =	vld [tilespmem:$0x18180]  }
0x66: {  	v20 =	vld [tilespmem:$0x17F10]  }
0x67: {  	v21 =	vld [tilespmem:$0x18190]  }
0x68: {  	v22 =	vld [tilespmem:$0x17F20]  }
0x69: {  	v23 =	vld [tilespmem:$0x181A0]  }
0x6a: {  	v24 =	vld [tilespmem:$0x17F30]  }
0x6b: {  	v25 =	vld [tilespmem:$0x181B0]  }
0x6c: {  	v26 =	vld [tilespmem:$0x17F40]  }
0x6d: {  	v27 =	vld [tilespmem:$0x181C0]  }
0x6e: {  	v28 =	vld [tilespmem:$0x17F50]  }
0x6f: {  	v29 =	vld [tilespmem:$0x181D0]  }
0x70: {  	v30 =	vld [tilespmem:$0x17F60]  }
0x71: {  	v31 =	vld [tilespmem:$0x181E0]  }
0x72: {  	v32 =	vld [tilespmem:$0x17F70]  }
0x73: {  	v33 =	vld [tilespmem:$0x181F0]  }
0x74: {  	v34 =	vld [tilespmem:$0x17F80]  }
0x75: {  	v35 =	vld [tilespmem:$0x18200]  }
0x76: {  	v36 =	vld [tilespmem:$0x17F90]  }
0x77: {  	v37 =	vld [tilespmem:$0x18210]  }
0x78: {  	v38 =	vld [tilespmem:$0x17FA0]  }
0x79: {  	v39 =	vld [tilespmem:$0x18220]  }
0x7a: {  	v40 =	vld [tilespmem:$0x17FB0]  }
0x7b: {  	v41 =	vld [tilespmem:$0x18230]  }
0x7c: {  	v42 =	vld [tilespmem:$0x17FC0]  }
0x7d: {  	v43 =	vld [tilespmem:$0x18240]  }
0x7e: {  	v44 =	vld [tilespmem:$0x17FD0]  }
0x7f: {  	v45 =	vld [tilespmem:$0x18250]  }
0x80: {  	v46 =	vld [tilespmem:$0x17FE0];
	v2 =	vshll.u32 v2, $0x3  }
0x81: {  	v52 =	vld [tilespmem:$0x18260];
	v2 =	vadd.s32 v3, v2;
	v3 =	vshll.u32 v4, $0x3  }
0x82: {  	v53 =	vld [tilespmem:$0x17FF0];
	[tilespmem:$0x18380] =	vst v2;
	v2 =	vadd.s32 v5, v3;
	v3 =	vshll.u32 v6, $0x3  }
0x83: {  	v54 =	vld [tilespmem:$0x18270];
	[tilespmem:$0x18390] =	vst v2;
	v2 =	vadd.s32 v7, v3;
	v3 =	vshll.u32 v8, $0x3  }
0x84: {  	v55 =	vld [tilespmem:$0x18000];
	[tilespmem:$0x183A0] =	vst v2;
	v2 =	vadd.s32 v9, v3;
	v3 =	vshll.u32 v10, $0x3  }
0x85: {  	v56 =	vld [tilespmem:$0x18280];
	[tilespmem:$0x183B0] =	vst v2;
	v2 =	vadd.s32 v11, v3;
	v3 =	vshll.u32 v12, $0x3  }
0x86: {  	v57 =	vld [tilespmem:$0x18010];
	[tilespmem:$0x183C0] =	vst v2;
	v2 =	vadd.s32 v13, v3;
	v3 =	vshll.u32 v14, $0x3  }
0x87: {  	v58 =	vld [tilespmem:$0x18290];
	[tilespmem:$0x183D0] =	vst v2;
	v2 =	vadd.s32 v15, v3;
	v3 =	vshll.u32 v16, $0x3  }
0x88: {  	v59 =	vld [tilespmem:$0x18020];
	[tilespmem:$0x183E0] =	vst v2;
	v2 =	vadd.s32 v17, v3;
	v3 =	vshll.u32 v18, $0x3  }
0x89: {  	v60 =	vld [tilespmem:$0x182A0];
	[tilespmem:$0x183F0] =	vst v2;
	v2 =	vadd.s32 v19, v3;
	v3 =	vshll.u32 v20, $0x3  }
0x8a: {  	v61 =	vld [tilespmem:$0x18030];
	[tilespmem:$0x18400] =	vst v2;
	v2 =	vadd.s32 v21, v3;
	v3 =	vshll.u32 v22, $0x3  }
0x8b: {  	v62 =	vld [tilespmem:$0x182B0];
	[tilespmem:$0x18410] =	vst v2;
	v2 =	vadd.s32 v23, v3;
	v3 =	vshll.u32 v24, $0x3  }
0x8c: {  	v63 =	vld [tilespmem:$0x18040];
	[tilespmem:$0x18420] =	vst v2;
	v2 =	vadd.s32 v25, v3;
	v3 =	vshll.u32 v26, $0x3  }
0x8d: {  	v47 =	vld [tilespmem:$0x182F0];
	[tilespmem:$0x18430] =	vst v2;
	v2 =	vadd.s32 v27, v3;
	v3 =	vshll.u32 v28, $0x3  }
0x8e: {  	v48 =	vld [tilespmem:$0x18080];
	[tilespmem:$0x18440] =	vst v2;
	v2 =	vadd.s32 v29, v3;
	v3 =	vshll.u32 v30, $0x3  }
0x8f: {  	v49 =	vld [tilespmem:$0x18300];
	[tilespmem:$0x18450] =	vst v2;
	v2 =	vadd.s32 v31, v3;
	v3 =	vshll.u32 v32, $0x3  }
0x90: {  	v50 =	vld [tilespmem:$0x18090];
	[tilespmem:$0x18460] =	vst v2;
	v2 =	vadd.s32 v33, v3;
	v3 =	vshll.u32 v34, $0x3  }
0x91: {  	v51 =	vld [tilespmem:$0x18310];
	[tilespmem:$0x18470] =	vst v2;
	v2 =	vadd.s32 v35, v3;
	v3 =	vshll.u32 v36, $0x3  }
0x92: {  	v28 =	vld [tilespmem:$0x182C0];
	[tilespmem:$0x18480] =	vst v2;
	v2 =	vadd.s32 v37, v3;
	v3 =	vshll.u32 v38, $0x3  }
0x93: {  	v30 =	vld [tilespmem:$0x18050];
	[tilespmem:$0x18490] =	vst v2;
	v2 =	vadd.s32 v39, v3;
	v3 =	vshll.u32 v40, $0x3  }
0x94: {  	v32 =	vld [tilespmem:$0x182D0];
	[tilespmem:$0x184A0] =	vst v2;
	v2 =	vadd.s32 v41, v3;
	v3 =	vshll.u32 v42, $0x3  }
0x95: {  	v34 =	vld [tilespmem:$0x18060];
	[tilespmem:$0x184B0] =	vst v2;
	v2 =	vadd.s32 v43, v3;
	v3 =	vshll.u32 v44, $0x3  }
0x96: {  	v36 =	vld [tilespmem:$0x182E0];
	[tilespmem:$0x184C0] =	vst v2;
	v2 =	vadd.s32 v45, v3;
	v3 =	vshll.u32 v46, $0x3  }
0x97: {  	v38 =	vld [tilespmem:$0x18070];
	[tilespmem:$0x184D0] =	vst v2;
	v2 =	vadd.s32 v52, v3;
	v3 =	vshll.u32 v53, $0x3  }
0x98: {  	v52 =	vld [tilespmem:$0x180A0];
	[tilespmem:$0x184E0] =	vst v2;
	v2 =	vadd.s32 v54, v3;
	v3 =	vshll.u32 v55, $0x3  }
0x99: {  	v53 =	vld [tilespmem:$0x18320];
	[tilespmem:$0x184F0] =	vst v2;
	v2 =	vadd.s32 v56, v3;
	v3 =	vshll.u32 v57, $0x3  }
0x9a: {  	v54 =	vld [tilespmem:$0x180B0];
	[tilespmem:$0x18500] =	vst v2;
	v2 =	vadd.s32 v58, v3;
	v3 =	vshll.u32 v59, $0x3  }
0x9b: {  	v55 =	vld [tilespmem:$0x18330];
	[tilespmem:$0x18510] =	vst v2;
	v2 =	vadd.s32 v60, v3;
	v3 =	vshll.u32 v61, $0x3  }
0x9c: {  	v56 =	vld [tilespmem:$0x180C0];
	[tilespmem:$0x18520] =	vst v2;
	v2 =	vadd.s32 v62, v3;
	v3 =	vshll.u32 v63, $0x3  }
0x9d: {  	v57 =	vld [tilespmem:$0x18340];
	[tilespmem:$0x18530] =	vst v2;
	v2 =	vadd.s32 v28, v3;
	v3 =	vshll.u32 v30, $0x3  }
0x9e: {  	v58 =	vld [tilespmem:$0x180D0];
	[tilespmem:$0x18540] =	vst v2;
	v2 =	vadd.s32 v32, v3;
	v3 =	vshll.u32 v34, $0x3  }
0x9f: {  	v59 =	vld [tilespmem:$0x18350];
	[tilespmem:$0x18550] =	vst v2;
	v2 =	vadd.s32 v36, v3;
	v3 =	vshll.u32 v38, $0x3  }
0xa0: {  	v60 =	vld [tilespmem:$0x180E0];
	[tilespmem:$0x18560] =	vst v2;
	v2 =	vadd.s32 v47, v3;
	v3 =	vshll.u32 v48, $0x3  }
0xa1: {  	v61 =	vld [tilespmem:$0x18360];
	[tilespmem:$0x18570] =	vst v2;
	v2 =	vadd.s32 v49, v3;
	v3 =	vshll.u32 v50, $0x3  }
0xa2: {  	v62 =	vld [tilespmem:$0x180F0];
	[tilespmem:$0x18580] =	vst v2;
	v2 =	vadd.s32 v51, v3;
	v3 =	vshll.u32 v52, $0x3  }
0xa3: {  	v63 =	vld [tilespmem:$0x18370];
	[tilespmem:$0x18590] =	vst v2;
	v2 =	vadd.s32 v53, v3;
	v3 =	vshll.u32 v54, $0x3  }
0xa4: {  	[tilespmem:$0x185A0] =	vst v2;
	v2 =	vadd.s32 v55, v3;
	v3 =	vshll.u32 v56, $0x3  }
0xa5: {  	[tilespmem:$0x185B0] =	vst v2;
	v2 =	vadd.s32 v57, v3;
	v3 =	vshll.u32 v58, $0x3  }
0xa6: {  	[tilespmem:$0x185C0] =	vst v2;
	v2 =	vadd.s32 v59, v3;
	v3 =	vshll.u32 v60, $0x3  }
0xa7: {  	[tilespmem:$0x185D0] =	vst v2;
	v2 =	vadd.s32 v61, v3;
	v3 =	vshll.u32 v62, $0x3  }
0xa8: {  	[tilespmem:$0x185E0] =	vst v2;
	v2 =	vadd.s32 v63, v3  }
0xa9: {  	[tilespmem:$0x185F0] =	vst v2  }
0xaa: {  	[spmem:s2] =	stream.indirect.scatter.add.f32 [tilespmem:s31], [sflag:$0x1], $0x10, s30, s29, $0xb8;
	[tilespmem:$0x18880] =	vst v63  }
0xab: {  	_ =	swait.ge [sflag:s25], $0x500  }
0xac: {  	[sflag:s25] =	ssyncset.done $0x0  }
0xad: {  	[sflag:s25] =	ssyncadd.s32 $0xFFFFFB00  }
0xae: {  	[spmem:s2] =	stream.indirect.scatter.add.f32 [tilespmem:s31], [sflag:$0x1], $0x10, s0, s29, $0xb8;
	[tilespmem:$0x18880] =	vst v63  }
0xaf: {  	_ =	swait.ge [sflag:s25], $0x500  }
0xb0: {  	[sflag:s25] =	ssyncset.done $0x0  }
0xb1: {  	[sflag:s25] =	ssyncadd.s32 $0xFFFFFB00  }
0xb2: {  	[spmem:s2] =	stream.indirect.scatter.add.f32 [tilespmem:s31], [sflag:$0x1], $0x10, s4, s29, $0xb8;
	[tilespmem:$0x18880] =	vst v63  }
0xb3: {  	_ =	swait.ge [sflag:s25], $0x500  }
0xb4: {  	[sflag:s25] =	ssyncset.done $0x0  }
0xb5: {  	[sflag:s25] =	ssyncadd.s32 $0xFFFFFB00  }
0xb6: {  	[spmem:s2] =	stream.indirect.scatter.add.f32 [tilespmem:s31], [sflag:$0x1], $0x10, s17, s29, $0xb8;
	[tilespmem:$0x18880] =	vst v63  }
0xb7: {  	_ =	swait.ge [sflag:s25], $0x500  }
0xb8: {  	[sflag:s25] =	ssyncset.done $0x0  }
0xb9: {  	[sflag:s25] =	ssyncadd.s32 $0xFFFFFB00  }
0xba: {  	[spmem:s2] =	stream.indirect.scatter.add.f32 [tilespmem:s31], [sflag:$0x1], $0x10, s18, s29, $0xb8;
	[tilespmem:$0x18880] =	vst v63  }
0xbb: {  	_ =	swait.ge [sflag:s25], $0x500  }
0xbc: {  	[sflag:s25] =	ssyncset.done $0x0  }
0xbd: {  	[sflag:s25] =	ssyncadd.s32 $0xFFFFFB00  }
0xbe: {  	[spmem:s2] =	stream.indirect.scatter.add.f32 [tilespmem:s31], [sflag:$0x1], $0x10, s19, s29, $0xb8;
	[tilespmem:$0x18880] =	vst v63  }
0xbf: {  	_ =	swait.ge [sflag:s25], $0x500  }
0xc0: {  	[sflag:s25] =	ssyncset.done $0x0  }
0xc1: {  	[sflag:s25] =	ssyncadd.s32 $0xFFFFFB00  }
0xc2: {  	[spmem:s2] =	stream.indirect.scatter.add.f32 [tilespmem:s31], [sflag:$0x1], $0x10, s20, s29, $0xb8;
	[tilespmem:$0x18880] =	vst v63  }
0xc3: {  	_ =	swait.ge [sflag:s25], $0x500  }
0xc4: {  	p2 =	seq.s32 s10, $0x1;
	[sflag:s25] =	ssyncset.done $0x0  }
.Ltmp6:
0xc5: {  	[sflag:s25] =	ssyncadd.s32 $0xFFFFFB00;
	(pc) =	sbr.rel @!p2 .LBB2_7-.Ltmp6, $4  }
0xc6: {  	[spmem:s2] =	stream.indirect.scatter.add.f32 [tilespmem:s31], [sflag:$0x1], $0x10, s21, s29, $0xb8;
	[tilespmem:$0x18880] =	vst v63  }
0xc7: {  	_ =	swait.ge [sflag:s25], $0x500  }
0xc8: {  	s14 =	sadd.s32 $0x50, s14;
	[sflag:s25] =	ssyncset.done $0x0  }
0xc9: {  	s10 =	sadd.s32 $0xFFFFFFFF, s10;
	s13 =	sadd.s32 $0x50, s13;
	[sflag:s25] =	ssyncadd.s32 $0xFFFFFB00  }
.LBB2_8:
0xca: {  	[bflag:$0x0] =	sbarrier.arrive $0xFFFF  }
0xcb: {  	s10 =	rddreg [dreg:$0x6]  }
0xcc: {  	[tilespmem:s16], [sflag:$0x1] =	stream.linear.gather [spmem:s10], $0x3E80, $0x38;
	[tilespmem:$0x18880] =	vst v63  }
0xcd: {  	_ =	swait.ge [sflag:s25], $0x3E80  }
0xce: {  	[sflag:s25] =	ssyncset.done $0x0  }
0xcf: {  	s13 =	simm.s32 $0x40;
	s10 =	simm.s32 $0x0;
	[sflag:s25] =	ssyncadd.s32 $0xFFFFC180  }
.LBB2_9:
0xd0: {  	p2 =	sne.s32 s13, $0xF9C0;
	v2 =	vld [tilespmem:s10+$0x13880];
	_ =	sdelay $0x4  }
0xd1: {  	v2 =	vmax.f32 v2, $1.000000000e+00  }
0xd2: {  	(erf) = vrcp.f32 v2;
	_ =	sdelay $0x5  }
.Ltmp7:
0xd3: {  	(pc) =	sbr.rel @p2 .LBB2_9-.Ltmp7, $3  }
0xd4: {  	_ =	sdelay $0x1  }
0xd5: {  	v2 =	vpop (erf)  }
0xd6: {  	[tilespmem:s10+$0x13880] =	vst v2;
	s10 =	sshra.s32 s13, $0x2;
	s13 =	sadd.s32 $0x40, s13  }
0xd7: {  	v2 =	vld [tilespmem:s10+$0x13880];
	_ =	sdelay $0x4  }
0xd8: {  	v2 =	vmax.f32 v2, $1.000000000e+00  }
0xd9: {  	(erf) = vrcp.f32 v2;
	_ =	sdelay $0x8  }
0xda: {  	v2 =	vpop (erf)  }
0xdb: {  	s14 =	simm.s32 $0x0;
	s13 =	rddreg [dreg:$0xb];
	[tilespmem:s10+$0x13880] =	vst v2  }
0xdc: {  	[hbm4b:s13+s14] =	stream.linear.scatter [tilespmem:s16], [sflag:$0x1], $0x3E80, $0x38;
	[tilespmem:$0x18880] =	vst v63  }
0xdd: {  	_ =	swait.ge [sflag:s25], $0x3E80  }
0xde: {  	[sflag:s25] =	ssyncset.done $0x0  }
0xdf: {  	s14 =	rddreg [dreg:$0x7];
	[sflag:s25] =	ssyncadd.s32 $0xFFFFC180  }
0xe0: {  	[tilespmem:s16], [sflag:$0x1] =	stream.linear.gather [spmem:s14], $0x3E80, $0x38;
	[tilespmem:$0x18880] =	vst v63  }
0xe1: {  	_ =	swait.ge [sflag:s25], $0x3E80  }
0xe2: {  	[sflag:s25] =	ssyncset.done $0x0  }
0xe3: {  	s10 =	simm.s32 $0x0;
	s13 =	simm.s32 $0x40;
	[sflag:s25] =	ssyncadd.s32 $0xFFFFC180  }
.LBB2_11:
0xe4: {  	p2 =	sne.s32 s13, $0xF9C0;
	v2 =	vld [tilespmem:s10+$0x13880];
	_ =	sdelay $0x4  }
0xe5: {  	v2 =	vmax.f32 v2, $1.000000000e+00  }
0xe6: {  	(erf) = vrcp.f32 v2;
	_ =	sdelay $0x5  }
.Ltmp8:
0xe7: {  	(pc) =	sbr.rel @p2 .LBB2_11-.Ltmp8, $3  }
0xe8: {  	_ =	sdelay $0x1  }
0xe9: {  	v2 =	vpop (erf)  }
0xea: {  	[tilespmem:s10+$0x13880] =	vst v2;
	s10 =	sshra.s32 s13, $0x2;
	s13 =	sadd.s32 $0x40, s13  }
0xeb: {  	v2 =	vld [tilespmem:s10+$0x13880];
	_ =	sdelay $0x4  }
0xec: {  	v2 =	vmax.f32 v2, $1.000000000e+00  }
0xed: {  	(erf) = vrcp.f32 v2;
	_ =	sdelay $0x8  }
0xee: {  	v2 =	vpop (erf)  }
0xef: {  	s14 =	simm.s32 $0x0;
	s13 =	rddreg [dreg:$0xc];
	[tilespmem:s10+$0x13880] =	vst v2  }
0xf0: {  	[hbm4b:s13+s14] =	stream.linear.scatter [tilespmem:s16], [sflag:$0x1], $0x3E80, $0x38;
	[tilespmem:$0x18880] =	vst v63  }
0xf1: {  	_ =	swait.ge [sflag:s25], $0x3E80  }
0xf2: {  	[sflag:s25] =	ssyncset.done $0x0  }
0xf3: {  	s14 =	rddreg [dreg:$0x8];
	[sflag:s25] =	ssyncadd.s32 $0xFFFFC180  }
0xf4: {  	[tilespmem:s16], [sflag:$0x1] =	stream.linear.gather [spmem:s14], $0x3E80, $0x38;
	[tilespmem:$0x18880] =	vst v63  }
0xf5: {  	_ =	swait.ge [sflag:s25], $0x3E80  }
0xf6: {  	[sflag:s25] =	ssyncset.done $0x0  }
0xf7: {  	s10 =	simm.s32 $0x0;
	s13 =	simm.s32 $0x40;
	[sflag:s25] =	ssyncadd.s32 $0xFFFFC180  }
.LBB2_13:
0xf8: {  	p2 =	sne.s32 s13, $0xF9C0;
	v2 =	vld [tilespmem:s10+$0x13880];
	_ =	sdelay $0x4  }
0xf9: {  	v2 =	vmax.f32 v2, $1.000000000e+00  }
0xfa: {  	(erf) = vrcp.f32 v2;
	_ =	sdelay $0x5  }
.Ltmp9:
0xfb: {  	(pc) =	sbr.rel @p2 .LBB2_13-.Ltmp9, $3  }
0xfc: {  	_ =	sdelay $0x1  }
0xfd: {  	v2 =	vpop (erf)  }
0xfe: {  	[tilespmem:s10+$0x13880] =	vst v2;
	s10 =	sshra.s32 s13, $0x2;
	s13 =	sadd.s32 $0x40, s13  }
0xff: {  	v2 =	vld [tilespmem:s10+$0x13880];
	_ =	sdelay $0x4  }
0x100: {  	v2 =	vmax.f32 v2, $1.000000000e+00  }
0x101: {  	(erf) = vrcp.f32 v2;
	_ =	sdelay $0x8  }
0x102: {  	v2 =	vpop (erf)  }
0x103: {  	s14 =	simm.s32 $0x0;
	s13 =	rddreg [dreg:$0xd];
	[tilespmem:s10+$0x13880] =	vst v2  }
0x104: {  	[hbm4b:s13+s14] =	stream.linear.scatter [tilespmem:s16], [sflag:$0x1], $0x3E80, $0x38;
	[tilespmem:$0x18880] =	vst v63  }
0x105: {  	_ =	swait.ge [sflag:s25], $0x3E80  }
0x106: {  	[sflag:s25] =	ssyncset.done $0x0  }
0x107: {  	s14 =	rddreg [dreg:$0x9];
	[sflag:s25] =	ssyncadd.s32 $0xFFFFC180  }
0x108: {  	[tilespmem:s16], [sflag:$0x1] =	stream.linear.gather [spmem:s14], $0x3E80, $0x38;
	[tilespmem:$0x18880] =	vst v63  }
0x109: {  	_ =	swait.ge [sflag:s25], $0x3E80  }
0x10a: {  	[sflag:s25] =	ssyncset.done $0x0  }
0x10b: {  	s10 =	simm.s32 $0x0;
	s13 =	simm.s32 $0x40;
	[sflag:s25] =	ssyncadd.s32 $0xFFFFC180  }
.LBB2_15:
0x10c: {  	p2 =	sne.s32 s13, $0xF9C0;
	v2 =	vld [tilespmem:s10+$0x13880];
	_ =	sdelay $0x4  }
0x10d: {  	v2 =	vmax.f32 v2, $1.000000000e+00  }
0x10e: {  	(erf) = vrcp.f32 v2;
	_ =	sdelay $0x5  }
.Ltmp10:
0x10f: {  	(pc) =	sbr.rel @p2 .LBB2_15-.Ltmp10, $3  }
0x110: {  	_ =	sdelay $0x1  }
0x111: {  	v2 =	vpop (erf)  }
0x112: {  	[tilespmem:s10+$0x13880] =	vst v2;
	s10 =	sshra.s32 s13, $0x2;
	s13 =	sadd.s32 $0x40, s13  }
0x113: {  	v2 =	vld [tilespmem:s10+$0x13880];
	_ =	sdelay $0x4  }
0x114: {  	v2 =	vmax.f32 v2, $1.000000000e+00  }
0x115: {  	(erf) = vrcp.f32 v2;
	_ =	sdelay $0x8  }
0x116: {  	v2 =	vpop (erf)  }
0x117: {  	s14 =	simm.s32 $0x0;
	s13 =	rddreg [dreg:$0xe];
	[tilespmem:s10+$0x13880] =	vst v2  }
0x118: {  	[hbm4b:s13+s14] =	stream.linear.scatter [tilespmem:s16], [sflag:$0x1], $0x3E80, $0x38;
	[tilespmem:$0x18880] =	vst v63  }
0x119: {  	_ =	swait.ge [sflag:s25], $0x3E80  }
0x11a: {  	[sflag:s25] =	ssyncset.done $0x0  }
0x11b: {  	[sflag:s25] =	ssyncadd.s32 $0xFFFFC180  }
0x11c: {  	[tilespmem:s16], [sflag:$0x1] =	stream.linear.gather [spmem:s15], $0x3E80, $0x38;
	[tilespmem:$0x18880] =	vst v63  }
0x11d: {  	_ =	swait.ge [sflag:s25], $0x3E80  }
0x11e: {  	[sflag:s25] =	ssyncset.done $0x0  }
0x11f: {  	s10 =	simm.s32 $0x0;
	s13 =	simm.s32 $0x40;
	[sflag:s25] =	ssyncadd.s32 $0xFFFFC180  }
.LBB2_17:
0x120: {  	p2 =	sne.s32 s13, $0xF9C0;
	v2 =	vld [tilespmem:s10+$0x13880];
	_ =	sdelay $0x4  }
0x121: {  	v2 =	vmax.f32 v2, $1.000000000e+00  }
0x122: {  	(erf) = vrcp.f32 v2;
	_ =	sdelay $0x5  }
.Ltmp11:
0x123: {  	(pc) =	sbr.rel @p2 .LBB2_17-.Ltmp11, $3  }
0x124: {  	_ =	sdelay $0x1  }
0x125: {  	v2 =	vpop (erf)  }
0x126: {  	[tilespmem:s10+$0x13880] =	vst v2;
	s10 =	sshra.s32 s13, $0x2;
	s13 =	sadd.s32 $0x40, s13  }
0x127: {  	v2 =	vld [tilespmem:s10+$0x13880];
	_ =	sdelay $0x4  }
0x128: {  	v2 =	vmax.f32 v2, $1.000000000e+00  }
0x129: {  	(erf) = vrcp.f32 v2;
	_ =	sdelay $0x8  }
0x12a: {  	v2 =	vpop (erf)  }
.Ltmp12:
0x12b: {  	s14 =	rddreg [dreg:$0xf];
	[tilespmem:s10+$0x13880] =	vst v2;
	(pc) =	sbr.rel .LBB2_25-.Ltmp12, $4  }
0x12c: {  	[hbm4b:s14+s3] =	stream.linear.scatter [tilespmem:s16], [sflag:$0x1], $0x3E80, $0x38;
	[tilespmem:$0x18880] =	vst v63  }
0x12d: {  	_ =	swait.ge [sflag:s25], $0x3E80  }
0x12e: {  	[sflag:s25] =	ssyncset.done $0x0  }
0x12f: {  	[sflag:s25] =	ssyncadd.s32 $0xFFFFC180  }
.LBB2_19:
.Ltmp13:
0x130: {  	(pc) =	sbr.rel @p1 .LBB2_24-.Ltmp13, $2  }
0x131: {  	_ =	sdelay $0x1  }
0x132: {  	[bflag:$0x0] =	sbarrier.arrive $0xFFFF;
	_ =	sdelay $0x1  }
0x133: {  	s10 =	simm.s32 $0x0;
	s13 =	simm.s32 $0x0  }
.LBB2_21:
0x134: {  	s14 =	sshll.u32 s13, $0x3  }
0x135: {  	s14 =	sadd.s32 s9, s14  }
0x136: {  	s14 =	smul.u32 $0xA, s14;
	_ =	sdelay $0x1  }
0x137: {  	s15 =	sadd.s32 s5, s14  }
0x138: {  	[tilespmem:s22], [sflag:$0x1] =	stream.linear.gather [hbm4b:s15+s10], $0x280, $0x38;
	[tilespmem:$0x18880] =	vst v63  }
0x139: {  	_ =	swait.ge [sflag:s25], $0x280  }
0x13a: {  	[sflag:s25] =	ssyncset.done $0x0  }
0x13b: {  	s16 =	sadd.s32 s6, s14;
	[sflag:s25] =	ssyncadd.s32 $0xFFFFFD80  }
0x13c: {  	[tilespmem:s26], [sflag:$0x1] =	stream.linear.gather [hbm4b:s16+s10], $0x280, $0x38;
	[tilespmem:$0x18880] =	vst v63  }
0x13d: {  	_ =	swait.ge [sflag:s25], $0x280  }
0x13e: {  	[sflag:s25] =	ssyncset.done $0x0  }
0x13f: {  	s24 =	sadd.s32 s1, s14;
	[sflag:s25] =	ssyncadd.s32 $0xFFFFFD80  }
0x140: {  	[tilespmem:s28], [sflag:$0x1] =	stream.linear.gather [hbm4b:s24+s10], $0x280, $0x38;
	[tilespmem:$0x18880] =	vst v63  }
0x141: {  	_ =	swait.ge [sflag:s25], $0x280  }
0x142: {  	[sflag:s25] =	ssyncset.done $0x0  }
0x143: {  	s15 =	simm.s32 $0x0;
	[sflag:s25] =	ssyncadd.s32 $0xFFFFFD80  }
0x144: {  	v3 =	vld [tilespmem:s15+$0x17EC0]  }
0x145: {  	v2 =	vld [tilespmem:s15+$0x18140]  }
0x146: {  	v4 =	vld [tilespmem:s15+$0x17C00]  }
0x147: {  	v5 =	vld [tilespmem:s15+$0x17E80]  }
0x148: {  	v6 =	vld [tilespmem:s15+$0x17C10]  }
0x149: {  	v8 =	vld [tilespmem:s15+$0x17E90]  }
0x14a: {  	v9 =	vld [tilespmem:s15+$0x17C20]  }
0x14b: {  	v11 =	vld [tilespmem:s15+$0x17EA0]  }
0x14c: {  	v16 =	vld [tilespmem:s15+$0x17C30];
	v3 =	vshll.u32 v3, $0x3  }
0x14d: {  	v17 =	vld [tilespmem:s15+$0x17EB0];
	v3 =	vadd.s32 v2, v3  }
0x14e: {  	[tilespmem:s15+$0x18640] =	vst v3;
	v3 =	vld [tilespmem:s15+$0x17C40]  }
0x14f: {  	v15 =	vld [tilespmem:s15+$0x18100]  }
0x150: {  	v14 =	vld [tilespmem:s15+$0x18110];
	v12 =	vshll.u32 v4, $0x3;
	v13 =	vshll.u32 v5, $0x3  }
0x151: {  	v7 =	vshll.u32 v6, $0x3;
	v10 =	vshll.u32 v8, $0x3;
	v9 =	vshll.u32 v9, $0x3;
	v8 =	vld [tilespmem:s15+$0x18120]  }
0x152: {  	s16 =	simm.s32 $0x50;
	s24 =	simm.s32 $0x280;
	v5 =	vshll.u32 v11, $0x3;
	v4 =	vshll.u32 v16, $0x3;
	v6 =	vld [tilespmem:s15+$0x18130];
	v11 =	vshll.u32 v17, $0x3  }
.LBB2_22:
0x153: {  	p2 =	sne.s32 s24, $0x8C0;
	v16 =	vld [tilespmem:s16+$0x17EC0];
	v3 =	vshll.u32 v3, $0x3  }
0x154: {  	v12 =	vadd.s32 v12, v15;
	v13 =	vadd.s32 v15, v13;
	v17 =	vadd.s32 v3, v2;
	v2 =	vld [tilespmem:s16+$0x18140]  }
0x155: {  	v3 =	vld [tilespmem:s16+$0x17C00];
	[tilespmem:s15+$0x18380] =	vst v12;
	v7 =	vadd.s32 v7, v14;
	v10 =	vadd.s32 v14, v10  }
0x156: {  	v14 =	vld [tilespmem:s16+$0x17E80];
	[tilespmem:s15+$0x18600] =	vst v13;
	v9 =	vadd.s32 v9, v8;
	v5 =	vadd.s32 v8, v5  }
0x157: {  	v8 =	vld [tilespmem:s16+$0x17C10];
	[tilespmem:s15+$0x18390] =	vst v7;
	v4 =	vadd.s32 v4, v6;
	v6 =	vadd.s32 v6, v11  }
0x158: {  	v11 =	vld [tilespmem:s16+$0x17E90];
	v7 =	vshll.u32 v16, $0x3;
	[tilespmem:s15+$0x18610] =	vst v10  }
0x159: {  	v16 =	vld [tilespmem:s16+$0x17C20];
	v7 =	vadd.s32 v2, v7;
	[tilespmem:s15+$0x183A0] =	vst v9  }
0x15a: {  	v12 =	vshll.u32 v3, $0x3;
	v18 =	vld [tilespmem:s16+$0x17EA0];
	[tilespmem:s16+$0x18640] =	vst v7  }
0x15b: {  	v13 =	vshll.u32 v14, $0x3;
	v19 =	vld [tilespmem:s16+$0x17C30];
	[tilespmem:s15+$0x18620] =	vst v5  }
0x15c: {  	v7 =	vshll.u32 v8, $0x3;
	v20 =	vld [tilespmem:s16+$0x17EB0];
	[tilespmem:s15+$0x183B0] =	vst v4  }
.Ltmp14:
0x15d: {  	v10 =	vshll.u32 v11, $0x3;
	v3 =	vld [tilespmem:s16+$0x17C40];
	[tilespmem:s15+$0x18630] =	vst v6;
	(pc) =	sbr.rel @p2 .LBB2_22-.Ltmp14, $4  }
0x15e: {  	v15 =	vld [tilespmem:s16+$0x18100];
	v9 =	vshll.u32 v16, $0x3;
	[tilespmem:s15+$0x183C0] =	vst v17;
	s15 =	smov.u32 s16  }
0x15f: {  	v14 =	vld [tilespmem:s15+$0x18110];
	v5 =	vshll.u32 v18, $0x3  }
0x160: {  	v8 =	vld [tilespmem:s15+$0x18120];
	v4 =	vshll.u32 v19, $0x3  }
0x161: {  	s16 =	sshra.s32 s24, $0x2;
	s24 =	sadd.s32 $0x140, s24;
	v6 =	vld [tilespmem:s15+$0x18130];
	v11 =	vshll.u32 v20, $0x3  }
0x162: {  	v16 =	vld [tilespmem:s16+$0x17EC0]  }
0x163: {  	v17 =	vld [tilespmem:s16+$0x18140];
	v12 =	vadd.s32 v12, v15  }
0x164: {  	v18 =	vld [tilespmem:s16+$0x17C00];
	v44 =	vadd.s32 v15, v13;
	[tilespmem:s15+$0x18380] =	vst v12  }
0x165: {  	v7 =	vadd.s32 v7, v14;
	v45 =	vld [tilespmem:s16+$0x17E80];
	[tilespmem:s15+$0x18600] =	vst v44  }
0x166: {  	v46 =	vadd.s32 v14, v10;
	v12 =	vld [tilespmem:s16+$0x17C10];
	[tilespmem:s15+$0x18390] =	vst v7  }
0x167: {  	v48 =	vadd.s32 v9, v8;
	v47 =	vld [tilespmem:s16+$0x17E90];
	[tilespmem:s15+$0x18610] =	vst v46;
	v50 =	vshll.u32 v16, $0x3  }
0x168: {  	v49 =	vld [tilespmem:s16+$0x17C20];
	[tilespmem:s15+$0x183A0] =	vst v48;
	v51 =	vadd.s32 v17, v50  }
0x169: {  	v5 =	vadd.s32 v8, v5;
	v52 =	vld [tilespmem:s16+$0x17EA0];
	[tilespmem:s16+$0x18640] =	vst v51  }
0x16a: {  	v4 =	vadd.s32 v4, v6;
	v53 =	vld [tilespmem:s16+$0x17C30];
	[tilespmem:s15+$0x18620] =	vst v5  }
0x16b: {  	v54 =	vadd.s32 v6, v11;
	v5 =	vld [tilespmem:s16+$0x17EB0];
	[tilespmem:s15+$0x183B0] =	vst v4  }
0x16c: {  	v3 =	vshll.u32 v3, $0x3;
	v55 =	vld [tilespmem:s16+$0x17C40];
	[tilespmem:s15+$0x18630] =	vst v54  }
0x16d: {  	v2 =	vadd.s32 v3, v2;
	v3 =	vld [tilespmem:s16+$0x18100]  }
0x16e: {  	[tilespmem:s15+$0x183C0] =	vst v2  }
0x16f: {  	v2 =	vld [tilespmem:s16+$0x18110];
	_ =	sdelay $0x1  }
0x170: {  	v56 =	vshll.u32 v18, $0x3;
	v57 =	vld [tilespmem:s16+$0x18120]  }
0x171: {  	v58 =	vshll.u32 v45, $0x3;
	v4 =	vadd.s32 v56, v3  }
0x172: {  	v12 =	vshll.u32 v12, $0x3;
	v59 =	vld [tilespmem:s16+$0x18130];
	v3 =	vadd.s32 v3, v58;
	[tilespmem:s16+$0x18380] =	vst v4  }
0x173: {  	v60 =	vshll.u32 v47, $0x3;
	v61 =	vadd.s32 v12, v2;
	[tilespmem:s16+$0x18600] =	vst v3  }
0x174: {  	v62 =	vshll.u32 v52, $0x3;
	v2 =	vadd.s32 v2, v60;
	[tilespmem:s16+$0x18390] =	vst v61  }
0x175: {  	v3 =	vshll.u32 v49, $0x3;
	v4 =	vadd.s32 v57, v62;
	[tilespmem:s16+$0x18610] =	vst v2  }
0x176: {  	v3 =	vadd.s32 v3, v57;
	v2 =	vshll.u32 v53, $0x3;
	[tilespmem:s16+$0x18620] =	vst v4  }
0x177: {  	[tilespmem:s16+$0x183A0] =	vst v3;
	v3 =	vshll.u32 v5, $0x3;
	v2 =	vadd.s32 v2, v59  }
0x178: {  	v63 =	vshll.u32 v55, $0x3;
	v3 =	vadd.s32 v59, v3;
	[tilespmem:s16+$0x183B0] =	vst v2  }
0x179: {  	v2 =	vadd.s32 v63, v17;
	[tilespmem:s16+$0x18630] =	vst v3  }
0x17a: {  	[tilespmem:s16+$0x183C0] =	vst v2;
	s16 =	sadd.s32 s7, s14  }
0x17b: {  	[hbm4b:s16+s3] =	stream.linear.scatter [tilespmem:s30], [sflag:$0x1], $0x280, $0x38;
	[tilespmem:$0x18880] =	vst v63  }
0x17c: {  	_ =	swait.ge [sflag:s25], $0x280  }
0x17d: {  	s13 =	sadd.s32 $0x1, s13;
	[sflag:s25] =	ssyncset.done $0x0  }
0x17e: {  	s24 =	sadd.s32 s8, s14;
	p2 =	sne.s32 s13, s12;
	[sflag:s25] =	ssyncadd.s32 $0xFFFFFD80  }
0x17f: {  	[hbm4b:s24+s3] =	stream.linear.scatter [tilespmem:s23], [sflag:$0x1], $0x280, $0x38;
	[tilespmem:$0x18880] =	vst v63  }
.Ltmp15:
0x180: {  	_ = 	snop;
	(pc) =	sbr.rel @p2 .LBB2_21-.Ltmp15, $4  }
.Ltmp16:
0x181: {  	_ = 	snop;
	(pc) =	sbr.rel @!p2 .LBB2_24-.Ltmp16, $4  }
0x182: {  	_ =	swait.ge [sflag:s25], $0x280  }
0x183: {  	[sflag:s25] =	ssyncset.done $0x0  }
0x184: {  	[sflag:s25] =	ssyncadd.s32 $0xFFFFFD80  }
0x185: {  	_ = 	snop  }
.LBB2_26:
0x186: {  	_ =	sfence.sel $0x180000  }
0x187: {  	[bflag:$0x0] =	sbarrier.arrive $0xFFFF  }
0x188: {  	_ =	strace $0x90000047  }
0x189: {  	s0 =	stileid.u32;
	[bflag:$0x2] =	sbarrier.arrive $0xFFFF  }
0x18a: {  	p0 =	sne.s32 s0, $0x0;
	s0 =	rddreg [dreg:$0x4]  }
0x18b: {  	s0 =	sadd.s32 @!p0 $0x100000, s0  }
0x18c: {  	[sflag:s0] =	ssyncadd.tile.s32 @!p0 $0x1;
	_ =	shalt  }
.Lfunc_end2:
_tile_overlayer_lowered:
.L_overlay_start_2:
0x18d: {  	(tag) =	ssettag $0x2  }
0x18e: {  	s0 =	rddreg [dreg:$0x0];
	s2 =	stileid.u32  }
0x18f: {  	s1 =	rddreg [dreg:$0x1];
	p0 =	sne.s32 s2, $0x0  }
0x190: {  	s3 =	rddreg [dreg:$0x2];
	[bflag:$0x3] =	sbarrier.arrive $0xFFFF;
	s2 =	simm.s32 @!p0 $0x1C01  }
0x191: {  	[timem:s3], [sflag:s2] =	dma.local @!p0 [hbm:s0], s1  }
0x192: {  	s0 =	simm.s32 @!p0 $0x1  }
0x193: {  	_ =	swait.ge @!p0 [sflag:s0], s1  }
0x194: {  	s1 =	ssub.s32 @!p0 $0x0, s1;
	[sflag:s0] =	ssyncset.done @!p0 $0x0  }
0x195: {  	[sflag:s0] =	ssyncadd.s32 @!p0 s1  }
0x196: {  	[bflag:$0x3] =	sbarrier.arrive $0xFFFF  }
0x197: {  	_ =	shalt  }

</sc_bundles>
